<compile_context>
chip_gen: v7x
topology: tpu7x:2x2x1
jax: 0.10.2.dev20260603
libtpu: 0.0.44.dev20260713+nightly
codegen_flags: <defaults>
</compile_context>

<pallas_src>
import functools

import jax
import jax.numpy as jnp
from jax import lax
from jax.experimental import pallas as pl
from jax.experimental.pallas import tpu as pltpu
from jax.experimental.pallas import tpu_sc as plsc

_NC, _NS, _LANES = 2, 16, 16




def _tc_project(x, W, att_s, att_d):
    N, F = x.shape
    H = W.shape[1]
    Ha = H + _LANES
    BLK = 512

    def body(x_ref, w_ref, s_ref, d_ref, haug_ref, as_ref, ad_ref):
        h = jnp.dot(x_ref[...], w_ref[...], preferred_element_type=jnp.float32)
        haug_ref[...] = jnp.concatenate(
            [h, jnp.ones((h.shape[0], _LANES), jnp.float32)], axis=1)
        as_ref[...] = jnp.sum(h * s_ref[...], axis=1, keepdims=True)
        ad_ref[...] = jnp.sum(h * d_ref[...], axis=1, keepdims=True)

    return pl.pallas_call(
        body,
        grid=(pl.cdiv(N, BLK),),
        in_specs=[
            pl.BlockSpec((BLK, F), lambda i: (i, 0)),
            pl.BlockSpec((F, H), lambda i: (0, 0)),
            pl.BlockSpec((H,), lambda i: (0,)),
            pl.BlockSpec((H,), lambda i: (0,)),
        ],
        out_specs=[
            pl.BlockSpec((BLK, Ha), lambda i: (i, 0)),
            pl.BlockSpec((BLK, 1), lambda i: (i, 0)),
            pl.BlockSpec((BLK, 1), lambda i: (i, 0)),
        ],
        out_shape=[
            jax.ShapeDtypeStruct((N, Ha), jnp.float32),
            jax.ShapeDtypeStruct((N, 1), jnp.float32),
            jax.ShapeDtypeStruct((N, 1), jnp.float32),
        ],
    )(x, W, att_s, att_d)


def _combine_rows(numA, numB, haug, a_s, a_d, H):
    num = numA + numB
    e = a_s + a_d
    w = jnp.exp(jnp.where(e >= 0.0, e, 0.2 * e))
    feat = num[:, :H] + w * haug[:, :H]
    den = num[:, H:H + 1] + w
    return feat / (den + 1e-16)


def _tc_combine_project(numA, numB, haug, a_s, a_d, b, W, att_s, att_d):
    N, Ha = numA.shape
    H = Ha - _LANES
    H2 = W.shape[1]
    Ha2 = H2 + _LANES
    BLK = 512

    def body(nA, nB, hg, as_r, ad_r, b_r, w_r, s_r, d_r,
             haug_o, as_o, ad_o):
        x2 = _combine_rows(nA[...], nB[...], hg[...], as_r[...], ad_r[...], H)
        x2 = jax.nn.relu(x2 + b_r[...])
        h2 = jnp.dot(x2, w_r[...], preferred_element_type=jnp.float32)
        haug_o[...] = jnp.concatenate(
            [h2, jnp.ones((h2.shape[0], _LANES), jnp.float32)], axis=1)
        as_o[...] = jnp.sum(h2 * s_r[...], axis=1, keepdims=True)
        ad_o[...] = jnp.sum(h2 * d_r[...], axis=1, keepdims=True)

    return pl.pallas_call(
        body,
        grid=(pl.cdiv(N, BLK),),
        in_specs=[
            pl.BlockSpec((BLK, Ha), lambda i: (i, 0)),
            pl.BlockSpec((BLK, Ha), lambda i: (i, 0)),
            pl.BlockSpec((BLK, Ha), lambda i: (i, 0)),
            pl.BlockSpec((BLK, 1), lambda i: (i, 0)),
            pl.BlockSpec((BLK, 1), lambda i: (i, 0)),
            pl.BlockSpec((H,), lambda i: (0,)),
            pl.BlockSpec((H, H2), lambda i: (0, 0)),
            pl.BlockSpec((H2,), lambda i: (0,)),
            pl.BlockSpec((H2,), lambda i: (0,)),
        ],
        out_specs=[
            pl.BlockSpec((BLK, Ha2), lambda i: (i, 0)),
            pl.BlockSpec((BLK, 1), lambda i: (i, 0)),
            pl.BlockSpec((BLK, 1), lambda i: (i, 0)),
        ],
        out_shape=[
            jax.ShapeDtypeStruct((N, Ha2), jnp.float32),
            jax.ShapeDtypeStruct((N, 1), jnp.float32),
            jax.ShapeDtypeStruct((N, 1), jnp.float32),
        ],
    )(numA, numB, haug, a_s, a_d, b, W, att_s, att_d)


def _tc_combine_final(numA, numB, haug, a_s, a_d, b):
    N, Ha = numA.shape
    H = Ha - _LANES
    BLK = 512

    def body(nA, nB, hg, as_r, ad_r, b_r, o_ref):
        o = _combine_rows(nA[...], nB[...], hg[...], as_r[...], ad_r[...], H)
        o_ref[...] = o + b_r[...]

    return pl.pallas_call(
        body,
        grid=(pl.cdiv(N, BLK),),
        in_specs=[
            pl.BlockSpec((BLK, Ha), lambda i: (i, 0)),
            pl.BlockSpec((BLK, Ha), lambda i: (i, 0)),
            pl.BlockSpec((BLK, Ha), lambda i: (i, 0)),
            pl.BlockSpec((BLK, 1), lambda i: (i, 0)),
            pl.BlockSpec((BLK, 1), lambda i: (i, 0)),
            pl.BlockSpec((H,), lambda i: (0,)),
        ],
        out_specs=pl.BlockSpec((BLK, H), lambda i: (i, 0)),
        out_shape=jax.ShapeDtypeStruct((N, H), jnp.float32),
    )(numA, numB, haug, a_s, a_d, b)




def _sc_edge_pass(haug, src, dst, a_s, a_d):
    N, Ha = haug.shape
    E = src.shape[0]
    CHUNK = 80
    per_core = E // _NC
    per_tile = per_core // _NS
    n_chunks = per_tile // CHUNK
    rows_per_tile = -(-N // (_NS * 8)) * 8
    N_pad = rows_per_tile * _NS

    mesh = plsc.VectorSubcoreMesh(core_axis_name="c", subcore_axis_name="s",
                                  num_cores=_NC, num_subcores=_NS)

    ei3 = jnp.stack([src.reshape(E // CHUNK, CHUNK),
                     dst.reshape(E // CHUNK, CHUNK)], axis=1)

    @functools.partial(
        pl.kernel,
        out_type=jax.ShapeDtypeStruct((_NC, N_pad, Ha), jnp.float32),
        mesh=mesh,
        compiler_params=pltpu.CompilerParams(needs_layout_passes=False,
                                             use_tc_tiling_on_sc=False),
        scratch_types=[
            pltpu.VMEM_SHARED((N_pad, Ha), jnp.float32),
            pltpu.VMEM((per_tile,), jnp.float32),
            pltpu.VMEM((2, CHUNK), jnp.int32),
            pltpu.VMEM((2, CHUNK), jnp.int32),
            pltpu.SemaphoreType.DMA,
            pltpu.SemaphoreType.DMA,
            pltpu.SemaphoreType.DMA,
            pltpu.SemaphoreType.DMA,
            pltpu.SemaphoreType.DMA,
            pltpu.SemaphoreType.DMA,
        ],
    )
    def k(haug_hbm, ei_hbm, as_hbm, ad_hbm, z_hbm, out_hbm,
          accum, wtile, idx0, idx1, si0, si1, sg0, sg1, ss0, ss1):
        c = lax.axis_index("c")
        s = lax.axis_index("s")
        r0 = s * rows_per_tile
        pltpu.sync_copy(z_hbm.at[pl.ds(r0, rows_per_tile)],
                        accum.at[pl.ds(r0, rows_per_tile)])
        plsc.subcore_barrier()

        cbase = (c * per_core + s * per_tile) // CHUNK
        last = n_chunks - 1

        def clamp(i):
            return jnp.minimum(i, last)

        def start_idx(i, buf, sem):
            pltpu.async_copy(ei_hbm.at[cbase + clamp(i)], buf, sem)

        def wait(sem, buf):
            pltpu.make_async_copy(ei_hbm.at[cbase], buf, sem).wait()

        G = 25
        nblk = n_chunks // G

        def phase_a(as_v, ad_v, blk0, blk1):
            pltpu.sync_copy(as_hbm, as_v)
            pltpu.sync_copy(ad_hbm, ad_v)
            blks = (blk0, blk1)
            sems = (si0, si1)
            pltpu.sync_copy(ei_hbm.at[pl.ds(cbase, G)], blk0)
            for b in range(nblk):
                if b + 1 < nblk:
                    pltpu.async_copy(ei_hbm.at[pl.ds(cbase + (b + 1) * G, G)],
                                     blks[(b + 1) % 2], sems[(b + 1) % 2])

                def wb(g, carry, b=b):
                    buf = blks[b % 2]
                    for j in range(CHUNK // _LANES):
                        sl = pl.ds(j * _LANES, _LANES)
                        e = (plsc.load_gather(as_v, [buf[g, 0, sl]])
                             + plsc.load_gather(ad_v, [buf[g, 1, sl]]))
                        e = jnp.where(e >= 0.0, e, 0.2 * e)
                        wtile[pl.ds((b * G + g) * CHUNK + j * _LANES,
                                    _LANES)] = jnp.exp(e)
                    return carry

                lax.fori_loop(0, G, wb, 0)
                if b + 1 < nblk:
                    pltpu.make_async_copy(
                        ei_hbm.at[pl.ds(cbase, G)],
                        blks[(b + 1) % 2], sems[(b + 1) % 2]).wait()

        pl.run_scoped(phase_a,
                      pltpu.VMEM((N,), jnp.float32),
                      pltpu.VMEM((N,), jnp.float32),
                      pltpu.VMEM((G, 2, CHUNK), jnp.int32),
                      pltpu.VMEM((G, 2, CHUNK), jnp.int32))

        def phase_b(rows0, rows1):
            def start_gather(buf, rows, sem):
                pltpu.async_copy(haug_hbm.at[buf.at[0]], rows, sem)

            def wait_rows(rows, sem):
                pltpu.make_async_copy(haug_hbm.at[idx0.at[0]], rows,
                                      sem).wait()

            def scale(i, rows):
                nv = Ha // _LANES

                def sbody(kk, c2):
                    wv = plsc.load_gather(
                        wtile,
                        [jnp.full((_LANES,), i * CHUNK + kk, jnp.int32)])
                    vals = [rows[kk, pl.ds(j2 * _LANES, _LANES)]
                            for j2 in range(nv)]
                    vals = [v * wv for v in vals]
                    for j2 in range(nv):
                        rows[kk, pl.ds(j2 * _LANES, _LANES)] = vals[j2]
                    return c2

                lax.fori_loop(0, CHUNK, sbody, 0, unroll=4)

            def start_scatter(buf, rows, sem):
                pltpu.async_copy(rows, accum.at[buf.at[1]], sem, add=True)

            pltpu.sync_copy(ei_hbm.at[cbase], idx0)
            start_gather(idx0, rows0, sg0)
            start_idx(1, idx1, si1)

            def body(p, carry):
                i0 = 2 * p
                wait(si1, idx1)
                start_gather(idx1, rows1, sg1)
                wait_rows(rows0, sg0)
                scale(i0, rows0)
                start_scatter(idx0, rows0, ss0)
                wait_rows(rows1, sg1)
                scale(i0 + 1, rows1)
                start_scatter(idx1, rows1, ss1)
                pltpu.make_async_copy(rows0, accum.at[idx0.at[1]], ss0).wait()
                start_idx(i0 + 2, idx0, si0)
                wait(si0, idx0)
                start_gather(idx0, rows0, sg0)
                pltpu.make_async_copy(rows1, accum.at[idx1.at[1]], ss1).wait()
                start_idx(i0 + 3, idx1, si1)
                return carry

            lax.fori_loop(0, (n_chunks - 1) // 2, body, 0)
            wait(si1, idx1)
            wait_rows(rows0, sg0)
            scale(last, rows0)
            start_scatter(idx0, rows0, ss0)
            pltpu.make_async_copy(rows0, accum.at[idx0.at[1]], ss0).wait()

        pl.run_scoped(phase_b,
                      pltpu.VMEM((CHUNK, Ha), jnp.float32),
                      pltpu.VMEM((CHUNK, Ha), jnp.float32))

        plsc.subcore_barrier()
        pltpu.sync_copy(accum.at[pl.ds(r0, rows_per_tile)],
                        out_hbm.at[c, pl.ds(r0, rows_per_tile)])

    return k(haug, ei3, a_s, a_d, jnp.zeros((N_pad, Ha), jnp.float32))




def kernel(x, edge_index, W1, a1s, a1d, b1, W2, a2s, a2d, b2):
    N = x.shape[0]
    src = edge_index[0]
    dst = edge_index[1]

    haug1, as1, ad1 = _tc_project(x, W1, a1s, a1d)
    num1 = _sc_edge_pass(haug1, src, dst, as1[:, 0], ad1[:, 0])

    haug2, as2, ad2 = _tc_combine_project(
        num1[0, :N], num1[1, :N], haug1, as1, ad1, b1, W2, a2s, a2d)
    num2 = _sc_edge_pass(haug2, src, dst, as2[:, 0], ad2[:, 0])

    return _tc_combine_final(num2[0, :N], num2[1, :N], haug2, as2, ad2, b2)

# --- scband reference (transcript-rebuilt; emitter-appended) ---
"""Pipeline reference for scband-denoising-autoencoder-71330816852320 (READ-ONLY COPY).

The authoritative reference and input builder live on the scoring server;
editing this copy changes nothing except your own understanding.
"""

import jax, jax.numpy as jnp
import numpy as np


def _gat_layer(x, edge_index, W, att_src, att_dst, bias):
    # Faithful PyG GATConv with heads=1, concat=True, negative_slope=0.2,
    # add_self_loops already applied to edge_index by caller.
    N = x.shape[0]
    src = edge_index[0]
    dst = edge_index[1]
    h = x @ W  # linear transform [N, out_dim]
    a_s = jnp.sum(h * att_src, axis=-1)  # [N]
    a_d = jnp.sum(h * att_dst, axis=-1)  # [N]
    e = jax.nn.leaky_relu(a_s[src] + a_d[dst], negative_slope=0.2)  # [E]
    # softmax over edges grouped by destination node
    e_max = jax.ops.segment_max(e, dst, num_segments=N)
    e_max = jnp.where(jnp.isfinite(e_max), e_max, 0.0)
    ex = jnp.exp(e - e_max[dst])
    denom = jax.ops.segment_sum(ex, dst, num_segments=N)
    alpha = ex / (denom[dst] + 1e-16)
    out = jax.ops.segment_sum(h[src] * alpha[:, None], dst, num_segments=N)
    return out + bias


def setup_inputs(seed: int = 0):
    key = jax.random.key(seed)
    ks = jax.random.split(key, 12)
    N, F, H, E = 10000, 128, 64, 320000
    x = jax.random.normal(ks[0], (N, F), dtype=jnp.float32)
    edge_index = jax.random.randint(ks[1], (2, E), 0, N, dtype=jnp.int32)
    # layer 1: GATConv(128 -> 64)
    W1 = jax.random.normal(ks[2], (F, H), dtype=jnp.float32) * (1.0 / np.sqrt(F))
    a1s = jax.random.normal(ks[3], (H,), dtype=jnp.float32) * 0.1
    a1d = jax.random.normal(ks[4], (H,), dtype=jnp.float32) * 0.1
    b1 = jnp.zeros((H,), dtype=jnp.float32)
    # layer 2: GATConv(64 -> 128)
    W2 = jax.random.normal(ks[5], (H, F), dtype=jnp.float32) * (1.0 / np.sqrt(H))
    a2s = jax.random.normal(ks[6], (F,), dtype=jnp.float32) * 0.1
    a2d = jax.random.normal(ks[7], (F,), dtype=jnp.float32) * 0.1
    b2 = jnp.zeros((F,), dtype=jnp.float32)
    return {"x": x, "edge_index": edge_index, "W1": W1, "a1s": a1s, "a1d": a1d, "b1": b1, "W2": W2, "a2s": a2s, "a2d": a2d, "b2": b2}


def reference(x, edge_index, W1, a1s, a1d, b1, W2, a2s, a2d, b2):
    N = x.shape[0]
    loop = jnp.arange(N, dtype=edge_index.dtype)
    ei = jnp.concatenate([edge_index, jnp.stack([loop, loop], axis=0)], axis=1)
    h = _gat_layer(x, ei, W1, a1s, a1d, b1)
    h = jax.nn.relu(h)
    out = _gat_layer(h, ei, W2, a2s, a2d, b2)
    return out

if __name__ == "__main__":
    import jax
    _d = setup_inputs()
    print(jax.jit(kernel)(*tuple(_d.values())))

</pallas_src>

<mosaic_0001>
#map = affine_map<(d0, d1) -> (0, 0)>
#map1 = affine_map<(d0, d1) -> (0, 0, 0)>
#map2 = affine_map<(d0, d1) -> (0)>
module attributes {stable_mosaic.version = 14 : i64} {
  func.func @k(%arg0: i32, %arg1: i32, %arg2: memref<10000x80xf32, #tpu.memory_space<hbm>>, %arg3: memref<4000x2x80xi32, #tpu.memory_space<hbm>>, %arg4: memref<10000xf32, #tpu.memory_space<hbm>>, %arg5: memref<10000xf32, #tpu.memory_space<hbm>>, %arg6: memref<10112x80xf32, #tpu.memory_space<hbm>>, %arg7: memref<2x10112x80xf32, #tpu.memory_space<hbm>>, %arg8: memref<10112x80xf32, #tpu.memory_space<vmem_shared>>, %arg9: memref<10000xf32, #tpu.memory_space<vmem>>, %arg10: memref<2x80xi32, #tpu.memory_space<vmem>>, %arg11: memref<2x80xi32, #tpu.memory_space<vmem>>, %arg12: memref<!tpu.dma_semaphore, #tpu.memory_space<semaphore_mem>>, %arg13: memref<!tpu.dma_semaphore, #tpu.memory_space<semaphore_mem>>, %arg14: memref<!tpu.dma_semaphore, #tpu.memory_space<semaphore_mem>>, %arg15: memref<!tpu.dma_semaphore, #tpu.memory_space<semaphore_mem>>, %arg16: memref<!tpu.dma_semaphore, #tpu.memory_space<semaphore_mem>>, %arg17: memref<!tpu.dma_semaphore, #tpu.memory_space<semaphore_mem>>) attributes {dimension_semantics = [#tpu.dimension_semantics<core_parallel>, #tpu.dimension_semantics<subcore_parallel>], iteration_bounds = array<i64: 2, 16>, scalar_prefetch = 0 : i64, scratch_operands = 10 : i64, tpu.core_type = #tpu.core_type<sc_vector_subcore>, window_params = [{transform_indices = #map}, {transform_indices = #map1}, {transform_indices = #map2}, {transform_indices = #map2}, {transform_indices = #map}, {transform_indices = #map1}]} {
    %mul3A = arith.constant 632 : i32
    %mul3A_0 = arith.muli %arg1, %mul3A : i32
    "tpu.region"() ({
      %run_scoped3A = tpu.sem_alloc : memref<!tpu.dma_semaphore, #tpu.memory_space<semaphore_mem>>
      %dma_start3A = arith.constant 0 : i32
      %dma_start3A_22 = tpu.memref_slice %arg8[%mul3A_0, %dma_start3A] : memref<10112x80xf32, #tpu.memory_space<vmem_shared>> -> memref<632x80xf32, #tpu.memory_space<vmem_shared>>
      %dma_start3A_23 = arith.constant 0 : i32
      %dma_start3A_24 = tpu.memref_slice %arg6[%mul3A_0, %dma_start3A_23] : memref<10112x80xf32, #tpu.memory_space<hbm>> -> memref<632x80xf32, #tpu.memory_space<hbm>>
      tpu.enqueue_dma source(%dma_start3A_24 : memref<632x80xf32, #tpu.memory_space<hbm>>) target(%dma_start3A_22 : memref<632x80xf32, #tpu.memory_space<vmem_shared>>) target_semaphore(%run_scoped3A : memref<!tpu.dma_semaphore, #tpu.memory_space<semaphore_mem>>)
      %dma_wait3A = arith.constant 0 : i32
      %dma_wait3A_25 = tpu.memref_slice %arg8[%mul3A_0, %dma_wait3A] : memref<10112x80xf32, #tpu.memory_space<vmem_shared>> -> memref<632x80xf32, #tpu.memory_space<vmem_shared>>
      %dma_wait3A_26 = arith.constant 0 : i32
      %dma_wait3A_27 = tpu.memref_slice %arg6[%mul3A_0, %dma_wait3A_26] : memref<10112x80xf32, #tpu.memory_space<hbm>> -> memref<632x80xf32, #tpu.memory_space<hbm>>
      tpu.wait_dma2 semaphore(%run_scoped3A : memref<!tpu.dma_semaphore, #tpu.memory_space<semaphore_mem>>) src(%dma_wait3A_27 : memref<632x80xf32, #tpu.memory_space<hbm>>) dst(%dma_wait3A_25 : memref<632x80xf32, #tpu.memory_space<vmem_shared>>)
      tpu.yield
    }) : () -> ()
    %barrier3A = arith.constant 0 : index
    tpu.barrier barrier_id(%barrier3A)
    %mul3A_1 = arith.constant 160000 : i32
    %mul3A_2 = arith.muli %arg0, %mul3A_1 : i32
    %mul3A_3 = arith.constant 10000 : i32
    %mul3A_4 = arith.muli %arg1, %mul3A_3 : i32
    %add3A = arith.addi %mul3A_2, %mul3A_4 : i32
    %jit3A = arith.constant 80 : i32
    %div3A = arith.divsi %add3A, %jit3A : i32
    %sign3A = arith.constant 0 : i32
    %sign3A_5 = arith.cmpi sgt, %add3A, %sign3A : i32
    %sign3A_6 = arith.extui %sign3A_5 : i1 to i32
    %sign3A_7 = arith.constant 0 : i32
    %sign3A_8 = arith.cmpi slt, %add3A, %sign3A_7 : i32
    %sign3A_9 = arith.extui %sign3A_8 : i1 to i32
    %sign3A_10 = arith.subi %sign3A_6, %sign3A_9 : i32
    %sign3A_11 = arith.constant 0 : i32
    %sign3A_12 = arith.cmpi sgt, %jit3A, %sign3A_11 : i32
    %sign3A_13 = arith.extui %sign3A_12 : i1 to i32
    %sign3A_14 = arith.constant 0 : i32
    %sign3A_15 = arith.cmpi slt, %jit3A, %sign3A_14 : i32
    %sign3A_16 = arith.extui %sign3A_15 : i1 to i32
    %sign3A_17 = arith.subi %sign3A_13, %sign3A_16 : i32
    %ne3A = arith.cmpi ne, %sign3A_10, %sign3A_17 : i32
    %rem3A = arith.remsi %add3A, %jit3A : i32
    %ne3A_18 = arith.constant 0 : i32
    %ne3A_19 = arith.cmpi ne, %rem3A, %ne3A_18 : i32
    %and3A = arith.andi %ne3A, %ne3A_19 : i1
    %sub3A = arith.constant 1 : i32
    %sub3A_20 = arith.subi %div3A, %sub3A : i32
    %select_n3A = arith.select %and3A, %sub3A_20, %div3A : i32
    "tpu.region"() ({
      %run_scoped3A = memref.alloca() : memref<10000xf32, #tpu.memory_space<vmem>>
      %run_scoped3A_22 = memref.alloca() : memref<10000xf32, #tpu.memory_space<vmem>>
      %run_scoped3A_23 = memref.alloca() : memref<25x2x80xi32, #tpu.memory_space<vmem>>
      %run_scoped3A_24 = memref.alloca() : memref<25x2x80xi32, #tpu.memory_space<vmem>>
      "tpu.region"() ({
        %run_scoped3A_108 = tpu.sem_alloc : memref<!tpu.dma_semaphore, #tpu.memory_space<semaphore_mem>>
        tpu.enqueue_dma source(%arg4 : memref<10000xf32, #tpu.memory_space<hbm>>) target(%run_scoped3A : memref<10000xf32, #tpu.memory_space<vmem>>) target_semaphore(%run_scoped3A_108 : memref<!tpu.dma_semaphore, #tpu.memory_space<semaphore_mem>>)
        tpu.wait_dma2 semaphore(%run_scoped3A_108 : memref<!tpu.dma_semaphore, #tpu.memory_space<semaphore_mem>>) src(%arg4 : memref<10000xf32, #tpu.memory_space<hbm>>) dst(%run_scoped3A : memref<10000xf32, #tpu.memory_space<vmem>>)
        tpu.yield
      }) : () -> ()
      "tpu.region"() ({
        %run_scoped3A_108 = tpu.sem_alloc : memref<!tpu.dma_semaphore, #tpu.memory_space<semaphore_mem>>
        tpu.enqueue_dma source(%arg5 : memref<10000xf32, #tpu.memory_space<hbm>>) target(%run_scoped3A_22 : memref<10000xf32, #tpu.memory_space<vmem>>) target_semaphore(%run_scoped3A_108 : memref<!tpu.dma_semaphore, #tpu.memory_space<semaphore_mem>>)
        tpu.wait_dma2 semaphore(%run_scoped3A_108 : memref<!tpu.dma_semaphore, #tpu.memory_space<semaphore_mem>>) src(%arg5 : memref<10000xf32, #tpu.memory_space<hbm>>) dst(%run_scoped3A_22 : memref<10000xf32, #tpu.memory_space<vmem>>)
        tpu.yield
      }) : () -> ()
      "tpu.region"() ({
        %run_scoped3A_108 = tpu.sem_alloc : memref<!tpu.dma_semaphore, #tpu.memory_space<semaphore_mem>>
        %dma_start3A_109 = arith.constant 0 : i32
        %dma_start3A_110 = arith.constant 0 : i32
        %dma_start3A_111 = tpu.memref_slice %arg3[%select_n3A, %dma_start3A_109, %dma_start3A_110] : memref<4000x2x80xi32, #tpu.memory_space<hbm>> -> memref<25x2x80xi32, #tpu.memory_space<hbm>>
        %dma_start3A_112 = arith.constant 0 : i32
        %dma_start3A_113 = arith.constant 0 : i32
        %dma_start3A_114 = tpu.memref_slice %arg3[%select_n3A, %dma_start3A_112, %dma_start3A_113] : memref<4000x2x80xi32, #tpu.memory_space<hbm>> -> memref<25x2x80xi32, #tpu.memory_space<hbm>>
        tpu.enqueue_dma source(%dma_start3A_114 : memref<25x2x80xi32, #tpu.memory_space<hbm>>) target(%run_scoped3A_23 : memref<25x2x80xi32, #tpu.memory_space<vmem>>) target_semaphore(%run_scoped3A_108 : memref<!tpu.dma_semaphore, #tpu.memory_space<semaphore_mem>>)
        %dma_wait3A_115 = arith.constant 0 : i32
        %dma_wait3A_116 = arith.constant 0 : i32
        %dma_wait3A_117 = tpu.memref_slice %arg3[%select_n3A, %dma_wait3A_115, %dma_wait3A_116] : memref<4000x2x80xi32, #tpu.memory_space<hbm>> -> memref<25x2x80xi32, #tpu.memory_space<hbm>>
        %dma_wait3A_118 = arith.constant 0 : i32
        %dma_wait3A_119 = arith.constant 0 : i32
        %dma_wait3A_120 = tpu.memref_slice %arg3[%select_n3A, %dma_wait3A_118, %dma_wait3A_119] : memref<4000x2x80xi32, #tpu.memory_space<hbm>> -> memref<25x2x80xi32, #tpu.memory_space<hbm>>
        tpu.wait_dma2 semaphore(%run_scoped3A_108 : memref<!tpu.dma_semaphore, #tpu.memory_space<semaphore_mem>>) src(%dma_wait3A_120 : memref<25x2x80xi32, #tpu.memory_space<hbm>>) dst(%run_scoped3A_23 : memref<25x2x80xi32, #tpu.memory_space<vmem>>)
        tpu.yield
      }) : () -> ()
      %add3A_25 = arith.constant 25 : i32
      %add3A_26 = arith.addi %select_n3A, %add3A_25 : i32
      %dma_start3A = arith.constant 0 : i32
      %dma_start3A_27 = arith.constant 0 : i32
      %dma_start3A_28 = tpu.memref_slice %arg3[%add3A_26, %dma_start3A, %dma_start3A_27] : memref<4000x2x80xi32, #tpu.memory_space<hbm>> -> memref<25x2x80xi32, #tpu.memory_space<hbm>>
      %dma_start3A_29 = arith.constant 0 : i32
      %dma_start3A_30 = arith.constant 0 : i32
      %dma_start3A_31 = tpu.memref_slice %arg3[%add3A_26, %dma_start3A_29, %dma_start3A_30] : memref<4000x2x80xi32, #tpu.memory_space<hbm>> -> memref<25x2x80xi32, #tpu.memory_space<hbm>>
      tpu.enqueue_dma source(%dma_start3A_31 : memref<25x2x80xi32, #tpu.memory_space<hbm>>) target(%run_scoped3A_24 : memref<25x2x80xi32, #tpu.memory_space<vmem>>) target_semaphore(%arg13 : memref<!tpu.dma_semaphore, #tpu.memory_space<semaphore_mem>>)
      %scan3A = arith.constant 0 : i32
      %scan3A_32 = arith.constant 0 : i32
      %scan3A_33 = arith.constant 25 : i32
      %scan3A_34 = arith.addi %scan3A_32, %scan3A_33 : i32
      %scan3A_35 = arith.constant 1 : i32
      scf.for %scan3A_108 = %scan3A_32 to %scan3A_34 step %scan3A_35  : i32 {
        %get3A = arith.constant 0 : i32
        %get3A_109 = arith.index_cast %scan3A_108 : i32 to index
        %get3A_110 = arith.index_cast %get3A : i32 to index
        %get3A_111 = arith.constant 0 : index
        %get3A_112 = tpu.vector_load %run_scoped3A_23[%get3A_109, %get3A_110, %get3A_111] {strides = array<i32>} : memref<25x2x80xi32, #tpu.memory_space<vmem>>, vector<16xi32>,
        %gather3A = tpu.vector_load_idx %run_scoped3A[%get3A_112] : memref<10000xf32, #tpu.memory_space<vmem>>[vector<16xi32>], vector<16xf32>,
        %get3A_113 = arith.constant 1 : i32
        %get3A_114 = arith.index_cast %scan3A_108 : i32 to index
        %get3A_115 = arith.index_cast %get3A_113 : i32 to index
        %get3A_116 = arith.constant 0 : index
        %get3A_117 = tpu.vector_load %run_scoped3A_23[%get3A_114, %get3A_115, %get3A_116] {strides = array<i32>} : memref<25x2x80xi32, #tpu.memory_space<vmem>>, vector<16xi32>,
        %gather3A_118 = tpu.vector_load_idx %run_scoped3A_22[%get3A_117] : memref<10000xf32, #tpu.memory_space<vmem>>[vector<16xi32>], vector<16xf32>,
        %add3A_119 = arith.addf %gather3A, %gather3A_118 : vector<16xf32>
        %ge3A = arith.constant 0.000000e+00 : f32
        %ge3A_120 = vector.broadcast %ge3A : f32 to vector<16xf32>
        %ge3A_121 = arith.cmpf oge, %add3A_119, %ge3A_120 : vector<16xf32>
        %mul3A_122 = arith.constant 2.000000e-01 : f32
        %mul3A_123 = vector.broadcast %mul3A_122 : f32 to vector<16xf32>
        %mul3A_124 = arith.mulf %mul3A_123, %add3A_119 : vector<16xf32>
        %select_n3A_125 = arith.select %ge3A_121, %add3A_119, %mul3A_124 : vector<16xi1>, vector<16xf32>
        %exp3A = math.exp %select_n3A_125 : vector<16xf32>
        %add3A_126 = arith.constant 0 : i32
        %add3A_127 = arith.addi %add3A_126, %scan3A_108 : i32
        %mul3A_128 = arith.constant 80 : i32
        %mul3A_129 = arith.muli %add3A_127, %mul3A_128 : i32
        %add3A_130 = arith.constant 0 : i32
        %add3A_131 = arith.addi %mul3A_129, %add3A_130 : i32
        %swap3A = arith.index_cast %add3A_131 : i32 to index
        %swap3A_132 = tpu.vector_load %arg9[%swap3A] {strides = array<i32>} : memref<10000xf32, #tpu.memory_space<vmem>>, vector<16xf32>,
        tpu.vector_store %arg9[%swap3A], %exp3A {strides = array<i32>} : memref<10000xf32, #tpu.memory_space<vmem>>, vector<16xf32>,
        %get3A_133 = arith.constant 0 : i32
        %get3A_134 = arith.index_cast %scan3A_108 : i32 to index
        %get3A_135 = arith.index_cast %get3A_133 : i32 to index
        %get3A_136 = arith.constant 16 : index
        %get3A_137 = tpu.vector_load %run_scoped3A_23[%get3A_134, %get3A_135, %get3A_136] {strides = array<i32>} : memref<25x2x80xi32, #tpu.memory_space<vmem>>, vector<16xi32>,
        %gather3A_138 = tpu.vector_load_idx %run_scoped3A[%get3A_137] : memref<10000xf32, #tpu.memory_space<vmem>>[vector<16xi32>], vector<16xf32>,
        %get3A_139 = arith.constant 1 : i32
        %get3A_140 = arith.index_cast %scan3A_108 : i32 to index
        %get3A_141 = arith.index_cast %get3A_139 : i32 to index
        %get3A_142 = arith.constant 16 : index
        %get3A_143 = tpu.vector_load %run_scoped3A_23[%get3A_140, %get3A_141, %get3A_142] {strides = array<i32>} : memref<25x2x80xi32, #tpu.memory_space<vmem>>, vector<16xi32>,
        %gather3A_144 = tpu.vector_load_idx %run_scoped3A_22[%get3A_143] : memref<10000xf32, #tpu.memory_space<vmem>>[vector<16xi32>], vector<16xf32>,
        %add3A_145 = arith.addf %gather3A_138, %gather3A_144 : vector<16xf32>
        %ge3A_146 = arith.constant 0.000000e+00 : f32
        %ge3A_147 = vector.broadcast %ge3A_146 : f32 to vector<16xf32>
        %ge3A_148 = arith.cmpf oge, %add3A_145, %ge3A_147 : vector<16xf32>
        %mul3A_149 = arith.constant 2.000000e-01 : f32
        %mul3A_150 = vector.broadcast %mul3A_149 : f32 to vector<16xf32>
        %mul3A_151 = arith.mulf %mul3A_150, %add3A_145 : vector<16xf32>
        %select_n3A_152 = arith.select %ge3A_148, %add3A_145, %mul3A_151 : vector<16xi1>, vector<16xf32>
        %exp3A_153 = math.exp %select_n3A_152 : vector<16xf32>
        %add3A_154 = arith.constant 0 : i32
        %add3A_155 = arith.addi %add3A_154, %scan3A_108 : i32
        %mul3A_156 = arith.constant 80 : i32
        %mul3A_157 = arith.muli %add3A_155, %mul3A_156 : i32
        %add3A_158 = arith.constant 16 : i32
        %add3A_159 = arith.addi %mul3A_157, %add3A_158 : i32
        %swap3A_160 = arith.index_cast %add3A_159 : i32 to index
        %swap3A_161 = tpu.vector_load %arg9[%swap3A_160] {strides = array<i32>} : memref<10000xf32, #tpu.memory_space<vmem>>, vector<16xf32>,
        tpu.vector_store %arg9[%swap3A_160], %exp3A_153 {strides = array<i32>} : memref<10000xf32, #tpu.memory_space<vmem>>, vector<16xf32>,
        %get3A_162 = arith.constant 0 : i32
        %get3A_163 = arith.index_cast %scan3A_108 : i32 to index
        %get3A_164 = arith.index_cast %get3A_162 : i32 to index
        %get3A_165 = arith.constant 32 : index
        %get3A_166 = tpu.vector_load %run_scoped3A_23[%get3A_163, %get3A_164, %get3A_165] {strides = array<i32>} : memref<25x2x80xi32, #tpu.memory_space<vmem>>, vector<16xi32>,
        %gather3A_167 = tpu.vector_load_idx %run_scoped3A[%get3A_166] : memref<10000xf32, #tpu.memory_space<vmem>>[vector<16xi32>], vector<16xf32>,
        %get3A_168 = arith.constant 1 : i32
        %get3A_169 = arith.index_cast %scan3A_108 : i32 to index
        %get3A_170 = arith.index_cast %get3A_168 : i32 to index
        %get3A_171 = arith.constant 32 : index
        %get3A_172 = tpu.vector_load %run_scoped3A_23[%get3A_169, %get3A_170, %get3A_171] {strides = array<i32>} : memref<25x2x80xi32, #tpu.memory_space<vmem>>, vector<16xi32>,
        %gather3A_173 = tpu.vector_load_idx %run_scoped3A_22[%get3A_172] : memref<10000xf32, #tpu.memory_space<vmem>>[vector<16xi32>], vector<16xf32>,
        %add3A_174 = arith.addf %gather3A_167, %gather3A_173 : vector<16xf32>
        %ge3A_175 = arith.constant 0.000000e+00 : f32
        %ge3A_176 = vector.broadcast %ge3A_175 : f32 to vector<16xf32>
        %ge3A_177 = arith.cmpf oge, %add3A_174, %ge3A_176 : vector<16xf32>
        %mul3A_178 = arith.constant 2.000000e-01 : f32
        %mul3A_179 = vector.broadcast %mul3A_178 : f32 to vector<16xf32>
        %mul3A_180 = arith.mulf %mul3A_179, %add3A_174 : vector<16xf32>
        %select_n3A_181 = arith.select %ge3A_177, %add3A_174, %mul3A_180 : vector<16xi1>, vector<16xf32>
        %exp3A_182 = math.exp %select_n3A_181 : vector<16xf32>
        %add3A_183 = arith.constant 0 : i32
        %add3A_184 = arith.addi %add3A_183, %scan3A_108 : i32
        %mul3A_185 = arith.constant 80 : i32
        %mul3A_186 = arith.muli %add3A_184, %mul3A_185 : i32
        %add3A_187 = arith.constant 32 : i32
        %add3A_188 = arith.addi %mul3A_186, %add3A_187 : i32
        %swap3A_189 = arith.index_cast %add3A_188 : i32 to index
        %swap3A_190 = tpu.vector_load %arg9[%swap3A_189] {strides = array<i32>} : memref<10000xf32, #tpu.memory_space<vmem>>, vector<16xf32>,
        tpu.vector_store %arg9[%swap3A_189], %exp3A_182 {strides = array<i32>} : memref<10000xf32, #tpu.memory_space<vmem>>, vector<16xf32>,
        %get3A_191 = arith.constant 0 : i32
        %get3A_192 = arith.index_cast %scan3A_108 : i32 to index
        %get3A_193 = arith.index_cast %get3A_191 : i32 to index
        %get3A_194 = arith.constant 48 : index
        %get3A_195 = tpu.vector_load %run_scoped3A_23[%get3A_192, %get3A_193, %get3A_194] {strides = array<i32>} : memref<25x2x80xi32, #tpu.memory_space<vmem>>, vector<16xi32>,
        %gather3A_196 = tpu.vector_load_idx %run_scoped3A[%get3A_195] : memref<10000xf32, #tpu.memory_space<vmem>>[vector<16xi32>], vector<16xf32>,
        %get3A_197 = arith.constant 1 : i32
        %get3A_198 = arith.index_cast %scan3A_108 : i32 to index
        %get3A_199 = arith.index_cast %get3A_197 : i32 to index
        %get3A_200 = arith.constant 48 : index
        %get3A_201 = tpu.vector_load %run_scoped3A_23[%get3A_198, %get3A_199, %get3A_200] {strides = array<i32>} : memref<25x2x80xi32, #tpu.memory_space<vmem>>, vector<16xi32>,
        %gather3A_202 = tpu.vector_load_idx %run_scoped3A_22[%get3A_201] : memref<10000xf32, #tpu.memory_space<vmem>>[vector<16xi32>], vector<16xf32>,
        %add3A_203 = arith.addf %gather3A_196, %gather3A_202 : vector<16xf32>
        %ge3A_204 = arith.constant 0.000000e+00 : f32
        %ge3A_205 = vector.broadcast %ge3A_204 : f32 to vector<16xf32>
        %ge3A_206 = arith.cmpf oge, %add3A_203, %ge3A_205 : vector<16xf32>
        %mul3A_207 = arith.constant 2.000000e-01 : f32
        %mul3A_208 = vector.broadcast %mul3A_207 : f32 to vector<16xf32>
        %mul3A_209 = arith.mulf %mul3A_208, %add3A_203 : vector<16xf32>
        %select_n3A_210 = arith.select %ge3A_206, %add3A_203, %mul3A_209 : vector<16xi1>, vector<16xf32>
        %exp3A_211 = math.exp %select_n3A_210 : vector<16xf32>
        %add3A_212 = arith.constant 0 : i32
        %add3A_213 = arith.addi %add3A_212, %scan3A_108 : i32
        %mul3A_214 = arith.constant 80 : i32
        %mul3A_215 = arith.muli %add3A_213, %mul3A_214 : i32
        %add3A_216 = arith.constant 48 : i32
        %add3A_217 = arith.addi %mul3A_215, %add3A_216 : i32
        %swap3A_218 = arith.index_cast %add3A_217 : i32 to index
        %swap3A_219 = tpu.vector_load %arg9[%swap3A_218] {strides = array<i32>} : memref<10000xf32, #tpu.memory_space<vmem>>, vector<16xf32>,
        tpu.vector_store %arg9[%swap3A_218], %exp3A_211 {strides = array<i32>} : memref<10000xf32, #tpu.memory_space<vmem>>, vector<16xf32>,
        %get3A_220 = arith.constant 0 : i32
        %get3A_221 = arith.index_cast %scan3A_108 : i32 to index
        %get3A_222 = arith.index_cast %get3A_220 : i32 to index
        %get3A_223 = arith.constant 64 : index
        %get3A_224 = tpu.vector_load %run_scoped3A_23[%get3A_221, %get3A_222, %get3A_223] {strides = array<i32>} : memref<25x2x80xi32, #tpu.memory_space<vmem>>, vector<16xi32>,
        %gather3A_225 = tpu.vector_load_idx %run_scoped3A[%get3A_224] : memref<10000xf32, #tpu.memory_space<vmem>>[vector<16xi32>], vector<16xf32>,
        %get3A_226 = arith.constant 1 : i32
        %get3A_227 = arith.index_cast %scan3A_108 : i32 to index
        %get3A_228 = arith.index_cast %get3A_226 : i32 to index
        %get3A_229 = arith.constant 64 : index
        %get3A_230 = tpu.vector_load %run_scoped3A_23[%get3A_227, %get3A_228, %get3A_229] {strides = array<i32>} : memref<25x2x80xi32, #tpu.memory_space<vmem>>, vector<16xi32>,
        %gather3A_231 = tpu.vector_load_idx %run_scoped3A_22[%get3A_230] : memref<10000xf32, #tpu.memory_space<vmem>>[vector<16xi32>], vector<16xf32>,
        %add3A_232 = arith.addf %gather3A_225, %gather3A_231 : vector<16xf32>
        %ge3A_233 = arith.constant 0.000000e+00 : f32
        %ge3A_234 = vector.broadcast %ge3A_233 : f32 to vector<16xf32>
        %ge3A_235 = arith.cmpf oge, %add3A_232, %ge3A_234 : vector<16xf32>
        %mul3A_236 = arith.constant 2.000000e-01 : f32
        %mul3A_237 = vector.broadcast %mul3A_236 : f32 to vector<16xf32>
        %mul3A_238 = arith.mulf %mul3A_237, %add3A_232 : vector<16xf32>
        %select_n3A_239 = arith.select %ge3A_235, %add3A_232, %mul3A_238 : vector<16xi1>, vector<16xf32>
        %exp3A_240 = math.exp %select_n3A_239 : vector<16xf32>
        %add3A_241 = arith.constant 0 : i32
        %add3A_242 = arith.addi %add3A_241, %scan3A_108 : i32
        %mul3A_243 = arith.constant 80 : i32
        %mul3A_244 = arith.muli %add3A_242, %mul3A_243 : i32
        %add3A_245 = arith.constant 64 : i32
        %add3A_246 = arith.addi %mul3A_244, %add3A_245 : i32
        %swap3A_247 = arith.index_cast %add3A_246 : i32 to index
        %swap3A_248 = tpu.vector_load %arg9[%swap3A_247] {strides = array<i32>} : memref<10000xf32, #tpu.memory_space<vmem>>, vector<16xf32>,
        tpu.vector_store %arg9[%swap3A_247], %exp3A_240 {strides = array<i32>} : memref<10000xf32, #tpu.memory_space<vmem>>, vector<16xf32>,
      }
      %scan3A_36 = arith.constant 25 : i32
      %dma_wait3A = arith.constant 0 : i32
      %dma_wait3A_37 = arith.constant 0 : i32
      %dma_wait3A_38 = tpu.memref_slice %arg3[%select_n3A, %dma_wait3A, %dma_wait3A_37] : memref<4000x2x80xi32, #tpu.memory_space<hbm>> -> memref<25x2x80xi32, #tpu.memory_space<hbm>>
      %dma_wait3A_39 = arith.constant 0 : i32
      %dma_wait3A_40 = arith.constant 0 : i32
      %dma_wait3A_41 = tpu.memref_slice %arg3[%select_n3A, %dma_wait3A_39, %dma_wait3A_40] : memref<4000x2x80xi32, #tpu.memory_space<hbm>> -> memref<25x2x80xi32, #tpu.memory_space<hbm>>
      tpu.wait_dma2 semaphore(%arg13 : memref<!tpu.dma_semaphore, #tpu.memory_space<semaphore_mem>>) src(%dma_wait3A_41 : memref<25x2x80xi32, #tpu.memory_space<hbm>>) dst(%run_scoped3A_24 : memref<25x2x80xi32, #tpu.memory_space<vmem>>)
      %add3A_42 = arith.constant 50 : i32
      %add3A_43 = arith.addi %select_n3A, %add3A_42 : i32
      %dma_start3A_44 = arith.constant 0 : i32
      %dma_start3A_45 = arith.constant 0 : i32
      %dma_start3A_46 = tpu.memref_slice %arg3[%add3A_43, %dma_start3A_44, %dma_start3A_45] : memref<4000x2x80xi32, #tpu.memory_space<hbm>> -> memref<25x2x80xi32, #tpu.memory_space<hbm>>
      %dma_start3A_47 = arith.constant 0 : i32
      %dma_start3A_48 = arith.constant 0 : i32
      %dma_start3A_49 = tpu.memref_slice %arg3[%add3A_43, %dma_start3A_47, %dma_start3A_48] : memref<4000x2x80xi32, #tpu.memory_space<hbm>> -> memref<25x2x80xi32, #tpu.memory_space<hbm>>
      tpu.enqueue_dma source(%dma_start3A_49 : memref<25x2x80xi32, #tpu.memory_space<hbm>>) target(%run_scoped3A_23 : memref<25x2x80xi32, #tpu.memory_space<vmem>>) target_semaphore(%arg12 : memref<!tpu.dma_semaphore, #tpu.memory_space<semaphore_mem>>)
      %scan3A_50 = arith.constant 0 : i32
      %scan3A_51 = arith.constant 0 : i32
      %scan3A_52 = arith.constant 25 : i32
      %scan3A_53 = arith.addi %scan3A_51, %scan3A_52 : i32
      %scan3A_54 = arith.constant 1 : i32
      scf.for %scan3A_108 = %scan3A_51 to %scan3A_53 step %scan3A_54  : i32 {
        %get3A = arith.constant 0 : i32
        %get3A_109 = arith.index_cast %scan3A_108 : i32 to index
        %get3A_110 = arith.index_cast %get3A : i32 to index
        %get3A_111 = arith.constant 0 : index
        %get3A_112 = tpu.vector_load %run_scoped3A_24[%get3A_109, %get3A_110, %get3A_111] {strides = array<i32>} : memref<25x2x80xi32, #tpu.memory_space<vmem>>, vector<16xi32>,
        %gather3A = tpu.vector_load_idx %run_scoped3A[%get3A_112] : memref<10000xf32, #tpu.memory_space<vmem>>[vector<16xi32>], vector<16xf32>,
        %get3A_113 = arith.constant 1 : i32
        %get3A_114 = arith.index_cast %scan3A_108 : i32 to index
        %get3A_115 = arith.index_cast %get3A_113 : i32 to index
        %get3A_116 = arith.constant 0 : index
        %get3A_117 = tpu.vector_load %run_scoped3A_24[%get3A_114, %get3A_115, %get3A_116] {strides = array<i32>} : memref<25x2x80xi32, #tpu.memory_space<vmem>>, vector<16xi32>,
        %gather3A_118 = tpu.vector_load_idx %run_scoped3A_22[%get3A_117] : memref<10000xf32, #tpu.memory_space<vmem>>[vector<16xi32>], vector<16xf32>,
        %add3A_119 = arith.addf %gather3A, %gather3A_118 : vector<16xf32>
        %ge3A = arith.constant 0.000000e+00 : f32
        %ge3A_120 = vector.broadcast %ge3A : f32 to vector<16xf32>
        %ge3A_121 = arith.cmpf oge, %add3A_119, %ge3A_120 : vector<16xf32>
        %mul3A_122 = arith.constant 2.000000e-01 : f32
        %mul3A_123 = vector.broadcast %mul3A_122 : f32 to vector<16xf32>
        %mul3A_124 = arith.mulf %mul3A_123, %add3A_119 : vector<16xf32>
        %select_n3A_125 = arith.select %ge3A_121, %add3A_119, %mul3A_124 : vector<16xi1>, vector<16xf32>
        %exp3A = math.exp %select_n3A_125 : vector<16xf32>
        %add3A_126 = arith.constant 25 : i32
        %add3A_127 = arith.addi %add3A_126, %scan3A_108 : i32
        %mul3A_128 = arith.constant 80 : i32
        %mul3A_129 = arith.muli %add3A_127, %mul3A_128 : i32
        %add3A_130 = arith.constant 0 : i32
        %add3A_131 = arith.addi %mul3A_129, %add3A_130 : i32
        %swap3A = arith.index_cast %add3A_131 : i32 to index
        %swap3A_132 = tpu.vector_load %arg9[%swap3A] {strides = array<i32>} : memref<10000xf32, #tpu.memory_space<vmem>>, vector<16xf32>,
        tpu.vector_store %arg9[%swap3A], %exp3A {strides = array<i32>} : memref<10000xf32, #tpu.memory_space<vmem>>, vector<16xf32>,
        %get3A_133 = arith.constant 0 : i32
        %get3A_134 = arith.index_cast %scan3A_108 : i32 to index
        %get3A_135 = arith.index_cast %get3A_133 : i32 to index
        %get3A_136 = arith.constant 16 : index
        %get3A_137 = tpu.vector_load %run_scoped3A_24[%get3A_134, %get3A_135, %get3A_136] {strides = array<i32>} : memref<25x2x80xi32, #tpu.memory_space<vmem>>, vector<16xi32>,
        %gather3A_138 = tpu.vector_load_idx %run_scoped3A[%get3A_137] : memref<10000xf32, #tpu.memory_space<vmem>>[vector<16xi32>], vector<16xf32>,
        %get3A_139 = arith.constant 1 : i32
        %get3A_140 = arith.index_cast %scan3A_108 : i32 to index
        %get3A_141 = arith.index_cast %get3A_139 : i32 to index
        %get3A_142 = arith.constant 16 : index
        %get3A_143 = tpu.vector_load %run_scoped3A_24[%get3A_140, %get3A_141, %get3A_142] {strides = array<i32>} : memref<25x2x80xi32, #tpu.memory_space<vmem>>, vector<16xi32>,
        %gather3A_144 = tpu.vector_load_idx %run_scoped3A_22[%get3A_143] : memref<10000xf32, #tpu.memory_space<vmem>>[vector<16xi32>], vector<16xf32>,
        %add3A_145 = arith.addf %gather3A_138, %gather3A_144 : vector<16xf32>
        %ge3A_146 = arith.constant 0.000000e+00 : f32
        %ge3A_147 = vector.broadcast %ge3A_146 : f32 to vector<16xf32>
        %ge3A_148 = arith.cmpf oge, %add3A_145, %ge3A_147 : vector<16xf32>
        %mul3A_149 = arith.constant 2.000000e-01 : f32
        %mul3A_150 = vector.broadcast %mul3A_149 : f32 to vector<16xf32>
        %mul3A_151 = arith.mulf %mul3A_150, %add3A_145 : vector<16xf32>
        %select_n3A_152 = arith.select %ge3A_148, %add3A_145, %mul3A_151 : vector<16xi1>, vector<16xf32>
        %exp3A_153 = math.exp %select_n3A_152 : vector<16xf32>
        %add3A_154 = arith.constant 25 : i32
        %add3A_155 = arith.addi %add3A_154, %scan3A_108 : i32
        %mul3A_156 = arith.constant 80 : i32
        %mul3A_157 = arith.muli %add3A_155, %mul3A_156 : i32
        %add3A_158 = arith.constant 16 : i32
        %add3A_159 = arith.addi %mul3A_157, %add3A_158 : i32
        %swap3A_160 = arith.index_cast %add3A_159 : i32 to index
        %swap3A_161 = tpu.vector_load %arg9[%swap3A_160] {strides = array<i32>} : memref<10000xf32, #tpu.memory_space<vmem>>, vector<16xf32>,
        tpu.vector_store %arg9[%swap3A_160], %exp3A_153 {strides = array<i32>} : memref<10000xf32, #tpu.memory_space<vmem>>, vector<16xf32>,
        %get3A_162 = arith.constant 0 : i32
        %get3A_163 = arith.index_cast %scan3A_108 : i32 to index
        %get3A_164 = arith.index_cast %get3A_162 : i32 to index
        %get3A_165 = arith.constant 32 : index
        %get3A_166 = tpu.vector_load %run_scoped3A_24[%get3A_163, %get3A_164, %get3A_165] {strides = array<i32>} : memref<25x2x80xi32, #tpu.memory_space<vmem>>, vector<16xi32>,
        %gather3A_167 = tpu.vector_load_idx %run_scoped3A[%get3A_166] : memref<10000xf32, #tpu.memory_space<vmem>>[vector<16xi32>], vector<16xf32>,
        %get3A_168 = arith.constant 1 : i32
        %get3A_169 = arith.index_cast %scan3A_108 : i32 to index
        %get3A_170 = arith.index_cast %get3A_168 : i32 to index
        %get3A_171 = arith.constant 32 : index
        %get3A_172 = tpu.vector_load %run_scoped3A_24[%get3A_169, %get3A_170, %get3A_171] {strides = array<i32>} : memref<25x2x80xi32, #tpu.memory_space<vmem>>, vector<16xi32>,
        %gather3A_173 = tpu.vector_load_idx %run_scoped3A_22[%get3A_172] : memref<10000xf32, #tpu.memory_space<vmem>>[vector<16xi32>], vector<16xf32>,
        %add3A_174 = arith.addf %gather3A_167, %gather3A_173 : vector<16xf32>
        %ge3A_175 = arith.constant 0.000000e+00 : f32
        %ge3A_176 = vector.broadcast %ge3A_175 : f32 to vector<16xf32>
        %ge3A_177 = arith.cmpf oge, %add3A_174, %ge3A_176 : vector<16xf32>
        %mul3A_178 = arith.constant 2.000000e-01 : f32
        %mul3A_179 = vector.broadcast %mul3A_178 : f32 to vector<16xf32>
        %mul3A_180 = arith.mulf %mul3A_179, %add3A_174 : vector<16xf32>
        %select_n3A_181 = arith.select %ge3A_177, %add3A_174, %mul3A_180 : vector<16xi1>, vector<16xf32>
        %exp3A_182 = math.exp %select_n3A_181 : vector<16xf32>
        %add3A_183 = arith.constant 25 : i32
        %add3A_184 = arith.addi %add3A_183, %scan3A_108 : i32
        %mul3A_185 = arith.constant 80 : i32
        %mul3A_186 = arith.muli %add3A_184, %mul3A_185 : i32
        %add3A_187 = arith.constant 32 : i32
        %add3A_188 = arith.addi %mul3A_186, %add3A_187 : i32
        %swap3A_189 = arith.index_cast %add3A_188 : i32 to index
        %swap3A_190 = tpu.vector_load %arg9[%swap3A_189] {strides = array<i32>} : memref<10000xf32, #tpu.memory_space<vmem>>, vector<16xf32>,
        tpu.vector_store %arg9[%swap3A_189], %exp3A_182 {strides = array<i32>} : memref<10000xf32, #tpu.memory_space<vmem>>, vector<16xf32>,
        %get3A_191 = arith.constant 0 : i32
        %get3A_192 = arith.index_cast %scan3A_108 : i32 to index
        %get3A_193 = arith.index_cast %get3A_191 : i32 to index
        %get3A_194 = arith.constant 48 : index
        %get3A_195 = tpu.vector_load %run_scoped3A_24[%get3A_192, %get3A_193, %get3A_194] {strides = array<i32>} : memref<25x2x80xi32, #tpu.memory_space<vmem>>, vector<16xi32>,
        %gather3A_196 = tpu.vector_load_idx %run_scoped3A[%get3A_195] : memref<10000xf32, #tpu.memory_space<vmem>>[vector<16xi32>], vector<16xf32>,
        %get3A_197 = arith.constant 1 : i32
        %get3A_198 = arith.index_cast %scan3A_108 : i32 to index
        %get3A_199 = arith.index_cast %get3A_197 : i32 to index
        %get3A_200 = arith.constant 48 : index
        %get3A_201 = tpu.vector_load %run_scoped3A_24[%get3A_198, %get3A_199, %get3A_200] {strides = array<i32>} : memref<25x2x80xi32, #tpu.memory_space<vmem>>, vector<16xi32>,
        %gather3A_202 = tpu.vector_load_idx %run_scoped3A_22[%get3A_201] : memref<10000xf32, #tpu.memory_space<vmem>>[vector<16xi32>], vector<16xf32>,
        %add3A_203 = arith.addf %gather3A_196, %gather3A_202 : vector<16xf32>
        %ge3A_204 = arith.constant 0.000000e+00 : f32
        %ge3A_205 = vector.broadcast %ge3A_204 : f32 to vector<16xf32>
        %ge3A_206 = arith.cmpf oge, %add3A_203, %ge3A_205 : vector<16xf32>
        %mul3A_207 = arith.constant 2.000000e-01 : f32
        %mul3A_208 = vector.broadcast %mul3A_207 : f32 to vector<16xf32>
        %mul3A_209 = arith.mulf %mul3A_208, %add3A_203 : vector<16xf32>
        %select_n3A_210 = arith.select %ge3A_206, %add3A_203, %mul3A_209 : vector<16xi1>, vector<16xf32>
        %exp3A_211 = math.exp %select_n3A_210 : vector<16xf32>
        %add3A_212 = arith.constant 25 : i32
        %add3A_213 = arith.addi %add3A_212, %scan3A_108 : i32
        %mul3A_214 = arith.constant 80 : i32
        %mul3A_215 = arith.muli %add3A_213, %mul3A_214 : i32
        %add3A_216 = arith.constant 48 : i32
        %add3A_217 = arith.addi %mul3A_215, %add3A_216 : i32
        %swap3A_218 = arith.index_cast %add3A_217 : i32 to index
        %swap3A_219 = tpu.vector_load %arg9[%swap3A_218] {strides = array<i32>} : memref<10000xf32, #tpu.memory_space<vmem>>, vector<16xf32>,
        tpu.vector_store %arg9[%swap3A_218], %exp3A_211 {strides = array<i32>} : memref<10000xf32, #tpu.memory_space<vmem>>, vector<16xf32>,
        %get3A_220 = arith.constant 0 : i32
        %get3A_221 = arith.index_cast %scan3A_108 : i32 to index
        %get3A_222 = arith.index_cast %get3A_220 : i32 to index
        %get3A_223 = arith.constant 64 : index
        %get3A_224 = tpu.vector_load %run_scoped3A_24[%get3A_221, %get3A_222, %get3A_223] {strides = array<i32>} : memref<25x2x80xi32, #tpu.memory_space<vmem>>, vector<16xi32>,
        %gather3A_225 = tpu.vector_load_idx %run_scoped3A[%get3A_224] : memref<10000xf32, #tpu.memory_space<vmem>>[vector<16xi32>], vector<16xf32>,
        %get3A_226 = arith.constant 1 : i32
        %get3A_227 = arith.index_cast %scan3A_108 : i32 to index
        %get3A_228 = arith.index_cast %get3A_226 : i32 to index
        %get3A_229 = arith.constant 64 : index
        %get3A_230 = tpu.vector_load %run_scoped3A_24[%get3A_227, %get3A_228, %get3A_229] {strides = array<i32>} : memref<25x2x80xi32, #tpu.memory_space<vmem>>, vector<16xi32>,
        %gather3A_231 = tpu.vector_load_idx %run_scoped3A_22[%get3A_230] : memref<10000xf32, #tpu.memory_space<vmem>>[vector<16xi32>], vector<16xf32>,
        %add3A_232 = arith.addf %gather3A_225, %gather3A_231 : vector<16xf32>
        %ge3A_233 = arith.constant 0.000000e+00 : f32
        %ge3A_234 = vector.broadcast %ge3A_233 : f32 to vector<16xf32>
        %ge3A_235 = arith.cmpf oge, %add3A_232, %ge3A_234 : vector<16xf32>
        %mul3A_236 = arith.constant 2.000000e-01 : f32
        %mul3A_237 = vector.broadcast %mul3A_236 : f32 to vector<16xf32>
        %mul3A_238 = arith.mulf %mul3A_237, %add3A_232 : vector<16xf32>
        %select_n3A_239 = arith.select %ge3A_235, %add3A_232, %mul3A_238 : vector<16xi1>, vector<16xf32>
        %exp3A_240 = math.exp %select_n3A_239 : vector<16xf32>
        %add3A_241 = arith.constant 25 : i32
        %add3A_242 = arith.addi %add3A_241, %scan3A_108 : i32
        %mul3A_243 = arith.constant 80 : i32
        %mul3A_244 = arith.muli %add3A_242, %mul3A_243 : i32
        %add3A_245 = arith.constant 64 : i32
        %add3A_246 = arith.addi %mul3A_244, %add3A_245 : i32
        %swap3A_247 = arith.index_cast %add3A_246 : i32 to index
        %swap3A_248 = tpu.vector_load %arg9[%swap3A_247] {strides = array<i32>} : memref<10000xf32, #tpu.memory_space<vmem>>, vector<16xf32>,
        tpu.vector_store %arg9[%swap3A_247], %exp3A_240 {strides = array<i32>} : memref<10000xf32, #tpu.memory_space<vmem>>, vector<16xf32>,
      }
      %scan3A_55 = arith.constant 25 : i32
      %dma_wait3A_56 = arith.constant 0 : i32
      %dma_wait3A_57 = arith.constant 0 : i32
      %dma_wait3A_58 = tpu.memref_slice %arg3[%select_n3A, %dma_wait3A_56, %dma_wait3A_57] : memref<4000x2x80xi32, #tpu.memory_space<hbm>> -> memref<25x2x80xi32, #tpu.memory_space<hbm>>
      %dma_wait3A_59 = arith.constant 0 : i32
      %dma_wait3A_60 = arith.constant 0 : i32
      %dma_wait3A_61 = tpu.memref_slice %arg3[%select_n3A, %dma_wait3A_59, %dma_wait3A_60] : memref<4000x2x80xi32, #tpu.memory_space<hbm>> -> memref<25x2x80xi32, #tpu.memory_space<hbm>>
      tpu.wait_dma2 semaphore(%arg12 : memref<!tpu.dma_semaphore, #tpu.memory_space<semaphore_mem>>) src(%dma_wait3A_61 : memref<25x2x80xi32, #tpu.memory_space<hbm>>) dst(%run_scoped3A_23 : memref<25x2x80xi32, #tpu.memory_space<vmem>>)
      %add3A_62 = arith.constant 75 : i32
      %add3A_63 = arith.addi %select_n3A, %add3A_62 : i32
      %dma_start3A_64 = arith.constant 0 : i32
      %dma_start3A_65 = arith.constant 0 : i32
      %dma_start3A_66 = tpu.memref_slice %arg3[%add3A_63, %dma_start3A_64, %dma_start3A_65] : memref<4000x2x80xi32, #tpu.memory_space<hbm>> -> memref<25x2x80xi32, #tpu.memory_space<hbm>>
      %dma_start3A_67 = arith.constant 0 : i32
      %dma_start3A_68 = arith.constant 0 : i32
      %dma_start3A_69 = tpu.memref_slice %arg3[%add3A_63, %dma_start3A_67, %dma_start3A_68] : memref<4000x2x80xi32, #tpu.memory_space<hbm>> -> memref<25x2x80xi32, #tpu.memory_space<hbm>>
      tpu.enqueue_dma source(%dma_start3A_69 : memref<25x2x80xi32, #tpu.memory_space<hbm>>) target(%run_scoped3A_24 : memref<25x2x80xi32, #tpu.memory_space<vmem>>) target_semaphore(%arg13 : memref<!tpu.dma_semaphore, #tpu.memory_space<semaphore_mem>>)
      %scan3A_70 = arith.constant 0 : i32
      %scan3A_71 = arith.constant 0 : i32
      %scan3A_72 = arith.constant 25 : i32
      %scan3A_73 = arith.addi %scan3A_71, %scan3A_72 : i32
      %scan3A_74 = arith.constant 1 : i32
      scf.for %scan3A_108 = %scan3A_71 to %scan3A_73 step %scan3A_74  : i32 {
        %get3A = arith.constant 0 : i32
        %get3A_109 = arith.index_cast %scan3A_108 : i32 to index
        %get3A_110 = arith.index_cast %get3A : i32 to index
        %get3A_111 = arith.constant 0 : index
        %get3A_112 = tpu.vector_load %run_scoped3A_23[%get3A_109, %get3A_110, %get3A_111] {strides = array<i32>} : memref<25x2x80xi32, #tpu.memory_space<vmem>>, vector<16xi32>,
        %gather3A = tpu.vector_load_idx %run_scoped3A[%get3A_112] : memref<10000xf32, #tpu.memory_space<vmem>>[vector<16xi32>], vector<16xf32>,
        %get3A_113 = arith.constant 1 : i32
        %get3A_114 = arith.index_cast %scan3A_108 : i32 to index
        %get3A_115 = arith.index_cast %get3A_113 : i32 to index
        %get3A_116 = arith.constant 0 : index
        %get3A_117 = tpu.vector_load %run_scoped3A_23[%get3A_114, %get3A_115, %get3A_116] {strides = array<i32>} : memref<25x2x80xi32, #tpu.memory_space<vmem>>, vector<16xi32>,
        %gather3A_118 = tpu.vector_load_idx %run_scoped3A_22[%get3A_117] : memref<10000xf32, #tpu.memory_space<vmem>>[vector<16xi32>], vector<16xf32>,
        %add3A_119 = arith.addf %gather3A, %gather3A_118 : vector<16xf32>
        %ge3A = arith.constant 0.000000e+00 : f32
        %ge3A_120 = vector.broadcast %ge3A : f32 to vector<16xf32>
        %ge3A_121 = arith.cmpf oge, %add3A_119, %ge3A_120 : vector<16xf32>
        %mul3A_122 = arith.constant 2.000000e-01 : f32
        %mul3A_123 = vector.broadcast %mul3A_122 : f32 to vector<16xf32>
        %mul3A_124 = arith.mulf %mul3A_123, %add3A_119 : vector<16xf32>
        %select_n3A_125 = arith.select %ge3A_121, %add3A_119, %mul3A_124 : vector<16xi1>, vector<16xf32>
        %exp3A = math.exp %select_n3A_125 : vector<16xf32>
        %add3A_126 = arith.constant 50 : i32
        %add3A_127 = arith.addi %add3A_126, %scan3A_108 : i32
        %mul3A_128 = arith.constant 80 : i32
        %mul3A_129 = arith.muli %add3A_127, %mul3A_128 : i32
        %add3A_130 = arith.constant 0 : i32
        %add3A_131 = arith.addi %mul3A_129, %add3A_130 : i32
        %swap3A = arith.index_cast %add3A_131 : i32 to index
        %swap3A_132 = tpu.vector_load %arg9[%swap3A] {strides = array<i32>} : memref<10000xf32, #tpu.memory_space<vmem>>, vector<16xf32>,
        tpu.vector_store %arg9[%swap3A], %exp3A {strides = array<i32>} : memref<10000xf32, #tpu.memory_space<vmem>>, vector<16xf32>,
        %get3A_133 = arith.constant 0 : i32
        %get3A_134 = arith.index_cast %scan3A_108 : i32 to index
        %get3A_135 = arith.index_cast %get3A_133 : i32 to index
        %get3A_136 = arith.constant 16 : index
        %get3A_137 = tpu.vector_load %run_scoped3A_23[%get3A_134, %get3A_135, %get3A_136] {strides = array<i32>} : memref<25x2x80xi32, #tpu.memory_space<vmem>>, vector<16xi32>,
        %gather3A_138 = tpu.vector_load_idx %run_scoped3A[%get3A_137] : memref<10000xf32, #tpu.memory_space<vmem>>[vector<16xi32>], vector<16xf32>,
        %get3A_139 = arith.constant 1 : i32
        %get3A_140 = arith.index_cast %scan3A_108 : i32 to index
        %get3A_141 = arith.index_cast %get3A_139 : i32 to index
        %get3A_142 = arith.constant 16 : index
        %get3A_143 = tpu.vector_load %run_scoped3A_23[%get3A_140, %get3A_141, %get3A_142] {strides = array<i32>} : memref<25x2x80xi32, #tpu.memory_space<vmem>>, vector<16xi32>,
        %gather3A_144 = tpu.vector_load_idx %run_scoped3A_22[%get3A_143] : memref<10000xf32, #tpu.memory_space<vmem>>[vector<16xi32>], vector<16xf32>,
        %add3A_145 = arith.addf %gather3A_138, %gather3A_144 : vector<16xf32>
        %ge3A_146 = arith.constant 0.000000e+00 : f32
        %ge3A_147 = vector.broadcast %ge3A_146 : f32 to vector<16xf32>
        %ge3A_148 = arith.cmpf oge, %add3A_145, %ge3A_147 : vector<16xf32>
        %mul3A_149 = arith.constant 2.000000e-01 : f32
        %mul3A_150 = vector.broadcast %mul3A_149 : f32 to vector<16xf32>
        %mul3A_151 = arith.mulf %mul3A_150, %add3A_145 : vector<16xf32>
        %select_n3A_152 = arith.select %ge3A_148, %add3A_145, %mul3A_151 : vector<16xi1>, vector<16xf32>
        %exp3A_153 = math.exp %select_n3A_152 : vector<16xf32>
        %add3A_154 = arith.constant 50 : i32
        %add3A_155 = arith.addi %add3A_154, %scan3A_108 : i32
        %mul3A_156 = arith.constant 80 : i32
        %mul3A_157 = arith.muli %add3A_155, %mul3A_156 : i32
        %add3A_158 = arith.constant 16 : i32
        %add3A_159 = arith.addi %mul3A_157, %add3A_158 : i32
        %swap3A_160 = arith.index_cast %add3A_159 : i32 to index
        %swap3A_161 = tpu.vector_load %arg9[%swap3A_160] {strides = array<i32>} : memref<10000xf32, #tpu.memory_space<vmem>>, vector<16xf32>,
        tpu.vector_store %arg9[%swap3A_160], %exp3A_153 {strides = array<i32>} : memref<10000xf32, #tpu.memory_space<vmem>>, vector<16xf32>,
        %get3A_162 = arith.constant 0 : i32
        %get3A_163 = arith.index_cast %scan3A_108 : i32 to index
        %get3A_164 = arith.index_cast %get3A_162 : i32 to index
        %get3A_165 = arith.constant 32 : index
        %get3A_166 = tpu.vector_load %run_scoped3A_23[%get3A_163, %get3A_164, %get3A_165] {strides = array<i32>} : memref<25x2x80xi32, #tpu.memory_space<vmem>>, vector<16xi32>,
        %gather3A_167 = tpu.vector_load_idx %run_scoped3A[%get3A_166] : memref<10000xf32, #tpu.memory_space<vmem>>[vector<16xi32>], vector<16xf32>,
        %get3A_168 = arith.constant 1 : i32
        %get3A_169 = arith.index_cast %scan3A_108 : i32 to index
        %get3A_170 = arith.index_cast %get3A_168 : i32 to index
        %get3A_171 = arith.constant 32 : index
        %get3A_172 = tpu.vector_load %run_scoped3A_23[%get3A_169, %get3A_170, %get3A_171] {strides = array<i32>} : memref<25x2x80xi32, #tpu.memory_space<vmem>>, vector<16xi32>,
        %gather3A_173 = tpu.vector_load_idx %run_scoped3A_22[%get3A_172] : memref<10000xf32, #tpu.memory_space<vmem>>[vector<16xi32>], vector<16xf32>,
        %add3A_174 = arith.addf %gather3A_167, %gather3A_173 : vector<16xf32>
        %ge3A_175 = arith.constant 0.000000e+00 : f32
        %ge3A_176 = vector.broadcast %ge3A_175 : f32 to vector<16xf32>
        %ge3A_177 = arith.cmpf oge, %add3A_174, %ge3A_176 : vector<16xf32>
        %mul3A_178 = arith.constant 2.000000e-01 : f32
        %mul3A_179 = vector.broadcast %mul3A_178 : f32 to vector<16xf32>
        %mul3A_180 = arith.mulf %mul3A_179, %add3A_174 : vector<16xf32>
        %select_n3A_181 = arith.select %ge3A_177, %add3A_174, %mul3A_180 : vector<16xi1>, vector<16xf32>
        %exp3A_182 = math.exp %select_n3A_181 : vector<16xf32>
        %add3A_183 = arith.constant 50 : i32
        %add3A_184 = arith.addi %add3A_183, %scan3A_108 : i32
        %mul3A_185 = arith.constant 80 : i32
        %mul3A_186 = arith.muli %add3A_184, %mul3A_185 : i32
        %add3A_187 = arith.constant 32 : i32
        %add3A_188 = arith.addi %mul3A_186, %add3A_187 : i32
        %swap3A_189 = arith.index_cast %add3A_188 : i32 to index
        %swap3A_190 = tpu.vector_load %arg9[%swap3A_189] {strides = array<i32>} : memref<10000xf32, #tpu.memory_space<vmem>>, vector<16xf32>,
        tpu.vector_store %arg9[%swap3A_189], %exp3A_182 {strides = array<i32>} : memref<10000xf32, #tpu.memory_space<vmem>>, vector<16xf32>,
        %get3A_191 = arith.constant 0 : i32
        %get3A_192 = arith.index_cast %scan3A_108 : i32 to index
        %get3A_193 = arith.index_cast %get3A_191 : i32 to index
        %get3A_194 = arith.constant 48 : index
        %get3A_195 = tpu.vector_load %run_scoped3A_23[%get3A_192, %get3A_193, %get3A_194] {strides = array<i32>} : memref<25x2x80xi32, #tpu.memory_space<vmem>>, vector<16xi32>,
        %gather3A_196 = tpu.vector_load_idx %run_scoped3A[%get3A_195] : memref<10000xf32, #tpu.memory_space<vmem>>[vector<16xi32>], vector<16xf32>,
        %get3A_197 = arith.constant 1 : i32
        %get3A_198 = arith.index_cast %scan3A_108 : i32 to index
        %get3A_199 = arith.index_cast %get3A_197 : i32 to index
        %get3A_200 = arith.constant 48 : index
        %get3A_201 = tpu.vector_load %run_scoped3A_23[%get3A_198, %get3A_199, %get3A_200] {strides = array<i32>} : memref<25x2x80xi32, #tpu.memory_space<vmem>>, vector<16xi32>,
        %gather3A_202 = tpu.vector_load_idx %run_scoped3A_22[%get3A_201] : memref<10000xf32, #tpu.memory_space<vmem>>[vector<16xi32>], vector<16xf32>,
        %add3A_203 = arith.addf %gather3A_196, %gather3A_202 : vector<16xf32>
        %ge3A_204 = arith.constant 0.000000e+00 : f32
        %ge3A_205 = vector.broadcast %ge3A_204 : f32 to vector<16xf32>
        %ge3A_206 = arith.cmpf oge, %add3A_203, %ge3A_205 : vector<16xf32>
        %mul3A_207 = arith.constant 2.000000e-01 : f32
        %mul3A_208 = vector.broadcast %mul3A_207 : f32 to vector<16xf32>
        %mul3A_209 = arith.mulf %mul3A_208, %add3A_203 : vector<16xf32>
        %select_n3A_210 = arith.select %ge3A_206, %add3A_203, %mul3A_209 : vector<16xi1>, vector<16xf32>
        %exp3A_211 = math.exp %select_n3A_210 : vector<16xf32>
        %add3A_212 = arith.constant 50 : i32
        %add3A_213 = arith.addi %add3A_212, %scan3A_108 : i32
        %mul3A_214 = arith.constant 80 : i32
        %mul3A_215 = arith.muli %add3A_213, %mul3A_214 : i32
        %add3A_216 = arith.constant 48 : i32
        %add3A_217 = arith.addi %mul3A_215, %add3A_216 : i32
        %swap3A_218 = arith.index_cast %add3A_217 : i32 to index
        %swap3A_219 = tpu.vector_load %arg9[%swap3A_218] {strides = array<i32>} : memref<10000xf32, #tpu.memory_space<vmem>>, vector<16xf32>,
        tpu.vector_store %arg9[%swap3A_218], %exp3A_211 {strides = array<i32>} : memref<10000xf32, #tpu.memory_space<vmem>>, vector<16xf32>,
        %get3A_220 = arith.constant 0 : i32
        %get3A_221 = arith.index_cast %scan3A_108 : i32 to index
        %get3A_222 = arith.index_cast %get3A_220 : i32 to index
        %get3A_223 = arith.constant 64 : index
        %get3A_224 = tpu.vector_load %run_scoped3A_23[%get3A_221, %get3A_222, %get3A_223] {strides = array<i32>} : memref<25x2x80xi32, #tpu.memory_space<vmem>>, vector<16xi32>,
        %gather3A_225 = tpu.vector_load_idx %run_scoped3A[%get3A_224] : memref<10000xf32, #tpu.memory_space<vmem>>[vector<16xi32>], vector<16xf32>,
        %get3A_226 = arith.constant 1 : i32
        %get3A_227 = arith.index_cast %scan3A_108 : i32 to index
        %get3A_228 = arith.index_cast %get3A_226 : i32 to index
        %get3A_229 = arith.constant 64 : index
        %get3A_230 = tpu.vector_load %run_scoped3A_23[%get3A_227, %get3A_228, %get3A_229] {strides = array<i32>} : memref<25x2x80xi32, #tpu.memory_space<vmem>>, vector<16xi32>,
        %gather3A_231 = tpu.vector_load_idx %run_scoped3A_22[%get3A_230] : memref<10000xf32, #tpu.memory_space<vmem>>[vector<16xi32>], vector<16xf32>,
        %add3A_232 = arith.addf %gather3A_225, %gather3A_231 : vector<16xf32>
        %ge3A_233 = arith.constant 0.000000e+00 : f32
        %ge3A_234 = vector.broadcast %ge3A_233 : f32 to vector<16xf32>
        %ge3A_235 = arith.cmpf oge, %add3A_232, %ge3A_234 : vector<16xf32>
        %mul3A_236 = arith.constant 2.000000e-01 : f32
        %mul3A_237 = vector.broadcast %mul3A_236 : f32 to vector<16xf32>
        %mul3A_238 = arith.mulf %mul3A_237, %add3A_232 : vector<16xf32>
        %select_n3A_239 = arith.select %ge3A_235, %add3A_232, %mul3A_238 : vector<16xi1>, vector<16xf32>
        %exp3A_240 = math.exp %select_n3A_239 : vector<16xf32>
        %add3A_241 = arith.constant 50 : i32
        %add3A_242 = arith.addi %add3A_241, %scan3A_108 : i32
        %mul3A_243 = arith.constant 80 : i32
        %mul3A_244 = arith.muli %add3A_242, %mul3A_243 : i32
        %add3A_245 = arith.constant 64 : i32
        %add3A_246 = arith.addi %mul3A_244, %add3A_245 : i32
        %swap3A_247 = arith.index_cast %add3A_246 : i32 to index
        %swap3A_248 = tpu.vector_load %arg9[%swap3A_247] {strides = array<i32>} : memref<10000xf32, #tpu.memory_space<vmem>>, vector<16xf32>,
        tpu.vector_store %arg9[%swap3A_247], %exp3A_240 {strides = array<i32>} : memref<10000xf32, #tpu.memory_space<vmem>>, vector<16xf32>,
      }
      %scan3A_75 = arith.constant 25 : i32
      %dma_wait3A_76 = arith.constant 0 : i32
      %dma_wait3A_77 = arith.constant 0 : i32
      %dma_wait3A_78 = tpu.memref_slice %arg3[%select_n3A, %dma_wait3A_76, %dma_wait3A_77] : memref<4000x2x80xi32, #tpu.memory_space<hbm>> -> memref<25x2x80xi32, #tpu.memory_space<hbm>>
      %dma_wait3A_79 = arith.constant 0 : i32
      %dma_wait3A_80 = arith.constant 0 : i32
      %dma_wait3A_81 = tpu.memref_slice %arg3[%select_n3A, %dma_wait3A_79, %dma_wait3A_80] : memref<4000x2x80xi32, #tpu.memory_space<hbm>> -> memref<25x2x80xi32, #tpu.memory_space<hbm>>
      tpu.wait_dma2 semaphore(%arg13 : memref<!tpu.dma_semaphore, #tpu.memory_space<semaphore_mem>>) src(%dma_wait3A_81 : memref<25x2x80xi32, #tpu.memory_space<hbm>>) dst(%run_scoped3A_24 : memref<25x2x80xi32, #tpu.memory_space<vmem>>)
      %add3A_82 = arith.constant 100 : i32
      %add3A_83 = arith.addi %select_n3A, %add3A_82 : i32
      %dma_start3A_84 = arith.constant 0 : i32
      %dma_start3A_85 = arith.constant 0 : i32
      %dma_start3A_86 = tpu.memref_slice %arg3[%add3A_83, %dma_start3A_84, %dma_start3A_85] : memref<4000x2x80xi32, #tpu.memory_space<hbm>> -> memref<25x2x80xi32, #tpu.memory_space<hbm>>
      %dma_start3A_87 = arith.constant 0 : i32
      %dma_start3A_88 = arith.constant 0 : i32
      %dma_start3A_89 = tpu.memref_slice %arg3[%add3A_83, %dma_start3A_87, %dma_start3A_88] : memref<4000x2x80xi32, #tpu.memory_space<hbm>> -> memref<25x2x80xi32, #tpu.memory_space<hbm>>
      tpu.enqueue_dma source(%dma_start3A_89 : memref<25x2x80xi32, #tpu.memory_space<hbm>>) target(%run_scoped3A_23 : memref<25x2x80xi32, #tpu.memory_space<vmem>>) target_semaphore(%arg12 : memref<!tpu.dma_semaphore, #tpu.memory_space<semaphore_mem>>)
      %scan3A_90 = arith.constant 0 : i32
      %scan3A_91 = arith.constant 0 : i32
      %scan3A_92 = arith.constant 25 : i32
      %scan3A_93 = arith.addi %scan3A_91, %scan3A_92 : i32
      %scan3A_94 = arith.constant 1 : i32
      scf.for %scan3A_108 = %scan3A_91 to %scan3A_93 step %scan3A_94  : i32 {
        %get3A = arith.constant 0 : i32
        %get3A_109 = arith.index_cast %scan3A_108 : i32 to index
        %get3A_110 = arith.index_cast %get3A : i32 to index
        %get3A_111 = arith.constant 0 : index
        %get3A_112 = tpu.vector_load %run_scoped3A_24[%get3A_109, %get3A_110, %get3A_111] {strides = array<i32>} : memref<25x2x80xi32, #tpu.memory_space<vmem>>, vector<16xi32>,
        %gather3A = tpu.vector_load_idx %run_scoped3A[%get3A_112] : memref<10000xf32, #tpu.memory_space<vmem>>[vector<16xi32>], vector<16xf32>,
        %get3A_113 = arith.constant 1 : i32
        %get3A_114 = arith.index_cast %scan3A_108 : i32 to index
        %get3A_115 = arith.index_cast %get3A_113 : i32 to index
        %get3A_116 = arith.constant 0 : index
        %get3A_117 = tpu.vector_load %run_scoped3A_24[%get3A_114, %get3A_115, %get3A_116] {strides = array<i32>} : memref<25x2x80xi32, #tpu.memory_space<vmem>>, vector<16xi32>,
        %gather3A_118 = tpu.vector_load_idx %run_scoped3A_22[%get3A_117] : memref<10000xf32, #tpu.memory_space<vmem>>[vector<16xi32>], vector<16xf32>,
        %add3A_119 = arith.addf %gather3A, %gather3A_118 : vector<16xf32>
        %ge3A = arith.constant 0.000000e+00 : f32
        %ge3A_120 = vector.broadcast %ge3A : f32 to vector<16xf32>
        %ge3A_121 = arith.cmpf oge, %add3A_119, %ge3A_120 : vector<16xf32>
        %mul3A_122 = arith.constant 2.000000e-01 : f32
        %mul3A_123 = vector.broadcast %mul3A_122 : f32 to vector<16xf32>
        %mul3A_124 = arith.mulf %mul3A_123, %add3A_119 : vector<16xf32>
        %select_n3A_125 = arith.select %ge3A_121, %add3A_119, %mul3A_124 : vector<16xi1>, vector<16xf32>
        %exp3A = math.exp %select_n3A_125 : vector<16xf32>
        %add3A_126 = arith.constant 75 : i32
        %add3A_127 = arith.addi %add3A_126, %scan3A_108 : i32
        %mul3A_128 = arith.constant 80 : i32
        %mul3A_129 = arith.muli %add3A_127, %mul3A_128 : i32
        %add3A_130 = arith.constant 0 : i32
        %add3A_131 = arith.addi %mul3A_129, %add3A_130 : i32
        %swap3A = arith.index_cast %add3A_131 : i32 to index
        %swap3A_132 = tpu.vector_load %arg9[%swap3A] {strides = array<i32>} : memref<10000xf32, #tpu.memory_space<vmem>>, vector<16xf32>,
        tpu.vector_store %arg9[%swap3A], %exp3A {strides = array<i32>} : memref<10000xf32, #tpu.memory_space<vmem>>, vector<16xf32>,
        %get3A_133 = arith.constant 0 : i32
        %get3A_134 = arith.index_cast %scan3A_108 : i32 to index
        %get3A_135 = arith.index_cast %get3A_133 : i32 to index
        %get3A_136 = arith.constant 16 : index
        %get3A_137 = tpu.vector_load %run_scoped3A_24[%get3A_134, %get3A_135, %get3A_136] {strides = array<i32>} : memref<25x2x80xi32, #tpu.memory_space<vmem>>, vector<16xi32>,
        %gather3A_138 = tpu.vector_load_idx %run_scoped3A[%get3A_137] : memref<10000xf32, #tpu.memory_space<vmem>>[vector<16xi32>], vector<16xf32>,
        %get3A_139 = arith.constant 1 : i32
        %get3A_140 = arith.index_cast %scan3A_108 : i32 to index
        %get3A_141 = arith.index_cast %get3A_139 : i32 to index
        %get3A_142 = arith.constant 16 : index
        %get3A_143 = tpu.vector_load %run_scoped3A_24[%get3A_140, %get3A_141, %get3A_142] {strides = array<i32>} : memref<25x2x80xi32, #tpu.memory_space<vmem>>, vector<16xi32>,
        %gather3A_144 = tpu.vector_load_idx %run_scoped3A_22[%get3A_143] : memref<10000xf32, #tpu.memory_space<vmem>>[vector<16xi32>], vector<16xf32>,
        %add3A_145 = arith.addf %gather3A_138, %gather3A_144 : vector<16xf32>
        %ge3A_146 = arith.constant 0.000000e+00 : f32
        %ge3A_147 = vector.broadcast %ge3A_146 : f32 to vector<16xf32>
        %ge3A_148 = arith.cmpf oge, %add3A_145, %ge3A_147 : vector<16xf32>
        %mul3A_149 = arith.constant 2.000000e-01 : f32
        %mul3A_150 = vector.broadcast %mul3A_149 : f32 to vector<16xf32>
        %mul3A_151 = arith.mulf %mul3A_150, %add3A_145 : vector<16xf32>
        %select_n3A_152 = arith.select %ge3A_148, %add3A_145, %mul3A_151 : vector<16xi1>, vector<16xf32>
        %exp3A_153 = math.exp %select_n3A_152 : vector<16xf32>
        %add3A_154 = arith.constant 75 : i32
        %add3A_155 = arith.addi %add3A_154, %scan3A_108 : i32
        %mul3A_156 = arith.constant 80 : i32
        %mul3A_157 = arith.muli %add3A_155, %mul3A_156 : i32
        %add3A_158 = arith.constant 16 : i32
        %add3A_159 = arith.addi %mul3A_157, %add3A_158 : i32
        %swap3A_160 = arith.index_cast %add3A_159 : i32 to index
        %swap3A_161 = tpu.vector_load %arg9[%swap3A_160] {strides = array<i32>} : memref<10000xf32, #tpu.memory_space<vmem>>, vector<16xf32>,
        tpu.vector_store %arg9[%swap3A_160], %exp3A_153 {strides = array<i32>} : memref<10000xf32, #tpu.memory_space<vmem>>, vector<16xf32>,
        %get3A_162 = arith.constant 0 : i32
        %get3A_163 = arith.index_cast %scan3A_108 : i32 to index
        %get3A_164 = arith.index_cast %get3A_162 : i32 to index
        %get3A_165 = arith.constant 32 : index
        %get3A_166 = tpu.vector_load %run_scoped3A_24[%get3A_163, %get3A_164, %get3A_165] {strides = array<i32>} : memref<25x2x80xi32, #tpu.memory_space<vmem>>, vector<16xi32>,
        %gather3A_167 = tpu.vector_load_idx %run_scoped3A[%get3A_166] : memref<10000xf32, #tpu.memory_space<vmem>>[vector<16xi32>], vector<16xf32>,
        %get3A_168 = arith.constant 1 : i32
        %get3A_169 = arith.index_cast %scan3A_108 : i32 to index
        %get3A_170 = arith.index_cast %get3A_168 : i32 to index
        %get3A_171 = arith.constant 32 : index
        %get3A_172 = tpu.vector_load %run_scoped3A_24[%get3A_169, %get3A_170, %get3A_171] {strides = array<i32>} : memref<25x2x80xi32, #tpu.memory_space<vmem>>, vector<16xi32>,
        %gather3A_173 = tpu.vector_load_idx %run_scoped3A_22[%get3A_172] : memref<10000xf32, #tpu.memory_space<vmem>>[vector<16xi32>], vector<16xf32>,
        %add3A_174 = arith.addf %gather3A_167, %gather3A_173 : vector<16xf32>
        %ge3A_175 = arith.constant 0.000000e+00 : f32
        %ge3A_176 = vector.broadcast %ge3A_175 : f32 to vector<16xf32>
        %ge3A_177 = arith.cmpf oge, %add3A_174, %ge3A_176 : vector<16xf32>
        %mul3A_178 = arith.constant 2.000000e-01 : f32
        %mul3A_179 = vector.broadcast %mul3A_178 : f32 to vector<16xf32>
        %mul3A_180 = arith.mulf %mul3A_179, %add3A_174 : vector<16xf32>
        %select_n3A_181 = arith.select %ge3A_177, %add3A_174, %mul3A_180 : vector<16xi1>, vector<16xf32>
        %exp3A_182 = math.exp %select_n3A_181 : vector<16xf32>
        %add3A_183 = arith.constant 75 : i32
        %add3A_184 = arith.addi %add3A_183, %scan3A_108 : i32
        %mul3A_185 = arith.constant 80 : i32
        %mul3A_186 = arith.muli %add3A_184, %mul3A_185 : i32
        %add3A_187 = arith.constant 32 : i32
        %add3A_188 = arith.addi %mul3A_186, %add3A_187 : i32
        %swap3A_189 = arith.index_cast %add3A_188 : i32 to index
        %swap3A_190 = tpu.vector_load %arg9[%swap3A_189] {strides = array<i32>} : memref<10000xf32, #tpu.memory_space<vmem>>, vector<16xf32>,
        tpu.vector_store %arg9[%swap3A_189], %exp3A_182 {strides = array<i32>} : memref<10000xf32, #tpu.memory_space<vmem>>, vector<16xf32>,
        %get3A_191 = arith.constant 0 : i32
        %get3A_192 = arith.index_cast %scan3A_108 : i32 to index
        %get3A_193 = arith.index_cast %get3A_191 : i32 to index
        %get3A_194 = arith.constant 48 : index
        %get3A_195 = tpu.vector_load %run_scoped3A_24[%get3A_192, %get3A_193, %get3A_194] {strides = array<i32>} : memref<25x2x80xi32, #tpu.memory_space<vmem>>, vector<16xi32>,
        %gather3A_196 = tpu.vector_load_idx %run_scoped3A[%get3A_195] : memref<10000xf32, #tpu.memory_space<vmem>>[vector<16xi32>], vector<16xf32>,
        %get3A_197 = arith.constant 1 : i32
        %get3A_198 = arith.index_cast %scan3A_108 : i32 to index
        %get3A_199 = arith.index_cast %get3A_197 : i32 to index
        %get3A_200 = arith.constant 48 : index
        %get3A_201 = tpu.vector_load %run_scoped3A_24[%get3A_198, %get3A_199, %get3A_200] {strides = array<i32>} : memref<25x2x80xi32, #tpu.memory_space<vmem>>, vector<16xi32>,
        %gather3A_202 = tpu.vector_load_idx %run_scoped3A_22[%get3A_201] : memref<10000xf32, #tpu.memory_space<vmem>>[vector<16xi32>], vector<16xf32>,
        %add3A_203 = arith.addf %gather3A_196, %gather3A_202 : vector<16xf32>
        %ge3A_204 = arith.constant 0.000000e+00 : f32
        %ge3A_205 = vector.broadcast %ge3A_204 : f32 to vector<16xf32>
        %ge3A_206 = arith.cmpf oge, %add3A_203, %ge3A_205 : vector<16xf32>
        %mul3A_207 = arith.constant 2.000000e-01 : f32
        %mul3A_208 = vector.broadcast %mul3A_207 : f32 to vector<16xf32>
        %mul3A_209 = arith.mulf %mul3A_208, %add3A_203 : vector<16xf32>
        %select_n3A_210 = arith.select %ge3A_206, %add3A_203, %mul3A_209 : vector<16xi1>, vector<16xf32>
        %exp3A_211 = math.exp %select_n3A_210 : vector<16xf32>
        %add3A_212 = arith.constant 75 : i32
        %add3A_213 = arith.addi %add3A_212, %scan3A_108 : i32
        %mul3A_214 = arith.constant 80 : i32
        %mul3A_215 = arith.muli %add3A_213, %mul3A_214 : i32
        %add3A_216 = arith.constant 48 : i32
        %add3A_217 = arith.addi %mul3A_215, %add3A_216 : i32
        %swap3A_218 = arith.index_cast %add3A_217 : i32 to index
        %swap3A_219 = tpu.vector_load %arg9[%swap3A_218] {strides = array<i32>} : memref<10000xf32, #tpu.memory_space<vmem>>, vector<16xf32>,
        tpu.vector_store %arg9[%swap3A_218], %exp3A_211 {strides = array<i32>} : memref<10000xf32, #tpu.memory_space<vmem>>, vector<16xf32>,
        %get3A_220 = arith.constant 0 : i32
        %get3A_221 = arith.index_cast %scan3A_108 : i32 to index
        %get3A_222 = arith.index_cast %get3A_220 : i32 to index
        %get3A_223 = arith.constant 64 : index
        %get3A_224 = tpu.vector_load %run_scoped3A_24[%get3A_221, %get3A_222, %get3A_223] {strides = array<i32>} : memref<25x2x80xi32, #tpu.memory_space<vmem>>, vector<16xi32>,
        %gather3A_225 = tpu.vector_load_idx %run_scoped3A[%get3A_224] : memref<10000xf32, #tpu.memory_space<vmem>>[vector<16xi32>], vector<16xf32>,
        %get3A_226 = arith.constant 1 : i32
        %get3A_227 = arith.index_cast %scan3A_108 : i32 to index
        %get3A_228 = arith.index_cast %get3A_226 : i32 to index
        %get3A_229 = arith.constant 64 : index
        %get3A_230 = tpu.vector_load %run_scoped3A_24[%get3A_227, %get3A_228, %get3A_229] {strides = array<i32>} : memref<25x2x80xi32, #tpu.memory_space<vmem>>, vector<16xi32>,
        %gather3A_231 = tpu.vector_load_idx %run_scoped3A_22[%get3A_230] : memref<10000xf32, #tpu.memory_space<vmem>>[vector<16xi32>], vector<16xf32>,
        %add3A_232 = arith.addf %gather3A_225, %gather3A_231 : vector<16xf32>
        %ge3A_233 = arith.constant 0.000000e+00 : f32
        %ge3A_234 = vector.broadcast %ge3A_233 : f32 to vector<16xf32>
        %ge3A_235 = arith.cmpf oge, %add3A_232, %ge3A_234 : vector<16xf32>
        %mul3A_236 = arith.constant 2.000000e-01 : f32
        %mul3A_237 = vector.broadcast %mul3A_236 : f32 to vector<16xf32>
        %mul3A_238 = arith.mulf %mul3A_237, %add3A_232 : vector<16xf32>
        %select_n3A_239 = arith.select %ge3A_235, %add3A_232, %mul3A_238 : vector<16xi1>, vector<16xf32>
        %exp3A_240 = math.exp %select_n3A_239 : vector<16xf32>
        %add3A_241 = arith.constant 75 : i32
        %add3A_242 = arith.addi %add3A_241, %scan3A_108 : i32
        %mul3A_243 = arith.constant 80 : i32
        %mul3A_244 = arith.muli %add3A_242, %mul3A_243 : i32
        %add3A_245 = arith.constant 64 : i32
        %add3A_246 = arith.addi %mul3A_244, %add3A_245 : i32
        %swap3A_247 = arith.index_cast %add3A_246 : i32 to index
        %swap3A_248 = tpu.vector_load %arg9[%swap3A_247] {strides = array<i32>} : memref<10000xf32, #tpu.memory_space<vmem>>, vector<16xf32>,
        tpu.vector_store %arg9[%swap3A_247], %exp3A_240 {strides = array<i32>} : memref<10000xf32, #tpu.memory_space<vmem>>, vector<16xf32>,
      }
      %scan3A_95 = arith.constant 25 : i32
      %dma_wait3A_96 = arith.constant 0 : i32
      %dma_wait3A_97 = arith.constant 0 : i32
      %dma_wait3A_98 = tpu.memref_slice %arg3[%select_n3A, %dma_wait3A_96, %dma_wait3A_97] : memref<4000x2x80xi32, #tpu.memory_space<hbm>> -> memref<25x2x80xi32, #tpu.memory_space<hbm>>
      %dma_wait3A_99 = arith.constant 0 : i32
      %dma_wait3A_100 = arith.constant 0 : i32
      %dma_wait3A_101 = tpu.memref_slice %arg3[%select_n3A, %dma_wait3A_99, %dma_wait3A_100] : memref<4000x2x80xi32, #tpu.memory_space<hbm>> -> memref<25x2x80xi32, #tpu.memory_space<hbm>>
      tpu.wait_dma2 semaphore(%arg12 : memref<!tpu.dma_semaphore, #tpu.memory_space<semaphore_mem>>) src(%dma_wait3A_101 : memref<25x2x80xi32, #tpu.memory_space<hbm>>) dst(%run_scoped3A_23 : memref<25x2x80xi32, #tpu.memory_space<vmem>>)
      %scan3A_102 = arith.constant 0 : i32
      %scan3A_103 = arith.constant 0 : i32
      %scan3A_104 = arith.constant 25 : i32
      %scan3A_105 = arith.addi %scan3A_103, %scan3A_104 : i32
      %scan3A_106 = arith.constant 1 : i32
      scf.for %scan3A_108 = %scan3A_103 to %scan3A_105 step %scan3A_106  : i32 {
        %get3A = arith.constant 0 : i32
        %get3A_109 = arith.index_cast %scan3A_108 : i32 to index
        %get3A_110 = arith.index_cast %get3A : i32 to index
        %get3A_111 = arith.constant 0 : index
        %get3A_112 = tpu.vector_load %run_scoped3A_23[%get3A_109, %get3A_110, %get3A_111] {strides = array<i32>} : memref<25x2x80xi32, #tpu.memory_space<vmem>>, vector<16xi32>,
        %gather3A = tpu.vector_load_idx %run_scoped3A[%get3A_112] : memref<10000xf32, #tpu.memory_space<vmem>>[vector<16xi32>], vector<16xf32>,
        %get3A_113 = arith.constant 1 : i32
        %get3A_114 = arith.index_cast %scan3A_108 : i32 to index
        %get3A_115 = arith.index_cast %get3A_113 : i32 to index
        %get3A_116 = arith.constant 0 : index
        %get3A_117 = tpu.vector_load %run_scoped3A_23[%get3A_114, %get3A_115, %get3A_116] {strides = array<i32>} : memref<25x2x80xi32, #tpu.memory_space<vmem>>, vector<16xi32>,
        %gather3A_118 = tpu.vector_load_idx %run_scoped3A_22[%get3A_117] : memref<10000xf32, #tpu.memory_space<vmem>>[vector<16xi32>], vector<16xf32>,
        %add3A_119 = arith.addf %gather3A, %gather3A_118 : vector<16xf32>
        %ge3A = arith.constant 0.000000e+00 : f32
        %ge3A_120 = vector.broadcast %ge3A : f32 to vector<16xf32>
        %ge3A_121 = arith.cmpf oge, %add3A_119, %ge3A_120 : vector<16xf32>
        %mul3A_122 = arith.constant 2.000000e-01 : f32
        %mul3A_123 = vector.broadcast %mul3A_122 : f32 to vector<16xf32>
        %mul3A_124 = arith.mulf %mul3A_123, %add3A_119 : vector<16xf32>
        %select_n3A_125 = arith.select %ge3A_121, %add3A_119, %mul3A_124 : vector<16xi1>, vector<16xf32>
        %exp3A = math.exp %select_n3A_125 : vector<16xf32>
        %add3A_126 = arith.constant 100 : i32
        %add3A_127 = arith.addi %add3A_126, %scan3A_108 : i32
        %mul3A_128 = arith.constant 80 : i32
        %mul3A_129 = arith.muli %add3A_127, %mul3A_128 : i32
        %add3A_130 = arith.constant 0 : i32
        %add3A_131 = arith.addi %mul3A_129, %add3A_130 : i32
        %swap3A = arith.index_cast %add3A_131 : i32 to index
        %swap3A_132 = tpu.vector_load %arg9[%swap3A] {strides = array<i32>} : memref<10000xf32, #tpu.memory_space<vmem>>, vector<16xf32>,
        tpu.vector_store %arg9[%swap3A], %exp3A {strides = array<i32>} : memref<10000xf32, #tpu.memory_space<vmem>>, vector<16xf32>,
        %get3A_133 = arith.constant 0 : i32
        %get3A_134 = arith.index_cast %scan3A_108 : i32 to index
        %get3A_135 = arith.index_cast %get3A_133 : i32 to index
        %get3A_136 = arith.constant 16 : index
        %get3A_137 = tpu.vector_load %run_scoped3A_23[%get3A_134, %get3A_135, %get3A_136] {strides = array<i32>} : memref<25x2x80xi32, #tpu.memory_space<vmem>>, vector<16xi32>,
        %gather3A_138 = tpu.vector_load_idx %run_scoped3A[%get3A_137] : memref<10000xf32, #tpu.memory_space<vmem>>[vector<16xi32>], vector<16xf32>,
        %get3A_139 = arith.constant 1 : i32
        %get3A_140 = arith.index_cast %scan3A_108 : i32 to index
        %get3A_141 = arith.index_cast %get3A_139 : i32 to index
        %get3A_142 = arith.constant 16 : index
        %get3A_143 = tpu.vector_load %run_scoped3A_23[%get3A_140, %get3A_141, %get3A_142] {strides = array<i32>} : memref<25x2x80xi32, #tpu.memory_space<vmem>>, vector<16xi32>,
        %gather3A_144 = tpu.vector_load_idx %run_scoped3A_22[%get3A_143] : memref<10000xf32, #tpu.memory_space<vmem>>[vector<16xi32>], vector<16xf32>,
        %add3A_145 = arith.addf %gather3A_138, %gather3A_144 : vector<16xf32>
        %ge3A_146 = arith.constant 0.000000e+00 : f32
        %ge3A_147 = vector.broadcast %ge3A_146 : f32 to vector<16xf32>
        %ge3A_148 = arith.cmpf oge, %add3A_145, %ge3A_147 : vector<16xf32>
        %mul3A_149 = arith.constant 2.000000e-01 : f32
        %mul3A_150 = vector.broadcast %mul3A_149 : f32 to vector<16xf32>
        %mul3A_151 = arith.mulf %mul3A_150, %add3A_145 : vector<16xf32>
        %select_n3A_152 = arith.select %ge3A_148, %add3A_145, %mul3A_151 : vector<16xi1>, vector<16xf32>
        %exp3A_153 = math.exp %select_n3A_152 : vector<16xf32>
        %add3A_154 = arith.constant 100 : i32
        %add3A_155 = arith.addi %add3A_154, %scan3A_108 : i32
        %mul3A_156 = arith.constant 80 : i32
        %mul3A_157 = arith.muli %add3A_155, %mul3A_156 : i32
        %add3A_158 = arith.constant 16 : i32
        %add3A_159 = arith.addi %mul3A_157, %add3A_158 : i32
        %swap3A_160 = arith.index_cast %add3A_159 : i32 to index
        %swap3A_161 = tpu.vector_load %arg9[%swap3A_160] {strides = array<i32>} : memref<10000xf32, #tpu.memory_space<vmem>>, vector<16xf32>,
        tpu.vector_store %arg9[%swap3A_160], %exp3A_153 {strides = array<i32>} : memref<10000xf32, #tpu.memory_space<vmem>>, vector<16xf32>,
        %get3A_162 = arith.constant 0 : i32
        %get3A_163 = arith.index_cast %scan3A_108 : i32 to index
        %get3A_164 = arith.index_cast %get3A_162 : i32 to index
        %get3A_165 = arith.constant 32 : index
        %get3A_166 = tpu.vector_load %run_scoped3A_23[%get3A_163, %get3A_164, %get3A_165] {strides = array<i32>} : memref<25x2x80xi32, #tpu.memory_space<vmem>>, vector<16xi32>,
        %gather3A_167 = tpu.vector_load_idx %run_scoped3A[%get3A_166] : memref<10000xf32, #tpu.memory_space<vmem>>[vector<16xi32>], vector<16xf32>,
        %get3A_168 = arith.constant 1 : i32
        %get3A_169 = arith.index_cast %scan3A_108 : i32 to index
        %get3A_170 = arith.index_cast %get3A_168 : i32 to index
        %get3A_171 = arith.constant 32 : index
        %get3A_172 = tpu.vector_load %run_scoped3A_23[%get3A_169, %get3A_170, %get3A_171] {strides = array<i32>} : memref<25x2x80xi32, #tpu.memory_space<vmem>>, vector<16xi32>,
        %gather3A_173 = tpu.vector_load_idx %run_scoped3A_22[%get3A_172] : memref<10000xf32, #tpu.memory_space<vmem>>[vector<16xi32>], vector<16xf32>,
        %add3A_174 = arith.addf %gather3A_167, %gather3A_173 : vector<16xf32>
        %ge3A_175 = arith.constant 0.000000e+00 : f32
        %ge3A_176 = vector.broadcast %ge3A_175 : f32 to vector<16xf32>
        %ge3A_177 = arith.cmpf oge, %add3A_174, %ge3A_176 : vector<16xf32>
        %mul3A_178 = arith.constant 2.000000e-01 : f32
        %mul3A_179 = vector.broadcast %mul3A_178 : f32 to vector<16xf32>
        %mul3A_180 = arith.mulf %mul3A_179, %add3A_174 : vector<16xf32>
        %select_n3A_181 = arith.select %ge3A_177, %add3A_174, %mul3A_180 : vector<16xi1>, vector<16xf32>
        %exp3A_182 = math.exp %select_n3A_181 : vector<16xf32>
        %add3A_183 = arith.constant 100 : i32
        %add3A_184 = arith.addi %add3A_183, %scan3A_108 : i32
        %mul3A_185 = arith.constant 80 : i32
        %mul3A_186 = arith.muli %add3A_184, %mul3A_185 : i32
        %add3A_187 = arith.constant 32 : i32
        %add3A_188 = arith.addi %mul3A_186, %add3A_187 : i32
        %swap3A_189 = arith.index_cast %add3A_188 : i32 to index
        %swap3A_190 = tpu.vector_load %arg9[%swap3A_189] {strides = array<i32>} : memref<10000xf32, #tpu.memory_space<vmem>>, vector<16xf32>,
        tpu.vector_store %arg9[%swap3A_189], %exp3A_182 {strides = array<i32>} : memref<10000xf32, #tpu.memory_space<vmem>>, vector<16xf32>,
        %get3A_191 = arith.constant 0 : i32
        %get3A_192 = arith.index_cast %scan3A_108 : i32 to index
        %get3A_193 = arith.index_cast %get3A_191 : i32 to index
        %get3A_194 = arith.constant 48 : index
        %get3A_195 = tpu.vector_load %run_scoped3A_23[%get3A_192, %get3A_193, %get3A_194] {strides = array<i32>} : memref<25x2x80xi32, #tpu.memory_space<vmem>>, vector<16xi32>,
        %gather3A_196 = tpu.vector_load_idx %run_scoped3A[%get3A_195] : memref<10000xf32, #tpu.memory_space<vmem>>[vector<16xi32>], vector<16xf32>,
        %get3A_197 = arith.constant 1 : i32
        %get3A_198 = arith.index_cast %scan3A_108 : i32 to index
        %get3A_199 = arith.index_cast %get3A_197 : i32 to index
        %get3A_200 = arith.constant 48 : index
        %get3A_201 = tpu.vector_load %run_scoped3A_23[%get3A_198, %get3A_199, %get3A_200] {strides = array<i32>} : memref<25x2x80xi32, #tpu.memory_space<vmem>>, vector<16xi32>,
        %gather3A_202 = tpu.vector_load_idx %run_scoped3A_22[%get3A_201] : memref<10000xf32, #tpu.memory_space<vmem>>[vector<16xi32>], vector<16xf32>,
        %add3A_203 = arith.addf %gather3A_196, %gather3A_202 : vector<16xf32>
        %ge3A_204 = arith.constant 0.000000e+00 : f32
        %ge3A_205 = vector.broadcast %ge3A_204 : f32 to vector<16xf32>
        %ge3A_206 = arith.cmpf oge, %add3A_203, %ge3A_205 : vector<16xf32>
        %mul3A_207 = arith.constant 2.000000e-01 : f32
        %mul3A_208 = vector.broadcast %mul3A_207 : f32 to vector<16xf32>
        %mul3A_209 = arith.mulf %mul3A_208, %add3A_203 : vector<16xf32>
        %select_n3A_210 = arith.select %ge3A_206, %add3A_203, %mul3A_209 : vector<16xi1>, vector<16xf32>
        %exp3A_211 = math.exp %select_n3A_210 : vector<16xf32>
        %add3A_212 = arith.constant 100 : i32
        %add3A_213 = arith.addi %add3A_212, %scan3A_108 : i32
        %mul3A_214 = arith.constant 80 : i32
        %mul3A_215 = arith.muli %add3A_213, %mul3A_214 : i32
        %add3A_216 = arith.constant 48 : i32
        %add3A_217 = arith.addi %mul3A_215, %add3A_216 : i32
        %swap3A_218 = arith.index_cast %add3A_217 : i32 to index
        %swap3A_219 = tpu.vector_load %arg9[%swap3A_218] {strides = array<i32>} : memref<10000xf32, #tpu.memory_space<vmem>>, vector<16xf32>,
        tpu.vector_store %arg9[%swap3A_218], %exp3A_211 {strides = array<i32>} : memref<10000xf32, #tpu.memory_space<vmem>>, vector<16xf32>,
        %get3A_220 = arith.constant 0 : i32
        %get3A_221 = arith.index_cast %scan3A_108 : i32 to index
        %get3A_222 = arith.index_cast %get3A_220 : i32 to index
        %get3A_223 = arith.constant 64 : index
        %get3A_224 = tpu.vector_load %run_scoped3A_23[%get3A_221, %get3A_222, %get3A_223] {strides = array<i32>} : memref<25x2x80xi32, #tpu.memory_space<vmem>>, vector<16xi32>,
        %gather3A_225 = tpu.vector_load_idx %run_scoped3A[%get3A_224] : memref<10000xf32, #tpu.memory_space<vmem>>[vector<16xi32>], vector<16xf32>,
        %get3A_226 = arith.constant 1 : i32
        %get3A_227 = arith.index_cast %scan3A_108 : i32 to index
        %get3A_228 = arith.index_cast %get3A_226 : i32 to index
        %get3A_229 = arith.constant 64 : index
        %get3A_230 = tpu.vector_load %run_scoped3A_23[%get3A_227, %get3A_228, %get3A_229] {strides = array<i32>} : memref<25x2x80xi32, #tpu.memory_space<vmem>>, vector<16xi32>,
        %gather3A_231 = tpu.vector_load_idx %run_scoped3A_22[%get3A_230] : memref<10000xf32, #tpu.memory_space<vmem>>[vector<16xi32>], vector<16xf32>,
        %add3A_232 = arith.addf %gather3A_225, %gather3A_231 : vector<16xf32>
        %ge3A_233 = arith.constant 0.000000e+00 : f32
        %ge3A_234 = vector.broadcast %ge3A_233 : f32 to vector<16xf32>
        %ge3A_235 = arith.cmpf oge, %add3A_232, %ge3A_234 : vector<16xf32>
        %mul3A_236 = arith.constant 2.000000e-01 : f32
        %mul3A_237 = vector.broadcast %mul3A_236 : f32 to vector<16xf32>
        %mul3A_238 = arith.mulf %mul3A_237, %add3A_232 : vector<16xf32>
        %select_n3A_239 = arith.select %ge3A_235, %add3A_232, %mul3A_238 : vector<16xi1>, vector<16xf32>
        %exp3A_240 = math.exp %select_n3A_239 : vector<16xf32>
        %add3A_241 = arith.constant 100 : i32
        %add3A_242 = arith.addi %add3A_241, %scan3A_108 : i32
        %mul3A_243 = arith.constant 80 : i32
        %mul3A_244 = arith.muli %add3A_242, %mul3A_243 : i32
        %add3A_245 = arith.constant 64 : i32
        %add3A_246 = arith.addi %mul3A_244, %add3A_245 : i32
        %swap3A_247 = arith.index_cast %add3A_246 : i32 to index
        %swap3A_248 = tpu.vector_load %arg9[%swap3A_247] {strides = array<i32>} : memref<10000xf32, #tpu.memory_space<vmem>>, vector<16xf32>,
        tpu.vector_store %arg9[%swap3A_247], %exp3A_240 {strides = array<i32>} : memref<10000xf32, #tpu.memory_space<vmem>>, vector<16xf32>,
      }
      %scan3A_107 = arith.constant 25 : i32
      tpu.yield
    }) : () -> ()
    "tpu.region"() ({
      %run_scoped3A = memref.alloca() : memref<80x80xf32, #tpu.memory_space<vmem>>
      %run_scoped3A_22 = memref.alloca() : memref<80x80xf32, #tpu.memory_space<vmem>>
      "tpu.region"() ({
        %run_scoped3A_79 = tpu.sem_alloc : memref<!tpu.dma_semaphore, #tpu.memory_space<semaphore_mem>>
        %dma_start3A_80 = arith.constant 0 : i32
        %dma_start3A_81 = arith.constant 0 : i32
        %dma_start3A_82 = tpu.memref_slice %arg3[%select_n3A, %dma_start3A_80, %dma_start3A_81] : memref<4000x2x80xi32, #tpu.memory_space<hbm>> -> memref<1x2x80xi32, #tpu.memory_space<hbm>>
        %dma_start3A_83 = tpu.memref_squeeze %dma_start3A_82 : memref<1x2x80xi32, #tpu.memory_space<hbm>> -> memref<2x80xi32, #tpu.memory_space<hbm>>
        %dma_start3A_84 = arith.constant 0 : i32
        %dma_start3A_85 = arith.constant 0 : i32
        %dma_start3A_86 = tpu.memref_slice %arg3[%select_n3A, %dma_start3A_84, %dma_start3A_85] : memref<4000x2x80xi32, #tpu.memory_space<hbm>> -> memref<1x2x80xi32, #tpu.memory_space<hbm>>
        %dma_start3A_87 = tpu.memref_squeeze %dma_start3A_86 : memref<1x2x80xi32, #tpu.memory_space<hbm>> -> memref<2x80xi32, #tpu.memory_space<hbm>>
        tpu.enqueue_dma source(%dma_start3A_87 : memref<2x80xi32, #tpu.memory_space<hbm>>) target(%arg10 : memref<2x80xi32, #tpu.memory_space<vmem>>) target_semaphore(%run_scoped3A_79 : memref<!tpu.dma_semaphore, #tpu.memory_space<semaphore_mem>>)
        %dma_wait3A_88 = arith.constant 0 : i32
        %dma_wait3A_89 = arith.constant 0 : i32
        %dma_wait3A_90 = tpu.memref_slice %arg3[%select_n3A, %dma_wait3A_88, %dma_wait3A_89] : memref<4000x2x80xi32, #tpu.memory_space<hbm>> -> memref<1x2x80xi32, #tpu.memory_space<hbm>>
        %dma_wait3A_91 = tpu.memref_squeeze %dma_wait3A_90 : memref<1x2x80xi32, #tpu.memory_space<hbm>> -> memref<2x80xi32, #tpu.memory_space<hbm>>
        %dma_wait3A_92 = arith.constant 0 : i32
        %dma_wait3A_93 = arith.constant 0 : i32
        %dma_wait3A_94 = tpu.memref_slice %arg3[%select_n3A, %dma_wait3A_92, %dma_wait3A_93] : memref<4000x2x80xi32, #tpu.memory_space<hbm>> -> memref<1x2x80xi32, #tpu.memory_space<hbm>>
        %dma_wait3A_95 = tpu.memref_squeeze %dma_wait3A_94 : memref<1x2x80xi32, #tpu.memory_space<hbm>> -> memref<2x80xi32, #tpu.memory_space<hbm>>
        tpu.wait_dma2 semaphore(%run_scoped3A_79 : memref<!tpu.dma_semaphore, #tpu.memory_space<semaphore_mem>>) src(%dma_wait3A_95 : memref<2x80xi32, #tpu.memory_space<hbm>>) dst(%arg10 : memref<2x80xi32, #tpu.memory_space<vmem>>)
        tpu.yield
      }) : () -> ()
      %dma_start3A = arith.constant 0 : i32
      %dma_start3A_23 = arith.constant 0 : i32
      %dma_start3A_24 = tpu.memref_slice %arg10[%dma_start3A, %dma_start3A_23] : memref<2x80xi32, #tpu.memory_space<vmem>> -> memref<1x80xi32, #tpu.memory_space<vmem>>
      %dma_start3A_25 = tpu.memref_squeeze %dma_start3A_24 : memref<1x80xi32, #tpu.memory_space<vmem>> -> memref<80xi32, #tpu.memory_space<vmem>>
      %dma_start3A_26 = arith.constant 0 : i32
      %dma_start3A_27 = arith.constant 0 : i32
      %dma_start3A_28 = tpu.memref_slice %arg2[%dma_start3A_26, %dma_start3A_27] : memref<10000x80xf32, #tpu.memory_space<hbm>> -> memref<10000x80xf32, #tpu.memory_space<hbm>>
      tpu.enqueue_indirect_dma source(%dma_start3A_28 : memref<10000x80xf32, #tpu.memory_space<hbm>>) target(%run_scoped3A : memref<80x80xf32, #tpu.memory_space<vmem>>) offsets(%dma_start3A_25 : memref<80xi32, #tpu.memory_space<vmem>>) semaphore(%arg14 : memref<!tpu.dma_semaphore, #tpu.memory_space<semaphore_mem>>)
      %min3A = arith.constant 1 : i32
      %min3A_29 = arith.constant 124 : i32
      %min3A_30 = arith.minsi %min3A, %min3A_29 : i32
      %add3A_31 = arith.addi %select_n3A, %min3A_30 : i32
      %dma_start3A_32 = arith.constant 0 : i32
      %dma_start3A_33 = arith.constant 0 : i32
      %dma_start3A_34 = tpu.memref_slice %arg3[%add3A_31, %dma_start3A_32, %dma_start3A_33] : memref<4000x2x80xi32, #tpu.memory_space<hbm>> -> memref<1x2x80xi32, #tpu.memory_space<hbm>>
      %dma_start3A_35 = tpu.memref_squeeze %dma_start3A_34 : memref<1x2x80xi32, #tpu.memory_space<hbm>> -> memref<2x80xi32, #tpu.memory_space<hbm>>
      %dma_start3A_36 = arith.constant 0 : i32
      %dma_start3A_37 = arith.constant 0 : i32
      %dma_start3A_38 = tpu.memref_slice %arg3[%add3A_31, %dma_start3A_36, %dma_start3A_37] : memref<4000x2x80xi32, #tpu.memory_space<hbm>> -> memref<1x2x80xi32, #tpu.memory_space<hbm>>
      %dma_start3A_39 = tpu.memref_squeeze %dma_start3A_38 : memref<1x2x80xi32, #tpu.memory_space<hbm>> -> memref<2x80xi32, #tpu.memory_space<hbm>>
      tpu.enqueue_dma source(%dma_start3A_39 : memref<2x80xi32, #tpu.memory_space<hbm>>) target(%arg11 : memref<2x80xi32, #tpu.memory_space<vmem>>) target_semaphore(%arg13 : memref<!tpu.dma_semaphore, #tpu.memory_space<semaphore_mem>>)
      %scan3A = arith.constant 0 : i32
      %scan3A_40 = arith.constant 0 : i32
      %scan3A_41 = arith.constant 62 : i32
      %scan3A_42 = arith.addi %scan3A_40, %scan3A_41 : i32
      %scan3A_43 = arith.constant 1 : i32
      scf.for %scan3A_79 = %scan3A_40 to %scan3A_42 step %scan3A_43  : i32 {
        %mul3A_80 = arith.constant 2 : i32
        %mul3A_81 = arith.muli %mul3A_80, %scan3A_79 : i32
        %dma_wait3A_82 = arith.constant 0 : i32
        %dma_wait3A_83 = arith.constant 0 : i32
        %dma_wait3A_84 = tpu.memref_slice %arg3[%select_n3A, %dma_wait3A_82, %dma_wait3A_83] : memref<4000x2x80xi32, #tpu.memory_space<hbm>> -> memref<1x2x80xi32, #tpu.memory_space<hbm>>
        %dma_wait3A_85 = tpu.memref_squeeze %dma_wait3A_84 : memref<1x2x80xi32, #tpu.memory_space<hbm>> -> memref<2x80xi32, #tpu.memory_space<hbm>>
        %dma_wait3A_86 = arith.constant 0 : i32
        %dma_wait3A_87 = arith.constant 0 : i32
        %dma_wait3A_88 = tpu.memref_slice %arg3[%select_n3A, %dma_wait3A_86, %dma_wait3A_87] : memref<4000x2x80xi32, #tpu.memory_space<hbm>> -> memref<1x2x80xi32, #tpu.memory_space<hbm>>
        %dma_wait3A_89 = tpu.memref_squeeze %dma_wait3A_88 : memref<1x2x80xi32, #tpu.memory_space<hbm>> -> memref<2x80xi32, #tpu.memory_space<hbm>>
        tpu.wait_dma2 semaphore(%arg13 : memref<!tpu.dma_semaphore, #tpu.memory_space<semaphore_mem>>) src(%dma_wait3A_89 : memref<2x80xi32, #tpu.memory_space<hbm>>) dst(%arg11 : memref<2x80xi32, #tpu.memory_space<vmem>>)
        %dma_start3A_90 = arith.constant 0 : i32
        %dma_start3A_91 = arith.constant 0 : i32
        %dma_start3A_92 = tpu.memref_slice %arg11[%dma_start3A_90, %dma_start3A_91] : memref<2x80xi32, #tpu.memory_space<vmem>> -> memref<1x80xi32, #tpu.memory_space<vmem>>
        %dma_start3A_93 = tpu.memref_squeeze %dma_start3A_92 : memref<1x80xi32, #tpu.memory_space<vmem>> -> memref<80xi32, #tpu.memory_space<vmem>>
        %dma_start3A_94 = arith.constant 0 : i32
        %dma_start3A_95 = arith.constant 0 : i32
        %dma_start3A_96 = tpu.memref_slice %arg2[%dma_start3A_94, %dma_start3A_95] : memref<10000x80xf32, #tpu.memory_space<hbm>> -> memref<10000x80xf32, #tpu.memory_space<hbm>>
        tpu.enqueue_indirect_dma source(%dma_start3A_96 : memref<10000x80xf32, #tpu.memory_space<hbm>>) target(%run_scoped3A_22 : memref<80x80xf32, #tpu.memory_space<vmem>>) offsets(%dma_start3A_93 : memref<80xi32, #tpu.memory_space<vmem>>) semaphore(%arg15 : memref<!tpu.dma_semaphore, #tpu.memory_space<semaphore_mem>>)
        %dma_wait3A_97 = arith.constant 0 : i32
        %dma_wait3A_98 = arith.constant 0 : i32
        %dma_wait3A_99 = tpu.memref_slice %arg10[%dma_wait3A_97, %dma_wait3A_98] : memref<2x80xi32, #tpu.memory_space<vmem>> -> memref<1x80xi32, #tpu.memory_space<vmem>>
        %dma_wait3A_100 = tpu.memref_squeeze %dma_wait3A_99 : memref<1x80xi32, #tpu.memory_space<vmem>> -> memref<80xi32, #tpu.memory_space<vmem>>
        %dma_wait3A_101 = arith.constant 0 : i32
        %dma_wait3A_102 = arith.constant 0 : i32
        %dma_wait3A_103 = tpu.memref_slice %arg2[%dma_wait3A_101, %dma_wait3A_102] : memref<10000x80xf32, #tpu.memory_space<hbm>> -> memref<10000x80xf32, #tpu.memory_space<hbm>>
        tpu.wait_indirect_dma semaphore(%arg14 : memref<!tpu.dma_semaphore, #tpu.memory_space<semaphore_mem>>) src(%dma_wait3A_103 : memref<10000x80xf32, #tpu.memory_space<hbm>>) dst(%run_scoped3A : memref<80x80xf32, #tpu.memory_space<vmem>>)
        %scan3A_104 = arith.constant 0 : i32
        %scan3A_105 = arith.constant 0 : i32
        %scan3A_106 = arith.constant 80 : i32
        %scan3A_107 = arith.addi %scan3A_105, %scan3A_106 : i32
        %scan3A_108 = arith.constant 4 : i32
        scf.for %scan3A_194 = %scan3A_105 to %scan3A_107 step %scan3A_108  : i32 {
          %mul3A_195 = arith.constant 80 : i32
          %mul3A_196 = arith.muli %mul3A_81, %mul3A_195 : i32
          %add3A_197 = arith.addi %mul3A_196, %scan3A_194 : i32
          %broadcast_in_dim3A = vector.broadcast %add3A_197 : i32 to vector<16xi32>
          %gather3A = tpu.vector_load_idx %arg9[%broadcast_in_dim3A] : memref<10000xf32, #tpu.memory_space<vmem>>[vector<16xi32>], vector<16xf32>,
          %get3A = arith.index_cast %scan3A_194 : i32 to index
          %get3A_198 = arith.constant 0 : index
          %get3A_199 = tpu.vector_load %run_scoped3A[%get3A, %get3A_198] {strides = array<i32>} : memref<80x80xf32, #tpu.memory_space<vmem>>, vector<16xf32>,
          %get3A_200 = arith.index_cast %scan3A_194 : i32 to index
          %get3A_201 = arith.constant 16 : index
          %get3A_202 = tpu.vector_load %run_scoped3A[%get3A_200, %get3A_201] {strides = array<i32>} : memref<80x80xf32, #tpu.memory_space<vmem>>, vector<16xf32>,
          %get3A_203 = arith.index_cast %scan3A_194 : i32 to index
          %get3A_204 = arith.constant 32 : index
          %get3A_205 = tpu.vector_load %run_scoped3A[%get3A_203, %get3A_204] {strides = array<i32>} : memref<80x80xf32, #tpu.memory_space<vmem>>, vector<16xf32>,
          %get3A_206 = arith.index_cast %scan3A_194 : i32 to index
          %get3A_207 = arith.constant 48 : index
          %get3A_208 = tpu.vector_load %run_scoped3A[%get3A_206, %get3A_207] {strides = array<i32>} : memref<80x80xf32, #tpu.memory_space<vmem>>, vector<16xf32>,
          %get3A_209 = arith.index_cast %scan3A_194 : i32 to index
          %get3A_210 = arith.constant 64 : index
          %get3A_211 = tpu.vector_load %run_scoped3A[%get3A_209, %get3A_210] {strides = array<i32>} : memref<80x80xf32, #tpu.memory_space<vmem>>, vector<16xf32>,
          %mul3A_212 = arith.mulf %get3A_199, %gather3A : vector<16xf32>
          %mul3A_213 = arith.mulf %get3A_202, %gather3A : vector<16xf32>
          %mul3A_214 = arith.mulf %get3A_205, %gather3A : vector<16xf32>
          %mul3A_215 = arith.mulf %get3A_208, %gather3A : vector<16xf32>
          %mul3A_216 = arith.mulf %get3A_211, %gather3A : vector<16xf32>
          %swap3A = arith.index_cast %scan3A_194 : i32 to index
          %swap3A_217 = arith.constant 0 : index
          %swap3A_218 = tpu.vector_load %run_scoped3A[%swap3A, %swap3A_217] {strides = array<i32>} : memref<80x80xf32, #tpu.memory_space<vmem>>, vector<16xf32>,
          tpu.vector_store %run_scoped3A[%swap3A, %swap3A_217], %mul3A_212 {strides = array<i32>} : memref<80x80xf32, #tpu.memory_space<vmem>>, vector<16xf32>,
          %swap3A_219 = arith.index_cast %scan3A_194 : i32 to index
          %swap3A_220 = arith.constant 16 : index
          %swap3A_221 = tpu.vector_load %run_scoped3A[%swap3A_219, %swap3A_220] {strides = array<i32>} : memref<80x80xf32, #tpu.memory_space<vmem>>, vector<16xf32>,
          tpu.vector_store %run_scoped3A[%swap3A_219, %swap3A_220], %mul3A_213 {strides = array<i32>} : memref<80x80xf32, #tpu.memory_space<vmem>>, vector<16xf32>,
          %swap3A_222 = arith.index_cast %scan3A_194 : i32 to index
          %swap3A_223 = arith.constant 32 : index
          %swap3A_224 = tpu.vector_load %run_scoped3A[%swap3A_222, %swap3A_223] {strides = array<i32>} : memref<80x80xf32, #tpu.memory_space<vmem>>, vector<16xf32>,
          tpu.vector_store %run_scoped3A[%swap3A_222, %swap3A_223], %mul3A_214 {strides = array<i32>} : memref<80x80xf32, #tpu.memory_space<vmem>>, vector<16xf32>,
          %swap3A_225 = arith.index_cast %scan3A_194 : i32 to index
          %swap3A_226 = arith.constant 48 : index
          %swap3A_227 = tpu.vector_load %run_scoped3A[%swap3A_225, %swap3A_226] {strides = array<i32>} : memref<80x80xf32, #tpu.memory_space<vmem>>, vector<16xf32>,
          tpu.vector_store %run_scoped3A[%swap3A_225, %swap3A_226], %mul3A_215 {strides = array<i32>} : memref<80x80xf32, #tpu.memory_space<vmem>>, vector<16xf32>,
          %swap3A_228 = arith.index_cast %scan3A_194 : i32 to index
          %swap3A_229 = arith.constant 64 : index
          %swap3A_230 = tpu.vector_load %run_scoped3A[%swap3A_228, %swap3A_229] {strides = array<i32>} : memref<80x80xf32, #tpu.memory_space<vmem>>, vector<16xf32>,
          tpu.vector_store %run_scoped3A[%swap3A_228, %swap3A_229], %mul3A_216 {strides = array<i32>} : memref<80x80xf32, #tpu.memory_space<vmem>>, vector<16xf32>,
          %scan3A_231 = arith.constant 1 : i32
          %scan3A_232 = arith.addi %scan3A_194, %scan3A_231 : i32
          %mul3A_233 = arith.constant 80 : i32
          %mul3A_234 = arith.muli %mul3A_81, %mul3A_233 : i32
          %add3A_235 = arith.addi %mul3A_234, %scan3A_232 : i32
          %broadcast_in_dim3A_236 = vector.broadcast %add3A_235 : i32 to vector<16xi32>
          %gather3A_237 = tpu.vector_load_idx %arg9[%broadcast_in_dim3A_236] : memref<10000xf32, #tpu.memory_space<vmem>>[vector<16xi32>], vector<16xf32>,
          %get3A_238 = arith.index_cast %scan3A_232 : i32 to index
          %get3A_239 = arith.constant 0 : index
          %get3A_240 = tpu.vector_load %run_scoped3A[%get3A_238, %get3A_239] {strides = array<i32>} : memref<80x80xf32, #tpu.memory_space<vmem>>, vector<16xf32>,
          %get3A_241 = arith.index_cast %scan3A_232 : i32 to index
          %get3A_242 = arith.constant 16 : index
          %get3A_243 = tpu.vector_load %run_scoped3A[%get3A_241, %get3A_242] {strides = array<i32>} : memref<80x80xf32, #tpu.memory_space<vmem>>, vector<16xf32>,
          %get3A_244 = arith.index_cast %scan3A_232 : i32 to index
          %get3A_245 = arith.constant 32 : index
          %get3A_246 = tpu.vector_load %run_scoped3A[%get3A_244, %get3A_245] {strides = array<i32>} : memref<80x80xf32, #tpu.memory_space<vmem>>, vector<16xf32>,
          %get3A_247 = arith.index_cast %scan3A_232 : i32 to index
          %get3A_248 = arith.constant 48 : index
          %get3A_249 = tpu.vector_load %run_scoped3A[%get3A_247, %get3A_248] {strides = array<i32>} : memref<80x80xf32, #tpu.memory_space<vmem>>, vector<16xf32>,
          %get3A_250 = arith.index_cast %scan3A_232 : i32 to index
          %get3A_251 = arith.constant 64 : index
          %get3A_252 = tpu.vector_load %run_scoped3A[%get3A_250, %get3A_251] {strides = array<i32>} : memref<80x80xf32, #tpu.memory_space<vmem>>, vector<16xf32>,
          %mul3A_253 = arith.mulf %get3A_240, %gather3A_237 : vector<16xf32>
          %mul3A_254 = arith.mulf %get3A_243, %gather3A_237 : vector<16xf32>
          %mul3A_255 = arith.mulf %get3A_246, %gather3A_237 : vector<16xf32>
          %mul3A_256 = arith.mulf %get3A_249, %gather3A_237 : vector<16xf32>
          %mul3A_257 = arith.mulf %get3A_252, %gather3A_237 : vector<16xf32>
          %swap3A_258 = arith.index_cast %scan3A_232 : i32 to index
          %swap3A_259 = arith.constant 0 : index
          %swap3A_260 = tpu.vector_load %run_scoped3A[%swap3A_258, %swap3A_259] {strides = array<i32>} : memref<80x80xf32, #tpu.memory_space<vmem>>, vector<16xf32>,
          tpu.vector_store %run_scoped3A[%swap3A_258, %swap3A_259], %mul3A_253 {strides = array<i32>} : memref<80x80xf32, #tpu.memory_space<vmem>>, vector<16xf32>,
          %swap3A_261 = arith.index_cast %scan3A_232 : i32 to index
          %swap3A_262 = arith.constant 16 : index
          %swap3A_263 = tpu.vector_load %run_scoped3A[%swap3A_261, %swap3A_262] {strides = array<i32>} : memref<80x80xf32, #tpu.memory_space<vmem>>, vector<16xf32>,
          tpu.vector_store %run_scoped3A[%swap3A_261, %swap3A_262], %mul3A_254 {strides = array<i32>} : memref<80x80xf32, #tpu.memory_space<vmem>>, vector<16xf32>,
          %swap3A_264 = arith.index_cast %scan3A_232 : i32 to index
          %swap3A_265 = arith.constant 32 : index
          %swap3A_266 = tpu.vector_load %run_scoped3A[%swap3A_264, %swap3A_265] {strides = array<i32>} : memref<80x80xf32, #tpu.memory_space<vmem>>, vector<16xf32>,
          tpu.vector_store %run_scoped3A[%swap3A_264, %swap3A_265], %mul3A_255 {strides = array<i32>} : memref<80x80xf32, #tpu.memory_space<vmem>>, vector<16xf32>,
          %swap3A_267 = arith.index_cast %scan3A_232 : i32 to index
          %swap3A_268 = arith.constant 48 : index
          %swap3A_269 = tpu.vector_load %run_scoped3A[%swap3A_267, %swap3A_268] {strides = array<i32>} : memref<80x80xf32, #tpu.memory_space<vmem>>, vector<16xf32>,
          tpu.vector_store %run_scoped3A[%swap3A_267, %swap3A_268], %mul3A_256 {strides = array<i32>} : memref<80x80xf32, #tpu.memory_space<vmem>>, vector<16xf32>,
          %swap3A_270 = arith.index_cast %scan3A_232 : i32 to index
          %swap3A_271 = arith.constant 64 : index
          %swap3A_272 = tpu.vector_load %run_scoped3A[%swap3A_270, %swap3A_271] {strides = array<i32>} : memref<80x80xf32, #tpu.memory_space<vmem>>, vector<16xf32>,
          tpu.vector_store %run_scoped3A[%swap3A_270, %swap3A_271], %mul3A_257 {strides = array<i32>} : memref<80x80xf32, #tpu.memory_space<vmem>>, vector<16xf32>,
          %scan3A_273 = arith.constant 2 : i32
          %scan3A_274 = arith.addi %scan3A_194, %scan3A_273 : i32
          %mul3A_275 = arith.constant 80 : i32
          %mul3A_276 = arith.muli %mul3A_81, %mul3A_275 : i32
          %add3A_277 = arith.addi %mul3A_276, %scan3A_274 : i32
          %broadcast_in_dim3A_278 = vector.broadcast %add3A_277 : i32 to vector<16xi32>
          %gather3A_279 = tpu.vector_load_idx %arg9[%broadcast_in_dim3A_278] : memref<10000xf32, #tpu.memory_space<vmem>>[vector<16xi32>], vector<16xf32>,
          %get3A_280 = arith.index_cast %scan3A_274 : i32 to index
          %get3A_281 = arith.constant 0 : index
          %get3A_282 = tpu.vector_load %run_scoped3A[%get3A_280, %get3A_281] {strides = array<i32>} : memref<80x80xf32, #tpu.memory_space<vmem>>, vector<16xf32>,
          %get3A_283 = arith.index_cast %scan3A_274 : i32 to index
          %get3A_284 = arith.constant 16 : index
          %get3A_285 = tpu.vector_load %run_scoped3A[%get3A_283, %get3A_284] {strides = array<i32>} : memref<80x80xf32, #tpu.memory_space<vmem>>, vector<16xf32>,
          %get3A_286 = arith.index_cast %scan3A_274 : i32 to index
          %get3A_287 = arith.constant 32 : index
          %get3A_288 = tpu.vector_load %run_scoped3A[%get3A_286, %get3A_287] {strides = array<i32>} : memref<80x80xf32, #tpu.memory_space<vmem>>, vector<16xf32>,
          %get3A_289 = arith.index_cast %scan3A_274 : i32 to index
          %get3A_290 = arith.constant 48 : index
          %get3A_291 = tpu.vector_load %run_scoped3A[%get3A_289, %get3A_290] {strides = array<i32>} : memref<80x80xf32, #tpu.memory_space<vmem>>, vector<16xf32>,
          %get3A_292 = arith.index_cast %scan3A_274 : i32 to index
          %get3A_293 = arith.constant 64 : index
          %get3A_294 = tpu.vector_load %run_scoped3A[%get3A_292, %get3A_293] {strides = array<i32>} : memref<80x80xf32, #tpu.memory_space<vmem>>, vector<16xf32>,
          %mul3A_295 = arith.mulf %get3A_282, %gather3A_279 : vector<16xf32>
          %mul3A_296 = arith.mulf %get3A_285, %gather3A_279 : vector<16xf32>
          %mul3A_297 = arith.mulf %get3A_288, %gather3A_279 : vector<16xf32>
          %mul3A_298 = arith.mulf %get3A_291, %gather3A_279 : vector<16xf32>
          %mul3A_299 = arith.mulf %get3A_294, %gather3A_279 : vector<16xf32>
          %swap3A_300 = arith.index_cast %scan3A_274 : i32 to index
          %swap3A_301 = arith.constant 0 : index
          %swap3A_302 = tpu.vector_load %run_scoped3A[%swap3A_300, %swap3A_301] {strides = array<i32>} : memref<80x80xf32, #tpu.memory_space<vmem>>, vector<16xf32>,
          tpu.vector_store %run_scoped3A[%swap3A_300, %swap3A_301], %mul3A_295 {strides = array<i32>} : memref<80x80xf32, #tpu.memory_space<vmem>>, vector<16xf32>,
          %swap3A_303 = arith.index_cast %scan3A_274 : i32 to index
          %swap3A_304 = arith.constant 16 : index
          %swap3A_305 = tpu.vector_load %run_scoped3A[%swap3A_303, %swap3A_304] {strides = array<i32>} : memref<80x80xf32, #tpu.memory_space<vmem>>, vector<16xf32>,
          tpu.vector_store %run_scoped3A[%swap3A_303, %swap3A_304], %mul3A_296 {strides = array<i32>} : memref<80x80xf32, #tpu.memory_space<vmem>>, vector<16xf32>,
          %swap3A_306 = arith.index_cast %scan3A_274 : i32 to index
          %swap3A_307 = arith.constant 32 : index
          %swap3A_308 = tpu.vector_load %run_scoped3A[%swap3A_306, %swap3A_307] {strides = array<i32>} : memref<80x80xf32, #tpu.memory_space<vmem>>, vector<16xf32>,
          tpu.vector_store %run_scoped3A[%swap3A_306, %swap3A_307], %mul3A_297 {strides = array<i32>} : memref<80x80xf32, #tpu.memory_space<vmem>>, vector<16xf32>,
          %swap3A_309 = arith.index_cast %scan3A_274 : i32 to index
          %swap3A_310 = arith.constant 48 : index
          %swap3A_311 = tpu.vector_load %run_scoped3A[%swap3A_309, %swap3A_310] {strides = array<i32>} : memref<80x80xf32, #tpu.memory_space<vmem>>, vector<16xf32>,
          tpu.vector_store %run_scoped3A[%swap3A_309, %swap3A_310], %mul3A_298 {strides = array<i32>} : memref<80x80xf32, #tpu.memory_space<vmem>>, vector<16xf32>,
          %swap3A_312 = arith.index_cast %scan3A_274 : i32 to index
          %swap3A_313 = arith.constant 64 : index
          %swap3A_314 = tpu.vector_load %run_scoped3A[%swap3A_312, %swap3A_313] {strides = array<i32>} : memref<80x80xf32, #tpu.memory_space<vmem>>, vector<16xf32>,
          tpu.vector_store %run_scoped3A[%swap3A_312, %swap3A_313], %mul3A_299 {strides = array<i32>} : memref<80x80xf32, #tpu.memory_space<vmem>>, vector<16xf32>,
          %scan3A_315 = arith.constant 3 : i32
          %scan3A_316 = arith.addi %scan3A_194, %scan3A_315 : i32
          %mul3A_317 = arith.constant 80 : i32
          %mul3A_318 = arith.muli %mul3A_81, %mul3A_317 : i32
          %add3A_319 = arith.addi %mul3A_318, %scan3A_316 : i32
          %broadcast_in_dim3A_320 = vector.broadcast %add3A_319 : i32 to vector<16xi32>
          %gather3A_321 = tpu.vector_load_idx %arg9[%broadcast_in_dim3A_320] : memref<10000xf32, #tpu.memory_space<vmem>>[vector<16xi32>], vector<16xf32>,
          %get3A_322 = arith.index_cast %scan3A_316 : i32 to index
          %get3A_323 = arith.constant 0 : index
          %get3A_324 = tpu.vector_load %run_scoped3A[%get3A_322, %get3A_323] {strides = array<i32>} : memref<80x80xf32, #tpu.memory_space<vmem>>, vector<16xf32>,
          %get3A_325 = arith.index_cast %scan3A_316 : i32 to index
          %get3A_326 = arith.constant 16 : index
          %get3A_327 = tpu.vector_load %run_scoped3A[%get3A_325, %get3A_326] {strides = array<i32>} : memref<80x80xf32, #tpu.memory_space<vmem>>, vector<16xf32>,
          %get3A_328 = arith.index_cast %scan3A_316 : i32 to index
          %get3A_329 = arith.constant 32 : index
          %get3A_330 = tpu.vector_load %run_scoped3A[%get3A_328, %get3A_329] {strides = array<i32>} : memref<80x80xf32, #tpu.memory_space<vmem>>, vector<16xf32>,
          %get3A_331 = arith.index_cast %scan3A_316 : i32 to index
          %get3A_332 = arith.constant 48 : index
          %get3A_333 = tpu.vector_load %run_scoped3A[%get3A_331, %get3A_332] {strides = array<i32>} : memref<80x80xf32, #tpu.memory_space<vmem>>, vector<16xf32>,
          %get3A_334 = arith.index_cast %scan3A_316 : i32 to index
          %get3A_335 = arith.constant 64 : index
          %get3A_336 = tpu.vector_load %run_scoped3A[%get3A_334, %get3A_335] {strides = array<i32>} : memref<80x80xf32, #tpu.memory_space<vmem>>, vector<16xf32>,
          %mul3A_337 = arith.mulf %get3A_324, %gather3A_321 : vector<16xf32>
          %mul3A_338 = arith.mulf %get3A_327, %gather3A_321 : vector<16xf32>
          %mul3A_339 = arith.mulf %get3A_330, %gather3A_321 : vector<16xf32>
          %mul3A_340 = arith.mulf %get3A_333, %gather3A_321 : vector<16xf32>
          %mul3A_341 = arith.mulf %get3A_336, %gather3A_321 : vector<16xf32>
          %swap3A_342 = arith.index_cast %scan3A_316 : i32 to index
          %swap3A_343 = arith.constant 0 : index
          %swap3A_344 = tpu.vector_load %run_scoped3A[%swap3A_342, %swap3A_343] {strides = array<i32>} : memref<80x80xf32, #tpu.memory_space<vmem>>, vector<16xf32>,
          tpu.vector_store %run_scoped3A[%swap3A_342, %swap3A_343], %mul3A_337 {strides = array<i32>} : memref<80x80xf32, #tpu.memory_space<vmem>>, vector<16xf32>,
          %swap3A_345 = arith.index_cast %scan3A_316 : i32 to index
          %swap3A_346 = arith.constant 16 : index
          %swap3A_347 = tpu.vector_load %run_scoped3A[%swap3A_345, %swap3A_346] {strides = array<i32>} : memref<80x80xf32, #tpu.memory_space<vmem>>, vector<16xf32>,
          tpu.vector_store %run_scoped3A[%swap3A_345, %swap3A_346], %mul3A_338 {strides = array<i32>} : memref<80x80xf32, #tpu.memory_space<vmem>>, vector<16xf32>,
          %swap3A_348 = arith.index_cast %scan3A_316 : i32 to index
          %swap3A_349 = arith.constant 32 : index
          %swap3A_350 = tpu.vector_load %run_scoped3A[%swap3A_348, %swap3A_349] {strides = array<i32>} : memref<80x80xf32, #tpu.memory_space<vmem>>, vector<16xf32>,
          tpu.vector_store %run_scoped3A[%swap3A_348, %swap3A_349], %mul3A_339 {strides = array<i32>} : memref<80x80xf32, #tpu.memory_space<vmem>>, vector<16xf32>,
          %swap3A_351 = arith.index_cast %scan3A_316 : i32 to index
          %swap3A_352 = arith.constant 48 : index
          %swap3A_353 = tpu.vector_load %run_scoped3A[%swap3A_351, %swap3A_352] {strides = array<i32>} : memref<80x80xf32, #tpu.memory_space<vmem>>, vector<16xf32>,
          tpu.vector_store %run_scoped3A[%swap3A_351, %swap3A_352], %mul3A_340 {strides = array<i32>} : memref<80x80xf32, #tpu.memory_space<vmem>>, vector<16xf32>,
          %swap3A_354 = arith.index_cast %scan3A_316 : i32 to index
          %swap3A_355 = arith.constant 64 : index
          %swap3A_356 = tpu.vector_load %run_scoped3A[%swap3A_354, %swap3A_355] {strides = array<i32>} : memref<80x80xf32, #tpu.memory_space<vmem>>, vector<16xf32>,
          tpu.vector_store %run_scoped3A[%swap3A_354, %swap3A_355], %mul3A_341 {strides = array<i32>} : memref<80x80xf32, #tpu.memory_space<vmem>>, vector<16xf32>,
        }
        %scan3A_109 = arith.constant 80 : i32
        %dma_start3A_110 = arith.constant 1 : i32
        %dma_start3A_111 = arith.constant 0 : i32
        %dma_start3A_112 = tpu.memref_slice %arg10[%dma_start3A_110, %dma_start3A_111] : memref<2x80xi32, #tpu.memory_space<vmem>> -> memref<1x80xi32, #tpu.memory_space<vmem>>
        %dma_start3A_113 = tpu.memref_squeeze %dma_start3A_112 : memref<1x80xi32, #tpu.memory_space<vmem>> -> memref<80xi32, #tpu.memory_space<vmem>>
        %dma_start3A_114 = arith.constant 0 : i32
        %dma_start3A_115 = arith.constant 0 : i32
        %dma_start3A_116 = tpu.memref_slice %arg8[%dma_start3A_114, %dma_start3A_115] : memref<10112x80xf32, #tpu.memory_space<vmem_shared>> -> memref<10112x80xf32, #tpu.memory_space<vmem_shared>>
        tpu.enqueue_indirect_dma source(%run_scoped3A : memref<80x80xf32, #tpu.memory_space<vmem>>) target(%dma_start3A_116 : memref<10112x80xf32, #tpu.memory_space<vmem_shared>>) offsets(%dma_start3A_113 : memref<80xi32, #tpu.memory_space<vmem>>) semaphore(%arg16 : memref<!tpu.dma_semaphore, #tpu.memory_space<semaphore_mem>>) {add = true}
        %dma_wait3A_117 = arith.constant 0 : i32
        %dma_wait3A_118 = arith.constant 0 : i32
        %dma_wait3A_119 = tpu.memref_slice %arg10[%dma_wait3A_117, %dma_wait3A_118] : memref<2x80xi32, #tpu.memory_space<vmem>> -> memref<1x80xi32, #tpu.memory_space<vmem>>
        %dma_wait3A_120 = tpu.memref_squeeze %dma_wait3A_119 : memref<1x80xi32, #tpu.memory_space<vmem>> -> memref<80xi32, #tpu.memory_space<vmem>>
        %dma_wait3A_121 = arith.constant 0 : i32
        %dma_wait3A_122 = arith.constant 0 : i32
        %dma_wait3A_123 = tpu.memref_slice %arg2[%dma_wait3A_121, %dma_wait3A_122] : memref<10000x80xf32, #tpu.memory_space<hbm>> -> memref<10000x80xf32, #tpu.memory_space<hbm>>
        tpu.wait_indirect_dma semaphore(%arg15 : memref<!tpu.dma_semaphore, #tpu.memory_space<semaphore_mem>>) src(%dma_wait3A_123 : memref<10000x80xf32, #tpu.memory_space<hbm>>) dst(%run_scoped3A_22 : memref<80x80xf32, #tpu.memory_space<vmem>>)
        %add3A_124 = arith.constant 1 : i32
        %add3A_125 = arith.addi %mul3A_81, %add3A_124 : i32
        %scan3A_126 = arith.constant 0 : i32
        %scan3A_127 = arith.constant 0 : i32
        %scan3A_128 = arith.constant 80 : i32
        %scan3A_129 = arith.addi %scan3A_127, %scan3A_128 : i32
        %scan3A_130 = arith.constant 4 : i32
        scf.for %scan3A_194 = %scan3A_127 to %scan3A_129 step %scan3A_130  : i32 {
          %mul3A_195 = arith.constant 80 : i32
          %mul3A_196 = arith.muli %add3A_125, %mul3A_195 : i32
          %add3A_197 = arith.addi %mul3A_196, %scan3A_194 : i32
          %broadcast_in_dim3A = vector.broadcast %add3A_197 : i32 to vector<16xi32>
          %gather3A = tpu.vector_load_idx %arg9[%broadcast_in_dim3A] : memref<10000xf32, #tpu.memory_space<vmem>>[vector<16xi32>], vector<16xf32>,
          %get3A = arith.index_cast %scan3A_194 : i32 to index
          %get3A_198 = arith.constant 0 : index
          %get3A_199 = tpu.vector_load %run_scoped3A_22[%get3A, %get3A_198] {strides = array<i32>} : memref<80x80xf32, #tpu.memory_space<vmem>>, vector<16xf32>,
          %get3A_200 = arith.index_cast %scan3A_194 : i32 to index
          %get3A_201 = arith.constant 16 : index
          %get3A_202 = tpu.vector_load %run_scoped3A_22[%get3A_200, %get3A_201] {strides = array<i32>} : memref<80x80xf32, #tpu.memory_space<vmem>>, vector<16xf32>,
          %get3A_203 = arith.index_cast %scan3A_194 : i32 to index
          %get3A_204 = arith.constant 32 : index
          %get3A_205 = tpu.vector_load %run_scoped3A_22[%get3A_203, %get3A_204] {strides = array<i32>} : memref<80x80xf32, #tpu.memory_space<vmem>>, vector<16xf32>,
          %get3A_206 = arith.index_cast %scan3A_194 : i32 to index
          %get3A_207 = arith.constant 48 : index
          %get3A_208 = tpu.vector_load %run_scoped3A_22[%get3A_206, %get3A_207] {strides = array<i32>} : memref<80x80xf32, #tpu.memory_space<vmem>>, vector<16xf32>,
          %get3A_209 = arith.index_cast %scan3A_194 : i32 to index
          %get3A_210 = arith.constant 64 : index
          %get3A_211 = tpu.vector_load %run_scoped3A_22[%get3A_209, %get3A_210] {strides = array<i32>} : memref<80x80xf32, #tpu.memory_space<vmem>>, vector<16xf32>,
          %mul3A_212 = arith.mulf %get3A_199, %gather3A : vector<16xf32>
          %mul3A_213 = arith.mulf %get3A_202, %gather3A : vector<16xf32>
          %mul3A_214 = arith.mulf %get3A_205, %gather3A : vector<16xf32>
          %mul3A_215 = arith.mulf %get3A_208, %gather3A : vector<16xf32>
          %mul3A_216 = arith.mulf %get3A_211, %gather3A : vector<16xf32>
          %swap3A = arith.index_cast %scan3A_194 : i32 to index
          %swap3A_217 = arith.constant 0 : index
          %swap3A_218 = tpu.vector_load %run_scoped3A_22[%swap3A, %swap3A_217] {strides = array<i32>} : memref<80x80xf32, #tpu.memory_space<vmem>>, vector<16xf32>,
          tpu.vector_store %run_scoped3A_22[%swap3A, %swap3A_217], %mul3A_212 {strides = array<i32>} : memref<80x80xf32, #tpu.memory_space<vmem>>, vector<16xf32>,
          %swap3A_219 = arith.index_cast %scan3A_194 : i32 to index
          %swap3A_220 = arith.constant 16 : index
          %swap3A_221 = tpu.vector_load %run_scoped3A_22[%swap3A_219, %swap3A_220] {strides = array<i32>} : memref<80x80xf32, #tpu.memory_space<vmem>>, vector<16xf32>,
          tpu.vector_store %run_scoped3A_22[%swap3A_219, %swap3A_220], %mul3A_213 {strides = array<i32>} : memref<80x80xf32, #tpu.memory_space<vmem>>, vector<16xf32>,
          %swap3A_222 = arith.index_cast %scan3A_194 : i32 to index
          %swap3A_223 = arith.constant 32 : index
          %swap3A_224 = tpu.vector_load %run_scoped3A_22[%swap3A_222, %swap3A_223] {strides = array<i32>} : memref<80x80xf32, #tpu.memory_space<vmem>>, vector<16xf32>,
          tpu.vector_store %run_scoped3A_22[%swap3A_222, %swap3A_223], %mul3A_214 {strides = array<i32>} : memref<80x80xf32, #tpu.memory_space<vmem>>, vector<16xf32>,
          %swap3A_225 = arith.index_cast %scan3A_194 : i32 to index
          %swap3A_226 = arith.constant 48 : index
          %swap3A_227 = tpu.vector_load %run_scoped3A_22[%swap3A_225, %swap3A_226] {strides = array<i32>} : memref<80x80xf32, #tpu.memory_space<vmem>>, vector<16xf32>,
          tpu.vector_store %run_scoped3A_22[%swap3A_225, %swap3A_226], %mul3A_215 {strides = array<i32>} : memref<80x80xf32, #tpu.memory_space<vmem>>, vector<16xf32>,
          %swap3A_228 = arith.index_cast %scan3A_194 : i32 to index
          %swap3A_229 = arith.constant 64 : index
          %swap3A_230 = tpu.vector_load %run_scoped3A_22[%swap3A_228, %swap3A_229] {strides = array<i32>} : memref<80x80xf32, #tpu.memory_space<vmem>>, vector<16xf32>,
          tpu.vector_store %run_scoped3A_22[%swap3A_228, %swap3A_229], %mul3A_216 {strides = array<i32>} : memref<80x80xf32, #tpu.memory_space<vmem>>, vector<16xf32>,
          %scan3A_231 = arith.constant 1 : i32
          %scan3A_232 = arith.addi %scan3A_194, %scan3A_231 : i32
          %mul3A_233 = arith.constant 80 : i32
          %mul3A_234 = arith.muli %add3A_125, %mul3A_233 : i32
          %add3A_235 = arith.addi %mul3A_234, %scan3A_232 : i32
          %broadcast_in_dim3A_236 = vector.broadcast %add3A_235 : i32 to vector<16xi32>
          %gather3A_237 = tpu.vector_load_idx %arg9[%broadcast_in_dim3A_236] : memref<10000xf32, #tpu.memory_space<vmem>>[vector<16xi32>], vector<16xf32>,
          %get3A_238 = arith.index_cast %scan3A_232 : i32 to index
          %get3A_239 = arith.constant 0 : index
          %get3A_240 = tpu.vector_load %run_scoped3A_22[%get3A_238, %get3A_239] {strides = array<i32>} : memref<80x80xf32, #tpu.memory_space<vmem>>, vector<16xf32>,
          %get3A_241 = arith.index_cast %scan3A_232 : i32 to index
          %get3A_242 = arith.constant 16 : index
          %get3A_243 = tpu.vector_load %run_scoped3A_22[%get3A_241, %get3A_242] {strides = array<i32>} : memref<80x80xf32, #tpu.memory_space<vmem>>, vector<16xf32>,
          %get3A_244 = arith.index_cast %scan3A_232 : i32 to index
          %get3A_245 = arith.constant 32 : index
          %get3A_246 = tpu.vector_load %run_scoped3A_22[%get3A_244, %get3A_245] {strides = array<i32>} : memref<80x80xf32, #tpu.memory_space<vmem>>, vector<16xf32>,
          %get3A_247 = arith.index_cast %scan3A_232 : i32 to index
          %get3A_248 = arith.constant 48 : index
          %get3A_249 = tpu.vector_load %run_scoped3A_22[%get3A_247, %get3A_248] {strides = array<i32>} : memref<80x80xf32, #tpu.memory_space<vmem>>, vector<16xf32>,
          %get3A_250 = arith.index_cast %scan3A_232 : i32 to index
          %get3A_251 = arith.constant 64 : index
          %get3A_252 = tpu.vector_load %run_scoped3A_22[%get3A_250, %get3A_251] {strides = array<i32>} : memref<80x80xf32, #tpu.memory_space<vmem>>, vector<16xf32>,
          %mul3A_253 = arith.mulf %get3A_240, %gather3A_237 : vector<16xf32>
          %mul3A_254 = arith.mulf %get3A_243, %gather3A_237 : vector<16xf32>
          %mul3A_255 = arith.mulf %get3A_246, %gather3A_237 : vector<16xf32>
          %mul3A_256 = arith.mulf %get3A_249, %gather3A_237 : vector<16xf32>
          %mul3A_257 = arith.mulf %get3A_252, %gather3A_237 : vector<16xf32>
          %swap3A_258 = arith.index_cast %scan3A_232 : i32 to index
          %swap3A_259 = arith.constant 0 : index
          %swap3A_260 = tpu.vector_load %run_scoped3A_22[%swap3A_258, %swap3A_259] {strides = array<i32>} : memref<80x80xf32, #tpu.memory_space<vmem>>, vector<16xf32>,
          tpu.vector_store %run_scoped3A_22[%swap3A_258, %swap3A_259], %mul3A_253 {strides = array<i32>} : memref<80x80xf32, #tpu.memory_space<vmem>>, vector<16xf32>,
          %swap3A_261 = arith.index_cast %scan3A_232 : i32 to index
          %swap3A_262 = arith.constant 16 : index
          %swap3A_263 = tpu.vector_load %run_scoped3A_22[%swap3A_261, %swap3A_262] {strides = array<i32>} : memref<80x80xf32, #tpu.memory_space<vmem>>, vector<16xf32>,
          tpu.vector_store %run_scoped3A_22[%swap3A_261, %swap3A_262], %mul3A_254 {strides = array<i32>} : memref<80x80xf32, #tpu.memory_space<vmem>>, vector<16xf32>,
          %swap3A_264 = arith.index_cast %scan3A_232 : i32 to index
          %swap3A_265 = arith.constant 32 : index
          %swap3A_266 = tpu.vector_load %run_scoped3A_22[%swap3A_264, %swap3A_265] {strides = array<i32>} : memref<80x80xf32, #tpu.memory_space<vmem>>, vector<16xf32>,
          tpu.vector_store %run_scoped3A_22[%swap3A_264, %swap3A_265], %mul3A_255 {strides = array<i32>} : memref<80x80xf32, #tpu.memory_space<vmem>>, vector<16xf32>,
          %swap3A_267 = arith.index_cast %scan3A_232 : i32 to index
          %swap3A_268 = arith.constant 48 : index
          %swap3A_269 = tpu.vector_load %run_scoped3A_22[%swap3A_267, %swap3A_268] {strides = array<i32>} : memref<80x80xf32, #tpu.memory_space<vmem>>, vector<16xf32>,
          tpu.vector_store %run_scoped3A_22[%swap3A_267, %swap3A_268], %mul3A_256 {strides = array<i32>} : memref<80x80xf32, #tpu.memory_space<vmem>>, vector<16xf32>,
          %swap3A_270 = arith.index_cast %scan3A_232 : i32 to index
          %swap3A_271 = arith.constant 64 : index
          %swap3A_272 = tpu.vector_load %run_scoped3A_22[%swap3A_270, %swap3A_271] {strides = array<i32>} : memref<80x80xf32, #tpu.memory_space<vmem>>, vector<16xf32>,
          tpu.vector_store %run_scoped3A_22[%swap3A_270, %swap3A_271], %mul3A_257 {strides = array<i32>} : memref<80x80xf32, #tpu.memory_space<vmem>>, vector<16xf32>,
          %scan3A_273 = arith.constant 2 : i32
          %scan3A_274 = arith.addi %scan3A_194, %scan3A_273 : i32
          %mul3A_275 = arith.constant 80 : i32
          %mul3A_276 = arith.muli %add3A_125, %mul3A_275 : i32
          %add3A_277 = arith.addi %mul3A_276, %scan3A_274 : i32
          %broadcast_in_dim3A_278 = vector.broadcast %add3A_277 : i32 to vector<16xi32>
          %gather3A_279 = tpu.vector_load_idx %arg9[%broadcast_in_dim3A_278] : memref<10000xf32, #tpu.memory_space<vmem>>[vector<16xi32>], vector<16xf32>,
          %get3A_280 = arith.index_cast %scan3A_274 : i32 to index
          %get3A_281 = arith.constant 0 : index
          %get3A_282 = tpu.vector_load %run_scoped3A_22[%get3A_280, %get3A_281] {strides = array<i32>} : memref<80x80xf32, #tpu.memory_space<vmem>>, vector<16xf32>,
          %get3A_283 = arith.index_cast %scan3A_274 : i32 to index
          %get3A_284 = arith.constant 16 : index
          %get3A_285 = tpu.vector_load %run_scoped3A_22[%get3A_283, %get3A_284] {strides = array<i32>} : memref<80x80xf32, #tpu.memory_space<vmem>>, vector<16xf32>,
          %get3A_286 = arith.index_cast %scan3A_274 : i32 to index
          %get3A_287 = arith.constant 32 : index
          %get3A_288 = tpu.vector_load %run_scoped3A_22[%get3A_286, %get3A_287] {strides = array<i32>} : memref<80x80xf32, #tpu.memory_space<vmem>>, vector<16xf32>,
          %get3A_289 = arith.index_cast %scan3A_274 : i32 to index
          %get3A_290 = arith.constant 48 : index
          %get3A_291 = tpu.vector_load %run_scoped3A_22[%get3A_289, %get3A_290] {strides = array<i32>} : memref<80x80xf32, #tpu.memory_space<vmem>>, vector<16xf32>,
          %get3A_292 = arith.index_cast %scan3A_274 : i32 to index
          %get3A_293 = arith.constant 64 : index
          %get3A_294 = tpu.vector_load %run_scoped3A_22[%get3A_292, %get3A_293] {strides = array<i32>} : memref<80x80xf32, #tpu.memory_space<vmem>>, vector<16xf32>,
          %mul3A_295 = arith.mulf %get3A_282, %gather3A_279 : vector<16xf32>
          %mul3A_296 = arith.mulf %get3A_285, %gather3A_279 : vector<16xf32>
          %mul3A_297 = arith.mulf %get3A_288, %gather3A_279 : vector<16xf32>
          %mul3A_298 = arith.mulf %get3A_291, %gather3A_279 : vector<16xf32>
          %mul3A_299 = arith.mulf %get3A_294, %gather3A_279 : vector<16xf32>
          %swap3A_300 = arith.index_cast %scan3A_274 : i32 to index
          %swap3A_301 = arith.constant 0 : index
          %swap3A_302 = tpu.vector_load %run_scoped3A_22[%swap3A_300, %swap3A_301] {strides = array<i32>} : memref<80x80xf32, #tpu.memory_space<vmem>>, vector<16xf32>,
          tpu.vector_store %run_scoped3A_22[%swap3A_300, %swap3A_301], %mul3A_295 {strides = array<i32>} : memref<80x80xf32, #tpu.memory_space<vmem>>, vector<16xf32>,
          %swap3A_303 = arith.index_cast %scan3A_274 : i32 to index
          %swap3A_304 = arith.constant 16 : index
          %swap3A_305 = tpu.vector_load %run_scoped3A_22[%swap3A_303, %swap3A_304] {strides = array<i32>} : memref<80x80xf32, #tpu.memory_space<vmem>>, vector<16xf32>,
          tpu.vector_store %run_scoped3A_22[%swap3A_303, %swap3A_304], %mul3A_296 {strides = array<i32>} : memref<80x80xf32, #tpu.memory_space<vmem>>, vector<16xf32>,
          %swap3A_306 = arith.index_cast %scan3A_274 : i32 to index
          %swap3A_307 = arith.constant 32 : index
          %swap3A_308 = tpu.vector_load %run_scoped3A_22[%swap3A_306, %swap3A_307] {strides = array<i32>} : memref<80x80xf32, #tpu.memory_space<vmem>>, vector<16xf32>,
          tpu.vector_store %run_scoped3A_22[%swap3A_306, %swap3A_307], %mul3A_297 {strides = array<i32>} : memref<80x80xf32, #tpu.memory_space<vmem>>, vector<16xf32>,
          %swap3A_309 = arith.index_cast %scan3A_274 : i32 to index
          %swap3A_310 = arith.constant 48 : index
          %swap3A_311 = tpu.vector_load %run_scoped3A_22[%swap3A_309, %swap3A_310] {strides = array<i32>} : memref<80x80xf32, #tpu.memory_space<vmem>>, vector<16xf32>,
          tpu.vector_store %run_scoped3A_22[%swap3A_309, %swap3A_310], %mul3A_298 {strides = array<i32>} : memref<80x80xf32, #tpu.memory_space<vmem>>, vector<16xf32>,
          %swap3A_312 = arith.index_cast %scan3A_274 : i32 to index
          %swap3A_313 = arith.constant 64 : index
          %swap3A_314 = tpu.vector_load %run_scoped3A_22[%swap3A_312, %swap3A_313] {strides = array<i32>} : memref<80x80xf32, #tpu.memory_space<vmem>>, vector<16xf32>,
          tpu.vector_store %run_scoped3A_22[%swap3A_312, %swap3A_313], %mul3A_299 {strides = array<i32>} : memref<80x80xf32, #tpu.memory_space<vmem>>, vector<16xf32>,
          %scan3A_315 = arith.constant 3 : i32
          %scan3A_316 = arith.addi %scan3A_194, %scan3A_315 : i32
          %mul3A_317 = arith.constant 80 : i32
          %mul3A_318 = arith.muli %add3A_125, %mul3A_317 : i32
          %add3A_319 = arith.addi %mul3A_318, %scan3A_316 : i32
          %broadcast_in_dim3A_320 = vector.broadcast %add3A_319 : i32 to vector<16xi32>
          %gather3A_321 = tpu.vector_load_idx %arg9[%broadcast_in_dim3A_320] : memref<10000xf32, #tpu.memory_space<vmem>>[vector<16xi32>], vector<16xf32>,
          %get3A_322 = arith.index_cast %scan3A_316 : i32 to index
          %get3A_323 = arith.constant 0 : index
          %get3A_324 = tpu.vector_load %run_scoped3A_22[%get3A_322, %get3A_323] {strides = array<i32>} : memref<80x80xf32, #tpu.memory_space<vmem>>, vector<16xf32>,
          %get3A_325 = arith.index_cast %scan3A_316 : i32 to index
          %get3A_326 = arith.constant 16 : index
          %get3A_327 = tpu.vector_load %run_scoped3A_22[%get3A_325, %get3A_326] {strides = array<i32>} : memref<80x80xf32, #tpu.memory_space<vmem>>, vector<16xf32>,
          %get3A_328 = arith.index_cast %scan3A_316 : i32 to index
          %get3A_329 = arith.constant 32 : index
          %get3A_330 = tpu.vector_load %run_scoped3A_22[%get3A_328, %get3A_329] {strides = array<i32>} : memref<80x80xf32, #tpu.memory_space<vmem>>, vector<16xf32>,
          %get3A_331 = arith.index_cast %scan3A_316 : i32 to index
          %get3A_332 = arith.constant 48 : index
          %get3A_333 = tpu.vector_load %run_scoped3A_22[%get3A_331, %get3A_332] {strides = array<i32>} : memref<80x80xf32, #tpu.memory_space<vmem>>, vector<16xf32>,
          %get3A_334 = arith.index_cast %scan3A_316 : i32 to index
          %get3A_335 = arith.constant 64 : index
          %get3A_336 = tpu.vector_load %run_scoped3A_22[%get3A_334, %get3A_335] {strides = array<i32>} : memref<80x80xf32, #tpu.memory_space<vmem>>, vector<16xf32>,
          %mul3A_337 = arith.mulf %get3A_324, %gather3A_321 : vector<16xf32>
          %mul3A_338 = arith.mulf %get3A_327, %gather3A_321 : vector<16xf32>
          %mul3A_339 = arith.mulf %get3A_330, %gather3A_321 : vector<16xf32>
          %mul3A_340 = arith.mulf %get3A_333, %gather3A_321 : vector<16xf32>
          %mul3A_341 = arith.mulf %get3A_336, %gather3A_321 : vector<16xf32>
          %swap3A_342 = arith.index_cast %scan3A_316 : i32 to index
          %swap3A_343 = arith.constant 0 : index
          %swap3A_344 = tpu.vector_load %run_scoped3A_22[%swap3A_342, %swap3A_343] {strides = array<i32>} : memref<80x80xf32, #tpu.memory_space<vmem>>, vector<16xf32>,
          tpu.vector_store %run_scoped3A_22[%swap3A_342, %swap3A_343], %mul3A_337 {strides = array<i32>} : memref<80x80xf32, #tpu.memory_space<vmem>>, vector<16xf32>,
          %swap3A_345 = arith.index_cast %scan3A_316 : i32 to index
          %swap3A_346 = arith.constant 16 : index
          %swap3A_347 = tpu.vector_load %run_scoped3A_22[%swap3A_345, %swap3A_346] {strides = array<i32>} : memref<80x80xf32, #tpu.memory_space<vmem>>, vector<16xf32>,
          tpu.vector_store %run_scoped3A_22[%swap3A_345, %swap3A_346], %mul3A_338 {strides = array<i32>} : memref<80x80xf32, #tpu.memory_space<vmem>>, vector<16xf32>,
          %swap3A_348 = arith.index_cast %scan3A_316 : i32 to index
          %swap3A_349 = arith.constant 32 : index
          %swap3A_350 = tpu.vector_load %run_scoped3A_22[%swap3A_348, %swap3A_349] {strides = array<i32>} : memref<80x80xf32, #tpu.memory_space<vmem>>, vector<16xf32>,
          tpu.vector_store %run_scoped3A_22[%swap3A_348, %swap3A_349], %mul3A_339 {strides = array<i32>} : memref<80x80xf32, #tpu.memory_space<vmem>>, vector<16xf32>,
          %swap3A_351 = arith.index_cast %scan3A_316 : i32 to index
          %swap3A_352 = arith.constant 48 : index
          %swap3A_353 = tpu.vector_load %run_scoped3A_22[%swap3A_351, %swap3A_352] {strides = array<i32>} : memref<80x80xf32, #tpu.memory_space<vmem>>, vector<16xf32>,
          tpu.vector_store %run_scoped3A_22[%swap3A_351, %swap3A_352], %mul3A_340 {strides = array<i32>} : memref<80x80xf32, #tpu.memory_space<vmem>>, vector<16xf32>,
          %swap3A_354 = arith.index_cast %scan3A_316 : i32 to index
          %swap3A_355 = arith.constant 64 : index
          %swap3A_356 = tpu.vector_load %run_scoped3A_22[%swap3A_354, %swap3A_355] {strides = array<i32>} : memref<80x80xf32, #tpu.memory_space<vmem>>, vector<16xf32>,
          tpu.vector_store %run_scoped3A_22[%swap3A_354, %swap3A_355], %mul3A_341 {strides = array<i32>} : memref<80x80xf32, #tpu.memory_space<vmem>>, vector<16xf32>,
        }
        %scan3A_131 = arith.constant 80 : i32
        %dma_start3A_132 = arith.constant 1 : i32
        %dma_start3A_133 = arith.constant 0 : i32
        %dma_start3A_134 = tpu.memref_slice %arg11[%dma_start3A_132, %dma_start3A_133] : memref<2x80xi32, #tpu.memory_space<vmem>> -> memref<1x80xi32, #tpu.memory_space<vmem>>
        %dma_start3A_135 = tpu.memref_squeeze %dma_start3A_134 : memref<1x80xi32, #tpu.memory_space<vmem>> -> memref<80xi32, #tpu.memory_space<vmem>>
        %dma_start3A_136 = arith.constant 0 : i32
        %dma_start3A_137 = arith.constant 0 : i32
        %dma_start3A_138 = tpu.memref_slice %arg8[%dma_start3A_136, %dma_start3A_137] : memref<10112x80xf32, #tpu.memory_space<vmem_shared>> -> memref<10112x80xf32, #tpu.memory_space<vmem_shared>>
        tpu.enqueue_indirect_dma source(%run_scoped3A_22 : memref<80x80xf32, #tpu.memory_space<vmem>>) target(%dma_start3A_138 : memref<10112x80xf32, #tpu.memory_space<vmem_shared>>) offsets(%dma_start3A_135 : memref<80xi32, #tpu.memory_space<vmem>>) semaphore(%arg17 : memref<!tpu.dma_semaphore, #tpu.memory_space<semaphore_mem>>) {add = true}
        %dma_wait3A_139 = arith.constant 1 : i32
        %dma_wait3A_140 = arith.constant 0 : i32
        %dma_wait3A_141 = tpu.memref_slice %arg10[%dma_wait3A_139, %dma_wait3A_140] : memref<2x80xi32, #tpu.memory_space<vmem>> -> memref<1x80xi32, #tpu.memory_space<vmem>>
        %dma_wait3A_142 = tpu.memref_squeeze %dma_wait3A_141 : memref<1x80xi32, #tpu.memory_space<vmem>> -> memref<80xi32, #tpu.memory_space<vmem>>
        %dma_wait3A_143 = arith.constant 0 : i32
        %dma_wait3A_144 = arith.constant 0 : i32
        %dma_wait3A_145 = tpu.memref_slice %arg8[%dma_wait3A_143, %dma_wait3A_144] : memref<10112x80xf32, #tpu.memory_space<vmem_shared>> -> memref<10112x80xf32, #tpu.memory_space<vmem_shared>>
        tpu.wait_indirect_dma semaphore(%arg16 : memref<!tpu.dma_semaphore, #tpu.memory_space<semaphore_mem>>) src(%run_scoped3A : memref<80x80xf32, #tpu.memory_space<vmem>>) dst(%dma_wait3A_145 : memref<10112x80xf32, #tpu.memory_space<vmem_shared>>)
        %add3A_146 = arith.constant 2 : i32
        %add3A_147 = arith.addi %mul3A_81, %add3A_146 : i32
        %min3A_148 = arith.constant 124 : i32
        %min3A_149 = arith.minsi %add3A_147, %min3A_148 : i32
        %add3A_150 = arith.addi %select_n3A, %min3A_149 : i32
        %dma_start3A_151 = arith.constant 0 : i32
        %dma_start3A_152 = arith.constant 0 : i32
        %dma_start3A_153 = tpu.memref_slice %arg3[%add3A_150, %dma_start3A_151, %dma_start3A_152] : memref<4000x2x80xi32, #tpu.memory_space<hbm>> -> memref<1x2x80xi32, #tpu.memory_space<hbm>>
        %dma_start3A_154 = tpu.memref_squeeze %dma_start3A_153 : memref<1x2x80xi32, #tpu.memory_space<hbm>> -> memref<2x80xi32, #tpu.memory_space<hbm>>
        %dma_start3A_155 = arith.constant 0 : i32
        %dma_start3A_156 = arith.constant 0 : i32
        %dma_start3A_157 = tpu.memref_slice %arg3[%add3A_150, %dma_start3A_155, %dma_start3A_156] : memref<4000x2x80xi32, #tpu.memory_space<hbm>> -> memref<1x2x80xi32, #tpu.memory_space<hbm>>
        %dma_start3A_158 = tpu.memref_squeeze %dma_start3A_157 : memref<1x2x80xi32, #tpu.memory_space<hbm>> -> memref<2x80xi32, #tpu.memory_space<hbm>>
        tpu.enqueue_dma source(%dma_start3A_158 : memref<2x80xi32, #tpu.memory_space<hbm>>) target(%arg10 : memref<2x80xi32, #tpu.memory_space<vmem>>) target_semaphore(%arg12 : memref<!tpu.dma_semaphore, #tpu.memory_space<semaphore_mem>>)
        %dma_wait3A_159 = arith.constant 0 : i32
        %dma_wait3A_160 = arith.constant 0 : i32
        %dma_wait3A_161 = tpu.memref_slice %arg3[%select_n3A, %dma_wait3A_159, %dma_wait3A_160] : memref<4000x2x80xi32, #tpu.memory_space<hbm>> -> memref<1x2x80xi32, #tpu.memory_space<hbm>>
        %dma_wait3A_162 = tpu.memref_squeeze %dma_wait3A_161 : memref<1x2x80xi32, #tpu.memory_space<hbm>> -> memref<2x80xi32, #tpu.memory_space<hbm>>
        %dma_wait3A_163 = arith.constant 0 : i32
        %dma_wait3A_164 = arith.constant 0 : i32
        %dma_wait3A_165 = tpu.memref_slice %arg3[%select_n3A, %dma_wait3A_163, %dma_wait3A_164] : memref<4000x2x80xi32, #tpu.memory_space<hbm>> -> memref<1x2x80xi32, #tpu.memory_space<hbm>>
        %dma_wait3A_166 = tpu.memref_squeeze %dma_wait3A_165 : memref<1x2x80xi32, #tpu.memory_space<hbm>> -> memref<2x80xi32, #tpu.memory_space<hbm>>
        tpu.wait_dma2 semaphore(%arg12 : memref<!tpu.dma_semaphore, #tpu.memory_space<semaphore_mem>>) src(%dma_wait3A_166 : memref<2x80xi32, #tpu.memory_space<hbm>>) dst(%arg10 : memref<2x80xi32, #tpu.memory_space<vmem>>)
        %dma_start3A_167 = arith.constant 0 : i32
        %dma_start3A_168 = arith.constant 0 : i32
        %dma_start3A_169 = tpu.memref_slice %arg10[%dma_start3A_167, %dma_start3A_168] : memref<2x80xi32, #tpu.memory_space<vmem>> -> memref<1x80xi32, #tpu.memory_space<vmem>>
        %dma_start3A_170 = tpu.memref_squeeze %dma_start3A_169 : memref<1x80xi32, #tpu.memory_space<vmem>> -> memref<80xi32, #tpu.memory_space<vmem>>
        %dma_start3A_171 = arith.constant 0 : i32
        %dma_start3A_172 = arith.constant 0 : i32
        %dma_start3A_173 = tpu.memref_slice %arg2[%dma_start3A_171, %dma_start3A_172] : memref<10000x80xf32, #tpu.memory_space<hbm>> -> memref<10000x80xf32, #tpu.memory_space<hbm>>
        tpu.enqueue_indirect_dma source(%dma_start3A_173 : memref<10000x80xf32, #tpu.memory_space<hbm>>) target(%run_scoped3A : memref<80x80xf32, #tpu.memory_space<vmem>>) offsets(%dma_start3A_170 : memref<80xi32, #tpu.memory_space<vmem>>) semaphore(%arg14 : memref<!tpu.dma_semaphore, #tpu.memory_space<semaphore_mem>>)
        %dma_wait3A_174 = arith.constant 1 : i32
        %dma_wait3A_175 = arith.constant 0 : i32
        %dma_wait3A_176 = tpu.memref_slice %arg11[%dma_wait3A_174, %dma_wait3A_175] : memref<2x80xi32, #tpu.memory_space<vmem>> -> memref<1x80xi32, #tpu.memory_space<vmem>>
        %dma_wait3A_177 = tpu.memref_squeeze %dma_wait3A_176 : memref<1x80xi32, #tpu.memory_space<vmem>> -> memref<80xi32, #tpu.memory_space<vmem>>
        %dma_wait3A_178 = arith.constant 0 : i32
        %dma_wait3A_179 = arith.constant 0 : i32
        %dma_wait3A_180 = tpu.memref_slice %arg8[%dma_wait3A_178, %dma_wait3A_179] : memref<10112x80xf32, #tpu.memory_space<vmem_shared>> -> memref<10112x80xf32, #tpu.memory_space<vmem_shared>>
        tpu.wait_indirect_dma semaphore(%arg17 : memref<!tpu.dma_semaphore, #tpu.memory_space<semaphore_mem>>) src(%run_scoped3A_22 : memref<80x80xf32, #tpu.memory_space<vmem>>) dst(%dma_wait3A_180 : memref<10112x80xf32, #tpu.memory_space<vmem_shared>>)
        %add3A_181 = arith.constant 3 : i32
        %add3A_182 = arith.addi %mul3A_81, %add3A_181 : i32
        %min3A_183 = arith.constant 124 : i32
        %min3A_184 = arith.minsi %add3A_182, %min3A_183 : i32
        %add3A_185 = arith.addi %select_n3A, %min3A_184 : i32
        %dma_start3A_186 = arith.constant 0 : i32
        %dma_start3A_187 = arith.constant 0 : i32
        %dma_start3A_188 = tpu.memref_slice %arg3[%add3A_185, %dma_start3A_186, %dma_start3A_187] : memref<4000x2x80xi32, #tpu.memory_space<hbm>> -> memref<1x2x80xi32, #tpu.memory_space<hbm>>
        %dma_start3A_189 = tpu.memref_squeeze %dma_start3A_188 : memref<1x2x80xi32, #tpu.memory_space<hbm>> -> memref<2x80xi32, #tpu.memory_space<hbm>>
        %dma_start3A_190 = arith.constant 0 : i32
        %dma_start3A_191 = arith.constant 0 : i32
        %dma_start3A_192 = tpu.memref_slice %arg3[%add3A_185, %dma_start3A_190, %dma_start3A_191] : memref<4000x2x80xi32, #tpu.memory_space<hbm>> -> memref<1x2x80xi32, #tpu.memory_space<hbm>>
        %dma_start3A_193 = tpu.memref_squeeze %dma_start3A_192 : memref<1x2x80xi32, #tpu.memory_space<hbm>> -> memref<2x80xi32, #tpu.memory_space<hbm>>
        tpu.enqueue_dma source(%dma_start3A_193 : memref<2x80xi32, #tpu.memory_space<hbm>>) target(%arg11 : memref<2x80xi32, #tpu.memory_space<vmem>>) target_semaphore(%arg13 : memref<!tpu.dma_semaphore, #tpu.memory_space<semaphore_mem>>)
      }
      %scan3A_44 = arith.constant 62 : i32
      %dma_wait3A = arith.constant 0 : i32
      %dma_wait3A_45 = arith.constant 0 : i32
      %dma_wait3A_46 = tpu.memref_slice %arg3[%select_n3A, %dma_wait3A, %dma_wait3A_45] : memref<4000x2x80xi32, #tpu.memory_space<hbm>> -> memref<1x2x80xi32, #tpu.memory_space<hbm>>
      %dma_wait3A_47 = tpu.memref_squeeze %dma_wait3A_46 : memref<1x2x80xi32, #tpu.memory_space<hbm>> -> memref<2x80xi32, #tpu.memory_space<hbm>>
      %dma_wait3A_48 = arith.constant 0 : i32
      %dma_wait3A_49 = arith.constant 0 : i32
      %dma_wait3A_50 = tpu.memref_slice %arg3[%select_n3A, %dma_wait3A_48, %dma_wait3A_49] : memref<4000x2x80xi32, #tpu.memory_space<hbm>> -> memref<1x2x80xi32, #tpu.memory_space<hbm>>
      %dma_wait3A_51 = tpu.memref_squeeze %dma_wait3A_50 : memref<1x2x80xi32, #tpu.memory_space<hbm>> -> memref<2x80xi32, #tpu.memory_space<hbm>>
      tpu.wait_dma2 semaphore(%arg13 : memref<!tpu.dma_semaphore, #tpu.memory_space<semaphore_mem>>) src(%dma_wait3A_51 : memref<2x80xi32, #tpu.memory_space<hbm>>) dst(%arg11 : memref<2x80xi32, #tpu.memory_space<vmem>>)
      %dma_wait3A_52 = arith.constant 0 : i32
      %dma_wait3A_53 = arith.constant 0 : i32
      %dma_wait3A_54 = tpu.memref_slice %arg10[%dma_wait3A_52, %dma_wait3A_53] : memref<2x80xi32, #tpu.memory_space<vmem>> -> memref<1x80xi32, #tpu.memory_space<vmem>>
      %dma_wait3A_55 = tpu.memref_squeeze %dma_wait3A_54 : memref<1x80xi32, #tpu.memory_space<vmem>> -> memref<80xi32, #tpu.memory_space<vmem>>
      %dma_wait3A_56 = arith.constant 0 : i32
      %dma_wait3A_57 = arith.constant 0 : i32
      %dma_wait3A_58 = tpu.memref_slice %arg2[%dma_wait3A_56, %dma_wait3A_57] : memref<10000x80xf32, #tpu.memory_space<hbm>> -> memref<10000x80xf32, #tpu.memory_space<hbm>>
      tpu.wait_indirect_dma semaphore(%arg14 : memref<!tpu.dma_semaphore, #tpu.memory_space<semaphore_mem>>) src(%dma_wait3A_58 : memref<10000x80xf32, #tpu.memory_space<hbm>>) dst(%run_scoped3A : memref<80x80xf32, #tpu.memory_space<vmem>>)
      %scan3A_59 = arith.constant 0 : i32
      %scan3A_60 = arith.constant 0 : i32
      %scan3A_61 = arith.constant 80 : i32
      %scan3A_62 = arith.addi %scan3A_60, %scan3A_61 : i32
      %scan3A_63 = arith.constant 4 : i32
      scf.for %scan3A_79 = %scan3A_60 to %scan3A_62 step %scan3A_63  : i32 {
        %add3A_80 = arith.constant 9920 : i32
        %add3A_81 = arith.addi %add3A_80, %scan3A_79 : i32
        %broadcast_in_dim3A = vector.broadcast %add3A_81 : i32 to vector<16xi32>
        %gather3A = tpu.vector_load_idx %arg9[%broadcast_in_dim3A] : memref<10000xf32, #tpu.memory_space<vmem>>[vector<16xi32>], vector<16xf32>,
        %get3A = arith.index_cast %scan3A_79 : i32 to index
        %get3A_82 = arith.constant 0 : index
        %get3A_83 = tpu.vector_load %run_scoped3A[%get3A, %get3A_82] {strides = array<i32>} : memref<80x80xf32, #tpu.memory_space<vmem>>, vector<16xf32>,
        %get3A_84 = arith.index_cast %scan3A_79 : i32 to index
        %get3A_85 = arith.constant 16 : index
        %get3A_86 = tpu.vector_load %run_scoped3A[%get3A_84, %get3A_85] {strides = array<i32>} : memref<80x80xf32, #tpu.memory_space<vmem>>, vector<16xf32>,
        %get3A_87 = arith.index_cast %scan3A_79 : i32 to index
        %get3A_88 = arith.constant 32 : index
        %get3A_89 = tpu.vector_load %run_scoped3A[%get3A_87, %get3A_88] {strides = array<i32>} : memref<80x80xf32, #tpu.memory_space<vmem>>, vector<16xf32>,
        %get3A_90 = arith.index_cast %scan3A_79 : i32 to index
        %get3A_91 = arith.constant 48 : index
        %get3A_92 = tpu.vector_load %run_scoped3A[%get3A_90, %get3A_91] {strides = array<i32>} : memref<80x80xf32, #tpu.memory_space<vmem>>, vector<16xf32>,
        %get3A_93 = arith.index_cast %scan3A_79 : i32 to index
        %get3A_94 = arith.constant 64 : index
        %get3A_95 = tpu.vector_load %run_scoped3A[%get3A_93, %get3A_94] {strides = array<i32>} : memref<80x80xf32, #tpu.memory_space<vmem>>, vector<16xf32>,
        %mul3A_96 = arith.mulf %get3A_83, %gather3A : vector<16xf32>
        %mul3A_97 = arith.mulf %get3A_86, %gather3A : vector<16xf32>
        %mul3A_98 = arith.mulf %get3A_89, %gather3A : vector<16xf32>
        %mul3A_99 = arith.mulf %get3A_92, %gather3A : vector<16xf32>
        %mul3A_100 = arith.mulf %get3A_95, %gather3A : vector<16xf32>
        %swap3A = arith.index_cast %scan3A_79 : i32 to index
        %swap3A_101 = arith.constant 0 : index
        %swap3A_102 = tpu.vector_load %run_scoped3A[%swap3A, %swap3A_101] {strides = array<i32>} : memref<80x80xf32, #tpu.memory_space<vmem>>, vector<16xf32>,
        tpu.vector_store %run_scoped3A[%swap3A, %swap3A_101], %mul3A_96 {strides = array<i32>} : memref<80x80xf32, #tpu.memory_space<vmem>>, vector<16xf32>,
        %swap3A_103 = arith.index_cast %scan3A_79 : i32 to index
        %swap3A_104 = arith.constant 16 : index
        %swap3A_105 = tpu.vector_load %run_scoped3A[%swap3A_103, %swap3A_104] {strides = array<i32>} : memref<80x80xf32, #tpu.memory_space<vmem>>, vector<16xf32>,
        tpu.vector_store %run_scoped3A[%swap3A_103, %swap3A_104], %mul3A_97 {strides = array<i32>} : memref<80x80xf32, #tpu.memory_space<vmem>>, vector<16xf32>,
        %swap3A_106 = arith.index_cast %scan3A_79 : i32 to index
        %swap3A_107 = arith.constant 32 : index
        %swap3A_108 = tpu.vector_load %run_scoped3A[%swap3A_106, %swap3A_107] {strides = array<i32>} : memref<80x80xf32, #tpu.memory_space<vmem>>, vector<16xf32>,
        tpu.vector_store %run_scoped3A[%swap3A_106, %swap3A_107], %mul3A_98 {strides = array<i32>} : memref<80x80xf32, #tpu.memory_space<vmem>>, vector<16xf32>,
        %swap3A_109 = arith.index_cast %scan3A_79 : i32 to index
        %swap3A_110 = arith.constant 48 : index
        %swap3A_111 = tpu.vector_load %run_scoped3A[%swap3A_109, %swap3A_110] {strides = array<i32>} : memref<80x80xf32, #tpu.memory_space<vmem>>, vector<16xf32>,
        tpu.vector_store %run_scoped3A[%swap3A_109, %swap3A_110], %mul3A_99 {strides = array<i32>} : memref<80x80xf32, #tpu.memory_space<vmem>>, vector<16xf32>,
        %swap3A_112 = arith.index_cast %scan3A_79 : i32 to index
        %swap3A_113 = arith.constant 64 : index
        %swap3A_114 = tpu.vector_load %run_scoped3A[%swap3A_112, %swap3A_113] {strides = array<i32>} : memref<80x80xf32, #tpu.memory_space<vmem>>, vector<16xf32>,
        tpu.vector_store %run_scoped3A[%swap3A_112, %swap3A_113], %mul3A_100 {strides = array<i32>} : memref<80x80xf32, #tpu.memory_space<vmem>>, vector<16xf32>,
        %scan3A_115 = arith.constant 1 : i32
        %scan3A_116 = arith.addi %scan3A_79, %scan3A_115 : i32
        %add3A_117 = arith.constant 9920 : i32
        %add3A_118 = arith.addi %add3A_117, %scan3A_116 : i32
        %broadcast_in_dim3A_119 = vector.broadcast %add3A_118 : i32 to vector<16xi32>
        %gather3A_120 = tpu.vector_load_idx %arg9[%broadcast_in_dim3A_119] : memref<10000xf32, #tpu.memory_space<vmem>>[vector<16xi32>], vector<16xf32>,
        %get3A_121 = arith.index_cast %scan3A_116 : i32 to index
        %get3A_122 = arith.constant 0 : index
        %get3A_123 = tpu.vector_load %run_scoped3A[%get3A_121, %get3A_122] {strides = array<i32>} : memref<80x80xf32, #tpu.memory_space<vmem>>, vector<16xf32>,
        %get3A_124 = arith.index_cast %scan3A_116 : i32 to index
        %get3A_125 = arith.constant 16 : index
        %get3A_126 = tpu.vector_load %run_scoped3A[%get3A_124, %get3A_125] {strides = array<i32>} : memref<80x80xf32, #tpu.memory_space<vmem>>, vector<16xf32>,
        %get3A_127 = arith.index_cast %scan3A_116 : i32 to index
        %get3A_128 = arith.constant 32 : index
        %get3A_129 = tpu.vector_load %run_scoped3A[%get3A_127, %get3A_128] {strides = array<i32>} : memref<80x80xf32, #tpu.memory_space<vmem>>, vector<16xf32>,
        %get3A_130 = arith.index_cast %scan3A_116 : i32 to index
        %get3A_131 = arith.constant 48 : index
        %get3A_132 = tpu.vector_load %run_scoped3A[%get3A_130, %get3A_131] {strides = array<i32>} : memref<80x80xf32, #tpu.memory_space<vmem>>, vector<16xf32>,
        %get3A_133 = arith.index_cast %scan3A_116 : i32 to index
        %get3A_134 = arith.constant 64 : index
        %get3A_135 = tpu.vector_load %run_scoped3A[%get3A_133, %get3A_134] {strides = array<i32>} : memref<80x80xf32, #tpu.memory_space<vmem>>, vector<16xf32>,
        %mul3A_136 = arith.mulf %get3A_123, %gather3A_120 : vector<16xf32>
        %mul3A_137 = arith.mulf %get3A_126, %gather3A_120 : vector<16xf32>
        %mul3A_138 = arith.mulf %get3A_129, %gather3A_120 : vector<16xf32>
        %mul3A_139 = arith.mulf %get3A_132, %gather3A_120 : vector<16xf32>
        %mul3A_140 = arith.mulf %get3A_135, %gather3A_120 : vector<16xf32>
        %swap3A_141 = arith.index_cast %scan3A_116 : i32 to index
        %swap3A_142 = arith.constant 0 : index
        %swap3A_143 = tpu.vector_load %run_scoped3A[%swap3A_141, %swap3A_142] {strides = array<i32>} : memref<80x80xf32, #tpu.memory_space<vmem>>, vector<16xf32>,
        tpu.vector_store %run_scoped3A[%swap3A_141, %swap3A_142], %mul3A_136 {strides = array<i32>} : memref<80x80xf32, #tpu.memory_space<vmem>>, vector<16xf32>,
        %swap3A_144 = arith.index_cast %scan3A_116 : i32 to index
        %swap3A_145 = arith.constant 16 : index
        %swap3A_146 = tpu.vector_load %run_scoped3A[%swap3A_144, %swap3A_145] {strides = array<i32>} : memref<80x80xf32, #tpu.memory_space<vmem>>, vector<16xf32>,
        tpu.vector_store %run_scoped3A[%swap3A_144, %swap3A_145], %mul3A_137 {strides = array<i32>} : memref<80x80xf32, #tpu.memory_space<vmem>>, vector<16xf32>,
        %swap3A_147 = arith.index_cast %scan3A_116 : i32 to index
        %swap3A_148 = arith.constant 32 : index
        %swap3A_149 = tpu.vector_load %run_scoped3A[%swap3A_147, %swap3A_148] {strides = array<i32>} : memref<80x80xf32, #tpu.memory_space<vmem>>, vector<16xf32>,
        tpu.vector_store %run_scoped3A[%swap3A_147, %swap3A_148], %mul3A_138 {strides = array<i32>} : memref<80x80xf32, #tpu.memory_space<vmem>>, vector<16xf32>,
        %swap3A_150 = arith.index_cast %scan3A_116 : i32 to index
        %swap3A_151 = arith.constant 48 : index
        %swap3A_152 = tpu.vector_load %run_scoped3A[%swap3A_150, %swap3A_151] {strides = array<i32>} : memref<80x80xf32, #tpu.memory_space<vmem>>, vector<16xf32>,
        tpu.vector_store %run_scoped3A[%swap3A_150, %swap3A_151], %mul3A_139 {strides = array<i32>} : memref<80x80xf32, #tpu.memory_space<vmem>>, vector<16xf32>,
        %swap3A_153 = arith.index_cast %scan3A_116 : i32 to index
        %swap3A_154 = arith.constant 64 : index
        %swap3A_155 = tpu.vector_load %run_scoped3A[%swap3A_153, %swap3A_154] {strides = array<i32>} : memref<80x80xf32, #tpu.memory_space<vmem>>, vector<16xf32>,
        tpu.vector_store %run_scoped3A[%swap3A_153, %swap3A_154], %mul3A_140 {strides = array<i32>} : memref<80x80xf32, #tpu.memory_space<vmem>>, vector<16xf32>,
        %scan3A_156 = arith.constant 2 : i32
        %scan3A_157 = arith.addi %scan3A_79, %scan3A_156 : i32
        %add3A_158 = arith.constant 9920 : i32
        %add3A_159 = arith.addi %add3A_158, %scan3A_157 : i32
        %broadcast_in_dim3A_160 = vector.broadcast %add3A_159 : i32 to vector<16xi32>
        %gather3A_161 = tpu.vector_load_idx %arg9[%broadcast_in_dim3A_160] : memref<10000xf32, #tpu.memory_space<vmem>>[vector<16xi32>], vector<16xf32>,
        %get3A_162 = arith.index_cast %scan3A_157 : i32 to index
        %get3A_163 = arith.constant 0 : index
        %get3A_164 = tpu.vector_load %run_scoped3A[%get3A_162, %get3A_163] {strides = array<i32>} : memref<80x80xf32, #tpu.memory_space<vmem>>, vector<16xf32>,
        %get3A_165 = arith.index_cast %scan3A_157 : i32 to index
        %get3A_166 = arith.constant 16 : index
        %get3A_167 = tpu.vector_load %run_scoped3A[%get3A_165, %get3A_166] {strides = array<i32>} : memref<80x80xf32, #tpu.memory_space<vmem>>, vector<16xf32>,
        %get3A_168 = arith.index_cast %scan3A_157 : i32 to index
        %get3A_169 = arith.constant 32 : index
        %get3A_170 = tpu.vector_load %run_scoped3A[%get3A_168, %get3A_169] {strides = array<i32>} : memref<80x80xf32, #tpu.memory_space<vmem>>, vector<16xf32>,
        %get3A_171 = arith.index_cast %scan3A_157 : i32 to index
        %get3A_172 = arith.constant 48 : index
        %get3A_173 = tpu.vector_load %run_scoped3A[%get3A_171, %get3A_172] {strides = array<i32>} : memref<80x80xf32, #tpu.memory_space<vmem>>, vector<16xf32>,
        %get3A_174 = arith.index_cast %scan3A_157 : i32 to index
        %get3A_175 = arith.constant 64 : index
        %get3A_176 = tpu.vector_load %run_scoped3A[%get3A_174, %get3A_175] {strides = array<i32>} : memref<80x80xf32, #tpu.memory_space<vmem>>, vector<16xf32>,
        %mul3A_177 = arith.mulf %get3A_164, %gather3A_161 : vector<16xf32>
        %mul3A_178 = arith.mulf %get3A_167, %gather3A_161 : vector<16xf32>
        %mul3A_179 = arith.mulf %get3A_170, %gather3A_161 : vector<16xf32>
        %mul3A_180 = arith.mulf %get3A_173, %gather3A_161 : vector<16xf32>
        %mul3A_181 = arith.mulf %get3A_176, %gather3A_161 : vector<16xf32>
        %swap3A_182 = arith.index_cast %scan3A_157 : i32 to index
        %swap3A_183 = arith.constant 0 : index
        %swap3A_184 = tpu.vector_load %run_scoped3A[%swap3A_182, %swap3A_183] {strides = array<i32>} : memref<80x80xf32, #tpu.memory_space<vmem>>, vector<16xf32>,
        tpu.vector_store %run_scoped3A[%swap3A_182, %swap3A_183], %mul3A_177 {strides = array<i32>} : memref<80x80xf32, #tpu.memory_space<vmem>>, vector<16xf32>,
        %swap3A_185 = arith.index_cast %scan3A_157 : i32 to index
        %swap3A_186 = arith.constant 16 : index
        %swap3A_187 = tpu.vector_load %run_scoped3A[%swap3A_185, %swap3A_186] {strides = array<i32>} : memref<80x80xf32, #tpu.memory_space<vmem>>, vector<16xf32>,
        tpu.vector_store %run_scoped3A[%swap3A_185, %swap3A_186], %mul3A_178 {strides = array<i32>} : memref<80x80xf32, #tpu.memory_space<vmem>>, vector<16xf32>,
        %swap3A_188 = arith.index_cast %scan3A_157 : i32 to index
        %swap3A_189 = arith.constant 32 : index
        %swap3A_190 = tpu.vector_load %run_scoped3A[%swap3A_188, %swap3A_189] {strides = array<i32>} : memref<80x80xf32, #tpu.memory_space<vmem>>, vector<16xf32>,
        tpu.vector_store %run_scoped3A[%swap3A_188, %swap3A_189], %mul3A_179 {strides = array<i32>} : memref<80x80xf32, #tpu.memory_space<vmem>>, vector<16xf32>,
        %swap3A_191 = arith.index_cast %scan3A_157 : i32 to index
        %swap3A_192 = arith.constant 48 : index
        %swap3A_193 = tpu.vector_load %run_scoped3A[%swap3A_191, %swap3A_192] {strides = array<i32>} : memref<80x80xf32, #tpu.memory_space<vmem>>, vector<16xf32>,
        tpu.vector_store %run_scoped3A[%swap3A_191, %swap3A_192], %mul3A_180 {strides = array<i32>} : memref<80x80xf32, #tpu.memory_space<vmem>>, vector<16xf32>,
        %swap3A_194 = arith.index_cast %scan3A_157 : i32 to index
        %swap3A_195 = arith.constant 64 : index
        %swap3A_196 = tpu.vector_load %run_scoped3A[%swap3A_194, %swap3A_195] {strides = array<i32>} : memref<80x80xf32, #tpu.memory_space<vmem>>, vector<16xf32>,
        tpu.vector_store %run_scoped3A[%swap3A_194, %swap3A_195], %mul3A_181 {strides = array<i32>} : memref<80x80xf32, #tpu.memory_space<vmem>>, vector<16xf32>,
        %scan3A_197 = arith.constant 3 : i32
        %scan3A_198 = arith.addi %scan3A_79, %scan3A_197 : i32
        %add3A_199 = arith.constant 9920 : i32
        %add3A_200 = arith.addi %add3A_199, %scan3A_198 : i32
        %broadcast_in_dim3A_201 = vector.broadcast %add3A_200 : i32 to vector<16xi32>
        %gather3A_202 = tpu.vector_load_idx %arg9[%broadcast_in_dim3A_201] : memref<10000xf32, #tpu.memory_space<vmem>>[vector<16xi32>], vector<16xf32>,
        %get3A_203 = arith.index_cast %scan3A_198 : i32 to index
        %get3A_204 = arith.constant 0 : index
        %get3A_205 = tpu.vector_load %run_scoped3A[%get3A_203, %get3A_204] {strides = array<i32>} : memref<80x80xf32, #tpu.memory_space<vmem>>, vector<16xf32>,
        %get3A_206 = arith.index_cast %scan3A_198 : i32 to index
        %get3A_207 = arith.constant 16 : index
        %get3A_208 = tpu.vector_load %run_scoped3A[%get3A_206, %get3A_207] {strides = array<i32>} : memref<80x80xf32, #tpu.memory_space<vmem>>, vector<16xf32>,
        %get3A_209 = arith.index_cast %scan3A_198 : i32 to index
        %get3A_210 = arith.constant 32 : index
        %get3A_211 = tpu.vector_load %run_scoped3A[%get3A_209, %get3A_210] {strides = array<i32>} : memref<80x80xf32, #tpu.memory_space<vmem>>, vector<16xf32>,
        %get3A_212 = arith.index_cast %scan3A_198 : i32 to index
        %get3A_213 = arith.constant 48 : index
        %get3A_214 = tpu.vector_load %run_scoped3A[%get3A_212, %get3A_213] {strides = array<i32>} : memref<80x80xf32, #tpu.memory_space<vmem>>, vector<16xf32>,
        %get3A_215 = arith.index_cast %scan3A_198 : i32 to index
        %get3A_216 = arith.constant 64 : index
        %get3A_217 = tpu.vector_load %run_scoped3A[%get3A_215, %get3A_216] {strides = array<i32>} : memref<80x80xf32, #tpu.memory_space<vmem>>, vector<16xf32>,
        %mul3A_218 = arith.mulf %get3A_205, %gather3A_202 : vector<16xf32>
        %mul3A_219 = arith.mulf %get3A_208, %gather3A_202 : vector<16xf32>
        %mul3A_220 = arith.mulf %get3A_211, %gather3A_202 : vector<16xf32>
        %mul3A_221 = arith.mulf %get3A_214, %gather3A_202 : vector<16xf32>
        %mul3A_222 = arith.mulf %get3A_217, %gather3A_202 : vector<16xf32>
        %swap3A_223 = arith.index_cast %scan3A_198 : i32 to index
        %swap3A_224 = arith.constant 0 : index
        %swap3A_225 = tpu.vector_load %run_scoped3A[%swap3A_223, %swap3A_224] {strides = array<i32>} : memref<80x80xf32, #tpu.memory_space<vmem>>, vector<16xf32>,
        tpu.vector_store %run_scoped3A[%swap3A_223, %swap3A_224], %mul3A_218 {strides = array<i32>} : memref<80x80xf32, #tpu.memory_space<vmem>>, vector<16xf32>,
        %swap3A_226 = arith.index_cast %scan3A_198 : i32 to index
        %swap3A_227 = arith.constant 16 : index
        %swap3A_228 = tpu.vector_load %run_scoped3A[%swap3A_226, %swap3A_227] {strides = array<i32>} : memref<80x80xf32, #tpu.memory_space<vmem>>, vector<16xf32>,
        tpu.vector_store %run_scoped3A[%swap3A_226, %swap3A_227], %mul3A_219 {strides = array<i32>} : memref<80x80xf32, #tpu.memory_space<vmem>>, vector<16xf32>,
        %swap3A_229 = arith.index_cast %scan3A_198 : i32 to index
        %swap3A_230 = arith.constant 32 : index
        %swap3A_231 = tpu.vector_load %run_scoped3A[%swap3A_229, %swap3A_230] {strides = array<i32>} : memref<80x80xf32, #tpu.memory_space<vmem>>, vector<16xf32>,
        tpu.vector_store %run_scoped3A[%swap3A_229, %swap3A_230], %mul3A_220 {strides = array<i32>} : memref<80x80xf32, #tpu.memory_space<vmem>>, vector<16xf32>,
        %swap3A_232 = arith.index_cast %scan3A_198 : i32 to index
        %swap3A_233 = arith.constant 48 : index
        %swap3A_234 = tpu.vector_load %run_scoped3A[%swap3A_232, %swap3A_233] {strides = array<i32>} : memref<80x80xf32, #tpu.memory_space<vmem>>, vector<16xf32>,
        tpu.vector_store %run_scoped3A[%swap3A_232, %swap3A_233], %mul3A_221 {strides = array<i32>} : memref<80x80xf32, #tpu.memory_space<vmem>>, vector<16xf32>,
        %swap3A_235 = arith.index_cast %scan3A_198 : i32 to index
        %swap3A_236 = arith.constant 64 : index
        %swap3A_237 = tpu.vector_load %run_scoped3A[%swap3A_235, %swap3A_236] {strides = array<i32>} : memref<80x80xf32, #tpu.memory_space<vmem>>, vector<16xf32>,
        tpu.vector_store %run_scoped3A[%swap3A_235, %swap3A_236], %mul3A_222 {strides = array<i32>} : memref<80x80xf32, #tpu.memory_space<vmem>>, vector<16xf32>,
      }
      %scan3A_64 = arith.constant 80 : i32
      %dma_start3A_65 = arith.constant 1 : i32
      %dma_start3A_66 = arith.constant 0 : i32
      %dma_start3A_67 = tpu.memref_slice %arg10[%dma_start3A_65, %dma_start3A_66] : memref<2x80xi32, #tpu.memory_space<vmem>> -> memref<1x80xi32, #tpu.memory_space<vmem>>
      %dma_start3A_68 = tpu.memref_squeeze %dma_start3A_67 : memref<1x80xi32, #tpu.memory_space<vmem>> -> memref<80xi32, #tpu.memory_space<vmem>>
      %dma_start3A_69 = arith.constant 0 : i32
      %dma_start3A_70 = arith.constant 0 : i32
      %dma_start3A_71 = tpu.memref_slice %arg8[%dma_start3A_69, %dma_start3A_70] : memref<10112x80xf32, #tpu.memory_space<vmem_shared>> -> memref<10112x80xf32, #tpu.memory_space<vmem_shared>>
      tpu.enqueue_indirect_dma source(%run_scoped3A : memref<80x80xf32, #tpu.memory_space<vmem>>) target(%dma_start3A_71 : memref<10112x80xf32, #tpu.memory_space<vmem_shared>>) offsets(%dma_start3A_68 : memref<80xi32, #tpu.memory_space<vmem>>) semaphore(%arg16 : memref<!tpu.dma_semaphore, #tpu.memory_space<semaphore_mem>>) {add = true}
      %dma_wait3A_72 = arith.constant 1 : i32
      %dma_wait3A_73 = arith.constant 0 : i32
      %dma_wait3A_74 = tpu.memref_slice %arg10[%dma_wait3A_72, %dma_wait3A_73] : memref<2x80xi32, #tpu.memory_space<vmem>> -> memref<1x80xi32, #tpu.memory_space<vmem>>
      %dma_wait3A_75 = tpu.memref_squeeze %dma_wait3A_74 : memref<1x80xi32, #tpu.memory_space<vmem>> -> memref<80xi32, #tpu.memory_space<vmem>>
      %dma_wait3A_76 = arith.constant 0 : i32
      %dma_wait3A_77 = arith.constant 0 : i32
      %dma_wait3A_78 = tpu.memref_slice %arg8[%dma_wait3A_76, %dma_wait3A_77] : memref<10112x80xf32, #tpu.memory_space<vmem_shared>> -> memref<10112x80xf32, #tpu.memory_space<vmem_shared>>
      tpu.wait_indirect_dma semaphore(%arg16 : memref<!tpu.dma_semaphore, #tpu.memory_space<semaphore_mem>>) src(%run_scoped3A : memref<80x80xf32, #tpu.memory_space<vmem>>) dst(%dma_wait3A_78 : memref<10112x80xf32, #tpu.memory_space<vmem_shared>>)
      tpu.yield
    }) : () -> ()
    %barrier3A_21 = arith.constant 0 : index
    tpu.barrier barrier_id(%barrier3A_21)
    "tpu.region"() ({
      %run_scoped3A = tpu.sem_alloc : memref<!tpu.dma_semaphore, #tpu.memory_space<semaphore_mem>>
      %dma_start3A = arith.constant 0 : i32
      %dma_start3A_22 = tpu.memref_slice %arg7[%arg0, %mul3A_0, %dma_start3A] : memref<2x10112x80xf32, #tpu.memory_space<hbm>> -> memref<1x632x80xf32, #tpu.memory_space<hbm>>
      %dma_start3A_23 = tpu.memref_squeeze %dma_start3A_22 : memref<1x632x80xf32, #tpu.memory_space<hbm>> -> memref<632x80xf32, #tpu.memory_space<hbm>>
      %dma_start3A_24 = arith.constant 0 : i32
      %dma_start3A_25 = tpu.memref_slice %arg8[%mul3A_0, %dma_start3A_24] : memref<10112x80xf32, #tpu.memory_space<vmem_shared>> -> memref<632x80xf32, #tpu.memory_space<vmem_shared>>
      tpu.enqueue_dma source(%dma_start3A_25 : memref<632x80xf32, #tpu.memory_space<vmem_shared>>) target(%dma_start3A_23 : memref<632x80xf32, #tpu.memory_space<hbm>>) target_semaphore(%run_scoped3A : memref<!tpu.dma_semaphore, #tpu.memory_space<semaphore_mem>>)
      %dma_wait3A = arith.constant 0 : i32
      %dma_wait3A_26 = tpu.memref_slice %arg7[%arg0, %mul3A_0, %dma_wait3A] : memref<2x10112x80xf32, #tpu.memory_space<hbm>> -> memref<1x632x80xf32, #tpu.memory_space<hbm>>
      %dma_wait3A_27 = tpu.memref_squeeze %dma_wait3A_26 : memref<1x632x80xf32, #tpu.memory_space<hbm>> -> memref<632x80xf32, #tpu.memory_space<hbm>>
      %dma_wait3A_28 = arith.constant 0 : i32
      %dma_wait3A_29 = tpu.memref_slice %arg8[%mul3A_0, %dma_wait3A_28] : memref<10112x80xf32, #tpu.memory_space<vmem_shared>> -> memref<632x80xf32, #tpu.memory_space<vmem_shared>>
      tpu.wait_dma2 semaphore(%run_scoped3A : memref<!tpu.dma_semaphore, #tpu.memory_space<semaphore_mem>>) src(%dma_wait3A_29 : memref<632x80xf32, #tpu.memory_space<vmem_shared>>) dst(%dma_wait3A_27 : memref<632x80xf32, #tpu.memory_space<hbm>>)
      tpu.yield
    }) : () -> ()
    return
  }
}

#map = affine_map<(d0, d1) -> (0, 0)>
#map1 = affine_map<(d0, d1) -> (0, 0, 0)>
#map2 = affine_map<(d0, d1) -> (0)>
module attributes {stable_mosaic.version = 14 : i64} {
  func.func @k(%arg0: i32, %arg1: i32, %arg2: memref<10000x144xf32, #tpu.memory_space<hbm>>, %arg3: memref<4000x2x80xi32, #tpu.memory_space<hbm>>, %arg4: memref<10000xf32, #tpu.memory_space<hbm>>, %arg5: memref<10000xf32, #tpu.memory_space<hbm>>, %arg6: memref<10112x144xf32, #tpu.memory_space<hbm>>, %arg7: memref<2x10112x144xf32, #tpu.memory_space<hbm>>, %arg8: memref<10112x144xf32, #tpu.memory_space<vmem_shared>>, %arg9: memref<10000xf32, #tpu.memory_space<vmem>>, %arg10: memref<2x80xi32, #tpu.memory_space<vmem>>, %arg11: memref<2x80xi32, #tpu.memory_space<vmem>>, %arg12: memref<!tpu.dma_semaphore, #tpu.memory_space<semaphore_mem>>, %arg13: memref<!tpu.dma_semaphore, #tpu.memory_space<semaphore_mem>>, %arg14: memref<!tpu.dma_semaphore, #tpu.memory_space<semaphore_mem>>, %arg15: memref<!tpu.dma_semaphore, #tpu.memory_space<semaphore_mem>>, %arg16: memref<!tpu.dma_semaphore, #tpu.memory_space<semaphore_mem>>, %arg17: memref<!tpu.dma_semaphore, #tpu.memory_space<semaphore_mem>>) attributes {dimension_semantics = [#tpu.dimension_semantics<core_parallel>, #tpu.dimension_semantics<subcore_parallel>], iteration_bounds = array<i64: 2, 16>, scalar_prefetch = 0 : i64, scratch_operands = 10 : i64, tpu.core_type = #tpu.core_type<sc_vector_subcore>, window_params = [{transform_indices = #map}, {transform_indices = #map1}, {transform_indices = #map2}, {transform_indices = #map2}, {transform_indices = #map}, {transform_indices = #map1}]} {
    %mul3A = arith.constant 632 : i32
    %mul3A_0 = arith.muli %arg1, %mul3A : i32
    "tpu.region"() ({
      %run_scoped3A = tpu.sem_alloc : memref<!tpu.dma_semaphore, #tpu.memory_space<semaphore_mem>>
      %dma_start3A = arith.constant 0 : i32
      %dma_start3A_22 = tpu.memref_slice %arg8[%mul3A_0, %dma_start3A] : memref<10112x144xf32, #tpu.memory_space<vmem_shared>> -> memref<632x144xf32, #tpu.memory_space<vmem_shared>>
      %dma_start3A_23 = arith.constant 0 : i32
      %dma_start3A_24 = tpu.memref_slice %arg6[%mul3A_0, %dma_start3A_23] : memref<10112x144xf32, #tpu.memory_space<hbm>> -> memref<632x144xf32, #tpu.memory_space<hbm>>
      tpu.enqueue_dma source(%dma_start3A_24 : memref<632x144xf32, #tpu.memory_space<hbm>>) target(%dma_start3A_22 : memref<632x144xf32, #tpu.memory_space<vmem_shared>>) target_semaphore(%run_scoped3A : memref<!tpu.dma_semaphore, #tpu.memory_space<semaphore_mem>>)
      %dma_wait3A = arith.constant 0 : i32
      %dma_wait3A_25 = tpu.memref_slice %arg8[%mul3A_0, %dma_wait3A] : memref<10112x144xf32, #tpu.memory_space<vmem_shared>> -> memref<632x144xf32, #tpu.memory_space<vmem_shared>>
      %dma_wait3A_26 = arith.constant 0 : i32
      %dma_wait3A_27 = tpu.memref_slice %arg6[%mul3A_0, %dma_wait3A_26] : memref<10112x144xf32, #tpu.memory_space<hbm>> -> memref<632x144xf32, #tpu.memory_space<hbm>>
      tpu.wait_dma2 semaphore(%run_scoped3A : memref<!tpu.dma_semaphore, #tpu.memory_space<semaphore_mem>>) src(%dma_wait3A_27 : memref<632x144xf32, #tpu.memory_space<hbm>>) dst(%dma_wait3A_25 : memref<632x144xf32, #tpu.memory_space<vmem_shared>>)
      tpu.yield
    }) : () -> ()
    %barrier3A = arith.constant 0 : index
    tpu.barrier barrier_id(%barrier3A)
    %mul3A_1 = arith.constant 160000 : i32
    %mul3A_2 = arith.muli %arg0, %mul3A_1 : i32
    %mul3A_3 = arith.constant 10000 : i32
    %mul3A_4 = arith.muli %arg1, %mul3A_3 : i32
    %add3A = arith.addi %mul3A_2, %mul3A_4 : i32
    %jit3A = arith.constant 80 : i32
    %div3A = arith.divsi %add3A, %jit3A : i32
    %sign3A = arith.constant 0 : i32
    %sign3A_5 = arith.cmpi sgt, %add3A, %sign3A : i32
    %sign3A_6 = arith.extui %sign3A_5 : i1 to i32
    %sign3A_7 = arith.constant 0 : i32
    %sign3A_8 = arith.cmpi slt, %add3A, %sign3A_7 : i32
    %sign3A_9 = arith.extui %sign3A_8 : i1 to i32
    %sign3A_10 = arith.subi %sign3A_6, %sign3A_9 : i32
    %sign3A_11 = arith.constant 0 : i32
    %sign3A_12 = arith.cmpi sgt, %jit3A, %sign3A_11 : i32
    %sign3A_13 = arith.extui %sign3A_12 : i1 to i32
    %sign3A_14 = arith.constant 0 : i32
    %sign3A_15 = arith.cmpi slt, %jit3A, %sign3A_14 : i32
    %sign3A_16 = arith.extui %sign3A_15 : i1 to i32
    %sign3A_17 = arith.subi %sign3A_13, %sign3A_16 : i32
    %ne3A = arith.cmpi ne, %sign3A_10, %sign3A_17 : i32
    %rem3A = arith.remsi %add3A, %jit3A : i32
    %ne3A_18 = arith.constant 0 : i32
    %ne3A_19 = arith.cmpi ne, %rem3A, %ne3A_18 : i32
    %and3A = arith.andi %ne3A, %ne3A_19 : i1
    %sub3A = arith.constant 1 : i32
    %sub3A_20 = arith.subi %div3A, %sub3A : i32
    %select_n3A = arith.select %and3A, %sub3A_20, %div3A : i32
    "tpu.region"() ({
      %run_scoped3A = memref.alloca() : memref<10000xf32, #tpu.memory_space<vmem>>
      %run_scoped3A_22 = memref.alloca() : memref<10000xf32, #tpu.memory_space<vmem>>
      %run_scoped3A_23 = memref.alloca() : memref<25x2x80xi32, #tpu.memory_space<vmem>>
      %run_scoped3A_24 = memref.alloca() : memref<25x2x80xi32, #tpu.memory_space<vmem>>
      "tpu.region"() ({
        %run_scoped3A_108 = tpu.sem_alloc : memref<!tpu.dma_semaphore, #tpu.memory_space<semaphore_mem>>
        tpu.enqueue_dma source(%arg4 : memref<10000xf32, #tpu.memory_space<hbm>>) target(%run_scoped3A : memref<10000xf32, #tpu.memory_space<vmem>>) target_semaphore(%run_scoped3A_108 : memref<!tpu.dma_semaphore, #tpu.memory_space<semaphore_mem>>)
        tpu.wait_dma2 semaphore(%run_scoped3A_108 : memref<!tpu.dma_semaphore, #tpu.memory_space<semaphore_mem>>) src(%arg4 : memref<10000xf32, #tpu.memory_space<hbm>>) dst(%run_scoped3A : memref<10000xf32, #tpu.memory_space<vmem>>)
        tpu.yield
      }) : () -> ()
      "tpu.region"() ({
        %run_scoped3A_108 = tpu.sem_alloc : memref<!tpu.dma_semaphore, #tpu.memory_space<semaphore_mem>>
        tpu.enqueue_dma source(%arg5 : memref<10000xf32, #tpu.memory_space<hbm>>) target(%run_scoped3A_22 : memref<10000xf32, #tpu.memory_space<vmem>>) target_semaphore(%run_scoped3A_108 : memref<!tpu.dma_semaphore, #tpu.memory_space<semaphore_mem>>)
        tpu.wait_dma2 semaphore(%run_scoped3A_108 : memref<!tpu.dma_semaphore, #tpu.memory_space<semaphore_mem>>) src(%arg5 : memref<10000xf32, #tpu.memory_space<hbm>>) dst(%run_scoped3A_22 : memref<10000xf32, #tpu.memory_space<vmem>>)
        tpu.yield
      }) : () -> ()
      "tpu.region"() ({
        %run_scoped3A_108 = tpu.sem_alloc : memref<!tpu.dma_semaphore, #tpu.memory_space<semaphore_mem>>
        %dma_start3A_109 = arith.constant 0 : i32
        %dma_start3A_110 = arith.constant 0 : i32
        %dma_start3A_111 = tpu.memref_slice %arg3[%select_n3A, %dma_start3A_109, %dma_start3A_110] : memref<4000x2x80xi32, #tpu.memory_space<hbm>> -> memref<25x2x80xi32, #tpu.memory_space<hbm>>
        %dma_start3A_112 = arith.constant 0 : i32
        %dma_start3A_113 = arith.constant 0 : i32
        %dma_start3A_114 = tpu.memref_slice %arg3[%select_n3A, %dma_start3A_112, %dma_start3A_113] : memref<4000x2x80xi32, #tpu.memory_space<hbm>> -> memref<25x2x80xi32, #tpu.memory_space<hbm>>
        tpu.enqueue_dma source(%dma_start3A_114 : memref<25x2x80xi32, #tpu.memory_space<hbm>>) target(%run_scoped3A_23 : memref<25x2x80xi32, #tpu.memory_space<vmem>>) target_semaphore(%run_scoped3A_108 : memref<!tpu.dma_semaphore, #tpu.memory_space<semaphore_mem>>)
        %dma_wait3A_115 = arith.constant 0 : i32
        %dma_wait3A_116 = arith.constant 0 : i32
        %dma_wait3A_117 = tpu.memref_slice %arg3[%select_n3A, %dma_wait3A_115, %dma_wait3A_116] : memref<4000x2x80xi32, #tpu.memory_space<hbm>> -> memref<25x2x80xi32, #tpu.memory_space<hbm>>
        %dma_wait3A_118 = arith.constant 0 : i32
        %dma_wait3A_119 = arith.constant 0 : i32
        %dma_wait3A_120 = tpu.memref_slice %arg3[%select_n3A, %dma_wait3A_118, %dma_wait3A_119] : memref<4000x2x80xi32, #tpu.memory_space<hbm>> -> memref<25x2x80xi32, #tpu.memory_space<hbm>>
        tpu.wait_dma2 semaphore(%run_scoped3A_108 : memref<!tpu.dma_semaphore, #tpu.memory_space<semaphore_mem>>) src(%dma_wait3A_120 : memref<25x2x80xi32, #tpu.memory_space<hbm>>) dst(%run_scoped3A_23 : memref<25x2x80xi32, #tpu.memory_space<vmem>>)
        tpu.yield
      }) : () -> ()
      %add3A_25 = arith.constant 25 : i32
      %add3A_26 = arith.addi %select_n3A, %add3A_25 : i32
      %dma_start3A = arith.constant 0 : i32
      %dma_start3A_27 = arith.constant 0 : i32
      %dma_start3A_28 = tpu.memref_slice %arg3[%add3A_26, %dma_start3A, %dma_start3A_27] : memref<4000x2x80xi32, #tpu.memory_space<hbm>> -> memref<25x2x80xi32, #tpu.memory_space<hbm>>
      %dma_start3A_29 = arith.constant 0 : i32
      %dma_start3A_30 = arith.constant 0 : i32
      %dma_start3A_31 = tpu.memref_slice %arg3[%add3A_26, %dma_start3A_29, %dma_start3A_30] : memref<4000x2x80xi32, #tpu.memory_space<hbm>> -> memref<25x2x80xi32, #tpu.memory_space<hbm>>
      tpu.enqueue_dma source(%dma_start3A_31 : memref<25x2x80xi32, #tpu.memory_space<hbm>>) target(%run_scoped3A_24 : memref<25x2x80xi32, #tpu.memory_space<vmem>>) target_semaphore(%arg13 : memref<!tpu.dma_semaphore, #tpu.memory_space<semaphore_mem>>)
      %scan3A = arith.constant 0 : i32
      %scan3A_32 = arith.constant 0 : i32
      %scan3A_33 = arith.constant 25 : i32
      %scan3A_34 = arith.addi %scan3A_32, %scan3A_33 : i32
      %scan3A_35 = arith.constant 1 : i32
      scf.for %scan3A_108 = %scan3A_32 to %scan3A_34 step %scan3A_35  : i32 {
        %get3A = arith.constant 0 : i32
        %get3A_109 = arith.index_cast %scan3A_108 : i32 to index
        %get3A_110 = arith.index_cast %get3A : i32 to index
        %get3A_111 = arith.constant 0 : index
        %get3A_112 = tpu.vector_load %run_scoped3A_23[%get3A_109, %get3A_110, %get3A_111] {strides = array<i32>} : memref<25x2x80xi32, #tpu.memory_space<vmem>>, vector<16xi32>,
        %gather3A = tpu.vector_load_idx %run_scoped3A[%get3A_112] : memref<10000xf32, #tpu.memory_space<vmem>>[vector<16xi32>], vector<16xf32>,
        %get3A_113 = arith.constant 1 : i32
        %get3A_114 = arith.index_cast %scan3A_108 : i32 to index
        %get3A_115 = arith.index_cast %get3A_113 : i32 to index
        %get3A_116 = arith.constant 0 : index
        %get3A_117 = tpu.vector_load %run_scoped3A_23[%get3A_114, %get3A_115, %get3A_116] {strides = array<i32>} : memref<25x2x80xi32, #tpu.memory_space<vmem>>, vector<16xi32>,
        %gather3A_118 = tpu.vector_load_idx %run_scoped3A_22[%get3A_117] : memref<10000xf32, #tpu.memory_space<vmem>>[vector<16xi32>], vector<16xf32>,
        %add3A_119 = arith.addf %gather3A, %gather3A_118 : vector<16xf32>
        %ge3A = arith.constant 0.000000e+00 : f32
        %ge3A_120 = vector.broadcast %ge3A : f32 to vector<16xf32>
        %ge3A_121 = arith.cmpf oge, %add3A_119, %ge3A_120 : vector<16xf32>
        %mul3A_122 = arith.constant 2.000000e-01 : f32
        %mul3A_123 = vector.broadcast %mul3A_122 : f32 to vector<16xf32>
        %mul3A_124 = arith.mulf %mul3A_123, %add3A_119 : vector<16xf32>
        %select_n3A_125 = arith.select %ge3A_121, %add3A_119, %mul3A_124 : vector<16xi1>, vector<16xf32>
        %exp3A = math.exp %select_n3A_125 : vector<16xf32>
        %add3A_126 = arith.constant 0 : i32
        %add3A_127 = arith.addi %add3A_126, %scan3A_108 : i32
        %mul3A_128 = arith.constant 80 : i32
        %mul3A_129 = arith.muli %add3A_127, %mul3A_128 : i32
        %add3A_130 = arith.constant 0 : i32
        %add3A_131 = arith.addi %mul3A_129, %add3A_130 : i32
        %swap3A = arith.index_cast %add3A_131 : i32 to index
        %swap3A_132 = tpu.vector_load %arg9[%swap3A] {strides = array<i32>} : memref<10000xf32, #tpu.memory_space<vmem>>, vector<16xf32>,
        tpu.vector_store %arg9[%swap3A], %exp3A {strides = array<i32>} : memref<10000xf32, #tpu.memory_space<vmem>>, vector<16xf32>,
        %get3A_133 = arith.constant 0 : i32
        %get3A_134 = arith.index_cast %scan3A_108 : i32 to index
        %get3A_135 = arith.index_cast %get3A_133 : i32 to index
        %get3A_136 = arith.constant 16 : index
        %get3A_137 = tpu.vector_load %run_scoped3A_23[%get3A_134, %get3A_135, %get3A_136] {strides = array<i32>} : memref<25x2x80xi32, #tpu.memory_space<vmem>>, vector<16xi32>,
        %gather3A_138 = tpu.vector_load_idx %run_scoped3A[%get3A_137] : memref<10000xf32, #tpu.memory_space<vmem>>[vector<16xi32>], vector<16xf32>,
        %get3A_139 = arith.constant 1 : i32
        %get3A_140 = arith.index_cast %scan3A_108 : i32 to index
        %get3A_141 = arith.index_cast %get3A_139 : i32 to index
        %get3A_142 = arith.constant 16 : index
        %get3A_143 = tpu.vector_load %run_scoped3A_23[%get3A_140, %get3A_141, %get3A_142] {strides = array<i32>} : memref<25x2x80xi32, #tpu.memory_space<vmem>>, vector<16xi32>,
        %gather3A_144 = tpu.vector_load_idx %run_scoped3A_22[%get3A_143] : memref<10000xf32, #tpu.memory_space<vmem>>[vector<16xi32>], vector<16xf32>,
        %add3A_145 = arith.addf %gather3A_138, %gather3A_144 : vector<16xf32>
        %ge3A_146 = arith.constant 0.000000e+00 : f32
        %ge3A_147 = vector.broadcast %ge3A_146 : f32 to vector<16xf32>
        %ge3A_148 = arith.cmpf oge, %add3A_145, %ge3A_147 : vector<16xf32>
        %mul3A_149 = arith.constant 2.000000e-01 : f32
        %mul3A_150 = vector.broadcast %mul3A_149 : f32 to vector<16xf32>
        %mul3A_151 = arith.mulf %mul3A_150, %add3A_145 : vector<16xf32>
        %select_n3A_152 = arith.select %ge3A_148, %add3A_145, %mul3A_151 : vector<16xi1>, vector<16xf32>
        %exp3A_153 = math.exp %select_n3A_152 : vector<16xf32>
        %add3A_154 = arith.constant 0 : i32
        %add3A_155 = arith.addi %add3A_154, %scan3A_108 : i32
        %mul3A_156 = arith.constant 80 : i32
        %mul3A_157 = arith.muli %add3A_155, %mul3A_156 : i32
        %add3A_158 = arith.constant 16 : i32
        %add3A_159 = arith.addi %mul3A_157, %add3A_158 : i32
        %swap3A_160 = arith.index_cast %add3A_159 : i32 to index
        %swap3A_161 = tpu.vector_load %arg9[%swap3A_160] {strides = array<i32>} : memref<10000xf32, #tpu.memory_space<vmem>>, vector<16xf32>,
        tpu.vector_store %arg9[%swap3A_160], %exp3A_153 {strides = array<i32>} : memref<10000xf32, #tpu.memory_space<vmem>>, vector<16xf32>,
        %get3A_162 = arith.constant 0 : i32
        %get3A_163 = arith.index_cast %scan3A_108 : i32 to index
        %get3A_164 = arith.index_cast %get3A_162 : i32 to index
        %get3A_165 = arith.constant 32 : index
        %get3A_166 = tpu.vector_load %run_scoped3A_23[%get3A_163, %get3A_164, %get3A_165] {strides = array<i32>} : memref<25x2x80xi32, #tpu.memory_space<vmem>>, vector<16xi32>,
        %gather3A_167 = tpu.vector_load_idx %run_scoped3A[%get3A_166] : memref<10000xf32, #tpu.memory_space<vmem>>[vector<16xi32>], vector<16xf32>,
        %get3A_168 = arith.constant 1 : i32
        %get3A_169 = arith.index_cast %scan3A_108 : i32 to index
        %get3A_170 = arith.index_cast %get3A_168 : i32 to index
        %get3A_171 = arith.constant 32 : index
        %get3A_172 = tpu.vector_load %run_scoped3A_23[%get3A_169, %get3A_170, %get3A_171] {strides = array<i32>} : memref<25x2x80xi32, #tpu.memory_space<vmem>>, vector<16xi32>,
        %gather3A_173 = tpu.vector_load_idx %run_scoped3A_22[%get3A_172] : memref<10000xf32, #tpu.memory_space<vmem>>[vector<16xi32>], vector<16xf32>,
        %add3A_174 = arith.addf %gather3A_167, %gather3A_173 : vector<16xf32>
        %ge3A_175 = arith.constant 0.000000e+00 : f32
        %ge3A_176 = vector.broadcast %ge3A_175 : f32 to vector<16xf32>
        %ge3A_177 = arith.cmpf oge, %add3A_174, %ge3A_176 : vector<16xf32>
        %mul3A_178 = arith.constant 2.000000e-01 : f32
        %mul3A_179 = vector.broadcast %mul3A_178 : f32 to vector<16xf32>
        %mul3A_180 = arith.mulf %mul3A_179, %add3A_174 : vector<16xf32>
        %select_n3A_181 = arith.select %ge3A_177, %add3A_174, %mul3A_180 : vector<16xi1>, vector<16xf32>
        %exp3A_182 = math.exp %select_n3A_181 : vector<16xf32>
        %add3A_183 = arith.constant 0 : i32
        %add3A_184 = arith.addi %add3A_183, %scan3A_108 : i32
        %mul3A_185 = arith.constant 80 : i32
        %mul3A_186 = arith.muli %add3A_184, %mul3A_185 : i32
        %add3A_187 = arith.constant 32 : i32
        %add3A_188 = arith.addi %mul3A_186, %add3A_187 : i32
        %swap3A_189 = arith.index_cast %add3A_188 : i32 to index
        %swap3A_190 = tpu.vector_load %arg9[%swap3A_189] {strides = array<i32>} : memref<10000xf32, #tpu.memory_space<vmem>>, vector<16xf32>,
        tpu.vector_store %arg9[%swap3A_189], %exp3A_182 {strides = array<i32>} : memref<10000xf32, #tpu.memory_space<vmem>>, vector<16xf32>,
        %get3A_191 = arith.constant 0 : i32
        %get3A_192 = arith.index_cast %scan3A_108 : i32 to index
        %get3A_193 = arith.index_cast %get3A_191 : i32 to index
        %get3A_194 = arith.constant 48 : index
        %get3A_195 = tpu.vector_load %run_scoped3A_23[%get3A_192, %get3A_193, %get3A_194] {strides = array<i32>} : memref<25x2x80xi32, #tpu.memory_space<vmem>>, vector<16xi32>,
        %gather3A_196 = tpu.vector_load_idx %run_scoped3A[%get3A_195] : memref<10000xf32, #tpu.memory_space<vmem>>[vector<16xi32>], vector<16xf32>,
        %get3A_197 = arith.constant 1 : i32
        %get3A_198 = arith.index_cast %scan3A_108 : i32 to index
        %get3A_199 = arith.index_cast %get3A_197 : i32 to index
        %get3A_200 = arith.constant 48 : index
        %get3A_201 = tpu.vector_load %run_scoped3A_23[%get3A_198, %get3A_199, %get3A_200] {strides = array<i32>} : memref<25x2x80xi32, #tpu.memory_space<vmem>>, vector<16xi32>,
        %gather3A_202 = tpu.vector_load_idx %run_scoped3A_22[%get3A_201] : memref<10000xf32, #tpu.memory_space<vmem>>[vector<16xi32>], vector<16xf32>,
        %add3A_203 = arith.addf %gather3A_196, %gather3A_202 : vector<16xf32>
        %ge3A_204 = arith.constant 0.000000e+00 : f32
        %ge3A_205 = vector.broadcast %ge3A_204 : f32 to vector<16xf32>
        %ge3A_206 = arith.cmpf oge, %add3A_203, %ge3A_205 : vector<16xf32>
        %mul3A_207 = arith.constant 2.000000e-01 : f32
        %mul3A_208 = vector.broadcast %mul3A_207 : f32 to vector<16xf32>
        %mul3A_209 = arith.mulf %mul3A_208, %add3A_203 : vector<16xf32>
        %select_n3A_210 = arith.select %ge3A_206, %add3A_203, %mul3A_209 : vector<16xi1>, vector<16xf32>
        %exp3A_211 = math.exp %select_n3A_210 : vector<16xf32>
        %add3A_212 = arith.constant 0 : i32
        %add3A_213 = arith.addi %add3A_212, %scan3A_108 : i32
        %mul3A_214 = arith.constant 80 : i32
        %mul3A_215 = arith.muli %add3A_213, %mul3A_214 : i32
        %add3A_216 = arith.constant 48 : i32
        %add3A_217 = arith.addi %mul3A_215, %add3A_216 : i32
        %swap3A_218 = arith.index_cast %add3A_217 : i32 to index
        %swap3A_219 = tpu.vector_load %arg9[%swap3A_218] {strides = array<i32>} : memref<10000xf32, #tpu.memory_space<vmem>>, vector<16xf32>,
        tpu.vector_store %arg9[%swap3A_218], %exp3A_211 {strides = array<i32>} : memref<10000xf32, #tpu.memory_space<vmem>>, vector<16xf32>,
        %get3A_220 = arith.constant 0 : i32
        %get3A_221 = arith.index_cast %scan3A_108 : i32 to index
        %get3A_222 = arith.index_cast %get3A_220 : i32 to index
        %get3A_223 = arith.constant 64 : index
        %get3A_224 = tpu.vector_load %run_scoped3A_23[%get3A_221, %get3A_222, %get3A_223] {strides = array<i32>} : memref<25x2x80xi32, #tpu.memory_space<vmem>>, vector<16xi32>,
        %gather3A_225 = tpu.vector_load_idx %run_scoped3A[%get3A_224] : memref<10000xf32, #tpu.memory_space<vmem>>[vector<16xi32>], vector<16xf32>,
        %get3A_226 = arith.constant 1 : i32
        %get3A_227 = arith.index_cast %scan3A_108 : i32 to index
        %get3A_228 = arith.index_cast %get3A_226 : i32 to index
        %get3A_229 = arith.constant 64 : index
        %get3A_230 = tpu.vector_load %run_scoped3A_23[%get3A_227, %get3A_228, %get3A_229] {strides = array<i32>} : memref<25x2x80xi32, #tpu.memory_space<vmem>>, vector<16xi32>,
        %gather3A_231 = tpu.vector_load_idx %run_scoped3A_22[%get3A_230] : memref<10000xf32, #tpu.memory_space<vmem>>[vector<16xi32>], vector<16xf32>,
        %add3A_232 = arith.addf %gather3A_225, %gather3A_231 : vector<16xf32>
        %ge3A_233 = arith.constant 0.000000e+00 : f32
        %ge3A_234 = vector.broadcast %ge3A_233 : f32 to vector<16xf32>
        %ge3A_235 = arith.cmpf oge, %add3A_232, %ge3A_234 : vector<16xf32>
        %mul3A_236 = arith.constant 2.000000e-01 : f32
        %mul3A_237 = vector.broadcast %mul3A_236 : f32 to vector<16xf32>
        %mul3A_238 = arith.mulf %mul3A_237, %add3A_232 : vector<16xf32>
        %select_n3A_239 = arith.select %ge3A_235, %add3A_232, %mul3A_238 : vector<16xi1>, vector<16xf32>
        %exp3A_240 = math.exp %select_n3A_239 : vector<16xf32>
        %add3A_241 = arith.constant 0 : i32
        %add3A_242 = arith.addi %add3A_241, %scan3A_108 : i32
        %mul3A_243 = arith.constant 80 : i32
        %mul3A_244 = arith.muli %add3A_242, %mul3A_243 : i32
        %add3A_245 = arith.constant 64 : i32
        %add3A_246 = arith.addi %mul3A_244, %add3A_245 : i32
        %swap3A_247 = arith.index_cast %add3A_246 : i32 to index
        %swap3A_248 = tpu.vector_load %arg9[%swap3A_247] {strides = array<i32>} : memref<10000xf32, #tpu.memory_space<vmem>>, vector<16xf32>,
        tpu.vector_store %arg9[%swap3A_247], %exp3A_240 {strides = array<i32>} : memref<10000xf32, #tpu.memory_space<vmem>>, vector<16xf32>,
      }
      %scan3A_36 = arith.constant 25 : i32
      %dma_wait3A = arith.constant 0 : i32
      %dma_wait3A_37 = arith.constant 0 : i32
      %dma_wait3A_38 = tpu.memref_slice %arg3[%select_n3A, %dma_wait3A, %dma_wait3A_37] : memref<4000x2x80xi32, #tpu.memory_space<hbm>> -> memref<25x2x80xi32, #tpu.memory_space<hbm>>
      %dma_wait3A_39 = arith.constant 0 : i32
      %dma_wait3A_40 = arith.constant 0 : i32
      %dma_wait3A_41 = tpu.memref_slice %arg3[%select_n3A, %dma_wait3A_39, %dma_wait3A_40] : memref<4000x2x80xi32, #tpu.memory_space<hbm>> -> memref<25x2x80xi32, #tpu.memory_space<hbm>>
      tpu.wait_dma2 semaphore(%arg13 : memref<!tpu.dma_semaphore, #tpu.memory_space<semaphore_mem>>) src(%dma_wait3A_41 : memref<25x2x80xi32, #tpu.memory_space<hbm>>) dst(%run_scoped3A_24 : memref<25x2x80xi32, #tpu.memory_space<vmem>>)
      %add3A_42 = arith.constant 50 : i32
      %add3A_43 = arith.addi %select_n3A, %add3A_42 : i32
      %dma_start3A_44 = arith.constant 0 : i32
      %dma_start3A_45 = arith.constant 0 : i32
      %dma_start3A_46 = tpu.memref_slice %arg3[%add3A_43, %dma_start3A_44, %dma_start3A_45] : memref<4000x2x80xi32, #tpu.memory_space<hbm>> -> memref<25x2x80xi32, #tpu.memory_space<hbm>>
      %dma_start3A_47 = arith.constant 0 : i32
      %dma_start3A_48 = arith.constant 0 : i32
      %dma_start3A_49 = tpu.memref_slice %arg3[%add3A_43, %dma_start3A_47, %dma_start3A_48] : memref<4000x2x80xi32, #tpu.memory_space<hbm>> -> memref<25x2x80xi32, #tpu.memory_space<hbm>>
      tpu.enqueue_dma source(%dma_start3A_49 : memref<25x2x80xi32, #tpu.memory_space<hbm>>) target(%run_scoped3A_23 : memref<25x2x80xi32, #tpu.memory_space<vmem>>) target_semaphore(%arg12 : memref<!tpu.dma_semaphore, #tpu.memory_space<semaphore_mem>>)
      %scan3A_50 = arith.constant 0 : i32
      %scan3A_51 = arith.constant 0 : i32
      %scan3A_52 = arith.constant 25 : i32
      %scan3A_53 = arith.addi %scan3A_51, %scan3A_52 : i32
      %scan3A_54 = arith.constant 1 : i32
      scf.for %scan3A_108 = %scan3A_51 to %scan3A_53 step %scan3A_54  : i32 {
        %get3A = arith.constant 0 : i32
        %get3A_109 = arith.index_cast %scan3A_108 : i32 to index
        %get3A_110 = arith.index_cast %get3A : i32 to index
        %get3A_111 = arith.constant 0 : index
        %get3A_112 = tpu.vector_load %run_scoped3A_24[%get3A_109, %get3A_110, %get3A_111] {strides = array<i32>} : memref<25x2x80xi32, #tpu.memory_space<vmem>>, vector<16xi32>,
        %gather3A = tpu.vector_load_idx %run_scoped3A[%get3A_112] : memref<10000xf32, #tpu.memory_space<vmem>>[vector<16xi32>], vector<16xf32>,
        %get3A_113 = arith.constant 1 : i32
        %get3A_114 = arith.index_cast %scan3A_108 : i32 to index
        %get3A_115 = arith.index_cast %get3A_113 : i32 to index
        %get3A_116 = arith.constant 0 : index
        %get3A_117 = tpu.vector_load %run_scoped3A_24[%get3A_114, %get3A_115, %get3A_116] {strides = array<i32>} : memref<25x2x80xi32, #tpu.memory_space<vmem>>, vector<16xi32>,
        %gather3A_118 = tpu.vector_load_idx %run_scoped3A_22[%get3A_117] : memref<10000xf32, #tpu.memory_space<vmem>>[vector<16xi32>], vector<16xf32>,
        %add3A_119 = arith.addf %gather3A, %gather3A_118 : vector<16xf32>
        %ge3A = arith.constant 0.000000e+00 : f32
        %ge3A_120 = vector.broadcast %ge3A : f32 to vector<16xf32>
        %ge3A_121 = arith.cmpf oge, %add3A_119, %ge3A_120 : vector<16xf32>
        %mul3A_122 = arith.constant 2.000000e-01 : f32
        %mul3A_123 = vector.broadcast %mul3A_122 : f32 to vector<16xf32>
        %mul3A_124 = arith.mulf %mul3A_123, %add3A_119 : vector<16xf32>
        %select_n3A_125 = arith.select %ge3A_121, %add3A_119, %mul3A_124 : vector<16xi1>, vector<16xf32>
        %exp3A = math.exp %select_n3A_125 : vector<16xf32>
        %add3A_126 = arith.constant 25 : i32
        %add3A_127 = arith.addi %add3A_126, %scan3A_108 : i32
        %mul3A_128 = arith.constant 80 : i32
        %mul3A_129 = arith.muli %add3A_127, %mul3A_128 : i32
        %add3A_130 = arith.constant 0 : i32
        %add3A_131 = arith.addi %mul3A_129, %add3A_130 : i32
        %swap3A = arith.index_cast %add3A_131 : i32 to index
        %swap3A_132 = tpu.vector_load %arg9[%swap3A] {strides = array<i32>} : memref<10000xf32, #tpu.memory_space<vmem>>, vector<16xf32>,
        tpu.vector_store %arg9[%swap3A], %exp3A {strides = array<i32>} : memref<10000xf32, #tpu.memory_space<vmem>>, vector<16xf32>,
        %get3A_133 = arith.constant 0 : i32
        %get3A_134 = arith.index_cast %scan3A_108 : i32 to index
        %get3A_135 = arith.index_cast %get3A_133 : i32 to index
        %get3A_136 = arith.constant 16 : index
        %get3A_137 = tpu.vector_load %run_scoped3A_24[%get3A_134, %get3A_135, %get3A_136] {strides = array<i32>} : memref<25x2x80xi32, #tpu.memory_space<vmem>>, vector<16xi32>,
        %gather3A_138 = tpu.vector_load_idx %run_scoped3A[%get3A_137] : memref<10000xf32, #tpu.memory_space<vmem>>[vector<16xi32>], vector<16xf32>,
        %get3A_139 = arith.constant 1 : i32
        %get3A_140 = arith.index_cast %scan3A_108 : i32 to index
        %get3A_141 = arith.index_cast %get3A_139 : i32 to index
        %get3A_142 = arith.constant 16 : index
        %get3A_143 = tpu.vector_load %run_scoped3A_24[%get3A_140, %get3A_141, %get3A_142] {strides = array<i32>} : memref<25x2x80xi32, #tpu.memory_space<vmem>>, vector<16xi32>,
        %gather3A_144 = tpu.vector_load_idx %run_scoped3A_22[%get3A_143] : memref<10000xf32, #tpu.memory_space<vmem>>[vector<16xi32>], vector<16xf32>,
        %add3A_145 = arith.addf %gather3A_138, %gather3A_144 : vector<16xf32>
        %ge3A_146 = arith.constant 0.000000e+00 : f32
        %ge3A_147 = vector.broadcast %ge3A_146 : f32 to vector<16xf32>
        %ge3A_148 = arith.cmpf oge, %add3A_145, %ge3A_147 : vector<16xf32>
        %mul3A_149 = arith.constant 2.000000e-01 : f32
        %mul3A_150 = vector.broadcast %mul3A_149 : f32 to vector<16xf32>
        %mul3A_151 = arith.mulf %mul3A_150, %add3A_145 : vector<16xf32>
        %select_n3A_152 = arith.select %ge3A_148, %add3A_145, %mul3A_151 : vector<16xi1>, vector<16xf32>
        %exp3A_153 = math.exp %select_n3A_152 : vector<16xf32>
        %add3A_154 = arith.constant 25 : i32
        %add3A_155 = arith.addi %add3A_154, %scan3A_108 : i32
        %mul3A_156 = arith.constant 80 : i32
        %mul3A_157 = arith.muli %add3A_155, %mul3A_156 : i32
        %add3A_158 = arith.constant 16 : i32
        %add3A_159 = arith.addi %mul3A_157, %add3A_158 : i32
        %swap3A_160 = arith.index_cast %add3A_159 : i32 to index
        %swap3A_161 = tpu.vector_load %arg9[%swap3A_160] {strides = array<i32>} : memref<10000xf32, #tpu.memory_space<vmem>>, vector<16xf32>,
        tpu.vector_store %arg9[%swap3A_160], %exp3A_153 {strides = array<i32>} : memref<10000xf32, #tpu.memory_space<vmem>>, vector<16xf32>,
        %get3A_162 = arith.constant 0 : i32
        %get3A_163 = arith.index_cast %scan3A_108 : i32 to index
        %get3A_164 = arith.index_cast %get3A_162 : i32 to index
        %get3A_165 = arith.constant 32 : index
        %get3A_166 = tpu.vector_load %run_scoped3A_24[%get3A_163, %get3A_164, %get3A_165] {strides = array<i32>} : memref<25x2x80xi32, #tpu.memory_space<vmem>>, vector<16xi32>,
        %gather3A_167 = tpu.vector_load_idx %run_scoped3A[%get3A_166] : memref<10000xf32, #tpu.memory_space<vmem>>[vector<16xi32>], vector<16xf32>,
        %get3A_168 = arith.constant 1 : i32
        %get3A_169 = arith.index_cast %scan3A_108 : i32 to index
        %get3A_170 = arith.index_cast %get3A_168 : i32 to index
        %get3A_171 = arith.constant 32 : index
        %get3A_172 = tpu.vector_load %run_scoped3A_24[%get3A_169, %get3A_170, %get3A_171] {strides = array<i32>} : memref<25x2x80xi32, #tpu.memory_space<vmem>>, vector<16xi32>,
        %gather3A_173 = tpu.vector_load_idx %run_scoped3A_22[%get3A_172] : memref<10000xf32, #tpu.memory_space<vmem>>[vector<16xi32>], vector<16xf32>,
        %add3A_174 = arith.addf %gather3A_167, %gather3A_173 : vector<16xf32>
        %ge3A_175 = arith.constant 0.000000e+00 : f32
        %ge3A_176 = vector.broadcast %ge3A_175 : f32 to vector<16xf32>
        %ge3A_177 = arith.cmpf oge, %add3A_174, %ge3A_176 : vector<16xf32>
        %mul3A_178 = arith.constant 2.000000e-01 : f32
        %mul3A_179 = vector.broadcast %mul3A_178 : f32 to vector<16xf32>
        %mul3A_180 = arith.mulf %mul3A_179, %add3A_174 : vector<16xf32>
        %select_n3A_181 = arith.select %ge3A_177, %add3A_174, %mul3A_180 : vector<16xi1>, vector<16xf32>
        %exp3A_182 = math.exp %select_n3A_181 : vector<16xf32>
        %add3A_183 = arith.constant 25 : i32
        %add3A_184 = arith.addi %add3A_183, %scan3A_108 : i32
        %mul3A_185 = arith.constant 80 : i32
        %mul3A_186 = arith.muli %add3A_184, %mul3A_185 : i32
        %add3A_187 = arith.constant 32 : i32
        %add3A_188 = arith.addi %mul3A_186, %add3A_187 : i32
        %swap3A_189 = arith.index_cast %add3A_188 : i32 to index
        %swap3A_190 = tpu.vector_load %arg9[%swap3A_189] {strides = array<i32>} : memref<10000xf32, #tpu.memory_space<vmem>>, vector<16xf32>,
        tpu.vector_store %arg9[%swap3A_189], %exp3A_182 {strides = array<i32>} : memref<10000xf32, #tpu.memory_space<vmem>>, vector<16xf32>,
        %get3A_191 = arith.constant 0 : i32
        %get3A_192 = arith.index_cast %scan3A_108 : i32 to index
        %get3A_193 = arith.index_cast %get3A_191 : i32 to index
        %get3A_194 = arith.constant 48 : index
        %get3A_195 = tpu.vector_load %run_scoped3A_24[%get3A_192, %get3A_193, %get3A_194] {strides = array<i32>} : memref<25x2x80xi32, #tpu.memory_space<vmem>>, vector<16xi32>,
        %gather3A_196 = tpu.vector_load_idx %run_scoped3A[%get3A_195] : memref<10000xf32, #tpu.memory_space<vmem>>[vector<16xi32>], vector<16xf32>,
        %get3A_197 = arith.constant 1 : i32
        %get3A_198 = arith.index_cast %scan3A_108 : i32 to index
        %get3A_199 = arith.index_cast %get3A_197 : i32 to index
        %get3A_200 = arith.constant 48 : index
        %get3A_201 = tpu.vector_load %run_scoped3A_24[%get3A_198, %get3A_199, %get3A_200] {strides = array<i32>} : memref<25x2x80xi32, #tpu.memory_space<vmem>>, vector<16xi32>,
        %gather3A_202 = tpu.vector_load_idx %run_scoped3A_22[%get3A_201] : memref<10000xf32, #tpu.memory_space<vmem>>[vector<16xi32>], vector<16xf32>,
        %add3A_203 = arith.addf %gather3A_196, %gather3A_202 : vector<16xf32>
        %ge3A_204 = arith.constant 0.000000e+00 : f32
        %ge3A_205 = vector.broadcast %ge3A_204 : f32 to vector<16xf32>
        %ge3A_206 = arith.cmpf oge, %add3A_203, %ge3A_205 : vector<16xf32>
        %mul3A_207 = arith.constant 2.000000e-01 : f32
        %mul3A_208 = vector.broadcast %mul3A_207 : f32 to vector<16xf32>
        %mul3A_209 = arith.mulf %mul3A_208, %add3A_203 : vector<16xf32>
        %select_n3A_210 = arith.select %ge3A_206, %add3A_203, %mul3A_209 : vector<16xi1>, vector<16xf32>
        %exp3A_211 = math.exp %select_n3A_210 : vector<16xf32>
        %add3A_212 = arith.constant 25 : i32
        %add3A_213 = arith.addi %add3A_212, %scan3A_108 : i32
        %mul3A_214 = arith.constant 80 : i32
        %mul3A_215 = arith.muli %add3A_213, %mul3A_214 : i32
        %add3A_216 = arith.constant 48 : i32
        %add3A_217 = arith.addi %mul3A_215, %add3A_216 : i32
        %swap3A_218 = arith.index_cast %add3A_217 : i32 to index
        %swap3A_219 = tpu.vector_load %arg9[%swap3A_218] {strides = array<i32>} : memref<10000xf32, #tpu.memory_space<vmem>>, vector<16xf32>,
        tpu.vector_store %arg9[%swap3A_218], %exp3A_211 {strides = array<i32>} : memref<10000xf32, #tpu.memory_space<vmem>>, vector<16xf32>,
        %get3A_220 = arith.constant 0 : i32
        %get3A_221 = arith.index_cast %scan3A_108 : i32 to index
        %get3A_222 = arith.index_cast %get3A_220 : i32 to index
        %get3A_223 = arith.constant 64 : index
        %get3A_224 = tpu.vector_load %run_scoped3A_24[%get3A_221, %get3A_222, %get3A_223] {strides = array<i32>} : memref<25x2x80xi32, #tpu.memory_space<vmem>>, vector<16xi32>,
        %gather3A_225 = tpu.vector_load_idx %run_scoped3A[%get3A_224] : memref<10000xf32, #tpu.memory_space<vmem>>[vector<16xi32>], vector<16xf32>,
        %get3A_226 = arith.constant 1 : i32
        %get3A_227 = arith.index_cast %scan3A_108 : i32 to index
        %get3A_228 = arith.index_cast %get3A_226 : i32 to index
        %get3A_229 = arith.constant 64 : index
        %get3A_230 = tpu.vector_load %run_scoped3A_24[%get3A_227, %get3A_228, %get3A_229] {strides = array<i32>} : memref<25x2x80xi32, #tpu.memory_space<vmem>>, vector<16xi32>,
        %gather3A_231 = tpu.vector_load_idx %run_scoped3A_22[%get3A_230] : memref<10000xf32, #tpu.memory_space<vmem>>[vector<16xi32>], vector<16xf32>,
        %add3A_232 = arith.addf %gather3A_225, %gather3A_231 : vector<16xf32>
        %ge3A_233 = arith.constant 0.000000e+00 : f32
        %ge3A_234 = vector.broadcast %ge3A_233 : f32 to vector<16xf32>
        %ge3A_235 = arith.cmpf oge, %add3A_232, %ge3A_234 : vector<16xf32>
        %mul3A_236 = arith.constant 2.000000e-01 : f32
        %mul3A_237 = vector.broadcast %mul3A_236 : f32 to vector<16xf32>
        %mul3A_238 = arith.mulf %mul3A_237, %add3A_232 : vector<16xf32>
        %select_n3A_239 = arith.select %ge3A_235, %add3A_232, %mul3A_238 : vector<16xi1>, vector<16xf32>
        %exp3A_240 = math.exp %select_n3A_239 : vector<16xf32>
        %add3A_241 = arith.constant 25 : i32
        %add3A_242 = arith.addi %add3A_241, %scan3A_108 : i32
        %mul3A_243 = arith.constant 80 : i32
        %mul3A_244 = arith.muli %add3A_242, %mul3A_243 : i32
        %add3A_245 = arith.constant 64 : i32
        %add3A_246 = arith.addi %mul3A_244, %add3A_245 : i32
        %swap3A_247 = arith.index_cast %add3A_246 : i32 to index
        %swap3A_248 = tpu.vector_load %arg9[%swap3A_247] {strides = array<i32>} : memref<10000xf32, #tpu.memory_space<vmem>>, vector<16xf32>,
        tpu.vector_store %arg9[%swap3A_247], %exp3A_240 {strides = array<i32>} : memref<10000xf32, #tpu.memory_space<vmem>>, vector<16xf32>,
      }
      %scan3A_55 = arith.constant 25 : i32
      %dma_wait3A_56 = arith.constant 0 : i32
      %dma_wait3A_57 = arith.constant 0 : i32
      %dma_wait3A_58 = tpu.memref_slice %arg3[%select_n3A, %dma_wait3A_56, %dma_wait3A_57] : memref<4000x2x80xi32, #tpu.memory_space<hbm>> -> memref<25x2x80xi32, #tpu.memory_space<hbm>>
      %dma_wait3A_59 = arith.constant 0 : i32
      %dma_wait3A_60 = arith.constant 0 : i32
      %dma_wait3A_61 = tpu.memref_slice %arg3[%select_n3A, %dma_wait3A_59, %dma_wait3A_60] : memref<4000x2x80xi32, #tpu.memory_space<hbm>> -> memref<25x2x80xi32, #tpu.memory_space<hbm>>
      tpu.wait_dma2 semaphore(%arg12 : memref<!tpu.dma_semaphore, #tpu.memory_space<semaphore_mem>>) src(%dma_wait3A_61 : memref<25x2x80xi32, #tpu.memory_space<hbm>>) dst(%run_scoped3A_23 : memref<25x2x80xi32, #tpu.memory_space<vmem>>)
      %add3A_62 = arith.constant 75 : i32
      %add3A_63 = arith.addi %select_n3A, %add3A_62 : i32
      %dma_start3A_64 = arith.constant 0 : i32
      %dma_start3A_65 = arith.constant 0 : i32
      %dma_start3A_66 = tpu.memref_slice %arg3[%add3A_63, %dma_start3A_64, %dma_start3A_65] : memref<4000x2x80xi32, #tpu.memory_space<hbm>> -> memref<25x2x80xi32, #tpu.memory_space<hbm>>
      %dma_start3A_67 = arith.constant 0 : i32
      %dma_start3A_68 = arith.constant 0 : i32
      %dma_start3A_69 = tpu.memref_slice %arg3[%add3A_63, %dma_start3A_67, %dma_start3A_68] : memref<4000x2x80xi32, #tpu.memory_space<hbm>> -> memref<25x2x80xi32, #tpu.memory_space<hbm>>
      tpu.enqueue_dma source(%dma_start3A_69 : memref<25x2x80xi32, #tpu.memory_space<hbm>>) target(%run_scoped3A_24 : memref<25x2x80xi32, #tpu.memory_space<vmem>>) target_semaphore(%arg13 : memref<!tpu.dma_semaphore, #tpu.memory_space<semaphore_mem>>)
      %scan3A_70 = arith.constant 0 : i32
      %scan3A_71 = arith.constant 0 : i32
      %scan3A_72 = arith.constant 25 : i32
      %scan3A_73 = arith.addi %scan3A_71, %scan3A_72 : i32
      %scan3A_74 = arith.constant 1 : i32
      scf.for %scan3A_108 = %scan3A_71 to %scan3A_73 step %scan3A_74  : i32 {
        %get3A = arith.constant 0 : i32
        %get3A_109 = arith.index_cast %scan3A_108 : i32 to index
        %get3A_110 = arith.index_cast %get3A : i32 to index
        %get3A_111 = arith.constant 0 : index
        %get3A_112 = tpu.vector_load %run_scoped3A_23[%get3A_109, %get3A_110, %get3A_111] {strides = array<i32>} : memref<25x2x80xi32, #tpu.memory_space<vmem>>, vector<16xi32>,
        %gather3A = tpu.vector_load_idx %run_scoped3A[%get3A_112] : memref<10000xf32, #tpu.memory_space<vmem>>[vector<16xi32>], vector<16xf32>,
        %get3A_113 = arith.constant 1 : i32
        %get3A_114 = arith.index_cast %scan3A_108 : i32 to index
        %get3A_115 = arith.index_cast %get3A_113 : i32 to index
        %get3A_116 = arith.constant 0 : index
        %get3A_117 = tpu.vector_load %run_scoped3A_23[%get3A_114, %get3A_115, %get3A_116] {strides = array<i32>} : memref<25x2x80xi32, #tpu.memory_space<vmem>>, vector<16xi32>,
        %gather3A_118 = tpu.vector_load_idx %run_scoped3A_22[%get3A_117] : memref<10000xf32, #tpu.memory_space<vmem>>[vector<16xi32>], vector<16xf32>,
        %add3A_119 = arith.addf %gather3A, %gather3A_118 : vector<16xf32>
        %ge3A = arith.constant 0.000000e+00 : f32
        %ge3A_120 = vector.broadcast %ge3A : f32 to vector<16xf32>
        %ge3A_121 = arith.cmpf oge, %add3A_119, %ge3A_120 : vector<16xf32>
        %mul3A_122 = arith.constant 2.000000e-01 : f32
        %mul3A_123 = vector.broadcast %mul3A_122 : f32 to vector<16xf32>
        %mul3A_124 = arith.mulf %mul3A_123, %add3A_119 : vector<16xf32>
        %select_n3A_125 = arith.select %ge3A_121, %add3A_119, %mul3A_124 : vector<16xi1>, vector<16xf32>
        %exp3A = math.exp %select_n3A_125 : vector<16xf32>
        %add3A_126 = arith.constant 50 : i32
        %add3A_127 = arith.addi %add3A_126, %scan3A_108 : i32
        %mul3A_128 = arith.constant 80 : i32
        %mul3A_129 = arith.muli %add3A_127, %mul3A_128 : i32
        %add3A_130 = arith.constant 0 : i32
        %add3A_131 = arith.addi %mul3A_129, %add3A_130 : i32
        %swap3A = arith.index_cast %add3A_131 : i32 to index
        %swap3A_132 = tpu.vector_load %arg9[%swap3A] {strides = array<i32>} : memref<10000xf32, #tpu.memory_space<vmem>>, vector<16xf32>,
        tpu.vector_store %arg9[%swap3A], %exp3A {strides = array<i32>} : memref<10000xf32, #tpu.memory_space<vmem>>, vector<16xf32>,
        %get3A_133 = arith.constant 0 : i32
        %get3A_134 = arith.index_cast %scan3A_108 : i32 to index
        %get3A_135 = arith.index_cast %get3A_133 : i32 to index
        %get3A_136 = arith.constant 16 : index
        %get3A_137 = tpu.vector_load %run_scoped3A_23[%get3A_134, %get3A_135, %get3A_136] {strides = array<i32>} : memref<25x2x80xi32, #tpu.memory_space<vmem>>, vector<16xi32>,
        %gather3A_138 = tpu.vector_load_idx %run_scoped3A[%get3A_137] : memref<10000xf32, #tpu.memory_space<vmem>>[vector<16xi32>], vector<16xf32>,
        %get3A_139 = arith.constant 1 : i32
        %get3A_140 = arith.index_cast %scan3A_108 : i32 to index
        %get3A_141 = arith.index_cast %get3A_139 : i32 to index
        %get3A_142 = arith.constant 16 : index
        %get3A_143 = tpu.vector_load %run_scoped3A_23[%get3A_140, %get3A_141, %get3A_142] {strides = array<i32>} : memref<25x2x80xi32, #tpu.memory_space<vmem>>, vector<16xi32>,
        %gather3A_144 = tpu.vector_load_idx %run_scoped3A_22[%get3A_143] : memref<10000xf32, #tpu.memory_space<vmem>>[vector<16xi32>], vector<16xf32>,
        %add3A_145 = arith.addf %gather3A_138, %gather3A_144 : vector<16xf32>
        %ge3A_146 = arith.constant 0.000000e+00 : f32
        %ge3A_147 = vector.broadcast %ge3A_146 : f32 to vector<16xf32>
        %ge3A_148 = arith.cmpf oge, %add3A_145, %ge3A_147 : vector<16xf32>
        %mul3A_149 = arith.constant 2.000000e-01 : f32
        %mul3A_150 = vector.broadcast %mul3A_149 : f32 to vector<16xf32>
        %mul3A_151 = arith.mulf %mul3A_150, %add3A_145 : vector<16xf32>
        %select_n3A_152 = arith.select %ge3A_148, %add3A_145, %mul3A_151 : vector<16xi1>, vector<16xf32>
        %exp3A_153 = math.exp %select_n3A_152 : vector<16xf32>
        %add3A_154 = arith.constant 50 : i32
        %add3A_155 = arith.addi %add3A_154, %scan3A_108 : i32
        %mul3A_156 = arith.constant 80 : i32
        %mul3A_157 = arith.muli %add3A_155, %mul3A_156 : i32
        %add3A_158 = arith.constant 16 : i32
        %add3A_159 = arith.addi %mul3A_157, %add3A_158 : i32
        %swap3A_160 = arith.index_cast %add3A_159 : i32 to index
        %swap3A_161 = tpu.vector_load %arg9[%swap3A_160] {strides = array<i32>} : memref<10000xf32, #tpu.memory_space<vmem>>, vector<16xf32>,
        tpu.vector_store %arg9[%swap3A_160], %exp3A_153 {strides = array<i32>} : memref<10000xf32, #tpu.memory_space<vmem>>, vector<16xf32>,
        %get3A_162 = arith.constant 0 : i32
        %get3A_163 = arith.index_cast %scan3A_108 : i32 to index
        %get3A_164 = arith.index_cast %get3A_162 : i32 to index
        %get3A_165 = arith.constant 32 : index
        %get3A_166 = tpu.vector_load %run_scoped3A_23[%get3A_163, %get3A_164, %get3A_165] {strides = array<i32>} : memref<25x2x80xi32, #tpu.memory_space<vmem>>, vector<16xi32>,
        %gather3A_167 = tpu.vector_load_idx %run_scoped3A[%get3A_166] : memref<10000xf32, #tpu.memory_space<vmem>>[vector<16xi32>], vector<16xf32>,
        %get3A_168 = arith.constant 1 : i32
        %get3A_169 = arith.index_cast %scan3A_108 : i32 to index
        %get3A_170 = arith.index_cast %get3A_168 : i32 to index
        %get3A_171 = arith.constant 32 : index
        %get3A_172 = tpu.vector_load %run_scoped3A_23[%get3A_169, %get3A_170, %get3A_171] {strides = array<i32>} : memref<25x2x80xi32, #tpu.memory_space<vmem>>, vector<16xi32>,
        %gather3A_173 = tpu.vector_load_idx %run_scoped3A_22[%get3A_172] : memref<10000xf32, #tpu.memory_space<vmem>>[vector<16xi32>], vector<16xf32>,
        %add3A_174 = arith.addf %gather3A_167, %gather3A_173 : vector<16xf32>
        %ge3A_175 = arith.constant 0.000000e+00 : f32
        %ge3A_176 = vector.broadcast %ge3A_175 : f32 to vector<16xf32>
        %ge3A_177 = arith.cmpf oge, %add3A_174, %ge3A_176 : vector<16xf32>
        %mul3A_178 = arith.constant 2.000000e-01 : f32
        %mul3A_179 = vector.broadcast %mul3A_178 : f32 to vector<16xf32>
        %mul3A_180 = arith.mulf %mul3A_179, %add3A_174 : vector<16xf32>
        %select_n3A_181 = arith.select %ge3A_177, %add3A_174, %mul3A_180 : vector<16xi1>, vector<16xf32>
        %exp3A_182 = math.exp %select_n3A_181 : vector<16xf32>
        %add3A_183 = arith.constant 50 : i32
        %add3A_184 = arith.addi %add3A_183, %scan3A_108 : i32
        %mul3A_185 = arith.constant 80 : i32
        %mul3A_186 = arith.muli %add3A_184, %mul3A_185 : i32
        %add3A_187 = arith.constant 32 : i32
        %add3A_188 = arith.addi %mul3A_186, %add3A_187 : i32
        %swap3A_189 = arith.index_cast %add3A_188 : i32 to index
        %swap3A_190 = tpu.vector_load %arg9[%swap3A_189] {strides = array<i32>} : memref<10000xf32, #tpu.memory_space<vmem>>, vector<16xf32>,
        tpu.vector_store %arg9[%swap3A_189], %exp3A_182 {strides = array<i32>} : memref<10000xf32, #tpu.memory_space<vmem>>, vector<16xf32>,
        %get3A_191 = arith.constant 0 : i32
        %get3A_192 = arith.index_cast %scan3A_108 : i32 to index
        %get3A_193 = arith.index_cast %get3A_191 : i32 to index
        %get3A_194 = arith.constant 48 : index
        %get3A_195 = tpu.vector_load %run_scoped3A_23[%get3A_192, %get3A_193, %get3A_194] {strides = array<i32>} : memref<25x2x80xi32, #tpu.memory_space<vmem>>, vector<16xi32>,
        %gather3A_196 = tpu.vector_load_idx %run_scoped3A[%get3A_195] : memref<10000xf32, #tpu.memory_space<vmem>>[vector<16xi32>], vector<16xf32>,
        %get3A_197 = arith.constant 1 : i32
        %get3A_198 = arith.index_cast %scan3A_108 : i32 to index
        %get3A_199 = arith.index_cast %get3A_197 : i32 to index
        %get3A_200 = arith.constant 48 : index
        %get3A_201 = tpu.vector_load %run_scoped3A_23[%get3A_198, %get3A_199, %get3A_200] {strides = array<i32>} : memref<25x2x80xi32, #tpu.memory_space<vmem>>, vector<16xi32>,
        %gather3A_202 = tpu.vector_load_idx %run_scoped3A_22[%get3A_201] : memref<10000xf32, #tpu.memory_space<vmem>>[vector<16xi32>], vector<16xf32>,
        %add3A_203 = arith.addf %gather3A_196, %gather3A_202 : vector<16xf32>
        %ge3A_204 = arith.constant 0.000000e+00 : f32
        %ge3A_205 = vector.broadcast %ge3A_204 : f32 to vector<16xf32>
        %ge3A_206 = arith.cmpf oge, %add3A_203, %ge3A_205 : vector<16xf32>
        %mul3A_207 = arith.constant 2.000000e-01 : f32
        %mul3A_208 = vector.broadcast %mul3A_207 : f32 to vector<16xf32>
        %mul3A_209 = arith.mulf %mul3A_208, %add3A_203 : vector<16xf32>
        %select_n3A_210 = arith.select %ge3A_206, %add3A_203, %mul3A_209 : vector<16xi1>, vector<16xf32>
        %exp3A_211 = math.exp %select_n3A_210 : vector<16xf32>
        %add3A_212 = arith.constant 50 : i32
        %add3A_213 = arith.addi %add3A_212, %scan3A_108 : i32
        %mul3A_214 = arith.constant 80 : i32
        %mul3A_215 = arith.muli %add3A_213, %mul3A_214 : i32
        %add3A_216 = arith.constant 48 : i32
        %add3A_217 = arith.addi %mul3A_215, %add3A_216 : i32
        %swap3A_218 = arith.index_cast %add3A_217 : i32 to index
        %swap3A_219 = tpu.vector_load %arg9[%swap3A_218] {strides = array<i32>} : memref<10000xf32, #tpu.memory_space<vmem>>, vector<16xf32>,
        tpu.vector_store %arg9[%swap3A_218], %exp3A_211 {strides = array<i32>} : memref<10000xf32, #tpu.memory_space<vmem>>, vector<16xf32>,
        %get3A_220 = arith.constant 0 : i32
        %get3A_221 = arith.index_cast %scan3A_108 : i32 to index
        %get3A_222 = arith.index_cast %get3A_220 : i32 to index
        %get3A_223 = arith.constant 64 : index
        %get3A_224 = tpu.vector_load %run_scoped3A_23[%get3A_221, %get3A_222, %get3A_223] {strides = array<i32>} : memref<25x2x80xi32, #tpu.memory_space<vmem>>, vector<16xi32>,
        %gather3A_225 = tpu.vector_load_idx %run_scoped3A[%get3A_224] : memref<10000xf32, #tpu.memory_space<vmem>>[vector<16xi32>], vector<16xf32>,
        %get3A_226 = arith.constant 1 : i32
        %get3A_227 = arith.index_cast %scan3A_108 : i32 to index
        %get3A_228 = arith.index_cast %get3A_226 : i32 to index
        %get3A_229 = arith.constant 64 : index
        %get3A_230 = tpu.vector_load %run_scoped3A_23[%get3A_227, %get3A_228, %get3A_229] {strides = array<i32>} : memref<25x2x80xi32, #tpu.memory_space<vmem>>, vector<16xi32>,
        %gather3A_231 = tpu.vector_load_idx %run_scoped3A_22[%get3A_230] : memref<10000xf32, #tpu.memory_space<vmem>>[vector<16xi32>], vector<16xf32>,
        %add3A_232 = arith.addf %gather3A_225, %gather3A_231 : vector<16xf32>
        %ge3A_233 = arith.constant 0.000000e+00 : f32
        %ge3A_234 = vector.broadcast %ge3A_233 : f32 to vector<16xf32>
        %ge3A_235 = arith.cmpf oge, %add3A_232, %ge3A_234 : vector<16xf32>
        %mul3A_236 = arith.constant 2.000000e-01 : f32
        %mul3A_237 = vector.broadcast %mul3A_236 : f32 to vector<16xf32>
        %mul3A_238 = arith.mulf %mul3A_237, %add3A_232 : vector<16xf32>
        %select_n3A_239 = arith.select %ge3A_235, %add3A_232, %mul3A_238 : vector<16xi1>, vector<16xf32>
        %exp3A_240 = math.exp %select_n3A_239 : vector<16xf32>
        %add3A_241 = arith.constant 50 : i32
        %add3A_242 = arith.addi %add3A_241, %scan3A_108 : i32
        %mul3A_243 = arith.constant 80 : i32
        %mul3A_244 = arith.muli %add3A_242, %mul3A_243 : i32
        %add3A_245 = arith.constant 64 : i32
        %add3A_246 = arith.addi %mul3A_244, %add3A_245 : i32
        %swap3A_247 = arith.index_cast %add3A_246 : i32 to index
        %swap3A_248 = tpu.vector_load %arg9[%swap3A_247] {strides = array<i32>} : memref<10000xf32, #tpu.memory_space<vmem>>, vector<16xf32>,
        tpu.vector_store %arg9[%swap3A_247], %exp3A_240 {strides = array<i32>} : memref<10000xf32, #tpu.memory_space<vmem>>, vector<16xf32>,
      }
      %scan3A_75 = arith.constant 25 : i32
      %dma_wait3A_76 = arith.constant 0 : i32
      %dma_wait3A_77 = arith.constant 0 : i32
      %dma_wait3A_78 = tpu.memref_slice %arg3[%select_n3A, %dma_wait3A_76, %dma_wait3A_77] : memref<4000x2x80xi32, #tpu.memory_space<hbm>> -> memref<25x2x80xi32, #tpu.memory_space<hbm>>
      %dma_wait3A_79 = arith.constant 0 : i32
      %dma_wait3A_80 = arith.constant 0 : i32
      %dma_wait3A_81 = tpu.memref_slice %arg3[%select_n3A, %dma_wait3A_79, %dma_wait3A_80] : memref<4000x2x80xi32, #tpu.memory_space<hbm>> -> memref<25x2x80xi32, #tpu.memory_space<hbm>>
      tpu.wait_dma2 semaphore(%arg13 : memref<!tpu.dma_semaphore, #tpu.memory_space<semaphore_mem>>) src(%dma_wait3A_81 : memref<25x2x80xi32, #tpu.memory_space<hbm>>) dst(%run_scoped3A_24 : memref<25x2x80xi32, #tpu.memory_space<vmem>>)
      %add3A_82 = arith.constant 100 : i32
      %add3A_83 = arith.addi %select_n3A, %add3A_82 : i32
      %dma_start3A_84 = arith.constant 0 : i32
      %dma_start3A_85 = arith.constant 0 : i32
      %dma_start3A_86 = tpu.memref_slice %arg3[%add3A_83, %dma_start3A_84, %dma_start3A_85] : memref<4000x2x80xi32, #tpu.memory_space<hbm>> -> memref<25x2x80xi32, #tpu.memory_space<hbm>>
      %dma_start3A_87 = arith.constant 0 : i32
      %dma_start3A_88 = arith.constant 0 : i32
      %dma_start3A_89 = tpu.memref_slice %arg3[%add3A_83, %dma_start3A_87, %dma_start3A_88] : memref<4000x2x80xi32, #tpu.memory_space<hbm>> -> memref<25x2x80xi32, #tpu.memory_space<hbm>>
      tpu.enqueue_dma source(%dma_start3A_89 : memref<25x2x80xi32, #tpu.memory_space<hbm>>) target(%run_scoped3A_23 : memref<25x2x80xi32, #tpu.memory_space<vmem>>) target_semaphore(%arg12 : memref<!tpu.dma_semaphore, #tpu.memory_space<semaphore_mem>>)
      %scan3A_90 = arith.constant 0 : i32
      %scan3A_91 = arith.constant 0 : i32
      %scan3A_92 = arith.constant 25 : i32
      %scan3A_93 = arith.addi %scan3A_91, %scan3A_92 : i32
      %scan3A_94 = arith.constant 1 : i32
      scf.for %scan3A_108 = %scan3A_91 to %scan3A_93 step %scan3A_94  : i32 {
        %get3A = arith.constant 0 : i32
        %get3A_109 = arith.index_cast %scan3A_108 : i32 to index
        %get3A_110 = arith.index_cast %get3A : i32 to index
        %get3A_111 = arith.constant 0 : index
        %get3A_112 = tpu.vector_load %run_scoped3A_24[%get3A_109, %get3A_110, %get3A_111] {strides = array<i32>} : memref<25x2x80xi32, #tpu.memory_space<vmem>>, vector<16xi32>,
        %gather3A = tpu.vector_load_idx %run_scoped3A[%get3A_112] : memref<10000xf32, #tpu.memory_space<vmem>>[vector<16xi32>], vector<16xf32>,
        %get3A_113 = arith.constant 1 : i32
        %get3A_114 = arith.index_cast %scan3A_108 : i32 to index
        %get3A_115 = arith.index_cast %get3A_113 : i32 to index
        %get3A_116 = arith.constant 0 : index
        %get3A_117 = tpu.vector_load %run_scoped3A_24[%get3A_114, %get3A_115, %get3A_116] {strides = array<i32>} : memref<25x2x80xi32, #tpu.memory_space<vmem>>, vector<16xi32>,
        %gather3A_118 = tpu.vector_load_idx %run_scoped3A_22[%get3A_117] : memref<10000xf32, #tpu.memory_space<vmem>>[vector<16xi32>], vector<16xf32>,
        %add3A_119 = arith.addf %gather3A, %gather3A_118 : vector<16xf32>
        %ge3A = arith.constant 0.000000e+00 : f32
        %ge3A_120 = vector.broadcast %ge3A : f32 to vector<16xf32>
        %ge3A_121 = arith.cmpf oge, %add3A_119, %ge3A_120 : vector<16xf32>
        %mul3A_122 = arith.constant 2.000000e-01 : f32
        %mul3A_123 = vector.broadcast %mul3A_122 : f32 to vector<16xf32>
        %mul3A_124 = arith.mulf %mul3A_123, %add3A_119 : vector<16xf32>
        %select_n3A_125 = arith.select %ge3A_121, %add3A_119, %mul3A_124 : vector<16xi1>, vector<16xf32>
        %exp3A = math.exp %select_n3A_125 : vector<16xf32>
        %add3A_126 = arith.constant 75 : i32
        %add3A_127 = arith.addi %add3A_126, %scan3A_108 : i32
        %mul3A_128 = arith.constant 80 : i32
        %mul3A_129 = arith.muli %add3A_127, %mul3A_128 : i32
        %add3A_130 = arith.constant 0 : i32
        %add3A_131 = arith.addi %mul3A_129, %add3A_130 : i32
        %swap3A = arith.index_cast %add3A_131 : i32 to index
        %swap3A_132 = tpu.vector_load %arg9[%swap3A] {strides = array<i32>} : memref<10000xf32, #tpu.memory_space<vmem>>, vector<16xf32>,
        tpu.vector_store %arg9[%swap3A], %exp3A {strides = array<i32>} : memref<10000xf32, #tpu.memory_space<vmem>>, vector<16xf32>,
        %get3A_133 = arith.constant 0 : i32
        %get3A_134 = arith.index_cast %scan3A_108 : i32 to index
        %get3A_135 = arith.index_cast %get3A_133 : i32 to index
        %get3A_136 = arith.constant 16 : index
        %get3A_137 = tpu.vector_load %run_scoped3A_24[%get3A_134, %get3A_135, %get3A_136] {strides = array<i32>} : memref<25x2x80xi32, #tpu.memory_space<vmem>>, vector<16xi32>,
        %gather3A_138 = tpu.vector_load_idx %run_scoped3A[%get3A_137] : memref<10000xf32, #tpu.memory_space<vmem>>[vector<16xi32>], vector<16xf32>,
        %get3A_139 = arith.constant 1 : i32
        %get3A_140 = arith.index_cast %scan3A_108 : i32 to index
        %get3A_141 = arith.index_cast %get3A_139 : i32 to index
        %get3A_142 = arith.constant 16 : index
        %get3A_143 = tpu.vector_load %run_scoped3A_24[%get3A_140, %get3A_141, %get3A_142] {strides = array<i32>} : memref<25x2x80xi32, #tpu.memory_space<vmem>>, vector<16xi32>,
        %gather3A_144 = tpu.vector_load_idx %run_scoped3A_22[%get3A_143] : memref<10000xf32, #tpu.memory_space<vmem>>[vector<16xi32>], vector<16xf32>,
        %add3A_145 = arith.addf %gather3A_138, %gather3A_144 : vector<16xf32>
        %ge3A_146 = arith.constant 0.000000e+00 : f32
        %ge3A_147 = vector.broadcast %ge3A_146 : f32 to vector<16xf32>
        %ge3A_148 = arith.cmpf oge, %add3A_145, %ge3A_147 : vector<16xf32>
        %mul3A_149 = arith.constant 2.000000e-01 : f32
        %mul3A_150 = vector.broadcast %mul3A_149 : f32 to vector<16xf32>
        %mul3A_151 = arith.mulf %mul3A_150, %add3A_145 : vector<16xf32>
        %select_n3A_152 = arith.select %ge3A_148, %add3A_145, %mul3A_151 : vector<16xi1>, vector<16xf32>
        %exp3A_153 = math.exp %select_n3A_152 : vector<16xf32>
        %add3A_154 = arith.constant 75 : i32
        %add3A_155 = arith.addi %add3A_154, %scan3A_108 : i32
        %mul3A_156 = arith.constant 80 : i32
        %mul3A_157 = arith.muli %add3A_155, %mul3A_156 : i32
        %add3A_158 = arith.constant 16 : i32
        %add3A_159 = arith.addi %mul3A_157, %add3A_158 : i32
        %swap3A_160 = arith.index_cast %add3A_159 : i32 to index
        %swap3A_161 = tpu.vector_load %arg9[%swap3A_160] {strides = array<i32>} : memref<10000xf32, #tpu.memory_space<vmem>>, vector<16xf32>,
        tpu.vector_store %arg9[%swap3A_160], %exp3A_153 {strides = array<i32>} : memref<10000xf32, #tpu.memory_space<vmem>>, vector<16xf32>,
        %get3A_162 = arith.constant 0 : i32
        %get3A_163 = arith.index_cast %scan3A_108 : i32 to index
        %get3A_164 = arith.index_cast %get3A_162 : i32 to index
        %get3A_165 = arith.constant 32 : index
        %get3A_166 = tpu.vector_load %run_scoped3A_24[%get3A_163, %get3A_164, %get3A_165] {strides = array<i32>} : memref<25x2x80xi32, #tpu.memory_space<vmem>>, vector<16xi32>,
        %gather3A_167 = tpu.vector_load_idx %run_scoped3A[%get3A_166] : memref<10000xf32, #tpu.memory_space<vmem>>[vector<16xi32>], vector<16xf32>,
        %get3A_168 = arith.constant 1 : i32
        %get3A_169 = arith.index_cast %scan3A_108 : i32 to index
        %get3A_170 = arith.index_cast %get3A_168 : i32 to index
        %get3A_171 = arith.constant 32 : index
        %get3A_172 = tpu.vector_load %run_scoped3A_24[%get3A_169, %get3A_170, %get3A_171] {strides = array<i32>} : memref<25x2x80xi32, #tpu.memory_space<vmem>>, vector<16xi32>,
        %gather3A_173 = tpu.vector_load_idx %run_scoped3A_22[%get3A_172] : memref<10000xf32, #tpu.memory_space<vmem>>[vector<16xi32>], vector<16xf32>,
        %add3A_174 = arith.addf %gather3A_167, %gather3A_173 : vector<16xf32>
        %ge3A_175 = arith.constant 0.000000e+00 : f32
        %ge3A_176 = vector.broadcast %ge3A_175 : f32 to vector<16xf32>
        %ge3A_177 = arith.cmpf oge, %add3A_174, %ge3A_176 : vector<16xf32>
        %mul3A_178 = arith.constant 2.000000e-01 : f32
        %mul3A_179 = vector.broadcast %mul3A_178 : f32 to vector<16xf32>
        %mul3A_180 = arith.mulf %mul3A_179, %add3A_174 : vector<16xf32>
        %select_n3A_181 = arith.select %ge3A_177, %add3A_174, %mul3A_180 : vector<16xi1>, vector<16xf32>
        %exp3A_182 = math.exp %select_n3A_181 : vector<16xf32>
        %add3A_183 = arith.constant 75 : i32
        %add3A_184 = arith.addi %add3A_183, %scan3A_108 : i32
        %mul3A_185 = arith.constant 80 : i32
        %mul3A_186 = arith.muli %add3A_184, %mul3A_185 : i32
        %add3A_187 = arith.constant 32 : i32
        %add3A_188 = arith.addi %mul3A_186, %add3A_187 : i32
        %swap3A_189 = arith.index_cast %add3A_188 : i32 to index
        %swap3A_190 = tpu.vector_load %arg9[%swap3A_189] {strides = array<i32>} : memref<10000xf32, #tpu.memory_space<vmem>>, vector<16xf32>,
        tpu.vector_store %arg9[%swap3A_189], %exp3A_182 {strides = array<i32>} : memref<10000xf32, #tpu.memory_space<vmem>>, vector<16xf32>,
        %get3A_191 = arith.constant 0 : i32
        %get3A_192 = arith.index_cast %scan3A_108 : i32 to index
        %get3A_193 = arith.index_cast %get3A_191 : i32 to index
        %get3A_194 = arith.constant 48 : index
        %get3A_195 = tpu.vector_load %run_scoped3A_24[%get3A_192, %get3A_193, %get3A_194] {strides = array<i32>} : memref<25x2x80xi32, #tpu.memory_space<vmem>>, vector<16xi32>,
        %gather3A_196 = tpu.vector_load_idx %run_scoped3A[%get3A_195] : memref<10000xf32, #tpu.memory_space<vmem>>[vector<16xi32>], vector<16xf32>,
        %get3A_197 = arith.constant 1 : i32
        %get3A_198 = arith.index_cast %scan3A_108 : i32 to index
        %get3A_199 = arith.index_cast %get3A_197 : i32 to index
        %get3A_200 = arith.constant 48 : index
        %get3A_201 = tpu.vector_load %run_scoped3A_24[%get3A_198, %get3A_199, %get3A_200] {strides = array<i32>} : memref<25x2x80xi32, #tpu.memory_space<vmem>>, vector<16xi32>,
        %gather3A_202 = tpu.vector_load_idx %run_scoped3A_22[%get3A_201] : memref<10000xf32, #tpu.memory_space<vmem>>[vector<16xi32>], vector<16xf32>,
        %add3A_203 = arith.addf %gather3A_196, %gather3A_202 : vector<16xf32>
        %ge3A_204 = arith.constant 0.000000e+00 : f32
        %ge3A_205 = vector.broadcast %ge3A_204 : f32 to vector<16xf32>
        %ge3A_206 = arith.cmpf oge, %add3A_203, %ge3A_205 : vector<16xf32>
        %mul3A_207 = arith.constant 2.000000e-01 : f32
        %mul3A_208 = vector.broadcast %mul3A_207 : f32 to vector<16xf32>
        %mul3A_209 = arith.mulf %mul3A_208, %add3A_203 : vector<16xf32>
        %select_n3A_210 = arith.select %ge3A_206, %add3A_203, %mul3A_209 : vector<16xi1>, vector<16xf32>
        %exp3A_211 = math.exp %select_n3A_210 : vector<16xf32>
        %add3A_212 = arith.constant 75 : i32
        %add3A_213 = arith.addi %add3A_212, %scan3A_108 : i32
        %mul3A_214 = arith.constant 80 : i32
        %mul3A_215 = arith.muli %add3A_213, %mul3A_214 : i32
        %add3A_216 = arith.constant 48 : i32
        %add3A_217 = arith.addi %mul3A_215, %add3A_216 : i32
        %swap3A_218 = arith.index_cast %add3A_217 : i32 to index
        %swap3A_219 = tpu.vector_load %arg9[%swap3A_218] {strides = array<i32>} : memref<10000xf32, #tpu.memory_space<vmem>>, vector<16xf32>,
        tpu.vector_store %arg9[%swap3A_218], %exp3A_211 {strides = array<i32>} : memref<10000xf32, #tpu.memory_space<vmem>>, vector<16xf32>,
        %get3A_220 = arith.constant 0 : i32
        %get3A_221 = arith.index_cast %scan3A_108 : i32 to index
        %get3A_222 = arith.index_cast %get3A_220 : i32 to index
        %get3A_223 = arith.constant 64 : index
        %get3A_224 = tpu.vector_load %run_scoped3A_24[%get3A_221, %get3A_222, %get3A_223] {strides = array<i32>} : memref<25x2x80xi32, #tpu.memory_space<vmem>>, vector<16xi32>,
        %gather3A_225 = tpu.vector_load_idx %run_scoped3A[%get3A_224] : memref<10000xf32, #tpu.memory_space<vmem>>[vector<16xi32>], vector<16xf32>,
        %get3A_226 = arith.constant 1 : i32
        %get3A_227 = arith.index_cast %scan3A_108 : i32 to index
        %get3A_228 = arith.index_cast %get3A_226 : i32 to index
        %get3A_229 = arith.constant 64 : index
        %get3A_230 = tpu.vector_load %run_scoped3A_24[%get3A_227, %get3A_228, %get3A_229] {strides = array<i32>} : memref<25x2x80xi32, #tpu.memory_space<vmem>>, vector<16xi32>,
        %gather3A_231 = tpu.vector_load_idx %run_scoped3A_22[%get3A_230] : memref<10000xf32, #tpu.memory_space<vmem>>[vector<16xi32>], vector<16xf32>,
        %add3A_232 = arith.addf %gather3A_225, %gather3A_231 : vector<16xf32>
        %ge3A_233 = arith.constant 0.000000e+00 : f32
        %ge3A_234 = vector.broadcast %ge3A_233 : f32 to vector<16xf32>
        %ge3A_235 = arith.cmpf oge, %add3A_232, %ge3A_234 : vector<16xf32>
        %mul3A_236 = arith.constant 2.000000e-01 : f32
        %mul3A_237 = vector.broadcast %mul3A_236 : f32 to vector<16xf32>
        %mul3A_238 = arith.mulf %mul3A_237, %add3A_232 : vector<16xf32>
        %select_n3A_239 = arith.select %ge3A_235, %add3A_232, %mul3A_238 : vector<16xi1>, vector<16xf32>
        %exp3A_240 = math.exp %select_n3A_239 : vector<16xf32>
        %add3A_241 = arith.constant 75 : i32
        %add3A_242 = arith.addi %add3A_241, %scan3A_108 : i32
        %mul3A_243 = arith.constant 80 : i32
        %mul3A_244 = arith.muli %add3A_242, %mul3A_243 : i32
        %add3A_245 = arith.constant 64 : i32
        %add3A_246 = arith.addi %mul3A_244, %add3A_245 : i32
        %swap3A_247 = arith.index_cast %add3A_246 : i32 to index
        %swap3A_248 = tpu.vector_load %arg9[%swap3A_247] {strides = array<i32>} : memref<10000xf32, #tpu.memory_space<vmem>>, vector<16xf32>,
        tpu.vector_store %arg9[%swap3A_247], %exp3A_240 {strides = array<i32>} : memref<10000xf32, #tpu.memory_space<vmem>>, vector<16xf32>,
      }
      %scan3A_95 = arith.constant 25 : i32
      %dma_wait3A_96 = arith.constant 0 : i32
      %dma_wait3A_97 = arith.constant 0 : i32
      %dma_wait3A_98 = tpu.memref_slice %arg3[%select_n3A, %dma_wait3A_96, %dma_wait3A_97] : memref<4000x2x80xi32, #tpu.memory_space<hbm>> -> memref<25x2x80xi32, #tpu.memory_space<hbm>>
      %dma_wait3A_99 = arith.constant 0 : i32
      %dma_wait3A_100 = arith.constant 0 : i32
      %dma_wait3A_101 = tpu.memref_slice %arg3[%select_n3A, %dma_wait3A_99, %dma_wait3A_100] : memref<4000x2x80xi32, #tpu.memory_space<hbm>> -> memref<25x2x80xi32, #tpu.memory_space<hbm>>
      tpu.wait_dma2 semaphore(%arg12 : memref<!tpu.dma_semaphore, #tpu.memory_space<semaphore_mem>>) src(%dma_wait3A_101 : memref<25x2x80xi32, #tpu.memory_space<hbm>>) dst(%run_scoped3A_23 : memref<25x2x80xi32, #tpu.memory_space<vmem>>)
      %scan3A_102 = arith.constant 0 : i32
      %scan3A_103 = arith.constant 0 : i32
      %scan3A_104 = arith.constant 25 : i32
      %scan3A_105 = arith.addi %scan3A_103, %scan3A_104 : i32
      %scan3A_106 = arith.constant 1 : i32
      scf.for %scan3A_108 = %scan3A_103 to %scan3A_105 step %scan3A_106  : i32 {
        %get3A = arith.constant 0 : i32
        %get3A_109 = arith.index_cast %scan3A_108 : i32 to index
        %get3A_110 = arith.index_cast %get3A : i32 to index
        %get3A_111 = arith.constant 0 : index
        %get3A_112 = tpu.vector_load %run_scoped3A_23[%get3A_109, %get3A_110, %get3A_111] {strides = array<i32>} : memref<25x2x80xi32, #tpu.memory_space<vmem>>, vector<16xi32>,
        %gather3A = tpu.vector_load_idx %run_scoped3A[%get3A_112] : memref<10000xf32, #tpu.memory_space<vmem>>[vector<16xi32>], vector<16xf32>,
        %get3A_113 = arith.constant 1 : i32
        %get3A_114 = arith.index_cast %scan3A_108 : i32 to index
        %get3A_115 = arith.index_cast %get3A_113 : i32 to index
        %get3A_116 = arith.constant 0 : index
        %get3A_117 = tpu.vector_load %run_scoped3A_23[%get3A_114, %get3A_115, %get3A_116] {strides = array<i32>} : memref<25x2x80xi32, #tpu.memory_space<vmem>>, vector<16xi32>,
        %gather3A_118 = tpu.vector_load_idx %run_scoped3A_22[%get3A_117] : memref<10000xf32, #tpu.memory_space<vmem>>[vector<16xi32>], vector<16xf32>,
        %add3A_119 = arith.addf %gather3A, %gather3A_118 : vector<16xf32>
        %ge3A = arith.constant 0.000000e+00 : f32
        %ge3A_120 = vector.broadcast %ge3A : f32 to vector<16xf32>
        %ge3A_121 = arith.cmpf oge, %add3A_119, %ge3A_120 : vector<16xf32>
        %mul3A_122 = arith.constant 2.000000e-01 : f32
        %mul3A_123 = vector.broadcast %mul3A_122 : f32 to vector<16xf32>
        %mul3A_124 = arith.mulf %mul3A_123, %add3A_119 : vector<16xf32>
        %select_n3A_125 = arith.select %ge3A_121, %add3A_119, %mul3A_124 : vector<16xi1>, vector<16xf32>
        %exp3A = math.exp %select_n3A_125 : vector<16xf32>
        %add3A_126 = arith.constant 100 : i32
        %add3A_127 = arith.addi %add3A_126, %scan3A_108 : i32
        %mul3A_128 = arith.constant 80 : i32
        %mul3A_129 = arith.muli %add3A_127, %mul3A_128 : i32
        %add3A_130 = arith.constant 0 : i32
        %add3A_131 = arith.addi %mul3A_129, %add3A_130 : i32
        %swap3A = arith.index_cast %add3A_131 : i32 to index
        %swap3A_132 = tpu.vector_load %arg9[%swap3A] {strides = array<i32>} : memref<10000xf32, #tpu.memory_space<vmem>>, vector<16xf32>,
        tpu.vector_store %arg9[%swap3A], %exp3A {strides = array<i32>} : memref<10000xf32, #tpu.memory_space<vmem>>, vector<16xf32>,
        %get3A_133 = arith.constant 0 : i32
        %get3A_134 = arith.index_cast %scan3A_108 : i32 to index
        %get3A_135 = arith.index_cast %get3A_133 : i32 to index
        %get3A_136 = arith.constant 16 : index
        %get3A_137 = tpu.vector_load %run_scoped3A_23[%get3A_134, %get3A_135, %get3A_136] {strides = array<i32>} : memref<25x2x80xi32, #tpu.memory_space<vmem>>, vector<16xi32>,
        %gather3A_138 = tpu.vector_load_idx %run_scoped3A[%get3A_137] : memref<10000xf32, #tpu.memory_space<vmem>>[vector<16xi32>], vector<16xf32>,
        %get3A_139 = arith.constant 1 : i32
        %get3A_140 = arith.index_cast %scan3A_108 : i32 to index
        %get3A_141 = arith.index_cast %get3A_139 : i32 to index
        %get3A_142 = arith.constant 16 : index
        %get3A_143 = tpu.vector_load %run_scoped3A_23[%get3A_140, %get3A_141, %get3A_142] {strides = array<i32>} : memref<25x2x80xi32, #tpu.memory_space<vmem>>, vector<16xi32>,
        %gather3A_144 = tpu.vector_load_idx %run_scoped3A_22[%get3A_143] : memref<10000xf32, #tpu.memory_space<vmem>>[vector<16xi32>], vector<16xf32>,
        %add3A_145 = arith.addf %gather3A_138, %gather3A_144 : vector<16xf32>
        %ge3A_146 = arith.constant 0.000000e+00 : f32
        %ge3A_147 = vector.broadcast %ge3A_146 : f32 to vector<16xf32>
        %ge3A_148 = arith.cmpf oge, %add3A_145, %ge3A_147 : vector<16xf32>
        %mul3A_149 = arith.constant 2.000000e-01 : f32
        %mul3A_150 = vector.broadcast %mul3A_149 : f32 to vector<16xf32>
        %mul3A_151 = arith.mulf %mul3A_150, %add3A_145 : vector<16xf32>
        %select_n3A_152 = arith.select %ge3A_148, %add3A_145, %mul3A_151 : vector<16xi1>, vector<16xf32>
        %exp3A_153 = math.exp %select_n3A_152 : vector<16xf32>
        %add3A_154 = arith.constant 100 : i32
        %add3A_155 = arith.addi %add3A_154, %scan3A_108 : i32
        %mul3A_156 = arith.constant 80 : i32
        %mul3A_157 = arith.muli %add3A_155, %mul3A_156 : i32
        %add3A_158 = arith.constant 16 : i32
        %add3A_159 = arith.addi %mul3A_157, %add3A_158 : i32
        %swap3A_160 = arith.index_cast %add3A_159 : i32 to index
        %swap3A_161 = tpu.vector_load %arg9[%swap3A_160] {strides = array<i32>} : memref<10000xf32, #tpu.memory_space<vmem>>, vector<16xf32>,
        tpu.vector_store %arg9[%swap3A_160], %exp3A_153 {strides = array<i32>} : memref<10000xf32, #tpu.memory_space<vmem>>, vector<16xf32>,
        %get3A_162 = arith.constant 0 : i32
        %get3A_163 = arith.index_cast %scan3A_108 : i32 to index
        %get3A_164 = arith.index_cast %get3A_162 : i32 to index
        %get3A_165 = arith.constant 32 : index
        %get3A_166 = tpu.vector_load %run_scoped3A_23[%get3A_163, %get3A_164, %get3A_165] {strides = array<i32>} : memref<25x2x80xi32, #tpu.memory_space<vmem>>, vector<16xi32>,
        %gather3A_167 = tpu.vector_load_idx %run_scoped3A[%get3A_166] : memref<10000xf32, #tpu.memory_space<vmem>>[vector<16xi32>], vector<16xf32>,
        %get3A_168 = arith.constant 1 : i32
        %get3A_169 = arith.index_cast %scan3A_108 : i32 to index
        %get3A_170 = arith.index_cast %get3A_168 : i32 to index
        %get3A_171 = arith.constant 32 : index
        %get3A_172 = tpu.vector_load %run_scoped3A_23[%get3A_169, %get3A_170, %get3A_171] {strides = array<i32>} : memref<25x2x80xi32, #tpu.memory_space<vmem>>, vector<16xi32>,
        %gather3A_173 = tpu.vector_load_idx %run_scoped3A_22[%get3A_172] : memref<10000xf32, #tpu.memory_space<vmem>>[vector<16xi32>], vector<16xf32>,
        %add3A_174 = arith.addf %gather3A_167, %gather3A_173 : vector<16xf32>
        %ge3A_175 = arith.constant 0.000000e+00 : f32
        %ge3A_176 = vector.broadcast %ge3A_175 : f32 to vector<16xf32>
        %ge3A_177 = arith.cmpf oge, %add3A_174, %ge3A_176 : vector<16xf32>
        %mul3A_178 = arith.constant 2.000000e-01 : f32
        %mul3A_179 = vector.broadcast %mul3A_178 : f32 to vector<16xf32>
        %mul3A_180 = arith.mulf %mul3A_179, %add3A_174 : vector<16xf32>
        %select_n3A_181 = arith.select %ge3A_177, %add3A_174, %mul3A_180 : vector<16xi1>, vector<16xf32>
        %exp3A_182 = math.exp %select_n3A_181 : vector<16xf32>
        %add3A_183 = arith.constant 100 : i32
        %add3A_184 = arith.addi %add3A_183, %scan3A_108 : i32
        %mul3A_185 = arith.constant 80 : i32
        %mul3A_186 = arith.muli %add3A_184, %mul3A_185 : i32
        %add3A_187 = arith.constant 32 : i32
        %add3A_188 = arith.addi %mul3A_186, %add3A_187 : i32
        %swap3A_189 = arith.index_cast %add3A_188 : i32 to index
        %swap3A_190 = tpu.vector_load %arg9[%swap3A_189] {strides = array<i32>} : memref<10000xf32, #tpu.memory_space<vmem>>, vector<16xf32>,
        tpu.vector_store %arg9[%swap3A_189], %exp3A_182 {strides = array<i32>} : memref<10000xf32, #tpu.memory_space<vmem>>, vector<16xf32>,
        %get3A_191 = arith.constant 0 : i32
        %get3A_192 = arith.index_cast %scan3A_108 : i32 to index
        %get3A_193 = arith.index_cast %get3A_191 : i32 to index
        %get3A_194 = arith.constant 48 : index
        %get3A_195 = tpu.vector_load %run_scoped3A_23[%get3A_192, %get3A_193, %get3A_194] {strides = array<i32>} : memref<25x2x80xi32, #tpu.memory_space<vmem>>, vector<16xi32>,
        %gather3A_196 = tpu.vector_load_idx %run_scoped3A[%get3A_195] : memref<10000xf32, #tpu.memory_space<vmem>>[vector<16xi32>], vector<16xf32>,
        %get3A_197 = arith.constant 1 : i32
        %get3A_198 = arith.index_cast %scan3A_108 : i32 to index
        %get3A_199 = arith.index_cast %get3A_197 : i32 to index
        %get3A_200 = arith.constant 48 : index
        %get3A_201 = tpu.vector_load %run_scoped3A_23[%get3A_198, %get3A_199, %get3A_200] {strides = array<i32>} : memref<25x2x80xi32, #tpu.memory_space<vmem>>, vector<16xi32>,
        %gather3A_202 = tpu.vector_load_idx %run_scoped3A_22[%get3A_201] : memref<10000xf32, #tpu.memory_space<vmem>>[vector<16xi32>], vector<16xf32>,
        %add3A_203 = arith.addf %gather3A_196, %gather3A_202 : vector<16xf32>
        %ge3A_204 = arith.constant 0.000000e+00 : f32
        %ge3A_205 = vector.broadcast %ge3A_204 : f32 to vector<16xf32>
        %ge3A_206 = arith.cmpf oge, %add3A_203, %ge3A_205 : vector<16xf32>
        %mul3A_207 = arith.constant 2.000000e-01 : f32
        %mul3A_208 = vector.broadcast %mul3A_207 : f32 to vector<16xf32>
        %mul3A_209 = arith.mulf %mul3A_208, %add3A_203 : vector<16xf32>
        %select_n3A_210 = arith.select %ge3A_206, %add3A_203, %mul3A_209 : vector<16xi1>, vector<16xf32>
        %exp3A_211 = math.exp %select_n3A_210 : vector<16xf32>
        %add3A_212 = arith.constant 100 : i32
        %add3A_213 = arith.addi %add3A_212, %scan3A_108 : i32
        %mul3A_214 = arith.constant 80 : i32
        %mul3A_215 = arith.muli %add3A_213, %mul3A_214 : i32
        %add3A_216 = arith.constant 48 : i32
        %add3A_217 = arith.addi %mul3A_215, %add3A_216 : i32
        %swap3A_218 = arith.index_cast %add3A_217 : i32 to index
        %swap3A_219 = tpu.vector_load %arg9[%swap3A_218] {strides = array<i32>} : memref<10000xf32, #tpu.memory_space<vmem>>, vector<16xf32>,
        tpu.vector_store %arg9[%swap3A_218], %exp3A_211 {strides = array<i32>} : memref<10000xf32, #tpu.memory_space<vmem>>, vector<16xf32>,
        %get3A_220 = arith.constant 0 : i32
        %get3A_221 = arith.index_cast %scan3A_108 : i32 to index
        %get3A_222 = arith.index_cast %get3A_220 : i32 to index
        %get3A_223 = arith.constant 64 : index
        %get3A_224 = tpu.vector_load %run_scoped3A_23[%get3A_221, %get3A_222, %get3A_223] {strides = array<i32>} : memref<25x2x80xi32, #tpu.memory_space<vmem>>, vector<16xi32>,
        %gather3A_225 = tpu.vector_load_idx %run_scoped3A[%get3A_224] : memref<10000xf32, #tpu.memory_space<vmem>>[vector<16xi32>], vector<16xf32>,
        %get3A_226 = arith.constant 1 : i32
        %get3A_227 = arith.index_cast %scan3A_108 : i32 to index
        %get3A_228 = arith.index_cast %get3A_226 : i32 to index
        %get3A_229 = arith.constant 64 : index
        %get3A_230 = tpu.vector_load %run_scoped3A_23[%get3A_227, %get3A_228, %get3A_229] {strides = array<i32>} : memref<25x2x80xi32, #tpu.memory_space<vmem>>, vector<16xi32>,
        %gather3A_231 = tpu.vector_load_idx %run_scoped3A_22[%get3A_230] : memref<10000xf32, #tpu.memory_space<vmem>>[vector<16xi32>], vector<16xf32>,
        %add3A_232 = arith.addf %gather3A_225, %gather3A_231 : vector<16xf32>
        %ge3A_233 = arith.constant 0.000000e+00 : f32
        %ge3A_234 = vector.broadcast %ge3A_233 : f32 to vector<16xf32>
        %ge3A_235 = arith.cmpf oge, %add3A_232, %ge3A_234 : vector<16xf32>
        %mul3A_236 = arith.constant 2.000000e-01 : f32
        %mul3A_237 = vector.broadcast %mul3A_236 : f32 to vector<16xf32>
        %mul3A_238 = arith.mulf %mul3A_237, %add3A_232 : vector<16xf32>
        %select_n3A_239 = arith.select %ge3A_235, %add3A_232, %mul3A_238 : vector<16xi1>, vector<16xf32>
        %exp3A_240 = math.exp %select_n3A_239 : vector<16xf32>
        %add3A_241 = arith.constant 100 : i32
        %add3A_242 = arith.addi %add3A_241, %scan3A_108 : i32
        %mul3A_243 = arith.constant 80 : i32
        %mul3A_244 = arith.muli %add3A_242, %mul3A_243 : i32
        %add3A_245 = arith.constant 64 : i32
        %add3A_246 = arith.addi %mul3A_244, %add3A_245 : i32
        %swap3A_247 = arith.index_cast %add3A_246 : i32 to index
        %swap3A_248 = tpu.vector_load %arg9[%swap3A_247] {strides = array<i32>} : memref<10000xf32, #tpu.memory_space<vmem>>, vector<16xf32>,
        tpu.vector_store %arg9[%swap3A_247], %exp3A_240 {strides = array<i32>} : memref<10000xf32, #tpu.memory_space<vmem>>, vector<16xf32>,
      }
      %scan3A_107 = arith.constant 25 : i32
      tpu.yield
    }) : () -> ()
    "tpu.region"() ({
      %run_scoped3A = memref.alloca() : memref<80x144xf32, #tpu.memory_space<vmem>>
      %run_scoped3A_22 = memref.alloca() : memref<80x144xf32, #tpu.memory_space<vmem>>
      "tpu.region"() ({
        %run_scoped3A_79 = tpu.sem_alloc : memref<!tpu.dma_semaphore, #tpu.memory_space<semaphore_mem>>
        %dma_start3A_80 = arith.constant 0 : i32
        %dma_start3A_81 = arith.constant 0 : i32
        %dma_start3A_82 = tpu.memref_slice %arg3[%select_n3A, %dma_start3A_80, %dma_start3A_81] : memref<4000x2x80xi32, #tpu.memory_space<hbm>> -> memref<1x2x80xi32, #tpu.memory_space<hbm>>
        %dma_start3A_83 = tpu.memref_squeeze %dma_start3A_82 : memref<1x2x80xi32, #tpu.memory_space<hbm>> -> memref<2x80xi32, #tpu.memory_space<hbm>>
        %dma_start3A_84 = arith.constant 0 : i32
        %dma_start3A_85 = arith.constant 0 : i32
        %dma_start3A_86 = tpu.memref_slice %arg3[%select_n3A, %dma_start3A_84, %dma_start3A_85] : memref<4000x2x80xi32, #tpu.memory_space<hbm>> -> memref<1x2x80xi32, #tpu.memory_space<hbm>>
        %dma_start3A_87 = tpu.memref_squeeze %dma_start3A_86 : memref<1x2x80xi32, #tpu.memory_space<hbm>> -> memref<2x80xi32, #tpu.memory_space<hbm>>
        tpu.enqueue_dma source(%dma_start3A_87 : memref<2x80xi32, #tpu.memory_space<hbm>>) target(%arg10 : memref<2x80xi32, #tpu.memory_space<vmem>>) target_semaphore(%run_scoped3A_79 : memref<!tpu.dma_semaphore, #tpu.memory_space<semaphore_mem>>)
        %dma_wait3A_88 = arith.constant 0 : i32
        %dma_wait3A_89 = arith.constant 0 : i32
        %dma_wait3A_90 = tpu.memref_slice %arg3[%select_n3A, %dma_wait3A_88, %dma_wait3A_89] : memref<4000x2x80xi32, #tpu.memory_space<hbm>> -> memref<1x2x80xi32, #tpu.memory_space<hbm>>
        %dma_wait3A_91 = tpu.memref_squeeze %dma_wait3A_90 : memref<1x2x80xi32, #tpu.memory_space<hbm>> -> memref<2x80xi32, #tpu.memory_space<hbm>>
        %dma_wait3A_92 = arith.constant 0 : i32
        %dma_wait3A_93 = arith.constant 0 : i32
        %dma_wait3A_94 = tpu.memref_slice %arg3[%select_n3A, %dma_wait3A_92, %dma_wait3A_93] : memref<4000x2x80xi32, #tpu.memory_space<hbm>> -> memref<1x2x80xi32, #tpu.memory_space<hbm>>
        %dma_wait3A_95 = tpu.memref_squeeze %dma_wait3A_94 : memref<1x2x80xi32, #tpu.memory_space<hbm>> -> memref<2x80xi32, #tpu.memory_space<hbm>>
        tpu.wait_dma2 semaphore(%run_scoped3A_79 : memref<!tpu.dma_semaphore, #tpu.memory_space<semaphore_mem>>) src(%dma_wait3A_95 : memref<2x80xi32, #tpu.memory_space<hbm>>) dst(%arg10 : memref<2x80xi32, #tpu.memory_space<vmem>>)
        tpu.yield
      }) : () -> ()
      %dma_start3A = arith.constant 0 : i32
      %dma_start3A_23 = arith.constant 0 : i32
      %dma_start3A_24 = tpu.memref_slice %arg10[%dma_start3A, %dma_start3A_23] : memref<2x80xi32, #tpu.memory_space<vmem>> -> memref<1x80xi32, #tpu.memory_space<vmem>>
      %dma_start3A_25 = tpu.memref_squeeze %dma_start3A_24 : memref<1x80xi32, #tpu.memory_space<vmem>> -> memref<80xi32, #tpu.memory_space<vmem>>
      %dma_start3A_26 = arith.constant 0 : i32
      %dma_start3A_27 = arith.constant 0 : i32
      %dma_start3A_28 = tpu.memref_slice %arg2[%dma_start3A_26, %dma_start3A_27] : memref<10000x144xf32, #tpu.memory_space<hbm>> -> memref<10000x144xf32, #tpu.memory_space<hbm>>
      tpu.enqueue_indirect_dma source(%dma_start3A_28 : memref<10000x144xf32, #tpu.memory_space<hbm>>) target(%run_scoped3A : memref<80x144xf32, #tpu.memory_space<vmem>>) offsets(%dma_start3A_25 : memref<80xi32, #tpu.memory_space<vmem>>) semaphore(%arg14 : memref<!tpu.dma_semaphore, #tpu.memory_space<semaphore_mem>>)
      %min3A = arith.constant 1 : i32
      %min3A_29 = arith.constant 124 : i32
      %min3A_30 = arith.minsi %min3A, %min3A_29 : i32
      %add3A_31 = arith.addi %select_n3A, %min3A_30 : i32
      %dma_start3A_32 = arith.constant 0 : i32
      %dma_start3A_33 = arith.constant 0 : i32
      %dma_start3A_34 = tpu.memref_slice %arg3[%add3A_31, %dma_start3A_32, %dma_start3A_33] : memref<4000x2x80xi32, #tpu.memory_space<hbm>> -> memref<1x2x80xi32, #tpu.memory_space<hbm>>
      %dma_start3A_35 = tpu.memref_squeeze %dma_start3A_34 : memref<1x2x80xi32, #tpu.memory_space<hbm>> -> memref<2x80xi32, #tpu.memory_space<hbm>>
      %dma_start3A_36 = arith.constant 0 : i32
      %dma_start3A_37 = arith.constant 0 : i32
      %dma_start3A_38 = tpu.memref_slice %arg3[%add3A_31, %dma_start3A_36, %dma_start3A_37] : memref<4000x2x80xi32, #tpu.memory_space<hbm>> -> memref<1x2x80xi32, #tpu.memory_space<hbm>>
      %dma_start3A_39 = tpu.memref_squeeze %dma_start3A_38 : memref<1x2x80xi32, #tpu.memory_space<hbm>> -> memref<2x80xi32, #tpu.memory_space<hbm>>
      tpu.enqueue_dma source(%dma_start3A_39 : memref<2x80xi32, #tpu.memory_space<hbm>>) target(%arg11 : memref<2x80xi32, #tpu.memory_space<vmem>>) target_semaphore(%arg13 : memref<!tpu.dma_semaphore, #tpu.memory_space<semaphore_mem>>)
      %scan3A = arith.constant 0 : i32
      %scan3A_40 = arith.constant 0 : i32
      %scan3A_41 = arith.constant 62 : i32
      %scan3A_42 = arith.addi %scan3A_40, %scan3A_41 : i32
      %scan3A_43 = arith.constant 1 : i32
      scf.for %scan3A_79 = %scan3A_40 to %scan3A_42 step %scan3A_43  : i32 {
        %mul3A_80 = arith.constant 2 : i32
        %mul3A_81 = arith.muli %mul3A_80, %scan3A_79 : i32
        %dma_wait3A_82 = arith.constant 0 : i32
        %dma_wait3A_83 = arith.constant 0 : i32
        %dma_wait3A_84 = tpu.memref_slice %arg3[%select_n3A, %dma_wait3A_82, %dma_wait3A_83] : memref<4000x2x80xi32, #tpu.memory_space<hbm>> -> memref<1x2x80xi32, #tpu.memory_space<hbm>>
        %dma_wait3A_85 = tpu.memref_squeeze %dma_wait3A_84 : memref<1x2x80xi32, #tpu.memory_space<hbm>> -> memref<2x80xi32, #tpu.memory_space<hbm>>
        %dma_wait3A_86 = arith.constant 0 : i32
        %dma_wait3A_87 = arith.constant 0 : i32
        %dma_wait3A_88 = tpu.memref_slice %arg3[%select_n3A, %dma_wait3A_86, %dma_wait3A_87] : memref<4000x2x80xi32, #tpu.memory_space<hbm>> -> memref<1x2x80xi32, #tpu.memory_space<hbm>>
        %dma_wait3A_89 = tpu.memref_squeeze %dma_wait3A_88 : memref<1x2x80xi32, #tpu.memory_space<hbm>> -> memref<2x80xi32, #tpu.memory_space<hbm>>
        tpu.wait_dma2 semaphore(%arg13 : memref<!tpu.dma_semaphore, #tpu.memory_space<semaphore_mem>>) src(%dma_wait3A_89 : memref<2x80xi32, #tpu.memory_space<hbm>>) dst(%arg11 : memref<2x80xi32, #tpu.memory_space<vmem>>)
        %dma_start3A_90 = arith.constant 0 : i32
        %dma_start3A_91 = arith.constant 0 : i32
        %dma_start3A_92 = tpu.memref_slice %arg11[%dma_start3A_90, %dma_start3A_91] : memref<2x80xi32, #tpu.memory_space<vmem>> -> memref<1x80xi32, #tpu.memory_space<vmem>>
        %dma_start3A_93 = tpu.memref_squeeze %dma_start3A_92 : memref<1x80xi32, #tpu.memory_space<vmem>> -> memref<80xi32, #tpu.memory_space<vmem>>
        %dma_start3A_94 = arith.constant 0 : i32
        %dma_start3A_95 = arith.constant 0 : i32
        %dma_start3A_96 = tpu.memref_slice %arg2[%dma_start3A_94, %dma_start3A_95] : memref<10000x144xf32, #tpu.memory_space<hbm>> -> memref<10000x144xf32, #tpu.memory_space<hbm>>
        tpu.enqueue_indirect_dma source(%dma_start3A_96 : memref<10000x144xf32, #tpu.memory_space<hbm>>) target(%run_scoped3A_22 : memref<80x144xf32, #tpu.memory_space<vmem>>) offsets(%dma_start3A_93 : memref<80xi32, #tpu.memory_space<vmem>>) semaphore(%arg15 : memref<!tpu.dma_semaphore, #tpu.memory_space<semaphore_mem>>)
        %dma_wait3A_97 = arith.constant 0 : i32
        %dma_wait3A_98 = arith.constant 0 : i32
        %dma_wait3A_99 = tpu.memref_slice %arg10[%dma_wait3A_97, %dma_wait3A_98] : memref<2x80xi32, #tpu.memory_space<vmem>> -> memref<1x80xi32, #tpu.memory_space<vmem>>
        %dma_wait3A_100 = tpu.memref_squeeze %dma_wait3A_99 : memref<1x80xi32, #tpu.memory_space<vmem>> -> memref<80xi32, #tpu.memory_space<vmem>>
        %dma_wait3A_101 = arith.constant 0 : i32
        %dma_wait3A_102 = arith.constant 0 : i32
        %dma_wait3A_103 = tpu.memref_slice %arg2[%dma_wait3A_101, %dma_wait3A_102] : memref<10000x144xf32, #tpu.memory_space<hbm>> -> memref<10000x144xf32, #tpu.memory_space<hbm>>
        tpu.wait_indirect_dma semaphore(%arg14 : memref<!tpu.dma_semaphore, #tpu.memory_space<semaphore_mem>>) src(%dma_wait3A_103 : memref<10000x144xf32, #tpu.memory_space<hbm>>) dst(%run_scoped3A : memref<80x144xf32, #tpu.memory_space<vmem>>)
        %scan3A_104 = arith.constant 0 : i32
        %scan3A_105 = arith.constant 0 : i32
        %scan3A_106 = arith.constant 80 : i32
        %scan3A_107 = arith.addi %scan3A_105, %scan3A_106 : i32
        %scan3A_108 = arith.constant 4 : i32
        scf.for %scan3A_194 = %scan3A_105 to %scan3A_107 step %scan3A_108  : i32 {
          %mul3A_195 = arith.constant 80 : i32
          %mul3A_196 = arith.muli %mul3A_81, %mul3A_195 : i32
          %add3A_197 = arith.addi %mul3A_196, %scan3A_194 : i32
          %broadcast_in_dim3A = vector.broadcast %add3A_197 : i32 to vector<16xi32>
          %gather3A = tpu.vector_load_idx %arg9[%broadcast_in_dim3A] : memref<10000xf32, #tpu.memory_space<vmem>>[vector<16xi32>], vector<16xf32>,
          %get3A = arith.index_cast %scan3A_194 : i32 to index
          %get3A_198 = arith.constant 0 : index
          %get3A_199 = tpu.vector_load %run_scoped3A[%get3A, %get3A_198] {strides = array<i32>} : memref<80x144xf32, #tpu.memory_space<vmem>>, vector<16xf32>,
          %get3A_200 = arith.index_cast %scan3A_194 : i32 to index
          %get3A_201 = arith.constant 16 : index
          %get3A_202 = tpu.vector_load %run_scoped3A[%get3A_200, %get3A_201] {strides = array<i32>} : memref<80x144xf32, #tpu.memory_space<vmem>>, vector<16xf32>,
          %get3A_203 = arith.index_cast %scan3A_194 : i32 to index
          %get3A_204 = arith.constant 32 : index
          %get3A_205 = tpu.vector_load %run_scoped3A[%get3A_203, %get3A_204] {strides = array<i32>} : memref<80x144xf32, #tpu.memory_space<vmem>>, vector<16xf32>,
          %get3A_206 = arith.index_cast %scan3A_194 : i32 to index
          %get3A_207 = arith.constant 48 : index
          %get3A_208 = tpu.vector_load %run_scoped3A[%get3A_206, %get3A_207] {strides = array<i32>} : memref<80x144xf32, #tpu.memory_space<vmem>>, vector<16xf32>,
          %get3A_209 = arith.index_cast %scan3A_194 : i32 to index
          %get3A_210 = arith.constant 64 : index
          %get3A_211 = tpu.vector_load %run_scoped3A[%get3A_209, %get3A_210] {strides = array<i32>} : memref<80x144xf32, #tpu.memory_space<vmem>>, vector<16xf32>,
          %get3A_212 = arith.index_cast %scan3A_194 : i32 to index
          %get3A_213 = arith.constant 80 : index
          %get3A_214 = tpu.vector_load %run_scoped3A[%get3A_212, %get3A_213] {strides = array<i32>} : memref<80x144xf32, #tpu.memory_space<vmem>>, vector<16xf32>,
          %get3A_215 = arith.index_cast %scan3A_194 : i32 to index
          %get3A_216 = arith.constant 96 : index
          %get3A_217 = tpu.vector_load %run_scoped3A[%get3A_215, %get3A_216] {strides = array<i32>} : memref<80x144xf32, #tpu.memory_space<vmem>>, vector<16xf32>,
          %get3A_218 = arith.index_cast %scan3A_194 : i32 to index
          %get3A_219 = arith.constant 112 : index
          %get3A_220 = tpu.vector_load %run_scoped3A[%get3A_218, %get3A_219] {strides = array<i32>} : memref<80x144xf32, #tpu.memory_space<vmem>>, vector<16xf32>,
          %get3A_221 = arith.index_cast %scan3A_194 : i32 to index
          %get3A_222 = arith.constant 128 : index
          %get3A_223 = tpu.vector_load %run_scoped3A[%get3A_221, %get3A_222] {strides = array<i32>} : memref<80x144xf32, #tpu.memory_space<vmem>>, vector<16xf32>,
          %mul3A_224 = arith.mulf %get3A_199, %gather3A : vector<16xf32>
          %mul3A_225 = arith.mulf %get3A_202, %gather3A : vector<16xf32>
          %mul3A_226 = arith.mulf %get3A_205, %gather3A : vector<16xf32>
          %mul3A_227 = arith.mulf %get3A_208, %gather3A : vector<16xf32>
          %mul3A_228 = arith.mulf %get3A_211, %gather3A : vector<16xf32>
          %mul3A_229 = arith.mulf %get3A_214, %gather3A : vector<16xf32>
          %mul3A_230 = arith.mulf %get3A_217, %gather3A : vector<16xf32>
          %mul3A_231 = arith.mulf %get3A_220, %gather3A : vector<16xf32>
          %mul3A_232 = arith.mulf %get3A_223, %gather3A : vector<16xf32>
          %swap3A = arith.index_cast %scan3A_194 : i32 to index
          %swap3A_233 = arith.constant 0 : index
          %swap3A_234 = tpu.vector_load %run_scoped3A[%swap3A, %swap3A_233] {strides = array<i32>} : memref<80x144xf32, #tpu.memory_space<vmem>>, vector<16xf32>,
          tpu.vector_store %run_scoped3A[%swap3A, %swap3A_233], %mul3A_224 {strides = array<i32>} : memref<80x144xf32, #tpu.memory_space<vmem>>, vector<16xf32>,
          %swap3A_235 = arith.index_cast %scan3A_194 : i32 to index
          %swap3A_236 = arith.constant 16 : index
          %swap3A_237 = tpu.vector_load %run_scoped3A[%swap3A_235, %swap3A_236] {strides = array<i32>} : memref<80x144xf32, #tpu.memory_space<vmem>>, vector<16xf32>,
          tpu.vector_store %run_scoped3A[%swap3A_235, %swap3A_236], %mul3A_225 {strides = array<i32>} : memref<80x144xf32, #tpu.memory_space<vmem>>, vector<16xf32>,
          %swap3A_238 = arith.index_cast %scan3A_194 : i32 to index
          %swap3A_239 = arith.constant 32 : index
          %swap3A_240 = tpu.vector_load %run_scoped3A[%swap3A_238, %swap3A_239] {strides = array<i32>} : memref<80x144xf32, #tpu.memory_space<vmem>>, vector<16xf32>,
          tpu.vector_store %run_scoped3A[%swap3A_238, %swap3A_239], %mul3A_226 {strides = array<i32>} : memref<80x144xf32, #tpu.memory_space<vmem>>, vector<16xf32>,
          %swap3A_241 = arith.index_cast %scan3A_194 : i32 to index
          %swap3A_242 = arith.constant 48 : index
          %swap3A_243 = tpu.vector_load %run_scoped3A[%swap3A_241, %swap3A_242] {strides = array<i32>} : memref<80x144xf32, #tpu.memory_space<vmem>>, vector<16xf32>,
          tpu.vector_store %run_scoped3A[%swap3A_241, %swap3A_242], %mul3A_227 {strides = array<i32>} : memref<80x144xf32, #tpu.memory_space<vmem>>, vector<16xf32>,
          %swap3A_244 = arith.index_cast %scan3A_194 : i32 to index
          %swap3A_245 = arith.constant 64 : index
          %swap3A_246 = tpu.vector_load %run_scoped3A[%swap3A_244, %swap3A_245] {strides = array<i32>} : memref<80x144xf32, #tpu.memory_space<vmem>>, vector<16xf32>,
          tpu.vector_store %run_scoped3A[%swap3A_244, %swap3A_245], %mul3A_228 {strides = array<i32>} : memref<80x144xf32, #tpu.memory_space<vmem>>, vector<16xf32>,
          %swap3A_247 = arith.index_cast %scan3A_194 : i32 to index
          %swap3A_248 = arith.constant 80 : index
          %swap3A_249 = tpu.vector_load %run_scoped3A[%swap3A_247, %swap3A_248] {strides = array<i32>} : memref<80x144xf32, #tpu.memory_space<vmem>>, vector<16xf32>,
          tpu.vector_store %run_scoped3A[%swap3A_247, %swap3A_248], %mul3A_229 {strides = array<i32>} : memref<80x144xf32, #tpu.memory_space<vmem>>, vector<16xf32>,
          %swap3A_250 = arith.index_cast %scan3A_194 : i32 to index
          %swap3A_251 = arith.constant 96 : index
          %swap3A_252 = tpu.vector_load %run_scoped3A[%swap3A_250, %swap3A_251] {strides = array<i32>} : memref<80x144xf32, #tpu.memory_space<vmem>>, vector<16xf32>,
          tpu.vector_store %run_scoped3A[%swap3A_250, %swap3A_251], %mul3A_230 {strides = array<i32>} : memref<80x144xf32, #tpu.memory_space<vmem>>, vector<16xf32>,
          %swap3A_253 = arith.index_cast %scan3A_194 : i32 to index
          %swap3A_254 = arith.constant 112 : index
          %swap3A_255 = tpu.vector_load %run_scoped3A[%swap3A_253, %swap3A_254] {strides = array<i32>} : memref<80x144xf32, #tpu.memory_space<vmem>>, vector<16xf32>,
          tpu.vector_store %run_scoped3A[%swap3A_253, %swap3A_254], %mul3A_231 {strides = array<i32>} : memref<80x144xf32, #tpu.memory_space<vmem>>, vector<16xf32>,
          %swap3A_256 = arith.index_cast %scan3A_194 : i32 to index
          %swap3A_257 = arith.constant 128 : index
          %swap3A_258 = tpu.vector_load %run_scoped3A[%swap3A_256, %swap3A_257] {strides = array<i32>} : memref<80x144xf32, #tpu.memory_space<vmem>>, vector<16xf32>,
          tpu.vector_store %run_scoped3A[%swap3A_256, %swap3A_257], %mul3A_232 {strides = array<i32>} : memref<80x144xf32, #tpu.memory_space<vmem>>, vector<16xf32>,
          %scan3A_259 = arith.constant 1 : i32
          %scan3A_260 = arith.addi %scan3A_194, %scan3A_259 : i32
          %mul3A_261 = arith.constant 80 : i32
          %mul3A_262 = arith.muli %mul3A_81, %mul3A_261 : i32
          %add3A_263 = arith.addi %mul3A_262, %scan3A_260 : i32
          %broadcast_in_dim3A_264 = vector.broadcast %add3A_263 : i32 to vector<16xi32>
          %gather3A_265 = tpu.vector_load_idx %arg9[%broadcast_in_dim3A_264] : memref<10000xf32, #tpu.memory_space<vmem>>[vector<16xi32>], vector<16xf32>,
          %get3A_266 = arith.index_cast %scan3A_260 : i32 to index
          %get3A_267 = arith.constant 0 : index
          %get3A_268 = tpu.vector_load %run_scoped3A[%get3A_266, %get3A_267] {strides = array<i32>} : memref<80x144xf32, #tpu.memory_space<vmem>>, vector<16xf32>,
          %get3A_269 = arith.index_cast %scan3A_260 : i32 to index
          %get3A_270 = arith.constant 16 : index
          %get3A_271 = tpu.vector_load %run_scoped3A[%get3A_269, %get3A_270] {strides = array<i32>} : memref<80x144xf32, #tpu.memory_space<vmem>>, vector<16xf32>,
          %get3A_272 = arith.index_cast %scan3A_260 : i32 to index
          %get3A_273 = arith.constant 32 : index
          %get3A_274 = tpu.vector_load %run_scoped3A[%get3A_272, %get3A_273] {strides = array<i32>} : memref<80x144xf32, #tpu.memory_space<vmem>>, vector<16xf32>,
          %get3A_275 = arith.index_cast %scan3A_260 : i32 to index
          %get3A_276 = arith.constant 48 : index
          %get3A_277 = tpu.vector_load %run_scoped3A[%get3A_275, %get3A_276] {strides = array<i32>} : memref<80x144xf32, #tpu.memory_space<vmem>>, vector<16xf32>,
          %get3A_278 = arith.index_cast %scan3A_260 : i32 to index
          %get3A_279 = arith.constant 64 : index
          %get3A_280 = tpu.vector_load %run_scoped3A[%get3A_278, %get3A_279] {strides = array<i32>} : memref<80x144xf32, #tpu.memory_space<vmem>>, vector<16xf32>,
          %get3A_281 = arith.index_cast %scan3A_260 : i32 to index
          %get3A_282 = arith.constant 80 : index
          %get3A_283 = tpu.vector_load %run_scoped3A[%get3A_281, %get3A_282] {strides = array<i32>} : memref<80x144xf32, #tpu.memory_space<vmem>>, vector<16xf32>,
          %get3A_284 = arith.index_cast %scan3A_260 : i32 to index
          %get3A_285 = arith.constant 96 : index
          %get3A_286 = tpu.vector_load %run_scoped3A[%get3A_284, %get3A_285] {strides = array<i32>} : memref<80x144xf32, #tpu.memory_space<vmem>>, vector<16xf32>,
          %get3A_287 = arith.index_cast %scan3A_260 : i32 to index
          %get3A_288 = arith.constant 112 : index
          %get3A_289 = tpu.vector_load %run_scoped3A[%get3A_287, %get3A_288] {strides = array<i32>} : memref<80x144xf32, #tpu.memory_space<vmem>>, vector<16xf32>,
          %get3A_290 = arith.index_cast %scan3A_260 : i32 to index
          %get3A_291 = arith.constant 128 : index
          %get3A_292 = tpu.vector_load %run_scoped3A[%get3A_290, %get3A_291] {strides = array<i32>} : memref<80x144xf32, #tpu.memory_space<vmem>>, vector<16xf32>,
          %mul3A_293 = arith.mulf %get3A_268, %gather3A_265 : vector<16xf32>
          %mul3A_294 = arith.mulf %get3A_271, %gather3A_265 : vector<16xf32>
          %mul3A_295 = arith.mulf %get3A_274, %gather3A_265 : vector<16xf32>
          %mul3A_296 = arith.mulf %get3A_277, %gather3A_265 : vector<16xf32>
          %mul3A_297 = arith.mulf %get3A_280, %gather3A_265 : vector<16xf32>
          %mul3A_298 = arith.mulf %get3A_283, %gather3A_265 : vector<16xf32>
          %mul3A_299 = arith.mulf %get3A_286, %gather3A_265 : vector<16xf32>
          %mul3A_300 = arith.mulf %get3A_289, %gather3A_265 : vector<16xf32>
          %mul3A_301 = arith.mulf %get3A_292, %gather3A_265 : vector<16xf32>
          %swap3A_302 = arith.index_cast %scan3A_260 : i32 to index
          %swap3A_303 = arith.constant 0 : index
          %swap3A_304 = tpu.vector_load %run_scoped3A[%swap3A_302, %swap3A_303] {strides = array<i32>} : memref<80x144xf32, #tpu.memory_space<vmem>>, vector<16xf32>,
          tpu.vector_store %run_scoped3A[%swap3A_302, %swap3A_303], %mul3A_293 {strides = array<i32>} : memref<80x144xf32, #tpu.memory_space<vmem>>, vector<16xf32>,
          %swap3A_305 = arith.index_cast %scan3A_260 : i32 to index
          %swap3A_306 = arith.constant 16 : index
          %swap3A_307 = tpu.vector_load %run_scoped3A[%swap3A_305, %swap3A_306] {strides = array<i32>} : memref<80x144xf32, #tpu.memory_space<vmem>>, vector<16xf32>,
          tpu.vector_store %run_scoped3A[%swap3A_305, %swap3A_306], %mul3A_294 {strides = array<i32>} : memref<80x144xf32, #tpu.memory_space<vmem>>, vector<16xf32>,
          %swap3A_308 = arith.index_cast %scan3A_260 : i32 to index
          %swap3A_309 = arith.constant 32 : index
          %swap3A_310 = tpu.vector_load %run_scoped3A[%swap3A_308, %swap3A_309] {strides = array<i32>} : memref<80x144xf32, #tpu.memory_space<vmem>>, vector<16xf32>,
          tpu.vector_store %run_scoped3A[%swap3A_308, %swap3A_309], %mul3A_295 {strides = array<i32>} : memref<80x144xf32, #tpu.memory_space<vmem>>, vector<16xf32>,
          %swap3A_311 = arith.index_cast %scan3A_260 : i32 to index
          %swap3A_312 = arith.constant 48 : index
          %swap3A_313 = tpu.vector_load %run_scoped3A[%swap3A_311, %swap3A_312] {strides = array<i32>} : memref<80x144xf32, #tpu.memory_space<vmem>>, vector<16xf32>,
          tpu.vector_store %run_scoped3A[%swap3A_311, %swap3A_312], %mul3A_296 {strides = array<i32>} : memref<80x144xf32, #tpu.memory_space<vmem>>, vector<16xf32>,
          %swap3A_314 = arith.index_cast %scan3A_260 : i32 to index
          %swap3A_315 = arith.constant 64 : index
          %swap3A_316 = tpu.vector_load %run_scoped3A[%swap3A_314, %swap3A_315] {strides = array<i32>} : memref<80x144xf32, #tpu.memory_space<vmem>>, vector<16xf32>,
          tpu.vector_store %run_scoped3A[%swap3A_314, %swap3A_315], %mul3A_297 {strides = array<i32>} : memref<80x144xf32, #tpu.memory_space<vmem>>, vector<16xf32>,
          %swap3A_317 = arith.index_cast %scan3A_260 : i32 to index
          %swap3A_318 = arith.constant 80 : index
          %swap3A_319 = tpu.vector_load %run_scoped3A[%swap3A_317, %swap3A_318] {strides = array<i32>} : memref<80x144xf32, #tpu.memory_space<vmem>>, vector<16xf32>,
          tpu.vector_store %run_scoped3A[%swap3A_317, %swap3A_318], %mul3A_298 {strides = array<i32>} : memref<80x144xf32, #tpu.memory_space<vmem>>, vector<16xf32>,
          %swap3A_320 = arith.index_cast %scan3A_260 : i32 to index
          %swap3A_321 = arith.constant 96 : index
          %swap3A_322 = tpu.vector_load %run_scoped3A[%swap3A_320, %swap3A_321] {strides = array<i32>} : memref<80x144xf32, #tpu.memory_space<vmem>>, vector<16xf32>,
          tpu.vector_store %run_scoped3A[%swap3A_320, %swap3A_321], %mul3A_299 {strides = array<i32>} : memref<80x144xf32, #tpu.memory_space<vmem>>, vector<16xf32>,
          %swap3A_323 = arith.index_cast %scan3A_260 : i32 to index
          %swap3A_324 = arith.constant 112 : index
          %swap3A_325 = tpu.vector_load %run_scoped3A[%swap3A_323, %swap3A_324] {strides = array<i32>} : memref<80x144xf32, #tpu.memory_space<vmem>>, vector<16xf32>,
          tpu.vector_store %run_scoped3A[%swap3A_323, %swap3A_324], %mul3A_300 {strides = array<i32>} : memref<80x144xf32, #tpu.memory_space<vmem>>, vector<16xf32>,
          %swap3A_326 = arith.index_cast %scan3A_260 : i32 to index
          %swap3A_327 = arith.constant 128 : index
          %swap3A_328 = tpu.vector_load %run_scoped3A[%swap3A_326, %swap3A_327] {strides = array<i32>} : memref<80x144xf32, #tpu.memory_space<vmem>>, vector<16xf32>,
          tpu.vector_store %run_scoped3A[%swap3A_326, %swap3A_327], %mul3A_301 {strides = array<i32>} : memref<80x144xf32, #tpu.memory_space<vmem>>, vector<16xf32>,
          %scan3A_329 = arith.constant 2 : i32
          %scan3A_330 = arith.addi %scan3A_194, %scan3A_329 : i32
          %mul3A_331 = arith.constant 80 : i32
          %mul3A_332 = arith.muli %mul3A_81, %mul3A_331 : i32
          %add3A_333 = arith.addi %mul3A_332, %scan3A_330 : i32
          %broadcast_in_dim3A_334 = vector.broadcast %add3A_333 : i32 to vector<16xi32>
          %gather3A_335 = tpu.vector_load_idx %arg9[%broadcast_in_dim3A_334] : memref<10000xf32, #tpu.memory_space<vmem>>[vector<16xi32>], vector<16xf32>,
          %get3A_336 = arith.index_cast %scan3A_330 : i32 to index
          %get3A_337 = arith.constant 0 : index
          %get3A_338 = tpu.vector_load %run_scoped3A[%get3A_336, %get3A_337] {strides = array<i32>} : memref<80x144xf32, #tpu.memory_space<vmem>>, vector<16xf32>,
          %get3A_339 = arith.index_cast %scan3A_330 : i32 to index
          %get3A_340 = arith.constant 16 : index
          %get3A_341 = tpu.vector_load %run_scoped3A[%get3A_339, %get3A_340] {strides = array<i32>} : memref<80x144xf32, #tpu.memory_space<vmem>>, vector<16xf32>,
          %get3A_342 = arith.index_cast %scan3A_330 : i32 to index
          %get3A_343 = arith.constant 32 : index
          %get3A_344 = tpu.vector_load %run_scoped3A[%get3A_342, %get3A_343] {strides = array<i32>} : memref<80x144xf32, #tpu.memory_space<vmem>>, vector<16xf32>,
          %get3A_345 = arith.index_cast %scan3A_330 : i32 to index
          %get3A_346 = arith.constant 48 : index
          %get3A_347 = tpu.vector_load %run_scoped3A[%get3A_345, %get3A_346] {strides = array<i32>} : memref<80x144xf32, #tpu.memory_space<vmem>>, vector<16xf32>,
          %get3A_348 = arith.index_cast %scan3A_330 : i32 to index
          %get3A_349 = arith.constant 64 : index
          %get3A_350 = tpu.vector_load %run_scoped3A[%get3A_348, %get3A_349] {strides = array<i32>} : memref<80x144xf32, #tpu.memory_space<vmem>>, vector<16xf32>,
          %get3A_351 = arith.index_cast %scan3A_330 : i32 to index
          %get3A_352 = arith.constant 80 : index
          %get3A_353 = tpu.vector_load %run_scoped3A[%get3A_351, %get3A_352] {strides = array<i32>} : memref<80x144xf32, #tpu.memory_space<vmem>>, vector<16xf32>,
          %get3A_354 = arith.index_cast %scan3A_330 : i32 to index
          %get3A_355 = arith.constant 96 : index
          %get3A_356 = tpu.vector_load %run_scoped3A[%get3A_354, %get3A_355] {strides = array<i32>} : memref<80x144xf32, #tpu.memory_space<vmem>>, vector<16xf32>,
          %get3A_357 = arith.index_cast %scan3A_330 : i32 to index
          %get3A_358 = arith.constant 112 : index
          %get3A_359 = tpu.vector_load %run_scoped3A[%get3A_357, %get3A_358] {strides = array<i32>} : memref<80x144xf32, #tpu.memory_space<vmem>>, vector<16xf32>,
          %get3A_360 = arith.index_cast %scan3A_330 : i32 to index
          %get3A_361 = arith.constant 128 : index
          %get3A_362 = tpu.vector_load %run_scoped3A[%get3A_360, %get3A_361] {strides = array<i32>} : memref<80x144xf32, #tpu.memory_space<vmem>>, vector<16xf32>,
          %mul3A_363 = arith.mulf %get3A_338, %gather3A_335 : vector<16xf32>
          %mul3A_364 = arith.mulf %get3A_341, %gather3A_335 : vector<16xf32>
          %mul3A_365 = arith.mulf %get3A_344, %gather3A_335 : vector<16xf32>
          %mul3A_366 = arith.mulf %get3A_347, %gather3A_335 : vector<16xf32>
          %mul3A_367 = arith.mulf %get3A_350, %gather3A_335 : vector<16xf32>
          %mul3A_368 = arith.mulf %get3A_353, %gather3A_335 : vector<16xf32>
          %mul3A_369 = arith.mulf %get3A_356, %gather3A_335 : vector<16xf32>
          %mul3A_370 = arith.mulf %get3A_359, %gather3A_335 : vector<16xf32>
          %mul3A_371 = arith.mulf %get3A_362, %gather3A_335 : vector<16xf32>
          %swap3A_372 = arith.index_cast %scan3A_330 : i32 to index
          %swap3A_373 = arith.constant 0 : index
          %swap3A_374 = tpu.vector_load %run_scoped3A[%swap3A_372, %swap3A_373] {strides = array<i32>} : memref<80x144xf32, #tpu.memory_space<vmem>>, vector<16xf32>,
          tpu.vector_store %run_scoped3A[%swap3A_372, %swap3A_373], %mul3A_363 {strides = array<i32>} : memref<80x144xf32, #tpu.memory_space<vmem>>, vector<16xf32>,
          %swap3A_375 = arith.index_cast %scan3A_330 : i32 to index
          %swap3A_376 = arith.constant 16 : index
          %swap3A_377 = tpu.vector_load %run_scoped3A[%swap3A_375, %swap3A_376] {strides = array<i32>} : memref<80x144xf32, #tpu.memory_space<vmem>>, vector<16xf32>,
          tpu.vector_store %run_scoped3A[%swap3A_375, %swap3A_376], %mul3A_364 {strides = array<i32>} : memref<80x144xf32, #tpu.memory_space<vmem>>, vector<16xf32>,
          %swap3A_378 = arith.index_cast %scan3A_330 : i32 to index
          %swap3A_379 = arith.constant 32 : index
          %swap3A_380 = tpu.vector_load %run_scoped3A[%swap3A_378, %swap3A_379] {strides = array<i32>} : memref<80x144xf32, #tpu.memory_space<vmem>>, vector<16xf32>,
          tpu.vector_store %run_scoped3A[%swap3A_378, %swap3A_379], %mul3A_365 {strides = array<i32>} : memref<80x144xf32, #tpu.memory_space<vmem>>, vector<16xf32>,
          %swap3A_381 = arith.index_cast %scan3A_330 : i32 to index
          %swap3A_382 = arith.constant 48 : index
          %swap3A_383 = tpu.vector_load %run_scoped3A[%swap3A_381, %swap3A_382] {strides = array<i32>} : memref<80x144xf32, #tpu.memory_space<vmem>>, vector<16xf32>,
          tpu.vector_store %run_scoped3A[%swap3A_381, %swap3A_382], %mul3A_366 {strides = array<i32>} : memref<80x144xf32, #tpu.memory_space<vmem>>, vector<16xf32>,
          %swap3A_384 = arith.index_cast %scan3A_330 : i32 to index
          %swap3A_385 = arith.constant 64 : index
          %swap3A_386 = tpu.vector_load %run_scoped3A[%swap3A_384, %swap3A_385] {strides = array<i32>} : memref<80x144xf32, #tpu.memory_space<vmem>>, vector<16xf32>,
          tpu.vector_store %run_scoped3A[%swap3A_384, %swap3A_385], %mul3A_367 {strides = array<i32>} : memref<80x144xf32, #tpu.memory_space<vmem>>, vector<16xf32>,
          %swap3A_387 = arith.index_cast %scan3A_330 : i32 to index
          %swap3A_388 = arith.constant 80 : index
          %swap3A_389 = tpu.vector_load %run_scoped3A[%swap3A_387, %swap3A_388] {strides = array<i32>} : memref<80x144xf32, #tpu.memory_space<vmem>>, vector<16xf32>,
          tpu.vector_store %run_scoped3A[%swap3A_387, %swap3A_388], %mul3A_368 {strides = array<i32>} : memref<80x144xf32, #tpu.memory_space<vmem>>, vector<16xf32>,
          %swap3A_390 = arith.index_cast %scan3A_330 : i32 to index
          %swap3A_391 = arith.constant 96 : index
          %swap3A_392 = tpu.vector_load %run_scoped3A[%swap3A_390, %swap3A_391] {strides = array<i32>} : memref<80x144xf32, #tpu.memory_space<vmem>>, vector<16xf32>,
          tpu.vector_store %run_scoped3A[%swap3A_390, %swap3A_391], %mul3A_369 {strides = array<i32>} : memref<80x144xf32, #tpu.memory_space<vmem>>, vector<16xf32>,
          %swap3A_393 = arith.index_cast %scan3A_330 : i32 to index
          %swap3A_394 = arith.constant 112 : index
          %swap3A_395 = tpu.vector_load %run_scoped3A[%swap3A_393, %swap3A_394] {strides = array<i32>} : memref<80x144xf32, #tpu.memory_space<vmem>>, vector<16xf32>,
          tpu.vector_store %run_scoped3A[%swap3A_393, %swap3A_394], %mul3A_370 {strides = array<i32>} : memref<80x144xf32, #tpu.memory_space<vmem>>, vector<16xf32>,
          %swap3A_396 = arith.index_cast %scan3A_330 : i32 to index
          %swap3A_397 = arith.constant 128 : index
          %swap3A_398 = tpu.vector_load %run_scoped3A[%swap3A_396, %swap3A_397] {strides = array<i32>} : memref<80x144xf32, #tpu.memory_space<vmem>>, vector<16xf32>,
          tpu.vector_store %run_scoped3A[%swap3A_396, %swap3A_397], %mul3A_371 {strides = array<i32>} : memref<80x144xf32, #tpu.memory_space<vmem>>, vector<16xf32>,
          %scan3A_399 = arith.constant 3 : i32
          %scan3A_400 = arith.addi %scan3A_194, %scan3A_399 : i32
          %mul3A_401 = arith.constant 80 : i32
          %mul3A_402 = arith.muli %mul3A_81, %mul3A_401 : i32
          %add3A_403 = arith.addi %mul3A_402, %scan3A_400 : i32
          %broadcast_in_dim3A_404 = vector.broadcast %add3A_403 : i32 to vector<16xi32>
          %gather3A_405 = tpu.vector_load_idx %arg9[%broadcast_in_dim3A_404] : memref<10000xf32, #tpu.memory_space<vmem>>[vector<16xi32>], vector<16xf32>,
          %get3A_406 = arith.index_cast %scan3A_400 : i32 to index
          %get3A_407 = arith.constant 0 : index
          %get3A_408 = tpu.vector_load %run_scoped3A[%get3A_406, %get3A_407] {strides = array<i32>} : memref<80x144xf32, #tpu.memory_space<vmem>>, vector<16xf32>,
          %get3A_409 = arith.index_cast %scan3A_400 : i32 to index
          %get3A_410 = arith.constant 16 : index
          %get3A_411 = tpu.vector_load %run_scoped3A[%get3A_409, %get3A_410] {strides = array<i32>} : memref<80x144xf32, #tpu.memory_space<vmem>>, vector<16xf32>,
          %get3A_412 = arith.index_cast %scan3A_400 : i32 to index
          %get3A_413 = arith.constant 32 : index
          %get3A_414 = tpu.vector_load %run_scoped3A[%get3A_412, %get3A_413] {strides = array<i32>} : memref<80x144xf32, #tpu.memory_space<vmem>>, vector<16xf32>,
          %get3A_415 = arith.index_cast %scan3A_400 : i32 to index
          %get3A_416 = arith.constant 48 : index
          %get3A_417 = tpu.vector_load %run_scoped3A[%get3A_415, %get3A_416] {strides = array<i32>} : memref<80x144xf32, #tpu.memory_space<vmem>>, vector<16xf32>,
          %get3A_418 = arith.index_cast %scan3A_400 : i32 to index
          %get3A_419 = arith.constant 64 : index
          %get3A_420 = tpu.vector_load %run_scoped3A[%get3A_418, %get3A_419] {strides = array<i32>} : memref<80x144xf32, #tpu.memory_space<vmem>>, vector<16xf32>,
          %get3A_421 = arith.index_cast %scan3A_400 : i32 to index
          %get3A_422 = arith.constant 80 : index
          %get3A_423 = tpu.vector_load %run_scoped3A[%get3A_421, %get3A_422] {strides = array<i32>} : memref<80x144xf32, #tpu.memory_space<vmem>>, vector<16xf32>,
          %get3A_424 = arith.index_cast %scan3A_400 : i32 to index
          %get3A_425 = arith.constant 96 : index
          %get3A_426 = tpu.vector_load %run_scoped3A[%get3A_424, %get3A_425] {strides = array<i32>} : memref<80x144xf32, #tpu.memory_space<vmem>>, vector<16xf32>,
          %get3A_427 = arith.index_cast %scan3A_400 : i32 to index
          %get3A_428 = arith.constant 112 : index
          %get3A_429 = tpu.vector_load %run_scoped3A[%get3A_427, %get3A_428] {strides = array<i32>} : memref<80x144xf32, #tpu.memory_space<vmem>>, vector<16xf32>,
          %get3A_430 = arith.index_cast %scan3A_400 : i32 to index
          %get3A_431 = arith.constant 128 : index
          %get3A_432 = tpu.vector_load %run_scoped3A[%get3A_430, %get3A_431] {strides = array<i32>} : memref<80x144xf32, #tpu.memory_space<vmem>>, vector<16xf32>,
          %mul3A_433 = arith.mulf %get3A_408, %gather3A_405 : vector<16xf32>
          %mul3A_434 = arith.mulf %get3A_411, %gather3A_405 : vector<16xf32>
          %mul3A_435 = arith.mulf %get3A_414, %gather3A_405 : vector<16xf32>
          %mul3A_436 = arith.mulf %get3A_417, %gather3A_405 : vector<16xf32>
          %mul3A_437 = arith.mulf %get3A_420, %gather3A_405 : vector<16xf32>
          %mul3A_438 = arith.mulf %get3A_423, %gather3A_405 : vector<16xf32>
          %mul3A_439 = arith.mulf %get3A_426, %gather3A_405 : vector<16xf32>
          %mul3A_440 = arith.mulf %get3A_429, %gather3A_405 : vector<16xf32>
          %mul3A_441 = arith.mulf %get3A_432, %gather3A_405 : vector<16xf32>
          %swap3A_442 = arith.index_cast %scan3A_400 : i32 to index
          %swap3A_443 = arith.constant 0 : index
          %swap3A_444 = tpu.vector_load %run_scoped3A[%swap3A_442, %swap3A_443] {strides = array<i32>} : memref<80x144xf32, #tpu.memory_space<vmem>>, vector<16xf32>,
          tpu.vector_store %run_scoped3A[%swap3A_442, %swap3A_443], %mul3A_433 {strides = array<i32>} : memref<80x144xf32, #tpu.memory_space<vmem>>, vector<16xf32>,
          %swap3A_445 = arith.index_cast %scan3A_400 : i32 to index
          %swap3A_446 = arith.constant 16 : index
          %swap3A_447 = tpu.vector_load %run_scoped3A[%swap3A_445, %swap3A_446] {strides = array<i32>} : memref<80x144xf32, #tpu.memory_space<vmem>>, vector<16xf32>,
          tpu.vector_store %run_scoped3A[%swap3A_445, %swap3A_446], %mul3A_434 {strides = array<i32>} : memref<80x144xf32, #tpu.memory_space<vmem>>, vector<16xf32>,
          %swap3A_448 = arith.index_cast %scan3A_400 : i32 to index
          %swap3A_449 = arith.constant 32 : index
          %swap3A_450 = tpu.vector_load %run_scoped3A[%swap3A_448, %swap3A_449] {strides = array<i32>} : memref<80x144xf32, #tpu.memory_space<vmem>>, vector<16xf32>,
          tpu.vector_store %run_scoped3A[%swap3A_448, %swap3A_449], %mul3A_435 {strides = array<i32>} : memref<80x144xf32, #tpu.memory_space<vmem>>, vector<16xf32>,
          %swap3A_451 = arith.index_cast %scan3A_400 : i32 to index
          %swap3A_452 = arith.constant 48 : index
          %swap3A_453 = tpu.vector_load %run_scoped3A[%swap3A_451, %swap3A_452] {strides = array<i32>} : memref<80x144xf32, #tpu.memory_space<vmem>>, vector<16xf32>,
          tpu.vector_store %run_scoped3A[%swap3A_451, %swap3A_452], %mul3A_436 {strides = array<i32>} : memref<80x144xf32, #tpu.memory_space<vmem>>, vector<16xf32>,
          %swap3A_454 = arith.index_cast %scan3A_400 : i32 to index
          %swap3A_455 = arith.constant 64 : index
          %swap3A_456 = tpu.vector_load %run_scoped3A[%swap3A_454, %swap3A_455] {strides = array<i32>} : memref<80x144xf32, #tpu.memory_space<vmem>>, vector<16xf32>,
          tpu.vector_store %run_scoped3A[%swap3A_454, %swap3A_455], %mul3A_437 {strides = array<i32>} : memref<80x144xf32, #tpu.memory_space<vmem>>, vector<16xf32>,
          %swap3A_457 = arith.index_cast %scan3A_400 : i32 to index
          %swap3A_458 = arith.constant 80 : index
          %swap3A_459 = tpu.vector_load %run_scoped3A[%swap3A_457, %swap3A_458] {strides = array<i32>} : memref<80x144xf32, #tpu.memory_space<vmem>>, vector<16xf32>,
          tpu.vector_store %run_scoped3A[%swap3A_457, %swap3A_458], %mul3A_438 {strides = array<i32>} : memref<80x144xf32, #tpu.memory_space<vmem>>, vector<16xf32>,
          %swap3A_460 = arith.index_cast %scan3A_400 : i32 to index
          %swap3A_461 = arith.constant 96 : index
          %swap3A_462 = tpu.vector_load %run_scoped3A[%swap3A_460, %swap3A_461] {strides = array<i32>} : memref<80x144xf32, #tpu.memory_space<vmem>>, vector<16xf32>,
          tpu.vector_store %run_scoped3A[%swap3A_460, %swap3A_461], %mul3A_439 {strides = array<i32>} : memref<80x144xf32, #tpu.memory_space<vmem>>, vector<16xf32>,
          %swap3A_463 = arith.index_cast %scan3A_400 : i32 to index
          %swap3A_464 = arith.constant 112 : index
          %swap3A_465 = tpu.vector_load %run_scoped3A[%swap3A_463, %swap3A_464] {strides = array<i32>} : memref<80x144xf32, #tpu.memory_space<vmem>>, vector<16xf32>,
          tpu.vector_store %run_scoped3A[%swap3A_463, %swap3A_464], %mul3A_440 {strides = array<i32>} : memref<80x144xf32, #tpu.memory_space<vmem>>, vector<16xf32>,
          %swap3A_466 = arith.index_cast %scan3A_400 : i32 to index
          %swap3A_467 = arith.constant 128 : index
          %swap3A_468 = tpu.vector_load %run_scoped3A[%swap3A_466, %swap3A_467] {strides = array<i32>} : memref<80x144xf32, #tpu.memory_space<vmem>>, vector<16xf32>,
          tpu.vector_store %run_scoped3A[%swap3A_466, %swap3A_467], %mul3A_441 {strides = array<i32>} : memref<80x144xf32, #tpu.memory_space<vmem>>, vector<16xf32>,
        }
        %scan3A_109 = arith.constant 80 : i32
        %dma_start3A_110 = arith.constant 1 : i32
        %dma_start3A_111 = arith.constant 0 : i32
        %dma_start3A_112 = tpu.memref_slice %arg10[%dma_start3A_110, %dma_start3A_111] : memref<2x80xi32, #tpu.memory_space<vmem>> -> memref<1x80xi32, #tpu.memory_space<vmem>>
        %dma_start3A_113 = tpu.memref_squeeze %dma_start3A_112 : memref<1x80xi32, #tpu.memory_space<vmem>> -> memref<80xi32, #tpu.memory_space<vmem>>
        %dma_start3A_114 = arith.constant 0 : i32
        %dma_start3A_115 = arith.constant 0 : i32
        %dma_start3A_116 = tpu.memref_slice %arg8[%dma_start3A_114, %dma_start3A_115] : memref<10112x144xf32, #tpu.memory_space<vmem_shared>> -> memref<10112x144xf32, #tpu.memory_space<vmem_shared>>
        tpu.enqueue_indirect_dma source(%run_scoped3A : memref<80x144xf32, #tpu.memory_space<vmem>>) target(%dma_start3A_116 : memref<10112x144xf32, #tpu.memory_space<vmem_shared>>) offsets(%dma_start3A_113 : memref<80xi32, #tpu.memory_space<vmem>>) semaphore(%arg16 : memref<!tpu.dma_semaphore, #tpu.memory_space<semaphore_mem>>) {add = true}
        %dma_wait3A_117 = arith.constant 0 : i32
        %dma_wait3A_118 = arith.constant 0 : i32
        %dma_wait3A_119 = tpu.memref_slice %arg10[%dma_wait3A_117, %dma_wait3A_118] : memref<2x80xi32, #tpu.memory_space<vmem>> -> memref<1x80xi32, #tpu.memory_space<vmem>>
        %dma_wait3A_120 = tpu.memref_squeeze %dma_wait3A_119 : memref<1x80xi32, #tpu.memory_space<vmem>> -> memref<80xi32, #tpu.memory_space<vmem>>
        %dma_wait3A_121 = arith.constant 0 : i32
        %dma_wait3A_122 = arith.constant 0 : i32
        %dma_wait3A_123 = tpu.memref_slice %arg2[%dma_wait3A_121, %dma_wait3A_122] : memref<10000x144xf32, #tpu.memory_space<hbm>> -> memref<10000x144xf32, #tpu.memory_space<hbm>>
        tpu.wait_indirect_dma semaphore(%arg15 : memref<!tpu.dma_semaphore, #tpu.memory_space<semaphore_mem>>) src(%dma_wait3A_123 : memref<10000x144xf32, #tpu.memory_space<hbm>>) dst(%run_scoped3A_22 : memref<80x144xf32, #tpu.memory_space<vmem>>)
        %add3A_124 = arith.constant 1 : i32
        %add3A_125 = arith.addi %mul3A_81, %add3A_124 : i32
        %scan3A_126 = arith.constant 0 : i32
        %scan3A_127 = arith.constant 0 : i32
        %scan3A_128 = arith.constant 80 : i32
        %scan3A_129 = arith.addi %scan3A_127, %scan3A_128 : i32
        %scan3A_130 = arith.constant 4 : i32
        scf.for %scan3A_194 = %scan3A_127 to %scan3A_129 step %scan3A_130  : i32 {
          %mul3A_195 = arith.constant 80 : i32
          %mul3A_196 = arith.muli %add3A_125, %mul3A_195 : i32
          %add3A_197 = arith.addi %mul3A_196, %scan3A_194 : i32
          %broadcast_in_dim3A = vector.broadcast %add3A_197 : i32 to vector<16xi32>
          %gather3A = tpu.vector_load_idx %arg9[%broadcast_in_dim3A] : memref<10000xf32, #tpu.memory_space<vmem>>[vector<16xi32>], vector<16xf32>,
          %get3A = arith.index_cast %scan3A_194 : i32 to index
          %get3A_198 = arith.constant 0 : index
          %get3A_199 = tpu.vector_load %run_scoped3A_22[%get3A, %get3A_198] {strides = array<i32>} : memref<80x144xf32, #tpu.memory_space<vmem>>, vector<16xf32>,
          %get3A_200 = arith.index_cast %scan3A_194 : i32 to index
          %get3A_201 = arith.constant 16 : index
          %get3A_202 = tpu.vector_load %run_scoped3A_22[%get3A_200, %get3A_201] {strides = array<i32>} : memref<80x144xf32, #tpu.memory_space<vmem>>, vector<16xf32>,
          %get3A_203 = arith.index_cast %scan3A_194 : i32 to index
          %get3A_204 = arith.constant 32 : index
          %get3A_205 = tpu.vector_load %run_scoped3A_22[%get3A_203, %get3A_204] {strides = array<i32>} : memref<80x144xf32, #tpu.memory_space<vmem>>, vector<16xf32>,
          %get3A_206 = arith.index_cast %scan3A_194 : i32 to index
          %get3A_207 = arith.constant 48 : index
          %get3A_208 = tpu.vector_load %run_scoped3A_22[%get3A_206, %get3A_207] {strides = array<i32>} : memref<80x144xf32, #tpu.memory_space<vmem>>, vector<16xf32>,
          %get3A_209 = arith.index_cast %scan3A_194 : i32 to index
          %get3A_210 = arith.constant 64 : index
          %get3A_211 = tpu.vector_load %run_scoped3A_22[%get3A_209, %get3A_210] {strides = array<i32>} : memref<80x144xf32, #tpu.memory_space<vmem>>, vector<16xf32>,
          %get3A_212 = arith.index_cast %scan3A_194 : i32 to index
          %get3A_213 = arith.constant 80 : index
          %get3A_214 = tpu.vector_load %run_scoped3A_22[%get3A_212, %get3A_213] {strides = array<i32>} : memref<80x144xf32, #tpu.memory_space<vmem>>, vector<16xf32>,
          %get3A_215 = arith.index_cast %scan3A_194 : i32 to index
          %get3A_216 = arith.constant 96 : index
          %get3A_217 = tpu.vector_load %run_scoped3A_22[%get3A_215, %get3A_216] {strides = array<i32>} : memref<80x144xf32, #tpu.memory_space<vmem>>, vector<16xf32>,
          %get3A_218 = arith.index_cast %scan3A_194 : i32 to index
          %get3A_219 = arith.constant 112 : index
          %get3A_220 = tpu.vector_load %run_scoped3A_22[%get3A_218, %get3A_219] {strides = array<i32>} : memref<80x144xf32, #tpu.memory_space<vmem>>, vector<16xf32>,
          %get3A_221 = arith.index_cast %scan3A_194 : i32 to index
          %get3A_222 = arith.constant 128 : index
          %get3A_223 = tpu.vector_load %run_scoped3A_22[%get3A_221, %get3A_222] {strides = array<i32>} : memref<80x144xf32, #tpu.memory_space<vmem>>, vector<16xf32>,
          %mul3A_224 = arith.mulf %get3A_199, %gather3A : vector<16xf32>
          %mul3A_225 = arith.mulf %get3A_202, %gather3A : vector<16xf32>
          %mul3A_226 = arith.mulf %get3A_205, %gather3A : vector<16xf32>
          %mul3A_227 = arith.mulf %get3A_208, %gather3A : vector<16xf32>
          %mul3A_228 = arith.mulf %get3A_211, %gather3A : vector<16xf32>
          %mul3A_229 = arith.mulf %get3A_214, %gather3A : vector<16xf32>
          %mul3A_230 = arith.mulf %get3A_217, %gather3A : vector<16xf32>
          %mul3A_231 = arith.mulf %get3A_220, %gather3A : vector<16xf32>
          %mul3A_232 = arith.mulf %get3A_223, %gather3A : vector<16xf32>
          %swap3A = arith.index_cast %scan3A_194 : i32 to index
          %swap3A_233 = arith.constant 0 : index
          %swap3A_234 = tpu.vector_load %run_scoped3A_22[%swap3A, %swap3A_233] {strides = array<i32>} : memref<80x144xf32, #tpu.memory_space<vmem>>, vector<16xf32>,
          tpu.vector_store %run_scoped3A_22[%swap3A, %swap3A_233], %mul3A_224 {strides = array<i32>} : memref<80x144xf32, #tpu.memory_space<vmem>>, vector<16xf32>,
          %swap3A_235 = arith.index_cast %scan3A_194 : i32 to index
          %swap3A_236 = arith.constant 16 : index
          %swap3A_237 = tpu.vector_load %run_scoped3A_22[%swap3A_235, %swap3A_236] {strides = array<i32>} : memref<80x144xf32, #tpu.memory_space<vmem>>, vector<16xf32>,
          tpu.vector_store %run_scoped3A_22[%swap3A_235, %swap3A_236], %mul3A_225 {strides = array<i32>} : memref<80x144xf32, #tpu.memory_space<vmem>>, vector<16xf32>,
          %swap3A_238 = arith.index_cast %scan3A_194 : i32 to index
          %swap3A_239 = arith.constant 32 : index
          %swap3A_240 = tpu.vector_load %run_scoped3A_22[%swap3A_238, %swap3A_239] {strides = array<i32>} : memref<80x144xf32, #tpu.memory_space<vmem>>, vector<16xf32>,
          tpu.vector_store %run_scoped3A_22[%swap3A_238, %swap3A_239], %mul3A_226 {strides = array<i32>} : memref<80x144xf32, #tpu.memory_space<vmem>>, vector<16xf32>,
          %swap3A_241 = arith.index_cast %scan3A_194 : i32 to index
          %swap3A_242 = arith.constant 48 : index
          %swap3A_243 = tpu.vector_load %run_scoped3A_22[%swap3A_241, %swap3A_242] {strides = array<i32>} : memref<80x144xf32, #tpu.memory_space<vmem>>, vector<16xf32>,
          tpu.vector_store %run_scoped3A_22[%swap3A_241, %swap3A_242], %mul3A_227 {strides = array<i32>} : memref<80x144xf32, #tpu.memory_space<vmem>>, vector<16xf32>,
          %swap3A_244 = arith.index_cast %scan3A_194 : i32 to index
          %swap3A_245 = arith.constant 64 : index
          %swap3A_246 = tpu.vector_load %run_scoped3A_22[%swap3A_244, %swap3A_245] {strides = array<i32>} : memref<80x144xf32, #tpu.memory_space<vmem>>, vector<16xf32>,
          tpu.vector_store %run_scoped3A_22[%swap3A_244, %swap3A_245], %mul3A_228 {strides = array<i32>} : memref<80x144xf32, #tpu.memory_space<vmem>>, vector<16xf32>,
          %swap3A_247 = arith.index_cast %scan3A_194 : i32 to index
          %swap3A_248 = arith.constant 80 : index
          %swap3A_249 = tpu.vector_load %run_scoped3A_22[%swap3A_247, %swap3A_248] {strides = array<i32>} : memref<80x144xf32, #tpu.memory_space<vmem>>, vector<16xf32>,
          tpu.vector_store %run_scoped3A_22[%swap3A_247, %swap3A_248], %mul3A_229 {strides = array<i32>} : memref<80x144xf32, #tpu.memory_space<vmem>>, vector<16xf32>,
          %swap3A_250 = arith.index_cast %scan3A_194 : i32 to index
          %swap3A_251 = arith.constant 96 : index
          %swap3A_252 = tpu.vector_load %run_scoped3A_22[%swap3A_250, %swap3A_251] {strides = array<i32>} : memref<80x144xf32, #tpu.memory_space<vmem>>, vector<16xf32>,
          tpu.vector_store %run_scoped3A_22[%swap3A_250, %swap3A_251], %mul3A_230 {strides = array<i32>} : memref<80x144xf32, #tpu.memory_space<vmem>>, vector<16xf32>,
          %swap3A_253 = arith.index_cast %scan3A_194 : i32 to index
          %swap3A_254 = arith.constant 112 : index
          %swap3A_255 = tpu.vector_load %run_scoped3A_22[%swap3A_253, %swap3A_254] {strides = array<i32>} : memref<80x144xf32, #tpu.memory_space<vmem>>, vector<16xf32>,
          tpu.vector_store %run_scoped3A_22[%swap3A_253, %swap3A_254], %mul3A_231 {strides = array<i32>} : memref<80x144xf32, #tpu.memory_space<vmem>>, vector<16xf32>,
          %swap3A_256 = arith.index_cast %scan3A_194 : i32 to index
          %swap3A_257 = arith.constant 128 : index
          %swap3A_258 = tpu.vector_load %run_scoped3A_22[%swap3A_256, %swap3A_257] {strides = array<i32>} : memref<80x144xf32, #tpu.memory_space<vmem>>, vector<16xf32>,
          tpu.vector_store %run_scoped3A_22[%swap3A_256, %swap3A_257], %mul3A_232 {strides = array<i32>} : memref<80x144xf32, #tpu.memory_space<vmem>>, vector<16xf32>,
          %scan3A_259 = arith.constant 1 : i32
          %scan3A_260 = arith.addi %scan3A_194, %scan3A_259 : i32
          %mul3A_261 = arith.constant 80 : i32
          %mul3A_262 = arith.muli %add3A_125, %mul3A_261 : i32
          %add3A_263 = arith.addi %mul3A_262, %scan3A_260 : i32
          %broadcast_in_dim3A_264 = vector.broadcast %add3A_263 : i32 to vector<16xi32>
          %gather3A_265 = tpu.vector_load_idx %arg9[%broadcast_in_dim3A_264] : memref<10000xf32, #tpu.memory_space<vmem>>[vector<16xi32>], vector<16xf32>,
          %get3A_266 = arith.index_cast %scan3A_260 : i32 to index
          %get3A_267 = arith.constant 0 : index
          %get3A_268 = tpu.vector_load %run_scoped3A_22[%get3A_266, %get3A_267] {strides = array<i32>} : memref<80x144xf32, #tpu.memory_space<vmem>>, vector<16xf32>,
          %get3A_269 = arith.index_cast %scan3A_260 : i32 to index
          %get3A_270 = arith.constant 16 : index
          %get3A_271 = tpu.vector_load %run_scoped3A_22[%get3A_269, %get3A_270] {strides = array<i32>} : memref<80x144xf32, #tpu.memory_space<vmem>>, vector<16xf32>,
          %get3A_272 = arith.index_cast %scan3A_260 : i32 to index
          %get3A_273 = arith.constant 32 : index
          %get3A_274 = tpu.vector_load %run_scoped3A_22[%get3A_272, %get3A_273] {strides = array<i32>} : memref<80x144xf32, #tpu.memory_space<vmem>>, vector<16xf32>,
          %get3A_275 = arith.index_cast %scan3A_260 : i32 to index
          %get3A_276 = arith.constant 48 : index
          %get3A_277 = tpu.vector_load %run_scoped3A_22[%get3A_275, %get3A_276] {strides = array<i32>} : memref<80x144xf32, #tpu.memory_space<vmem>>, vector<16xf32>,
          %get3A_278 = arith.index_cast %scan3A_260 : i32 to index
          %get3A_279 = arith.constant 64 : index
          %get3A_280 = tpu.vector_load %run_scoped3A_22[%get3A_278, %get3A_279] {strides = array<i32>} : memref<80x144xf32, #tpu.memory_space<vmem>>, vector<16xf32>,
          %get3A_281 = arith.index_cast %scan3A_260 : i32 to index
          %get3A_282 = arith.constant 80 : index
          %get3A_283 = tpu.vector_load %run_scoped3A_22[%get3A_281, %get3A_282] {strides = array<i32>} : memref<80x144xf32, #tpu.memory_space<vmem>>, vector<16xf32>,
          %get3A_284 = arith.index_cast %scan3A_260 : i32 to index
          %get3A_285 = arith.constant 96 : index
          %get3A_286 = tpu.vector_load %run_scoped3A_22[%get3A_284, %get3A_285] {strides = array<i32>} : memref<80x144xf32, #tpu.memory_space<vmem>>, vector<16xf32>,
          %get3A_287 = arith.index_cast %scan3A_260 : i32 to index
          %get3A_288 = arith.constant 112 : index
          %get3A_289 = tpu.vector_load %run_scoped3A_22[%get3A_287, %get3A_288] {strides = array<i32>} : memref<80x144xf32, #tpu.memory_space<vmem>>, vector<16xf32>,
          %get3A_290 = arith.index_cast %scan3A_260 : i32 to index
          %get3A_291 = arith.constant 128 : index
          %get3A_292 = tpu.vector_load %run_scoped3A_22[%get3A_290, %get3A_291] {strides = array<i32>} : memref<80x144xf32, #tpu.memory_space<vmem>>, vector<16xf32>,
          %mul3A_293 = arith.mulf %get3A_268, %gather3A_265 : vector<16xf32>
          %mul3A_294 = arith.mulf %get3A_271, %gather3A_265 : vector<16xf32>
          %mul3A_295 = arith.mulf %get3A_274, %gather3A_265 : vector<16xf32>
          %mul3A_296 = arith.mulf %get3A_277, %gather3A_265 : vector<16xf32>
          %mul3A_297 = arith.mulf %get3A_280, %gather3A_265 : vector<16xf32>
          %mul3A_298 = arith.mulf %get3A_283, %gather3A_265 : vector<16xf32>
          %mul3A_299 = arith.mulf %get3A_286, %gather3A_265 : vector<16xf32>
          %mul3A_300 = arith.mulf %get3A_289, %gather3A_265 : vector<16xf32>
          %mul3A_301 = arith.mulf %get3A_292, %gather3A_265 : vector<16xf32>
          %swap3A_302 = arith.index_cast %scan3A_260 : i32 to index
          %swap3A_303 = arith.constant 0 : index
          %swap3A_304 = tpu.vector_load %run_scoped3A_22[%swap3A_302, %swap3A_303] {strides = array<i32>} : memref<80x144xf32, #tpu.memory_space<vmem>>, vector<16xf32>,
          tpu.vector_store %run_scoped3A_22[%swap3A_302, %swap3A_303], %mul3A_293 {strides = array<i32>} : memref<80x144xf32, #tpu.memory_space<vmem>>, vector<16xf32>,
          %swap3A_305 = arith.index_cast %scan3A_260 : i32 to index
          %swap3A_306 = arith.constant 16 : index
          %swap3A_307 = tpu.vector_load %run_scoped3A_22[%swap3A_305, %swap3A_306] {strides = array<i32>} : memref<80x144xf32, #tpu.memory_space<vmem>>, vector<16xf32>,
          tpu.vector_store %run_scoped3A_22[%swap3A_305, %swap3A_306], %mul3A_294 {strides = array<i32>} : memref<80x144xf32, #tpu.memory_space<vmem>>, vector<16xf32>,
          %swap3A_308 = arith.index_cast %scan3A_260 : i32 to index
          %swap3A_309 = arith.constant 32 : index
          %swap3A_310 = tpu.vector_load %run_scoped3A_22[%swap3A_308, %swap3A_309] {strides = array<i32>} : memref<80x144xf32, #tpu.memory_space<vmem>>, vector<16xf32>,
          tpu.vector_store %run_scoped3A_22[%swap3A_308, %swap3A_309], %mul3A_295 {strides = array<i32>} : memref<80x144xf32, #tpu.memory_space<vmem>>, vector<16xf32>,
          %swap3A_311 = arith.index_cast %scan3A_260 : i32 to index
          %swap3A_312 = arith.constant 48 : index
          %swap3A_313 = tpu.vector_load %run_scoped3A_22[%swap3A_311, %swap3A_312] {strides = array<i32>} : memref<80x144xf32, #tpu.memory_space<vmem>>, vector<16xf32>,
          tpu.vector_store %run_scoped3A_22[%swap3A_311, %swap3A_312], %mul3A_296 {strides = array<i32>} : memref<80x144xf32, #tpu.memory_space<vmem>>, vector<16xf32>,
          %swap3A_314 = arith.index_cast %scan3A_260 : i32 to index
          %swap3A_315 = arith.constant 64 : index
          %swap3A_316 = tpu.vector_load %run_scoped3A_22[%swap3A_314, %swap3A_315] {strides = array<i32>} : memref<80x144xf32, #tpu.memory_space<vmem>>, vector<16xf32>,
          tpu.vector_store %run_scoped3A_22[%swap3A_314, %swap3A_315], %mul3A_297 {strides = array<i32>} : memref<80x144xf32, #tpu.memory_space<vmem>>, vector<16xf32>,
          %swap3A_317 = arith.index_cast %scan3A_260 : i32 to index
          %swap3A_318 = arith.constant 80 : index
          %swap3A_319 = tpu.vector_load %run_scoped3A_22[%swap3A_317, %swap3A_318] {strides = array<i32>} : memref<80x144xf32, #tpu.memory_space<vmem>>, vector<16xf32>,
          tpu.vector_store %run_scoped3A_22[%swap3A_317, %swap3A_318], %mul3A_298 {strides = array<i32>} : memref<80x144xf32, #tpu.memory_space<vmem>>, vector<16xf32>,
          %swap3A_320 = arith.index_cast %scan3A_260 : i32 to index
          %swap3A_321 = arith.constant 96 : index
          %swap3A_322 = tpu.vector_load %run_scoped3A_22[%swap3A_320, %swap3A_321] {strides = array<i32>} : memref<80x144xf32, #tpu.memory_space<vmem>>, vector<16xf32>,
          tpu.vector_store %run_scoped3A_22[%swap3A_320, %swap3A_321], %mul3A_299 {strides = array<i32>} : memref<80x144xf32, #tpu.memory_space<vmem>>, vector<16xf32>,
          %swap3A_323 = arith.index_cast %scan3A_260 : i32 to index
          %swap3A_324 = arith.constant 112 : index
          %swap3A_325 = tpu.vector_load %run_scoped3A_22[%swap3A_323, %swap3A_324] {strides = array<i32>} : memref<80x144xf32, #tpu.memory_space<vmem>>, vector<16xf32>,
          tpu.vector_store %run_scoped3A_22[%swap3A_323, %swap3A_324], %mul3A_300 {strides = array<i32>} : memref<80x144xf32, #tpu.memory_space<vmem>>, vector<16xf32>,
          %swap3A_326 = arith.index_cast %scan3A_260 : i32 to index
          %swap3A_327 = arith.constant 128 : index
          %swap3A_328 = tpu.vector_load %run_scoped3A_22[%swap3A_326, %swap3A_327] {strides = array<i32>} : memref<80x144xf32, #tpu.memory_space<vmem>>, vector<16xf32>,
          tpu.vector_store %run_scoped3A_22[%swap3A_326, %swap3A_327], %mul3A_301 {strides = array<i32>} : memref<80x144xf32, #tpu.memory_space<vmem>>, vector<16xf32>,
          %scan3A_329 = arith.constant 2 : i32
          %scan3A_330 = arith.addi %scan3A_194, %scan3A_329 : i32
          %mul3A_331 = arith.constant 80 : i32
          %mul3A_332 = arith.muli %add3A_125, %mul3A_331 : i32
          %add3A_333 = arith.addi %mul3A_332, %scan3A_330 : i32
          %broadcast_in_dim3A_334 = vector.broadcast %add3A_333 : i32 to vector<16xi32>
          %gather3A_335 = tpu.vector_load_idx %arg9[%broadcast_in_dim3A_334] : memref<10000xf32, #tpu.memory_space<vmem>>[vector<16xi32>], vector<16xf32>,
          %get3A_336 = arith.index_cast %scan3A_330 : i32 to index
          %get3A_337 = arith.constant 0 : index
          %get3A_338 = tpu.vector_load %run_scoped3A_22[%get3A_336, %get3A_337] {strides = array<i32>} : memref<80x144xf32, #tpu.memory_space<vmem>>, vector<16xf32>,
          %get3A_339 = arith.index_cast %scan3A_330 : i32 to index
          %get3A_340 = arith.constant 16 : index
          %get3A_341 = tpu.vector_load %run_scoped3A_22[%get3A_339, %get3A_340] {strides = array<i32>} : memref<80x144xf32, #tpu.memory_space<vmem>>, vector<16xf32>,
          %get3A_342 = arith.index_cast %scan3A_330 : i32 to index
          %get3A_343 = arith.constant 32 : index
          %get3A_344 = tpu.vector_load %run_scoped3A_22[%get3A_342, %get3A_343] {strides = array<i32>} : memref<80x144xf32, #tpu.memory_space<vmem>>, vector<16xf32>,
          %get3A_345 = arith.index_cast %scan3A_330 : i32 to index
          %get3A_346 = arith.constant 48 : index
          %get3A_347 = tpu.vector_load %run_scoped3A_22[%get3A_345, %get3A_346] {strides = array<i32>} : memref<80x144xf32, #tpu.memory_space<vmem>>, vector<16xf32>,
          %get3A_348 = arith.index_cast %scan3A_330 : i32 to index
          %get3A_349 = arith.constant 64 : index
          %get3A_350 = tpu.vector_load %run_scoped3A_22[%get3A_348, %get3A_349] {strides = array<i32>} : memref<80x144xf32, #tpu.memory_space<vmem>>, vector<16xf32>,
          %get3A_351 = arith.index_cast %scan3A_330 : i32 to index
          %get3A_352 = arith.constant 80 : index
          %get3A_353 = tpu.vector_load %run_scoped3A_22[%get3A_351, %get3A_352] {strides = array<i32>} : memref<80x144xf32, #tpu.memory_space<vmem>>, vector<16xf32>,
          %get3A_354 = arith.index_cast %scan3A_330 : i32 to index
          %get3A_355 = arith.constant 96 : index
          %get3A_356 = tpu.vector_load %run_scoped3A_22[%get3A_354, %get3A_355] {strides = array<i32>} : memref<80x144xf32, #tpu.memory_space<vmem>>, vector<16xf32>,
          %get3A_357 = arith.index_cast %scan3A_330 : i32 to index
          %get3A_358 = arith.constant 112 : index
          %get3A_359 = tpu.vector_load %run_scoped3A_22[%get3A_357, %get3A_358] {strides = array<i32>} : memref<80x144xf32, #tpu.memory_space<vmem>>, vector<16xf32>,
          %get3A_360 = arith.index_cast %scan3A_330 : i32 to index
          %get3A_361 = arith.constant 128 : index
          %get3A_362 = tpu.vector_load %run_scoped3A_22[%get3A_360, %get3A_361] {strides = array<i32>} : memref<80x144xf32, #tpu.memory_space<vmem>>, vector<16xf32>,
          %mul3A_363 = arith.mulf %get3A_338, %gather3A_335 : vector<16xf32>
          %mul3A_364 = arith.mulf %get3A_341, %gather3A_335 : vector<16xf32>
          %mul3A_365 = arith.mulf %get3A_344, %gather3A_335 : vector<16xf32>
          %mul3A_366 = arith.mulf %get3A_347, %gather3A_335 : vector<16xf32>
          %mul3A_367 = arith.mulf %get3A_350, %gather3A_335 : vector<16xf32>
          %mul3A_368 = arith.mulf %get3A_353, %gather3A_335 : vector<16xf32>
          %mul3A_369 = arith.mulf %get3A_356, %gather3A_335 : vector<16xf32>
          %mul3A_370 = arith.mulf %get3A_359, %gather3A_335 : vector<16xf32>
          %mul3A_371 = arith.mulf %get3A_362, %gather3A_335 : vector<16xf32>
          %swap3A_372 = arith.index_cast %scan3A_330 : i32 to index
          %swap3A_373 = arith.constant 0 : index
          %swap3A_374 = tpu.vector_load %run_scoped3A_22[%swap3A_372, %swap3A_373] {strides = array<i32>} : memref<80x144xf32, #tpu.memory_space<vmem>>, vector<16xf32>,
          tpu.vector_store %run_scoped3A_22[%swap3A_372, %swap3A_373], %mul3A_363 {strides = array<i32>} : memref<80x144xf32, #tpu.memory_space<vmem>>, vector<16xf32>,
          %swap3A_375 = arith.index_cast %scan3A_330 : i32 to index
          %swap3A_376 = arith.constant 16 : index
          %swap3A_377 = tpu.vector_load %run_scoped3A_22[%swap3A_375, %swap3A_376] {strides = array<i32>} : memref<80x144xf32, #tpu.memory_space<vmem>>, vector<16xf32>,
          tpu.vector_store %run_scoped3A_22[%swap3A_375, %swap3A_376], %mul3A_364 {strides = array<i32>} : memref<80x144xf32, #tpu.memory_space<vmem>>, vector<16xf32>,
          %swap3A_378 = arith.index_cast %scan3A_330 : i32 to index
          %swap3A_379 = arith.constant 32 : index
          %swap3A_380 = tpu.vector_load %run_scoped3A_22[%swap3A_378, %swap3A_379] {strides = array<i32>} : memref<80x144xf32, #tpu.memory_space<vmem>>, vector<16xf32>,
          tpu.vector_store %run_scoped3A_22[%swap3A_378, %swap3A_379], %mul3A_365 {strides = array<i32>} : memref<80x144xf32, #tpu.memory_space<vmem>>, vector<16xf32>,
          %swap3A_381 = arith.index_cast %scan3A_330 : i32 to index
          %swap3A_382 = arith.constant 48 : index
          %swap3A_383 = tpu.vector_load %run_scoped3A_22[%swap3A_381, %swap3A_382] {strides = array<i32>} : memref<80x144xf32, #tpu.memory_space<vmem>>, vector<16xf32>,
          tpu.vector_store %run_scoped3A_22[%swap3A_381, %swap3A_382], %mul3A_366 {strides = array<i32>} : memref<80x144xf32, #tpu.memory_space<vmem>>, vector<16xf32>,
          %swap3A_384 = arith.index_cast %scan3A_330 : i32 to index
          %swap3A_385 = arith.constant 64 : index
          %swap3A_386 = tpu.vector_load %run_scoped3A_22[%swap3A_384, %swap3A_385] {strides = array<i32>} : memref<80x144xf32, #tpu.memory_space<vmem>>, vector<16xf32>,
          tpu.vector_store %run_scoped3A_22[%swap3A_384, %swap3A_385], %mul3A_367 {strides = array<i32>} : memref<80x144xf32, #tpu.memory_space<vmem>>, vector<16xf32>,
          %swap3A_387 = arith.index_cast %scan3A_330 : i32 to index
          %swap3A_388 = arith.constant 80 : index
          %swap3A_389 = tpu.vector_load %run_scoped3A_22[%swap3A_387, %swap3A_388] {strides = array<i32>} : memref<80x144xf32, #tpu.memory_space<vmem>>, vector<16xf32>,
          tpu.vector_store %run_scoped3A_22[%swap3A_387, %swap3A_388], %mul3A_368 {strides = array<i32>} : memref<80x144xf32, #tpu.memory_space<vmem>>, vector<16xf32>,
          %swap3A_390 = arith.index_cast %scan3A_330 : i32 to index
          %swap3A_391 = arith.constant 96 : index
          %swap3A_392 = tpu.vector_load %run_scoped3A_22[%swap3A_390, %swap3A_391] {strides = array<i32>} : memref<80x144xf32, #tpu.memory_space<vmem>>, vector<16xf32>,
          tpu.vector_store %run_scoped3A_22[%swap3A_390, %swap3A_391], %mul3A_369 {strides = array<i32>} : memref<80x144xf32, #tpu.memory_space<vmem>>, vector<16xf32>,
          %swap3A_393 = arith.index_cast %scan3A_330 : i32 to index
          %swap3A_394 = arith.constant 112 : index
          %swap3A_395 = tpu.vector_load %run_scoped3A_22[%swap3A_393, %swap3A_394] {strides = array<i32>} : memref<80x144xf32, #tpu.memory_space<vmem>>, vector<16xf32>,
          tpu.vector_store %run_scoped3A_22[%swap3A_393, %swap3A_394], %mul3A_370 {strides = array<i32>} : memref<80x144xf32, #tpu.memory_space<vmem>>, vector<16xf32>,
          %swap3A_396 = arith.index_cast %scan3A_330 : i32 to index
          %swap3A_397 = arith.constant 128 : index
          %swap3A_398 = tpu.vector_load %run_scoped3A_22[%swap3A_396, %swap3A_397] {strides = array<i32>} : memref<80x144xf32, #tpu.memory_space<vmem>>, vector<16xf32>,
          tpu.vector_store %run_scoped3A_22[%swap3A_396, %swap3A_397], %mul3A_371 {strides = array<i32>} : memref<80x144xf32, #tpu.memory_space<vmem>>, vector<16xf32>,
          %scan3A_399 = arith.constant 3 : i32
          %scan3A_400 = arith.addi %scan3A_194, %scan3A_399 : i32
          %mul3A_401 = arith.constant 80 : i32
          %mul3A_402 = arith.muli %add3A_125, %mul3A_401 : i32
          %add3A_403 = arith.addi %mul3A_402, %scan3A_400 : i32
          %broadcast_in_dim3A_404 = vector.broadcast %add3A_403 : i32 to vector<16xi32>
          %gather3A_405 = tpu.vector_load_idx %arg9[%broadcast_in_dim3A_404] : memref<10000xf32, #tpu.memory_space<vmem>>[vector<16xi32>], vector<16xf32>,
          %get3A_406 = arith.index_cast %scan3A_400 : i32 to index
          %get3A_407 = arith.constant 0 : index
          %get3A_408 = tpu.vector_load %run_scoped3A_22[%get3A_406, %get3A_407] {strides = array<i32>} : memref<80x144xf32, #tpu.memory_space<vmem>>, vector<16xf32>,
          %get3A_409 = arith.index_cast %scan3A_400 : i32 to index
          %get3A_410 = arith.constant 16 : index
          %get3A_411 = tpu.vector_load %run_scoped3A_22[%get3A_409, %get3A_410] {strides = array<i32>} : memref<80x144xf32, #tpu.memory_space<vmem>>, vector<16xf32>,
          %get3A_412 = arith.index_cast %scan3A_400 : i32 to index
          %get3A_413 = arith.constant 32 : index
          %get3A_414 = tpu.vector_load %run_scoped3A_22[%get3A_412, %get3A_413] {strides = array<i32>} : memref<80x144xf32, #tpu.memory_space<vmem>>, vector<16xf32>,
          %get3A_415 = arith.index_cast %scan3A_400 : i32 to index
          %get3A_416 = arith.constant 48 : index
          %get3A_417 = tpu.vector_load %run_scoped3A_22[%get3A_415, %get3A_416] {strides = array<i32>} : memref<80x144xf32, #tpu.memory_space<vmem>>, vector<16xf32>,
          %get3A_418 = arith.index_cast %scan3A_400 : i32 to index
          %get3A_419 = arith.constant 64 : index
          %get3A_420 = tpu.vector_load %run_scoped3A_22[%get3A_418, %get3A_419] {strides = array<i32>} : memref<80x144xf32, #tpu.memory_space<vmem>>, vector<16xf32>,
          %get3A_421 = arith.index_cast %scan3A_400 : i32 to index
          %get3A_422 = arith.constant 80 : index
          %get3A_423 = tpu.vector_load %run_scoped3A_22[%get3A_421, %get3A_422] {strides = array<i32>} : memref<80x144xf32, #tpu.memory_space<vmem>>, vector<16xf32>,
          %get3A_424 = arith.index_cast %scan3A_400 : i32 to index
          %get3A_425 = arith.constant 96 : index
          %get3A_426 = tpu.vector_load %run_scoped3A_22[%get3A_424, %get3A_425] {strides = array<i32>} : memref<80x144xf32, #tpu.memory_space<vmem>>, vector<16xf32>,
          %get3A_427 = arith.index_cast %scan3A_400 : i32 to index
          %get3A_428 = arith.constant 112 : index
          %get3A_429 = tpu.vector_load %run_scoped3A_22[%get3A_427, %get3A_428] {strides = array<i32>} : memref<80x144xf32, #tpu.memory_space<vmem>>, vector<16xf32>,
          %get3A_430 = arith.index_cast %scan3A_400 : i32 to index
          %get3A_431 = arith.constant 128 : index
          %get3A_432 = tpu.vector_load %run_scoped3A_22[%get3A_430, %get3A_431] {strides = array<i32>} : memref<80x144xf32, #tpu.memory_space<vmem>>, vector<16xf32>,
          %mul3A_433 = arith.mulf %get3A_408, %gather3A_405 : vector<16xf32>
          %mul3A_434 = arith.mulf %get3A_411, %gather3A_405 : vector<16xf32>
          %mul3A_435 = arith.mulf %get3A_414, %gather3A_405 : vector<16xf32>
          %mul3A_436 = arith.mulf %get3A_417, %gather3A_405 : vector<16xf32>
          %mul3A_437 = arith.mulf %get3A_420, %gather3A_405 : vector<16xf32>
          %mul3A_438 = arith.mulf %get3A_423, %gather3A_405 : vector<16xf32>
          %mul3A_439 = arith.mulf %get3A_426, %gather3A_405 : vector<16xf32>
          %mul3A_440 = arith.mulf %get3A_429, %gather3A_405 : vector<16xf32>
          %mul3A_441 = arith.mulf %get3A_432, %gather3A_405 : vector<16xf32>
          %swap3A_442 = arith.index_cast %scan3A_400 : i32 to index
          %swap3A_443 = arith.constant 0 : index
          %swap3A_444 = tpu.vector_load %run_scoped3A_22[%swap3A_442, %swap3A_443] {strides = array<i32>} : memref<80x144xf32, #tpu.memory_space<vmem>>, vector<16xf32>,
          tpu.vector_store %run_scoped3A_22[%swap3A_442, %swap3A_443], %mul3A_433 {strides = array<i32>} : memref<80x144xf32, #tpu.memory_space<vmem>>, vector<16xf32>,
          %swap3A_445 = arith.index_cast %scan3A_400 : i32 to index
          %swap3A_446 = arith.constant 16 : index
          %swap3A_447 = tpu.vector_load %run_scoped3A_22[%swap3A_445, %swap3A_446] {strides = array<i32>} : memref<80x144xf32, #tpu.memory_space<vmem>>, vector<16xf32>,
          tpu.vector_store %run_scoped3A_22[%swap3A_445, %swap3A_446], %mul3A_434 {strides = array<i32>} : memref<80x144xf32, #tpu.memory_space<vmem>>, vector<16xf32>,
          %swap3A_448 = arith.index_cast %scan3A_400 : i32 to index
          %swap3A_449 = arith.constant 32 : index
          %swap3A_450 = tpu.vector_load %run_scoped3A_22[%swap3A_448, %swap3A_449] {strides = array<i32>} : memref<80x144xf32, #tpu.memory_space<vmem>>, vector<16xf32>,
          tpu.vector_store %run_scoped3A_22[%swap3A_448, %swap3A_449], %mul3A_435 {strides = array<i32>} : memref<80x144xf32, #tpu.memory_space<vmem>>, vector<16xf32>,
          %swap3A_451 = arith.index_cast %scan3A_400 : i32 to index
          %swap3A_452 = arith.constant 48 : index
          %swap3A_453 = tpu.vector_load %run_scoped3A_22[%swap3A_451, %swap3A_452] {strides = array<i32>} : memref<80x144xf32, #tpu.memory_space<vmem>>, vector<16xf32>,
          tpu.vector_store %run_scoped3A_22[%swap3A_451, %swap3A_452], %mul3A_436 {strides = array<i32>} : memref<80x144xf32, #tpu.memory_space<vmem>>, vector<16xf32>,
          %swap3A_454 = arith.index_cast %scan3A_400 : i32 to index
          %swap3A_455 = arith.constant 64 : index
          %swap3A_456 = tpu.vector_load %run_scoped3A_22[%swap3A_454, %swap3A_455] {strides = array<i32>} : memref<80x144xf32, #tpu.memory_space<vmem>>, vector<16xf32>,
          tpu.vector_store %run_scoped3A_22[%swap3A_454, %swap3A_455], %mul3A_437 {strides = array<i32>} : memref<80x144xf32, #tpu.memory_space<vmem>>, vector<16xf32>,
          %swap3A_457 = arith.index_cast %scan3A_400 : i32 to index
          %swap3A_458 = arith.constant 80 : index
          %swap3A_459 = tpu.vector_load %run_scoped3A_22[%swap3A_457, %swap3A_458] {strides = array<i32>} : memref<80x144xf32, #tpu.memory_space<vmem>>, vector<16xf32>,
          tpu.vector_store %run_scoped3A_22[%swap3A_457, %swap3A_458], %mul3A_438 {strides = array<i32>} : memref<80x144xf32, #tpu.memory_space<vmem>>, vector<16xf32>,
          %swap3A_460 = arith.index_cast %scan3A_400 : i32 to index
          %swap3A_461 = arith.constant 96 : index
          %swap3A_462 = tpu.vector_load %run_scoped3A_22[%swap3A_460, %swap3A_461] {strides = array<i32>} : memref<80x144xf32, #tpu.memory_space<vmem>>, vector<16xf32>,
          tpu.vector_store %run_scoped3A_22[%swap3A_460, %swap3A_461], %mul3A_439 {strides = array<i32>} : memref<80x144xf32, #tpu.memory_space<vmem>>, vector<16xf32>,
          %swap3A_463 = arith.index_cast %scan3A_400 : i32 to index
          %swap3A_464 = arith.constant 112 : index
          %swap3A_465 = tpu.vector_load %run_scoped3A_22[%swap3A_463, %swap3A_464] {strides = array<i32>} : memref<80x144xf32, #tpu.memory_space<vmem>>, vector<16xf32>,
          tpu.vector_store %run_scoped3A_22[%swap3A_463, %swap3A_464], %mul3A_440 {strides = array<i32>} : memref<80x144xf32, #tpu.memory_space<vmem>>, vector<16xf32>,
          %swap3A_466 = arith.index_cast %scan3A_400 : i32 to index
          %swap3A_467 = arith.constant 128 : index
          %swap3A_468 = tpu.vector_load %run_scoped3A_22[%swap3A_466, %swap3A_467] {strides = array<i32>} : memref<80x144xf32, #tpu.memory_space<vmem>>, vector<16xf32>,
          tpu.vector_store %run_scoped3A_22[%swap3A_466, %swap3A_467], %mul3A_441 {strides = array<i32>} : memref<80x144xf32, #tpu.memory_space<vmem>>, vector<16xf32>,
        }
        %scan3A_131 = arith.constant 80 : i32
        %dma_start3A_132 = arith.constant 1 : i32
        %dma_start3A_133 = arith.constant 0 : i32
        %dma_start3A_134 = tpu.memref_slice %arg11[%dma_start3A_132, %dma_start3A_133] : memref<2x80xi32, #tpu.memory_space<vmem>> -> memref<1x80xi32, #tpu.memory_space<vmem>>
        %dma_start3A_135 = tpu.memref_squeeze %dma_start3A_134 : memref<1x80xi32, #tpu.memory_space<vmem>> -> memref<80xi32, #tpu.memory_space<vmem>>
        %dma_start3A_136 = arith.constant 0 : i32
        %dma_start3A_137 = arith.constant 0 : i32
        %dma_start3A_138 = tpu.memref_slice %arg8[%dma_start3A_136, %dma_start3A_137] : memref<10112x144xf32, #tpu.memory_space<vmem_shared>> -> memref<10112x144xf32, #tpu.memory_space<vmem_shared>>
        tpu.enqueue_indirect_dma source(%run_scoped3A_22 : memref<80x144xf32, #tpu.memory_space<vmem>>) target(%dma_start3A_138 : memref<10112x144xf32, #tpu.memory_space<vmem_shared>>) offsets(%dma_start3A_135 : memref<80xi32, #tpu.memory_space<vmem>>) semaphore(%arg17 : memref<!tpu.dma_semaphore, #tpu.memory_space<semaphore_mem>>) {add = true}
        %dma_wait3A_139 = arith.constant 1 : i32
        %dma_wait3A_140 = arith.constant 0 : i32
        %dma_wait3A_141 = tpu.memref_slice %arg10[%dma_wait3A_139, %dma_wait3A_140] : memref<2x80xi32, #tpu.memory_space<vmem>> -> memref<1x80xi32, #tpu.memory_space<vmem>>
        %dma_wait3A_142 = tpu.memref_squeeze %dma_wait3A_141 : memref<1x80xi32, #tpu.memory_space<vmem>> -> memref<80xi32, #tpu.memory_space<vmem>>
        %dma_wait3A_143 = arith.constant 0 : i32
        %dma_wait3A_144 = arith.constant 0 : i32
        %dma_wait3A_145 = tpu.memref_slice %arg8[%dma_wait3A_143, %dma_wait3A_144] : memref<10112x144xf32, #tpu.memory_space<vmem_shared>> -> memref<10112x144xf32, #tpu.memory_space<vmem_shared>>
        tpu.wait_indirect_dma semaphore(%arg16 : memref<!tpu.dma_semaphore, #tpu.memory_space<semaphore_mem>>) src(%run_scoped3A : memref<80x144xf32, #tpu.memory_space<vmem>>) dst(%dma_wait3A_145 : memref<10112x144xf32, #tpu.memory_space<vmem_shared>>)
        %add3A_146 = arith.constant 2 : i32
        %add3A_147 = arith.addi %mul3A_81, %add3A_146 : i32
        %min3A_148 = arith.constant 124 : i32
        %min3A_149 = arith.minsi %add3A_147, %min3A_148 : i32
        %add3A_150 = arith.addi %select_n3A, %min3A_149 : i32
        %dma_start3A_151 = arith.constant 0 : i32
        %dma_start3A_152 = arith.constant 0 : i32
        %dma_start3A_153 = tpu.memref_slice %arg3[%add3A_150, %dma_start3A_151, %dma_start3A_152] : memref<4000x2x80xi32, #tpu.memory_space<hbm>> -> memref<1x2x80xi32, #tpu.memory_space<hbm>>
        %dma_start3A_154 = tpu.memref_squeeze %dma_start3A_153 : memref<1x2x80xi32, #tpu.memory_space<hbm>> -> memref<2x80xi32, #tpu.memory_space<hbm>>
        %dma_start3A_155 = arith.constant 0 : i32
        %dma_start3A_156 = arith.constant 0 : i32
        %dma_start3A_157 = tpu.memref_slice %arg3[%add3A_150, %dma_start3A_155, %dma_start3A_156] : memref<4000x2x80xi32, #tpu.memory_space<hbm>> -> memref<1x2x80xi32, #tpu.memory_space<hbm>>
        %dma_start3A_158 = tpu.memref_squeeze %dma_start3A_157 : memref<1x2x80xi32, #tpu.memory_space<hbm>> -> memref<2x80xi32, #tpu.memory_space<hbm>>
        tpu.enqueue_dma source(%dma_start3A_158 : memref<2x80xi32, #tpu.memory_space<hbm>>) target(%arg10 : memref<2x80xi32, #tpu.memory_space<vmem>>) target_semaphore(%arg12 : memref<!tpu.dma_semaphore, #tpu.memory_space<semaphore_mem>>)
        %dma_wait3A_159 = arith.constant 0 : i32
        %dma_wait3A_160 = arith.constant 0 : i32
        %dma_wait3A_161 = tpu.memref_slice %arg3[%select_n3A, %dma_wait3A_159, %dma_wait3A_160] : memref<4000x2x80xi32, #tpu.memory_space<hbm>> -> memref<1x2x80xi32, #tpu.memory_space<hbm>>
        %dma_wait3A_162 = tpu.memref_squeeze %dma_wait3A_161 : memref<1x2x80xi32, #tpu.memory_space<hbm>> -> memref<2x80xi32, #tpu.memory_space<hbm>>
        %dma_wait3A_163 = arith.constant 0 : i32
        %dma_wait3A_164 = arith.constant 0 : i32
        %dma_wait3A_165 = tpu.memref_slice %arg3[%select_n3A, %dma_wait3A_163, %dma_wait3A_164] : memref<4000x2x80xi32, #tpu.memory_space<hbm>> -> memref<1x2x80xi32, #tpu.memory_space<hbm>>
        %dma_wait3A_166 = tpu.memref_squeeze %dma_wait3A_165 : memref<1x2x80xi32, #tpu.memory_space<hbm>> -> memref<2x80xi32, #tpu.memory_space<hbm>>
        tpu.wait_dma2 semaphore(%arg12 : memref<!tpu.dma_semaphore, #tpu.memory_space<semaphore_mem>>) src(%dma_wait3A_166 : memref<2x80xi32, #tpu.memory_space<hbm>>) dst(%arg10 : memref<2x80xi32, #tpu.memory_space<vmem>>)
        %dma_start3A_167 = arith.constant 0 : i32
        %dma_start3A_168 = arith.constant 0 : i32
        %dma_start3A_169 = tpu.memref_slice %arg10[%dma_start3A_167, %dma_start3A_168] : memref<2x80xi32, #tpu.memory_space<vmem>> -> memref<1x80xi32, #tpu.memory_space<vmem>>
        %dma_start3A_170 = tpu.memref_squeeze %dma_start3A_169 : memref<1x80xi32, #tpu.memory_space<vmem>> -> memref<80xi32, #tpu.memory_space<vmem>>
        %dma_start3A_171 = arith.constant 0 : i32
        %dma_start3A_172 = arith.constant 0 : i32
        %dma_start3A_173 = tpu.memref_slice %arg2[%dma_start3A_171, %dma_start3A_172] : memref<10000x144xf32, #tpu.memory_space<hbm>> -> memref<10000x144xf32, #tpu.memory_space<hbm>>
        tpu.enqueue_indirect_dma source(%dma_start3A_173 : memref<10000x144xf32, #tpu.memory_space<hbm>>) target(%run_scoped3A : memref<80x144xf32, #tpu.memory_space<vmem>>) offsets(%dma_start3A_170 : memref<80xi32, #tpu.memory_space<vmem>>) semaphore(%arg14 : memref<!tpu.dma_semaphore, #tpu.memory_space<semaphore_mem>>)
        %dma_wait3A_174 = arith.constant 1 : i32
        %dma_wait3A_175 = arith.constant 0 : i32
        %dma_wait3A_176 = tpu.memref_slice %arg11[%dma_wait3A_174, %dma_wait3A_175] : memref<2x80xi32, #tpu.memory_space<vmem>> -> memref<1x80xi32, #tpu.memory_space<vmem>>
        %dma_wait3A_177 = tpu.memref_squeeze %dma_wait3A_176 : memref<1x80xi32, #tpu.memory_space<vmem>> -> memref<80xi32, #tpu.memory_space<vmem>>
        %dma_wait3A_178 = arith.constant 0 : i32
        %dma_wait3A_179 = arith.constant 0 : i32
        %dma_wait3A_180 = tpu.memref_slice %arg8[%dma_wait3A_178, %dma_wait3A_179] : memref<10112x144xf32, #tpu.memory_space<vmem_shared>> -> memref<10112x144xf32, #tpu.memory_space<vmem_shared>>
        tpu.wait_indirect_dma semaphore(%arg17 : memref<!tpu.dma_semaphore, #tpu.memory_space<semaphore_mem>>) src(%run_scoped3A_22 : memref<80x144xf32, #tpu.memory_space<vmem>>) dst(%dma_wait3A_180 : memref<10112x144xf32, #tpu.memory_space<vmem_shared>>)
        %add3A_181 = arith.constant 3 : i32
        %add3A_182 = arith.addi %mul3A_81, %add3A_181 : i32
        %min3A_183 = arith.constant 124 : i32
        %min3A_184 = arith.minsi %add3A_182, %min3A_183 : i32
        %add3A_185 = arith.addi %select_n3A, %min3A_184 : i32
        %dma_start3A_186 = arith.constant 0 : i32
        %dma_start3A_187 = arith.constant 0 : i32
        %dma_start3A_188 = tpu.memref_slice %arg3[%add3A_185, %dma_start3A_186, %dma_start3A_187] : memref<4000x2x80xi32, #tpu.memory_space<hbm>> -> memref<1x2x80xi32, #tpu.memory_space<hbm>>
        %dma_start3A_189 = tpu.memref_squeeze %dma_start3A_188 : memref<1x2x80xi32, #tpu.memory_space<hbm>> -> memref<2x80xi32, #tpu.memory_space<hbm>>
        %dma_start3A_190 = arith.constant 0 : i32
        %dma_start3A_191 = arith.constant 0 : i32
        %dma_start3A_192 = tpu.memref_slice %arg3[%add3A_185, %dma_start3A_190, %dma_start3A_191] : memref<4000x2x80xi32, #tpu.memory_space<hbm>> -> memref<1x2x80xi32, #tpu.memory_space<hbm>>
        %dma_start3A_193 = tpu.memref_squeeze %dma_start3A_192 : memref<1x2x80xi32, #tpu.memory_space<hbm>> -> memref<2x80xi32, #tpu.memory_space<hbm>>
        tpu.enqueue_dma source(%dma_start3A_193 : memref<2x80xi32, #tpu.memory_space<hbm>>) target(%arg11 : memref<2x80xi32, #tpu.memory_space<vmem>>) target_semaphore(%arg13 : memref<!tpu.dma_semaphore, #tpu.memory_space<semaphore_mem>>)
      }
      %scan3A_44 = arith.constant 62 : i32
      %dma_wait3A = arith.constant 0 : i32
      %dma_wait3A_45 = arith.constant 0 : i32
      %dma_wait3A_46 = tpu.memref_slice %arg3[%select_n3A, %dma_wait3A, %dma_wait3A_45] : memref<4000x2x80xi32, #tpu.memory_space<hbm>> -> memref<1x2x80xi32, #tpu.memory_space<hbm>>
      %dma_wait3A_47 = tpu.memref_squeeze %dma_wait3A_46 : memref<1x2x80xi32, #tpu.memory_space<hbm>> -> memref<2x80xi32, #tpu.memory_space<hbm>>
      %dma_wait3A_48 = arith.constant 0 : i32
      %dma_wait3A_49 = arith.constant 0 : i32
      %dma_wait3A_50 = tpu.memref_slice %arg3[%select_n3A, %dma_wait3A_48, %dma_wait3A_49] : memref<4000x2x80xi32, #tpu.memory_space<hbm>> -> memref<1x2x80xi32, #tpu.memory_space<hbm>>
      %dma_wait3A_51 = tpu.memref_squeeze %dma_wait3A_50 : memref<1x2x80xi32, #tpu.memory_space<hbm>> -> memref<2x80xi32, #tpu.memory_space<hbm>>
      tpu.wait_dma2 semaphore(%arg13 : memref<!tpu.dma_semaphore, #tpu.memory_space<semaphore_mem>>) src(%dma_wait3A_51 : memref<2x80xi32, #tpu.memory_space<hbm>>) dst(%arg11 : memref<2x80xi32, #tpu.memory_space<vmem>>)
      %dma_wait3A_52 = arith.constant 0 : i32
      %dma_wait3A_53 = arith.constant 0 : i32
      %dma_wait3A_54 = tpu.memref_slice %arg10[%dma_wait3A_52, %dma_wait3A_53] : memref<2x80xi32, #tpu.memory_space<vmem>> -> memref<1x80xi32, #tpu.memory_space<vmem>>
      %dma_wait3A_55 = tpu.memref_squeeze %dma_wait3A_54 : memref<1x80xi32, #tpu.memory_space<vmem>> -> memref<80xi32, #tpu.memory_space<vmem>>
      %dma_wait3A_56 = arith.constant 0 : i32
      %dma_wait3A_57 = arith.constant 0 : i32
      %dma_wait3A_58 = tpu.memref_slice %arg2[%dma_wait3A_56, %dma_wait3A_57] : memref<10000x144xf32, #tpu.memory_space<hbm>> -> memref<10000x144xf32, #tpu.memory_space<hbm>>
      tpu.wait_indirect_dma semaphore(%arg14 : memref<!tpu.dma_semaphore, #tpu.memory_space<semaphore_mem>>) src(%dma_wait3A_58 : memref<10000x144xf32, #tpu.memory_space<hbm>>) dst(%run_scoped3A : memref<80x144xf32, #tpu.memory_space<vmem>>)
      %scan3A_59 = arith.constant 0 : i32
      %scan3A_60 = arith.constant 0 : i32
      %scan3A_61 = arith.constant 80 : i32
      %scan3A_62 = arith.addi %scan3A_60, %scan3A_61 : i32
      %scan3A_63 = arith.constant 4 : i32
      scf.for %scan3A_79 = %scan3A_60 to %scan3A_62 step %scan3A_63  : i32 {
        %add3A_80 = arith.constant 9920 : i32
        %add3A_81 = arith.addi %add3A_80, %scan3A_79 : i32
        %broadcast_in_dim3A = vector.broadcast %add3A_81 : i32 to vector<16xi32>
        %gather3A = tpu.vector_load_idx %arg9[%broadcast_in_dim3A] : memref<10000xf32, #tpu.memory_space<vmem>>[vector<16xi32>], vector<16xf32>,
        %get3A = arith.index_cast %scan3A_79 : i32 to index
        %get3A_82 = arith.constant 0 : index
        %get3A_83 = tpu.vector_load %run_scoped3A[%get3A, %get3A_82] {strides = array<i32>} : memref<80x144xf32, #tpu.memory_space<vmem>>, vector<16xf32>,
        %get3A_84 = arith.index_cast %scan3A_79 : i32 to index
        %get3A_85 = arith.constant 16 : index
        %get3A_86 = tpu.vector_load %run_scoped3A[%get3A_84, %get3A_85] {strides = array<i32>} : memref<80x144xf32, #tpu.memory_space<vmem>>, vector<16xf32>,
        %get3A_87 = arith.index_cast %scan3A_79 : i32 to index
        %get3A_88 = arith.constant 32 : index
        %get3A_89 = tpu.vector_load %run_scoped3A[%get3A_87, %get3A_88] {strides = array<i32>} : memref<80x144xf32, #tpu.memory_space<vmem>>, vector<16xf32>,
        %get3A_90 = arith.index_cast %scan3A_79 : i32 to index
        %get3A_91 = arith.constant 48 : index
        %get3A_92 = tpu.vector_load %run_scoped3A[%get3A_90, %get3A_91] {strides = array<i32>} : memref<80x144xf32, #tpu.memory_space<vmem>>, vector<16xf32>,
        %get3A_93 = arith.index_cast %scan3A_79 : i32 to index
        %get3A_94 = arith.constant 64 : index
        %get3A_95 = tpu.vector_load %run_scoped3A[%get3A_93, %get3A_94] {strides = array<i32>} : memref<80x144xf32, #tpu.memory_space<vmem>>, vector<16xf32>,
        %get3A_96 = arith.index_cast %scan3A_79 : i32 to index
        %get3A_97 = arith.constant 80 : index
        %get3A_98 = tpu.vector_load %run_scoped3A[%get3A_96, %get3A_97] {strides = array<i32>} : memref<80x144xf32, #tpu.memory_space<vmem>>, vector<16xf32>,
        %get3A_99 = arith.index_cast %scan3A_79 : i32 to index
        %get3A_100 = arith.constant 96 : index
        %get3A_101 = tpu.vector_load %run_scoped3A[%get3A_99, %get3A_100] {strides = array<i32>} : memref<80x144xf32, #tpu.memory_space<vmem>>, vector<16xf32>,
        %get3A_102 = arith.index_cast %scan3A_79 : i32 to index
        %get3A_103 = arith.constant 112 : index
        %get3A_104 = tpu.vector_load %run_scoped3A[%get3A_102, %get3A_103] {strides = array<i32>} : memref<80x144xf32, #tpu.memory_space<vmem>>, vector<16xf32>,
        %get3A_105 = arith.index_cast %scan3A_79 : i32 to index
        %get3A_106 = arith.constant 128 : index
        %get3A_107 = tpu.vector_load %run_scoped3A[%get3A_105, %get3A_106] {strides = array<i32>} : memref<80x144xf32, #tpu.memory_space<vmem>>, vector<16xf32>,
        %mul3A_108 = arith.mulf %get3A_83, %gather3A : vector<16xf32>
        %mul3A_109 = arith.mulf %get3A_86, %gather3A : vector<16xf32>
        %mul3A_110 = arith.mulf %get3A_89, %gather3A : vector<16xf32>
        %mul3A_111 = arith.mulf %get3A_92, %gather3A : vector<16xf32>
        %mul3A_112 = arith.mulf %get3A_95, %gather3A : vector<16xf32>
        %mul3A_113 = arith.mulf %get3A_98, %gather3A : vector<16xf32>
        %mul3A_114 = arith.mulf %get3A_101, %gather3A : vector<16xf32>
        %mul3A_115 = arith.mulf %get3A_104, %gather3A : vector<16xf32>
        %mul3A_116 = arith.mulf %get3A_107, %gather3A : vector<16xf32>
        %swap3A = arith.index_cast %scan3A_79 : i32 to index
        %swap3A_117 = arith.constant 0 : index
        %swap3A_118 = tpu.vector_load %run_scoped3A[%swap3A, %swap3A_117] {strides = array<i32>} : memref<80x144xf32, #tpu.memory_space<vmem>>, vector<16xf32>,
        tpu.vector_store %run_scoped3A[%swap3A, %swap3A_117], %mul3A_108 {strides = array<i32>} : memref<80x144xf32, #tpu.memory_space<vmem>>, vector<16xf32>,
        %swap3A_119 = arith.index_cast %scan3A_79 : i32 to index
        %swap3A_120 = arith.constant 16 : index
        %swap3A_121 = tpu.vector_load %run_scoped3A[%swap3A_119, %swap3A_120] {strides = array<i32>} : memref<80x144xf32, #tpu.memory_space<vmem>>, vector<16xf32>,
        tpu.vector_store %run_scoped3A[%swap3A_119, %swap3A_120], %mul3A_109 {strides = array<i32>} : memref<80x144xf32, #tpu.memory_space<vmem>>, vector<16xf32>,
        %swap3A_122 = arith.index_cast %scan3A_79 : i32 to index
        %swap3A_123 = arith.constant 32 : index
        %swap3A_124 = tpu.vector_load %run_scoped3A[%swap3A_122, %swap3A_123] {strides = array<i32>} : memref<80x144xf32, #tpu.memory_space<vmem>>, vector<16xf32>,
        tpu.vector_store %run_scoped3A[%swap3A_122, %swap3A_123], %mul3A_110 {strides = array<i32>} : memref<80x144xf32, #tpu.memory_space<vmem>>, vector<16xf32>,
        %swap3A_125 = arith.index_cast %scan3A_79 : i32 to index
        %swap3A_126 = arith.constant 48 : index
        %swap3A_127 = tpu.vector_load %run_scoped3A[%swap3A_125, %swap3A_126] {strides = array<i32>} : memref<80x144xf32, #tpu.memory_space<vmem>>, vector<16xf32>,
        tpu.vector_store %run_scoped3A[%swap3A_125, %swap3A_126], %mul3A_111 {strides = array<i32>} : memref<80x144xf32, #tpu.memory_space<vmem>>, vector<16xf32>,
        %swap3A_128 = arith.index_cast %scan3A_79 : i32 to index
        %swap3A_129 = arith.constant 64 : index
        %swap3A_130 = tpu.vector_load %run_scoped3A[%swap3A_128, %swap3A_129] {strides = array<i32>} : memref<80x144xf32, #tpu.memory_space<vmem>>, vector<16xf32>,
        tpu.vector_store %run_scoped3A[%swap3A_128, %swap3A_129], %mul3A_112 {strides = array<i32>} : memref<80x144xf32, #tpu.memory_space<vmem>>, vector<16xf32>,
        %swap3A_131 = arith.index_cast %scan3A_79 : i32 to index
        %swap3A_132 = arith.constant 80 : index
        %swap3A_133 = tpu.vector_load %run_scoped3A[%swap3A_131, %swap3A_132] {strides = array<i32>} : memref<80x144xf32, #tpu.memory_space<vmem>>, vector<16xf32>,
        tpu.vector_store %run_scoped3A[%swap3A_131, %swap3A_132], %mul3A_113 {strides = array<i32>} : memref<80x144xf32, #tpu.memory_space<vmem>>, vector<16xf32>,
        %swap3A_134 = arith.index_cast %scan3A_79 : i32 to index
        %swap3A_135 = arith.constant 96 : index
        %swap3A_136 = tpu.vector_load %run_scoped3A[%swap3A_134, %swap3A_135] {strides = array<i32>} : memref<80x144xf32, #tpu.memory_space<vmem>>, vector<16xf32>,
        tpu.vector_store %run_scoped3A[%swap3A_134, %swap3A_135], %mul3A_114 {strides = array<i32>} : memref<80x144xf32, #tpu.memory_space<vmem>>, vector<16xf32>,
        %swap3A_137 = arith.index_cast %scan3A_79 : i32 to index
        %swap3A_138 = arith.constant 112 : index
        %swap3A_139 = tpu.vector_load %run_scoped3A[%swap3A_137, %swap3A_138] {strides = array<i32>} : memref<80x144xf32, #tpu.memory_space<vmem>>, vector<16xf32>,
        tpu.vector_store %run_scoped3A[%swap3A_137, %swap3A_138], %mul3A_115 {strides = array<i32>} : memref<80x144xf32, #tpu.memory_space<vmem>>, vector<16xf32>,
        %swap3A_140 = arith.index_cast %scan3A_79 : i32 to index
        %swap3A_141 = arith.constant 128 : index
        %swap3A_142 = tpu.vector_load %run_scoped3A[%swap3A_140, %swap3A_141] {strides = array<i32>} : memref<80x144xf32, #tpu.memory_space<vmem>>, vector<16xf32>,
        tpu.vector_store %run_scoped3A[%swap3A_140, %swap3A_141], %mul3A_116 {strides = array<i32>} : memref<80x144xf32, #tpu.memory_space<vmem>>, vector<16xf32>,
        %scan3A_143 = arith.constant 1 : i32
        %scan3A_144 = arith.addi %scan3A_79, %scan3A_143 : i32
        %add3A_145 = arith.constant 9920 : i32
        %add3A_146 = arith.addi %add3A_145, %scan3A_144 : i32
        %broadcast_in_dim3A_147 = vector.broadcast %add3A_146 : i32 to vector<16xi32>
        %gather3A_148 = tpu.vector_load_idx %arg9[%broadcast_in_dim3A_147] : memref<10000xf32, #tpu.memory_space<vmem>>[vector<16xi32>], vector<16xf32>,
        %get3A_149 = arith.index_cast %scan3A_144 : i32 to index
        %get3A_150 = arith.constant 0 : index
        %get3A_151 = tpu.vector_load %run_scoped3A[%get3A_149, %get3A_150] {strides = array<i32>} : memref<80x144xf32, #tpu.memory_space<vmem>>, vector<16xf32>,
        %get3A_152 = arith.index_cast %scan3A_144 : i32 to index
        %get3A_153 = arith.constant 16 : index
        %get3A_154 = tpu.vector_load %run_scoped3A[%get3A_152, %get3A_153] {strides = array<i32>} : memref<80x144xf32, #tpu.memory_space<vmem>>, vector<16xf32>,
        %get3A_155 = arith.index_cast %scan3A_144 : i32 to index
        %get3A_156 = arith.constant 32 : index
        %get3A_157 = tpu.vector_load %run_scoped3A[%get3A_155, %get3A_156] {strides = array<i32>} : memref<80x144xf32, #tpu.memory_space<vmem>>, vector<16xf32>,
        %get3A_158 = arith.index_cast %scan3A_144 : i32 to index
        %get3A_159 = arith.constant 48 : index
        %get3A_160 = tpu.vector_load %run_scoped3A[%get3A_158, %get3A_159] {strides = array<i32>} : memref<80x144xf32, #tpu.memory_space<vmem>>, vector<16xf32>,
        %get3A_161 = arith.index_cast %scan3A_144 : i32 to index
        %get3A_162 = arith.constant 64 : index
        %get3A_163 = tpu.vector_load %run_scoped3A[%get3A_161, %get3A_162] {strides = array<i32>} : memref<80x144xf32, #tpu.memory_space<vmem>>, vector<16xf32>,
        %get3A_164 = arith.index_cast %scan3A_144 : i32 to index
        %get3A_165 = arith.constant 80 : index
        %get3A_166 = tpu.vector_load %run_scoped3A[%get3A_164, %get3A_165] {strides = array<i32>} : memref<80x144xf32, #tpu.memory_space<vmem>>, vector<16xf32>,
        %get3A_167 = arith.index_cast %scan3A_144 : i32 to index
        %get3A_168 = arith.constant 96 : index
        %get3A_169 = tpu.vector_load %run_scoped3A[%get3A_167, %get3A_168] {strides = array<i32>} : memref<80x144xf32, #tpu.memory_space<vmem>>, vector<16xf32>,
        %get3A_170 = arith.index_cast %scan3A_144 : i32 to index
        %get3A_171 = arith.constant 112 : index
        %get3A_172 = tpu.vector_load %run_scoped3A[%get3A_170, %get3A_171] {strides = array<i32>} : memref<80x144xf32, #tpu.memory_space<vmem>>, vector<16xf32>,
        %get3A_173 = arith.index_cast %scan3A_144 : i32 to index
        %get3A_174 = arith.constant 128 : index
        %get3A_175 = tpu.vector_load %run_scoped3A[%get3A_173, %get3A_174] {strides = array<i32>} : memref<80x144xf32, #tpu.memory_space<vmem>>, vector<16xf32>,
        %mul3A_176 = arith.mulf %get3A_151, %gather3A_148 : vector<16xf32>
        %mul3A_177 = arith.mulf %get3A_154, %gather3A_148 : vector<16xf32>
        %mul3A_178 = arith.mulf %get3A_157, %gather3A_148 : vector<16xf32>
        %mul3A_179 = arith.mulf %get3A_160, %gather3A_148 : vector<16xf32>
        %mul3A_180 = arith.mulf %get3A_163, %gather3A_148 : vector<16xf32>
        %mul3A_181 = arith.mulf %get3A_166, %gather3A_148 : vector<16xf32>
        %mul3A_182 = arith.mulf %get3A_169, %gather3A_148 : vector<16xf32>
        %mul3A_183 = arith.mulf %get3A_172, %gather3A_148 : vector<16xf32>
        %mul3A_184 = arith.mulf %get3A_175, %gather3A_148 : vector<16xf32>
        %swap3A_185 = arith.index_cast %scan3A_144 : i32 to index
        %swap3A_186 = arith.constant 0 : index
        %swap3A_187 = tpu.vector_load %run_scoped3A[%swap3A_185, %swap3A_186] {strides = array<i32>} : memref<80x144xf32, #tpu.memory_space<vmem>>, vector<16xf32>,
        tpu.vector_store %run_scoped3A[%swap3A_185, %swap3A_186], %mul3A_176 {strides = array<i32>} : memref<80x144xf32, #tpu.memory_space<vmem>>, vector<16xf32>,
        %swap3A_188 = arith.index_cast %scan3A_144 : i32 to index
        %swap3A_189 = arith.constant 16 : index
        %swap3A_190 = tpu.vector_load %run_scoped3A[%swap3A_188, %swap3A_189] {strides = array<i32>} : memref<80x144xf32, #tpu.memory_space<vmem>>, vector<16xf32>,
        tpu.vector_store %run_scoped3A[%swap3A_188, %swap3A_189], %mul3A_177 {strides = array<i32>} : memref<80x144xf32, #tpu.memory_space<vmem>>, vector<16xf32>,
        %swap3A_191 = arith.index_cast %scan3A_144 : i32 to index
        %swap3A_192 = arith.constant 32 : index
        %swap3A_193 = tpu.vector_load %run_scoped3A[%swap3A_191, %swap3A_192] {strides = array<i32>} : memref<80x144xf32, #tpu.memory_space<vmem>>, vector<16xf32>,
        tpu.vector_store %run_scoped3A[%swap3A_191, %swap3A_192], %mul3A_178 {strides = array<i32>} : memref<80x144xf32, #tpu.memory_space<vmem>>, vector<16xf32>,
        %swap3A_194 = arith.index_cast %scan3A_144 : i32 to index
        %swap3A_195 = arith.constant 48 : index
        %swap3A_196 = tpu.vector_load %run_scoped3A[%swap3A_194, %swap3A_195] {strides = array<i32>} : memref<80x144xf32, #tpu.memory_space<vmem>>, vector<16xf32>,
        tpu.vector_store %run_scoped3A[%swap3A_194, %swap3A_195], %mul3A_179 {strides = array<i32>} : memref<80x144xf32, #tpu.memory_space<vmem>>, vector<16xf32>,
        %swap3A_197 = arith.index_cast %scan3A_144 : i32 to index
        %swap3A_198 = arith.constant 64 : index
        %swap3A_199 = tpu.vector_load %run_scoped3A[%swap3A_197, %swap3A_198] {strides = array<i32>} : memref<80x144xf32, #tpu.memory_space<vmem>>, vector<16xf32>,
        tpu.vector_store %run_scoped3A[%swap3A_197, %swap3A_198], %mul3A_180 {strides = array<i32>} : memref<80x144xf32, #tpu.memory_space<vmem>>, vector<16xf32>,
        %swap3A_200 = arith.index_cast %scan3A_144 : i32 to index
        %swap3A_201 = arith.constant 80 : index
        %swap3A_202 = tpu.vector_load %run_scoped3A[%swap3A_200, %swap3A_201] {strides = array<i32>} : memref<80x144xf32, #tpu.memory_space<vmem>>, vector<16xf32>,
        tpu.vector_store %run_scoped3A[%swap3A_200, %swap3A_201], %mul3A_181 {strides = array<i32>} : memref<80x144xf32, #tpu.memory_space<vmem>>, vector<16xf32>,
        %swap3A_203 = arith.index_cast %scan3A_144 : i32 to index
        %swap3A_204 = arith.constant 96 : index
        %swap3A_205 = tpu.vector_load %run_scoped3A[%swap3A_203, %swap3A_204] {strides = array<i32>} : memref<80x144xf32, #tpu.memory_space<vmem>>, vector<16xf32>,
        tpu.vector_store %run_scoped3A[%swap3A_203, %swap3A_204], %mul3A_182 {strides = array<i32>} : memref<80x144xf32, #tpu.memory_space<vmem>>, vector<16xf32>,
        %swap3A_206 = arith.index_cast %scan3A_144 : i32 to index
        %swap3A_207 = arith.constant 112 : index
        %swap3A_208 = tpu.vector_load %run_scoped3A[%swap3A_206, %swap3A_207] {strides = array<i32>} : memref<80x144xf32, #tpu.memory_space<vmem>>, vector<16xf32>,
        tpu.vector_store %run_scoped3A[%swap3A_206, %swap3A_207], %mul3A_183 {strides = array<i32>} : memref<80x144xf32, #tpu.memory_space<vmem>>, vector<16xf32>,
        %swap3A_209 = arith.index_cast %scan3A_144 : i32 to index
        %swap3A_210 = arith.constant 128 : index
        %swap3A_211 = tpu.vector_load %run_scoped3A[%swap3A_209, %swap3A_210] {strides = array<i32>} : memref<80x144xf32, #tpu.memory_space<vmem>>, vector<16xf32>,
        tpu.vector_store %run_scoped3A[%swap3A_209, %swap3A_210], %mul3A_184 {strides = array<i32>} : memref<80x144xf32, #tpu.memory_space<vmem>>, vector<16xf32>,
        %scan3A_212 = arith.constant 2 : i32
        %scan3A_213 = arith.addi %scan3A_79, %scan3A_212 : i32
        %add3A_214 = arith.constant 9920 : i32
        %add3A_215 = arith.addi %add3A_214, %scan3A_213 : i32
        %broadcast_in_dim3A_216 = vector.broadcast %add3A_215 : i32 to vector<16xi32>
        %gather3A_217 = tpu.vector_load_idx %arg9[%broadcast_in_dim3A_216] : memref<10000xf32, #tpu.memory_space<vmem>>[vector<16xi32>], vector<16xf32>,
        %get3A_218 = arith.index_cast %scan3A_213 : i32 to index
        %get3A_219 = arith.constant 0 : index
        %get3A_220 = tpu.vector_load %run_scoped3A[%get3A_218, %get3A_219] {strides = array<i32>} : memref<80x144xf32, #tpu.memory_space<vmem>>, vector<16xf32>,
        %get3A_221 = arith.index_cast %scan3A_213 : i32 to index
        %get3A_222 = arith.constant 16 : index
        %get3A_223 = tpu.vector_load %run_scoped3A[%get3A_221, %get3A_222] {strides = array<i32>} : memref<80x144xf32, #tpu.memory_space<vmem>>, vector<16xf32>,
        %get3A_224 = arith.index_cast %scan3A_213 : i32 to index
        %get3A_225 = arith.constant 32 : index
        %get3A_226 = tpu.vector_load %run_scoped3A[%get3A_224, %get3A_225] {strides = array<i32>} : memref<80x144xf32, #tpu.memory_space<vmem>>, vector<16xf32>,
        %get3A_227 = arith.index_cast %scan3A_213 : i32 to index
        %get3A_228 = arith.constant 48 : index
        %get3A_229 = tpu.vector_load %run_scoped3A[%get3A_227, %get3A_228] {strides = array<i32>} : memref<80x144xf32, #tpu.memory_space<vmem>>, vector<16xf32>,
        %get3A_230 = arith.index_cast %scan3A_213 : i32 to index
        %get3A_231 = arith.constant 64 : index
        %get3A_232 = tpu.vector_load %run_scoped3A[%get3A_230, %get3A_231] {strides = array<i32>} : memref<80x144xf32, #tpu.memory_space<vmem>>, vector<16xf32>,
        %get3A_233 = arith.index_cast %scan3A_213 : i32 to index
        %get3A_234 = arith.constant 80 : index
        %get3A_235 = tpu.vector_load %run_scoped3A[%get3A_233, %get3A_234] {strides = array<i32>} : memref<80x144xf32, #tpu.memory_space<vmem>>, vector<16xf32>,
        %get3A_236 = arith.index_cast %scan3A_213 : i32 to index
        %get3A_237 = arith.constant 96 : index
        %get3A_238 = tpu.vector_load %run_scoped3A[%get3A_236, %get3A_237] {strides = array<i32>} : memref<80x144xf32, #tpu.memory_space<vmem>>, vector<16xf32>,
        %get3A_239 = arith.index_cast %scan3A_213 : i32 to index
        %get3A_240 = arith.constant 112 : index
        %get3A_241 = tpu.vector_load %run_scoped3A[%get3A_239, %get3A_240] {strides = array<i32>} : memref<80x144xf32, #tpu.memory_space<vmem>>, vector<16xf32>,
        %get3A_242 = arith.index_cast %scan3A_213 : i32 to index
        %get3A_243 = arith.constant 128 : index
        %get3A_244 = tpu.vector_load %run_scoped3A[%get3A_242, %get3A_243] {strides = array<i32>} : memref<80x144xf32, #tpu.memory_space<vmem>>, vector<16xf32>,
        %mul3A_245 = arith.mulf %get3A_220, %gather3A_217 : vector<16xf32>
        %mul3A_246 = arith.mulf %get3A_223, %gather3A_217 : vector<16xf32>
        %mul3A_247 = arith.mulf %get3A_226, %gather3A_217 : vector<16xf32>
        %mul3A_248 = arith.mulf %get3A_229, %gather3A_217 : vector<16xf32>
        %mul3A_249 = arith.mulf %get3A_232, %gather3A_217 : vector<16xf32>
        %mul3A_250 = arith.mulf %get3A_235, %gather3A_217 : vector<16xf32>
        %mul3A_251 = arith.mulf %get3A_238, %gather3A_217 : vector<16xf32>
        %mul3A_252 = arith.mulf %get3A_241, %gather3A_217 : vector<16xf32>
        %mul3A_253 = arith.mulf %get3A_244, %gather3A_217 : vector<16xf32>
        %swap3A_254 = arith.index_cast %scan3A_213 : i32 to index
        %swap3A_255 = arith.constant 0 : index
        %swap3A_256 = tpu.vector_load %run_scoped3A[%swap3A_254, %swap3A_255] {strides = array<i32>} : memref<80x144xf32, #tpu.memory_space<vmem>>, vector<16xf32>,
        tpu.vector_store %run_scoped3A[%swap3A_254, %swap3A_255], %mul3A_245 {strides = array<i32>} : memref<80x144xf32, #tpu.memory_space<vmem>>, vector<16xf32>,
        %swap3A_257 = arith.index_cast %scan3A_213 : i32 to index
        %swap3A_258 = arith.constant 16 : index
        %swap3A_259 = tpu.vector_load %run_scoped3A[%swap3A_257, %swap3A_258] {strides = array<i32>} : memref<80x144xf32, #tpu.memory_space<vmem>>, vector<16xf32>,
        tpu.vector_store %run_scoped3A[%swap3A_257, %swap3A_258], %mul3A_246 {strides = array<i32>} : memref<80x144xf32, #tpu.memory_space<vmem>>, vector<16xf32>,
        %swap3A_260 = arith.index_cast %scan3A_213 : i32 to index
        %swap3A_261 = arith.constant 32 : index
        %swap3A_262 = tpu.vector_load %run_scoped3A[%swap3A_260, %swap3A_261] {strides = array<i32>} : memref<80x144xf32, #tpu.memory_space<vmem>>, vector<16xf32>,
        tpu.vector_store %run_scoped3A[%swap3A_260, %swap3A_261], %mul3A_247 {strides = array<i32>} : memref<80x144xf32, #tpu.memory_space<vmem>>, vector<16xf32>,
        %swap3A_263 = arith.index_cast %scan3A_213 : i32 to index
        %swap3A_264 = arith.constant 48 : index
        %swap3A_265 = tpu.vector_load %run_scoped3A[%swap3A_263, %swap3A_264] {strides = array<i32>} : memref<80x144xf32, #tpu.memory_space<vmem>>, vector<16xf32>,
        tpu.vector_store %run_scoped3A[%swap3A_263, %swap3A_264], %mul3A_248 {strides = array<i32>} : memref<80x144xf32, #tpu.memory_space<vmem>>, vector<16xf32>,
        %swap3A_266 = arith.index_cast %scan3A_213 : i32 to index
        %swap3A_267 = arith.constant 64 : index
        %swap3A_268 = tpu.vector_load %run_scoped3A[%swap3A_266, %swap3A_267] {strides = array<i32>} : memref<80x144xf32, #tpu.memory_space<vmem>>, vector<16xf32>,
        tpu.vector_store %run_scoped3A[%swap3A_266, %swap3A_267], %mul3A_249 {strides = array<i32>} : memref<80x144xf32, #tpu.memory_space<vmem>>, vector<16xf32>,
        %swap3A_269 = arith.index_cast %scan3A_213 : i32 to index
        %swap3A_270 = arith.constant 80 : index
        %swap3A_271 = tpu.vector_load %run_scoped3A[%swap3A_269, %swap3A_270] {strides = array<i32>} : memref<80x144xf32, #tpu.memory_space<vmem>>, vector<16xf32>,
        tpu.vector_store %run_scoped3A[%swap3A_269, %swap3A_270], %mul3A_250 {strides = array<i32>} : memref<80x144xf32, #tpu.memory_space<vmem>>, vector<16xf32>,
        %swap3A_272 = arith.index_cast %scan3A_213 : i32 to index
        %swap3A_273 = arith.constant 96 : index
        %swap3A_274 = tpu.vector_load %run_scoped3A[%swap3A_272, %swap3A_273] {strides = array<i32>} : memref<80x144xf32, #tpu.memory_space<vmem>>, vector<16xf32>,
        tpu.vector_store %run_scoped3A[%swap3A_272, %swap3A_273], %mul3A_251 {strides = array<i32>} : memref<80x144xf32, #tpu.memory_space<vmem>>, vector<16xf32>,
        %swap3A_275 = arith.index_cast %scan3A_213 : i32 to index
        %swap3A_276 = arith.constant 112 : index
        %swap3A_277 = tpu.vector_load %run_scoped3A[%swap3A_275, %swap3A_276] {strides = array<i32>} : memref<80x144xf32, #tpu.memory_space<vmem>>, vector<16xf32>,
        tpu.vector_store %run_scoped3A[%swap3A_275, %swap3A_276], %mul3A_252 {strides = array<i32>} : memref<80x144xf32, #tpu.memory_space<vmem>>, vector<16xf32>,
        %swap3A_278 = arith.index_cast %scan3A_213 : i32 to index
        %swap3A_279 = arith.constant 128 : index
        %swap3A_280 = tpu.vector_load %run_scoped3A[%swap3A_278, %swap3A_279] {strides = array<i32>} : memref<80x144xf32, #tpu.memory_space<vmem>>, vector<16xf32>,
        tpu.vector_store %run_scoped3A[%swap3A_278, %swap3A_279], %mul3A_253 {strides = array<i32>} : memref<80x144xf32, #tpu.memory_space<vmem>>, vector<16xf32>,
        %scan3A_281 = arith.constant 3 : i32
        %scan3A_282 = arith.addi %scan3A_79, %scan3A_281 : i32
        %add3A_283 = arith.constant 9920 : i32
        %add3A_284 = arith.addi %add3A_283, %scan3A_282 : i32
        %broadcast_in_dim3A_285 = vector.broadcast %add3A_284 : i32 to vector<16xi32>
        %gather3A_286 = tpu.vector_load_idx %arg9[%broadcast_in_dim3A_285] : memref<10000xf32, #tpu.memory_space<vmem>>[vector<16xi32>], vector<16xf32>,
        %get3A_287 = arith.index_cast %scan3A_282 : i32 to index
        %get3A_288 = arith.constant 0 : index
        %get3A_289 = tpu.vector_load %run_scoped3A[%get3A_287, %get3A_288] {strides = array<i32>} : memref<80x144xf32, #tpu.memory_space<vmem>>, vector<16xf32>,
        %get3A_290 = arith.index_cast %scan3A_282 : i32 to index
        %get3A_291 = arith.constant 16 : index
        %get3A_292 = tpu.vector_load %run_scoped3A[%get3A_290, %get3A_291] {strides = array<i32>} : memref<80x144xf32, #tpu.memory_space<vmem>>, vector<16xf32>,
        %get3A_293 = arith.index_cast %scan3A_282 : i32 to index
        %get3A_294 = arith.constant 32 : index
        %get3A_295 = tpu.vector_load %run_scoped3A[%get3A_293, %get3A_294] {strides = array<i32>} : memref<80x144xf32, #tpu.memory_space<vmem>>, vector<16xf32>,
        %get3A_296 = arith.index_cast %scan3A_282 : i32 to index
        %get3A_297 = arith.constant 48 : index
        %get3A_298 = tpu.vector_load %run_scoped3A[%get3A_296, %get3A_297] {strides = array<i32>} : memref<80x144xf32, #tpu.memory_space<vmem>>, vector<16xf32>,
        %get3A_299 = arith.index_cast %scan3A_282 : i32 to index
        %get3A_300 = arith.constant 64 : index
        %get3A_301 = tpu.vector_load %run_scoped3A[%get3A_299, %get3A_300] {strides = array<i32>} : memref<80x144xf32, #tpu.memory_space<vmem>>, vector<16xf32>,
        %get3A_302 = arith.index_cast %scan3A_282 : i32 to index
        %get3A_303 = arith.constant 80 : index
        %get3A_304 = tpu.vector_load %run_scoped3A[%get3A_302, %get3A_303] {strides = array<i32>} : memref<80x144xf32, #tpu.memory_space<vmem>>, vector<16xf32>,
        %get3A_305 = arith.index_cast %scan3A_282 : i32 to index
        %get3A_306 = arith.constant 96 : index
        %get3A_307 = tpu.vector_load %run_scoped3A[%get3A_305, %get3A_306] {strides = array<i32>} : memref<80x144xf32, #tpu.memory_space<vmem>>, vector<16xf32>,
        %get3A_308 = arith.index_cast %scan3A_282 : i32 to index
        %get3A_309 = arith.constant 112 : index
        %get3A_310 = tpu.vector_load %run_scoped3A[%get3A_308, %get3A_309] {strides = array<i32>} : memref<80x144xf32, #tpu.memory_space<vmem>>, vector<16xf32>,
        %get3A_311 = arith.index_cast %scan3A_282 : i32 to index
        %get3A_312 = arith.constant 128 : index
        %get3A_313 = tpu.vector_load %run_scoped3A[%get3A_311, %get3A_312] {strides = array<i32>} : memref<80x144xf32, #tpu.memory_space<vmem>>, vector<16xf32>,
        %mul3A_314 = arith.mulf %get3A_289, %gather3A_286 : vector<16xf32>
        %mul3A_315 = arith.mulf %get3A_292, %gather3A_286 : vector<16xf32>
        %mul3A_316 = arith.mulf %get3A_295, %gather3A_286 : vector<16xf32>
        %mul3A_317 = arith.mulf %get3A_298, %gather3A_286 : vector<16xf32>
        %mul3A_318 = arith.mulf %get3A_301, %gather3A_286 : vector<16xf32>
        %mul3A_319 = arith.mulf %get3A_304, %gather3A_286 : vector<16xf32>
        %mul3A_320 = arith.mulf %get3A_307, %gather3A_286 : vector<16xf32>
        %mul3A_321 = arith.mulf %get3A_310, %gather3A_286 : vector<16xf32>
        %mul3A_322 = arith.mulf %get3A_313, %gather3A_286 : vector<16xf32>
        %swap3A_323 = arith.index_cast %scan3A_282 : i32 to index
        %swap3A_324 = arith.constant 0 : index
        %swap3A_325 = tpu.vector_load %run_scoped3A[%swap3A_323, %swap3A_324] {strides = array<i32>} : memref<80x144xf32, #tpu.memory_space<vmem>>, vector<16xf32>,
        tpu.vector_store %run_scoped3A[%swap3A_323, %swap3A_324], %mul3A_314 {strides = array<i32>} : memref<80x144xf32, #tpu.memory_space<vmem>>, vector<16xf32>,
        %swap3A_326 = arith.index_cast %scan3A_282 : i32 to index
        %swap3A_327 = arith.constant 16 : index
        %swap3A_328 = tpu.vector_load %run_scoped3A[%swap3A_326, %swap3A_327] {strides = array<i32>} : memref<80x144xf32, #tpu.memory_space<vmem>>, vector<16xf32>,
        tpu.vector_store %run_scoped3A[%swap3A_326, %swap3A_327], %mul3A_315 {strides = array<i32>} : memref<80x144xf32, #tpu.memory_space<vmem>>, vector<16xf32>,
        %swap3A_329 = arith.index_cast %scan3A_282 : i32 to index
        %swap3A_330 = arith.constant 32 : index
        %swap3A_331 = tpu.vector_load %run_scoped3A[%swap3A_329, %swap3A_330] {strides = array<i32>} : memref<80x144xf32, #tpu.memory_space<vmem>>, vector<16xf32>,
        tpu.vector_store %run_scoped3A[%swap3A_329, %swap3A_330], %mul3A_316 {strides = array<i32>} : memref<80x144xf32, #tpu.memory_space<vmem>>, vector<16xf32>,
        %swap3A_332 = arith.index_cast %scan3A_282 : i32 to index
        %swap3A_333 = arith.constant 48 : index
        %swap3A_334 = tpu.vector_load %run_scoped3A[%swap3A_332, %swap3A_333] {strides = array<i32>} : memref<80x144xf32, #tpu.memory_space<vmem>>, vector<16xf32>,
        tpu.vector_store %run_scoped3A[%swap3A_332, %swap3A_333], %mul3A_317 {strides = array<i32>} : memref<80x144xf32, #tpu.memory_space<vmem>>, vector<16xf32>,
        %swap3A_335 = arith.index_cast %scan3A_282 : i32 to index
        %swap3A_336 = arith.constant 64 : index
        %swap3A_337 = tpu.vector_load %run_scoped3A[%swap3A_335, %swap3A_336] {strides = array<i32>} : memref<80x144xf32, #tpu.memory_space<vmem>>, vector<16xf32>,
        tpu.vector_store %run_scoped3A[%swap3A_335, %swap3A_336], %mul3A_318 {strides = array<i32>} : memref<80x144xf32, #tpu.memory_space<vmem>>, vector<16xf32>,
        %swap3A_338 = arith.index_cast %scan3A_282 : i32 to index
        %swap3A_339 = arith.constant 80 : index
        %swap3A_340 = tpu.vector_load %run_scoped3A[%swap3A_338, %swap3A_339] {strides = array<i32>} : memref<80x144xf32, #tpu.memory_space<vmem>>, vector<16xf32>,
        tpu.vector_store %run_scoped3A[%swap3A_338, %swap3A_339], %mul3A_319 {strides = array<i32>} : memref<80x144xf32, #tpu.memory_space<vmem>>, vector<16xf32>,
        %swap3A_341 = arith.index_cast %scan3A_282 : i32 to index
        %swap3A_342 = arith.constant 96 : index
        %swap3A_343 = tpu.vector_load %run_scoped3A[%swap3A_341, %swap3A_342] {strides = array<i32>} : memref<80x144xf32, #tpu.memory_space<vmem>>, vector<16xf32>,
        tpu.vector_store %run_scoped3A[%swap3A_341, %swap3A_342], %mul3A_320 {strides = array<i32>} : memref<80x144xf32, #tpu.memory_space<vmem>>, vector<16xf32>,
        %swap3A_344 = arith.index_cast %scan3A_282 : i32 to index
        %swap3A_345 = arith.constant 112 : index
        %swap3A_346 = tpu.vector_load %run_scoped3A[%swap3A_344, %swap3A_345] {strides = array<i32>} : memref<80x144xf32, #tpu.memory_space<vmem>>, vector<16xf32>,
        tpu.vector_store %run_scoped3A[%swap3A_344, %swap3A_345], %mul3A_321 {strides = array<i32>} : memref<80x144xf32, #tpu.memory_space<vmem>>, vector<16xf32>,
        %swap3A_347 = arith.index_cast %scan3A_282 : i32 to index
        %swap3A_348 = arith.constant 128 : index
        %swap3A_349 = tpu.vector_load %run_scoped3A[%swap3A_347, %swap3A_348] {strides = array<i32>} : memref<80x144xf32, #tpu.memory_space<vmem>>, vector<16xf32>,
        tpu.vector_store %run_scoped3A[%swap3A_347, %swap3A_348], %mul3A_322 {strides = array<i32>} : memref<80x144xf32, #tpu.memory_space<vmem>>, vector<16xf32>,
      }
      %scan3A_64 = arith.constant 80 : i32
      %dma_start3A_65 = arith.constant 1 : i32
      %dma_start3A_66 = arith.constant 0 : i32
      %dma_start3A_67 = tpu.memref_slice %arg10[%dma_start3A_65, %dma_start3A_66] : memref<2x80xi32, #tpu.memory_space<vmem>> -> memref<1x80xi32, #tpu.memory_space<vmem>>
      %dma_start3A_68 = tpu.memref_squeeze %dma_start3A_67 : memref<1x80xi32, #tpu.memory_space<vmem>> -> memref<80xi32, #tpu.memory_space<vmem>>
      %dma_start3A_69 = arith.constant 0 : i32
      %dma_start3A_70 = arith.constant 0 : i32
      %dma_start3A_71 = tpu.memref_slice %arg8[%dma_start3A_69, %dma_start3A_70] : memref<10112x144xf32, #tpu.memory_space<vmem_shared>> -> memref<10112x144xf32, #tpu.memory_space<vmem_shared>>
      tpu.enqueue_indirect_dma source(%run_scoped3A : memref<80x144xf32, #tpu.memory_space<vmem>>) target(%dma_start3A_71 : memref<10112x144xf32, #tpu.memory_space<vmem_shared>>) offsets(%dma_start3A_68 : memref<80xi32, #tpu.memory_space<vmem>>) semaphore(%arg16 : memref<!tpu.dma_semaphore, #tpu.memory_space<semaphore_mem>>) {add = true}
      %dma_wait3A_72 = arith.constant 1 : i32
      %dma_wait3A_73 = arith.constant 0 : i32
      %dma_wait3A_74 = tpu.memref_slice %arg10[%dma_wait3A_72, %dma_wait3A_73] : memref<2x80xi32, #tpu.memory_space<vmem>> -> memref<1x80xi32, #tpu.memory_space<vmem>>
      %dma_wait3A_75 = tpu.memref_squeeze %dma_wait3A_74 : memref<1x80xi32, #tpu.memory_space<vmem>> -> memref<80xi32, #tpu.memory_space<vmem>>
      %dma_wait3A_76 = arith.constant 0 : i32
      %dma_wait3A_77 = arith.constant 0 : i32
      %dma_wait3A_78 = tpu.memref_slice %arg8[%dma_wait3A_76, %dma_wait3A_77] : memref<10112x144xf32, #tpu.memory_space<vmem_shared>> -> memref<10112x144xf32, #tpu.memory_space<vmem_shared>>
      tpu.wait_indirect_dma semaphore(%arg16 : memref<!tpu.dma_semaphore, #tpu.memory_space<semaphore_mem>>) src(%run_scoped3A : memref<80x144xf32, #tpu.memory_space<vmem>>) dst(%dma_wait3A_78 : memref<10112x144xf32, #tpu.memory_space<vmem_shared>>)
      tpu.yield
    }) : () -> ()
    %barrier3A_21 = arith.constant 0 : index
    tpu.barrier barrier_id(%barrier3A_21)
    "tpu.region"() ({
      %run_scoped3A = tpu.sem_alloc : memref<!tpu.dma_semaphore, #tpu.memory_space<semaphore_mem>>
      %dma_start3A = arith.constant 0 : i32
      %dma_start3A_22 = tpu.memref_slice %arg7[%arg0, %mul3A_0, %dma_start3A] : memref<2x10112x144xf32, #tpu.memory_space<hbm>> -> memref<1x632x144xf32, #tpu.memory_space<hbm>>
      %dma_start3A_23 = tpu.memref_squeeze %dma_start3A_22 : memref<1x632x144xf32, #tpu.memory_space<hbm>> -> memref<632x144xf32, #tpu.memory_space<hbm>>
      %dma_start3A_24 = arith.constant 0 : i32
      %dma_start3A_25 = tpu.memref_slice %arg8[%mul3A_0, %dma_start3A_24] : memref<10112x144xf32, #tpu.memory_space<vmem_shared>> -> memref<632x144xf32, #tpu.memory_space<vmem_shared>>
      tpu.enqueue_dma source(%dma_start3A_25 : memref<632x144xf32, #tpu.memory_space<vmem_shared>>) target(%dma_start3A_23 : memref<632x144xf32, #tpu.memory_space<hbm>>) target_semaphore(%run_scoped3A : memref<!tpu.dma_semaphore, #tpu.memory_space<semaphore_mem>>)
      %dma_wait3A = arith.constant 0 : i32
      %dma_wait3A_26 = tpu.memref_slice %arg7[%arg0, %mul3A_0, %dma_wait3A] : memref<2x10112x144xf32, #tpu.memory_space<hbm>> -> memref<1x632x144xf32, #tpu.memory_space<hbm>>
      %dma_wait3A_27 = tpu.memref_squeeze %dma_wait3A_26 : memref<1x632x144xf32, #tpu.memory_space<hbm>> -> memref<632x144xf32, #tpu.memory_space<hbm>>
      %dma_wait3A_28 = arith.constant 0 : i32
      %dma_wait3A_29 = tpu.memref_slice %arg8[%mul3A_0, %dma_wait3A_28] : memref<10112x144xf32, #tpu.memory_space<vmem_shared>> -> memref<632x144xf32, #tpu.memory_space<vmem_shared>>
      tpu.wait_dma2 semaphore(%run_scoped3A : memref<!tpu.dma_semaphore, #tpu.memory_space<semaphore_mem>>) src(%dma_wait3A_29 : memref<632x144xf32, #tpu.memory_space<vmem_shared>>) dst(%dma_wait3A_27 : memref<632x144xf32, #tpu.memory_space<hbm>>)
      tpu.yield
    }) : () -> ()
    return
  }
}

module attributes {stable_mosaic.version = 14 : i64} {
  func.func @body(%arg0: i32, %arg1: memref<512x128xf32, #tpu.memory_space<vmem>>, %arg2: memref<128x64xf32, #tpu.memory_space<vmem>>, %arg3: memref<64xf32, #tpu.memory_space<vmem>>, %arg4: memref<64xf32, #tpu.memory_space<vmem>>, %arg5: memref<512x80xf32, #tpu.memory_space<vmem>>, %arg6: memref<512x1xf32, #tpu.memory_space<vmem>>, %arg7: memref<512x1xf32, #tpu.memory_space<vmem>>) attributes {dimension_semantics = [#tpu.dimension_semantics<arbitrary>], iteration_bounds = array<i64: 20>, scalar_prefetch = 0 : i64, scratch_operands = 0 : i64, tpu.core_type = #tpu.core_type<tc>, window_params = [{transform_indices = @transform_0, window_bounds = array<i64: 512, 128>}, {pipeline_mode = #tpu.pipeline_mode<synchronous>, transform_indices = @transform_1, window_bounds = array<i64: 128, 64>}, {pipeline_mode = #tpu.pipeline_mode<synchronous>, transform_indices = @transform_2, window_bounds = array<i64: 64>}, {pipeline_mode = #tpu.pipeline_mode<synchronous>, transform_indices = @transform_3, window_bounds = array<i64: 64>}, {transform_indices = @transform_4, window_bounds = array<i64: 512, 80>}, {transform_indices = @transform_5, window_bounds = array<i64: 512, 1>}, {transform_indices = @transform_6, window_bounds = array<i64: 512, 1>}]} {
    %get3A = arith.constant 0 : index
    %get3A_0 = arith.constant 0 : index
    %get3A_1 = vector.load %arg1[%get3A, %get3A_0] : memref<512x128xf32, #tpu.memory_space<vmem>>, vector<512x128xf32>
    %get3A_2 = arith.constant 0 : index
    %get3A_3 = arith.constant 0 : index
    %get3A_4 = vector.load %arg2[%get3A_2, %get3A_3] : memref<128x64xf32, #tpu.memory_space<vmem>>, vector<128x64xf32>
    %dot_general3A = arith.constant dense<0.000000e+00> : vector<512x64xf32>
    %dot_general3A_5 = tpu.matmul %get3A_1, %get3A_4, %dot_general3A {dimension_numbers = #tpu.dot_dimension_numbers<[1], [0], [0], [1], [0, 0, 1, 1], [], []>, transpose_lhs_hint = false} : vector<512x128xf32>, vector<128x64xf32>, vector<512x64xf32> -> vector<512x64xf32>
    %broadcast_in_dim3A = arith.constant 1.000000e+00 : f32
    %broadcast_in_dim3A_6 = vector.broadcast %broadcast_in_dim3A : f32 to vector<512x16xf32>
    %concatenate3A = tpu.concatenate %dot_general3A_5, %broadcast_in_dim3A_6 in 1 : vector<512x64xf32>, vector<512x16xf32> -> vector<512x80xf32>
    %swap3A = arith.constant 0 : index
    %swap3A_7 = arith.constant 0 : index
    %swap3A_8 = vector.load %arg5[%swap3A, %swap3A_7] : memref<512x80xf32, #tpu.memory_space<vmem>>, vector<512x80xf32>
    tpu.vector_store %arg5[%swap3A, %swap3A_7], %concatenate3A {strides = array<i32>} : memref<512x80xf32, #tpu.memory_space<vmem>>, vector<512x80xf32>,
    %get3A_9 = arith.constant 0 : index
    %get3A_10 = vector.load %arg3[%get3A_9] : memref<64xf32, #tpu.memory_space<vmem>>, vector<64xf32>
    %broadcast_in_dim3A_11 = vector.shape_cast %get3A_10 : vector<64xf32> to vector<1x64xf32>
    %mul3A = vector.broadcast %broadcast_in_dim3A_11 : vector<1x64xf32> to vector<512x64xf32>
    %mul3A_12 = arith.mulf %dot_general3A_5, %mul3A : vector<512x64xf32>
    %reduce_sum3A = arith.constant dense<0.000000e+00> : vector<512xf32>
    %reduce_sum3A_13 = vector.multi_reduction <add>, %mul3A_12, %reduce_sum3A [1] : vector<512x64xf32> to vector<512xf32>
    %broadcast_in_dim3A_14 = vector.shape_cast %reduce_sum3A_13 : vector<512xf32> to vector<512x1xf32>
    %swap3A_15 = arith.constant 0 : index
    %swap3A_16 = arith.constant 0 : index
    %swap3A_17 = vector.load %arg6[%swap3A_15, %swap3A_16] : memref<512x1xf32, #tpu.memory_space<vmem>>, vector<512x1xf32>
    tpu.vector_store %arg6[%swap3A_15, %swap3A_16], %broadcast_in_dim3A_14 {strides = array<i32>} : memref<512x1xf32, #tpu.memory_space<vmem>>, vector<512x1xf32>,
    %get3A_18 = arith.constant 0 : index
    %get3A_19 = vector.load %arg4[%get3A_18] : memref<64xf32, #tpu.memory_space<vmem>>, vector<64xf32>
    %broadcast_in_dim3A_20 = vector.shape_cast %get3A_19 : vector<64xf32> to vector<1x64xf32>
    %mul3A_21 = vector.broadcast %broadcast_in_dim3A_20 : vector<1x64xf32> to vector<512x64xf32>
    %mul3A_22 = arith.mulf %dot_general3A_5, %mul3A_21 : vector<512x64xf32>
    %reduce_sum3A_23 = arith.constant dense<0.000000e+00> : vector<512xf32>
    %reduce_sum3A_24 = vector.multi_reduction <add>, %mul3A_22, %reduce_sum3A_23 [1] : vector<512x64xf32> to vector<512xf32>
    %broadcast_in_dim3A_25 = vector.shape_cast %reduce_sum3A_24 : vector<512xf32> to vector<512x1xf32>
    %swap3A_26 = arith.constant 0 : index
    %swap3A_27 = arith.constant 0 : index
    %swap3A_28 = vector.load %arg7[%swap3A_26, %swap3A_27] : memref<512x1xf32, #tpu.memory_space<vmem>>, vector<512x1xf32>
    tpu.vector_store %arg7[%swap3A_26, %swap3A_27], %broadcast_in_dim3A_25 {strides = array<i32>} : memref<512x1xf32, #tpu.memory_space<vmem>>, vector<512x1xf32>,
    return
  }
  func.func @transform_0(%arg0: i32) -> (i32, i32) {
    %c0_i32 = arith.constant 0 : i32
    %c0_i32_0 = arith.constant 0 : i32
    return %arg0, %c0_i32 : i32, i32
  }
  func.func @transform_1(%arg0: i32) -> (i32, i32) {
    %c0_i32 = arith.constant 0 : i32
    %c0_i32_0 = arith.constant 0 : i32
    %c0_i32_1 = arith.constant 0 : i32
    return %c0_i32, %c0_i32_0 : i32, i32
  }
  func.func @transform_2(%arg0: i32) -> i32 {
    %c0_i32 = arith.constant 0 : i32
    %c0_i32_0 = arith.constant 0 : i32
    return %c0_i32 : i32
  }
  func.func @transform_3(%arg0: i32) -> i32 {
    %c0_i32 = arith.constant 0 : i32
    %c0_i32_0 = arith.constant 0 : i32
    return %c0_i32 : i32
  }
  func.func @transform_4(%arg0: i32) -> (i32, i32) {
    %c0_i32 = arith.constant 0 : i32
    %c0_i32_0 = arith.constant 0 : i32
    return %arg0, %c0_i32 : i32, i32
  }
  func.func @transform_5(%arg0: i32) -> (i32, i32) {
    %c0_i32 = arith.constant 0 : i32
    %c0_i32_0 = arith.constant 0 : i32
    return %arg0, %c0_i32 : i32, i32
  }
  func.func @transform_6(%arg0: i32) -> (i32, i32) {
    %c0_i32 = arith.constant 0 : i32
    %c0_i32_0 = arith.constant 0 : i32
    return %arg0, %c0_i32 : i32, i32
  }
}

module attributes {stable_mosaic.version = 14 : i64} {
  func.func @body(%arg0: i32, %arg1: memref<512x80xf32, #tpu.memory_space<vmem>>, %arg2: memref<512x80xf32, #tpu.memory_space<vmem>>, %arg3: memref<512x80xf32, #tpu.memory_space<vmem>>, %arg4: memref<512x1xf32, #tpu.memory_space<vmem>>, %arg5: memref<512x1xf32, #tpu.memory_space<vmem>>, %arg6: memref<64xf32, #tpu.memory_space<vmem>>, %arg7: memref<64x128xf32, #tpu.memory_space<vmem>>, %arg8: memref<128xf32, #tpu.memory_space<vmem>>, %arg9: memref<128xf32, #tpu.memory_space<vmem>>, %arg10: memref<512x144xf32, #tpu.memory_space<vmem>>, %arg11: memref<512x1xf32, #tpu.memory_space<vmem>>, %arg12: memref<512x1xf32, #tpu.memory_space<vmem>>) attributes {dimension_semantics = [#tpu.dimension_semantics<arbitrary>], iteration_bounds = array<i64: 20>, scalar_prefetch = 0 : i64, scratch_operands = 0 : i64, tpu.core_type = #tpu.core_type<tc>, window_params = [{transform_indices = @transform_0, window_bounds = array<i64: 512, 80>}, {transform_indices = @transform_1, window_bounds = array<i64: 512, 80>}, {transform_indices = @transform_2, window_bounds = array<i64: 512, 80>}, {transform_indices = @transform_3, window_bounds = array<i64: 512, 1>}, {transform_indices = @transform_4, window_bounds = array<i64: 512, 1>}, {pipeline_mode = #tpu.pipeline_mode<synchronous>, transform_indices = @transform_5, window_bounds = array<i64: 64>}, {pipeline_mode = #tpu.pipeline_mode<synchronous>, transform_indices = @transform_6, window_bounds = array<i64: 64, 128>}, {pipeline_mode = #tpu.pipeline_mode<synchronous>, transform_indices = @transform_7, window_bounds = array<i64: 128>}, {pipeline_mode = #tpu.pipeline_mode<synchronous>, transform_indices = @transform_8, window_bounds = array<i64: 128>}, {transform_indices = @transform_9, window_bounds = array<i64: 512, 144>}, {transform_indices = @transform_10, window_bounds = array<i64: 512, 1>}, {transform_indices = @transform_11, window_bounds = array<i64: 512, 1>}]} {
    %get3A = arith.constant 0 : index
    %get3A_0 = arith.constant 0 : index
    %get3A_1 = vector.load %arg1[%get3A, %get3A_0] : memref<512x80xf32, #tpu.memory_space<vmem>>, vector<512x80xf32>
    %get3A_2 = arith.constant 0 : index
    %get3A_3 = arith.constant 0 : index
    %get3A_4 = vector.load %arg2[%get3A_2, %get3A_3] : memref<512x80xf32, #tpu.memory_space<vmem>>, vector<512x80xf32>
    %get3A_5 = arith.constant 0 : index
    %get3A_6 = arith.constant 0 : index
    %get3A_7 = vector.load %arg3[%get3A_5, %get3A_6] : memref<512x80xf32, #tpu.memory_space<vmem>>, vector<512x80xf32>
    %get3A_8 = arith.constant 0 : index
    %get3A_9 = arith.constant 0 : index
    %get3A_10 = vector.load %arg4[%get3A_8, %get3A_9] : memref<512x1xf32, #tpu.memory_space<vmem>>, vector<512x1xf32>
    %get3A_11 = arith.constant 0 : index
    %get3A_12 = arith.constant 0 : index
    %get3A_13 = vector.load %arg5[%get3A_11, %get3A_12] : memref<512x1xf32, #tpu.memory_space<vmem>>, vector<512x1xf32>
    %add3A = arith.addf %get3A_1, %get3A_4 : vector<512x80xf32>
    %add3A_14 = arith.addf %get3A_10, %get3A_13 : vector<512x1xf32>
    %ge3A = arith.constant 0.000000e+00 : f32
    %ge3A_15 = vector.broadcast %ge3A : f32 to vector<512x1xf32>
    %ge3A_16 = arith.cmpf oge, %add3A_14, %ge3A_15 : vector<512x1xf32>
    %mul3A = arith.constant 2.000000e-01 : f32
    %mul3A_17 = vector.broadcast %mul3A : f32 to vector<512x1xf32>
    %mul3A_18 = arith.mulf %mul3A_17, %add3A_14 : vector<512x1xf32>
    %select_n3A = arith.select %ge3A_16, %add3A_14, %mul3A_18 : vector<512x1xi1>, vector<512x1xf32>
    %exp3A = math.exp %select_n3A : vector<512x1xf32>
    %slice3A = vector.extract_strided_slice %add3A {offsets = [0, 0], sizes = [512, 64], strides = [1, 1]} : vector<512x80xf32> to vector<512x64xf32>
    %slice3A_19 = vector.extract_strided_slice %get3A_7 {offsets = [0, 0], sizes = [512, 64], strides = [1, 1]} : vector<512x80xf32> to vector<512x64xf32>
    %mul3A_20 = vector.broadcast %exp3A : vector<512x1xf32> to vector<512x64xf32>
    %mul3A_21 = arith.mulf %mul3A_20, %slice3A_19 : vector<512x64xf32>
    %add3A_22 = arith.addf %slice3A, %mul3A_21 : vector<512x64xf32>
    %slice3A_23 = vector.extract_strided_slice %add3A {offsets = [0, 64], sizes = [512, 1], strides = [1, 1]} : vector<512x80xf32> to vector<512x1xf32>
    %add3A_24 = arith.addf %slice3A_23, %exp3A : vector<512x1xf32>
    %add3A_25 = arith.constant 1.000000e-16 : f32
    %add3A_26 = vector.broadcast %add3A_25 : f32 to vector<512x1xf32>
    %add3A_27 = arith.addf %add3A_24, %add3A_26 : vector<512x1xf32>
    %div3A = vector.broadcast %add3A_27 : vector<512x1xf32> to vector<512x64xf32>
    %div3A_28 = arith.divf %add3A_22, %div3A : vector<512x64xf32>
    %get3A_29 = arith.constant 0 : index
    %get3A_30 = vector.load %arg6[%get3A_29] : memref<64xf32, #tpu.memory_space<vmem>>, vector<64xf32>
    %broadcast_in_dim3A = vector.shape_cast %get3A_30 : vector<64xf32> to vector<1x64xf32>
    %add3A_31 = vector.broadcast %broadcast_in_dim3A : vector<1x64xf32> to vector<512x64xf32>
    %add3A_32 = arith.addf %div3A_28, %add3A_31 : vector<512x64xf32>
    %max3A = arith.constant 0.000000e+00 : f32
    %max3A_33 = vector.broadcast %max3A : f32 to vector<512x64xf32>
    %max3A_34 = arith.maximumf %add3A_32, %max3A_33 : vector<512x64xf32>
    %get3A_35 = arith.constant 0 : index
    %get3A_36 = arith.constant 0 : index
    %get3A_37 = vector.load %arg7[%get3A_35, %get3A_36] : memref<64x128xf32, #tpu.memory_space<vmem>>, vector<64x128xf32>
    %dot_general3A = arith.constant dense<0.000000e+00> : vector<512x128xf32>
    %dot_general3A_38 = tpu.matmul %max3A_34, %get3A_37, %dot_general3A {dimension_numbers = #tpu.dot_dimension_numbers<[1], [0], [0], [1], [0, 0, 1, 1], [], []>, transpose_lhs_hint = false} : vector<512x64xf32>, vector<64x128xf32>, vector<512x128xf32> -> vector<512x128xf32>
    %broadcast_in_dim3A_39 = arith.constant 1.000000e+00 : f32
    %broadcast_in_dim3A_40 = vector.broadcast %broadcast_in_dim3A_39 : f32 to vector<512x16xf32>
    %concatenate3A = tpu.concatenate %dot_general3A_38, %broadcast_in_dim3A_40 in 1 : vector<512x128xf32>, vector<512x16xf32> -> vector<512x144xf32>
    %swap3A = arith.constant 0 : index
    %swap3A_41 = arith.constant 0 : index
    %swap3A_42 = vector.load %arg10[%swap3A, %swap3A_41] : memref<512x144xf32, #tpu.memory_space<vmem>>, vector<512x144xf32>
    tpu.vector_store %arg10[%swap3A, %swap3A_41], %concatenate3A {strides = array<i32>} : memref<512x144xf32, #tpu.memory_space<vmem>>, vector<512x144xf32>,
    %get3A_43 = arith.constant 0 : index
    %get3A_44 = vector.load %arg8[%get3A_43] : memref<128xf32, #tpu.memory_space<vmem>>, vector<128xf32>
    %broadcast_in_dim3A_45 = vector.shape_cast %get3A_44 : vector<128xf32> to vector<1x128xf32>
    %mul3A_46 = vector.broadcast %broadcast_in_dim3A_45 : vector<1x128xf32> to vector<512x128xf32>
    %mul3A_47 = arith.mulf %dot_general3A_38, %mul3A_46 : vector<512x128xf32>
    %reduce_sum3A = arith.constant dense<0.000000e+00> : vector<512xf32>
    %reduce_sum3A_48 = vector.multi_reduction <add>, %mul3A_47, %reduce_sum3A [1] : vector<512x128xf32> to vector<512xf32>
    %broadcast_in_dim3A_49 = vector.shape_cast %reduce_sum3A_48 : vector<512xf32> to vector<512x1xf32>
    %swap3A_50 = arith.constant 0 : index
    %swap3A_51 = arith.constant 0 : index
    %swap3A_52 = vector.load %arg11[%swap3A_50, %swap3A_51] : memref<512x1xf32, #tpu.memory_space<vmem>>, vector<512x1xf32>
    tpu.vector_store %arg11[%swap3A_50, %swap3A_51], %broadcast_in_dim3A_49 {strides = array<i32>} : memref<512x1xf32, #tpu.memory_space<vmem>>, vector<512x1xf32>,
    %get3A_53 = arith.constant 0 : index
    %get3A_54 = vector.load %arg9[%get3A_53] : memref<128xf32, #tpu.memory_space<vmem>>, vector<128xf32>
    %broadcast_in_dim3A_55 = vector.shape_cast %get3A_54 : vector<128xf32> to vector<1x128xf32>
    %mul3A_56 = vector.broadcast %broadcast_in_dim3A_55 : vector<1x128xf32> to vector<512x128xf32>
    %mul3A_57 = arith.mulf %dot_general3A_38, %mul3A_56 : vector<512x128xf32>
    %reduce_sum3A_58 = arith.constant dense<0.000000e+00> : vector<512xf32>
    %reduce_sum3A_59 = vector.multi_reduction <add>, %mul3A_57, %reduce_sum3A_58 [1] : vector<512x128xf32> to vector<512xf32>
    %broadcast_in_dim3A_60 = vector.shape_cast %reduce_sum3A_59 : vector<512xf32> to vector<512x1xf32>
    %swap3A_61 = arith.constant 0 : index
    %swap3A_62 = arith.constant 0 : index
    %swap3A_63 = vector.load %arg12[%swap3A_61, %swap3A_62] : memref<512x1xf32, #tpu.memory_space<vmem>>, vector<512x1xf32>
    tpu.vector_store %arg12[%swap3A_61, %swap3A_62], %broadcast_in_dim3A_60 {strides = array<i32>} : memref<512x1xf32, #tpu.memory_space<vmem>>, vector<512x1xf32>,
    return
  }
  func.func @transform_0(%arg0: i32) -> (i32, i32) {
    %c0_i32 = arith.constant 0 : i32
    %c0_i32_0 = arith.constant 0 : i32
    return %arg0, %c0_i32 : i32, i32
  }
  func.func @transform_1(%arg0: i32) -> (i32, i32) {
    %c0_i32 = arith.constant 0 : i32
    %c0_i32_0 = arith.constant 0 : i32
    return %arg0, %c0_i32 : i32, i32
  }
  func.func @transform_2(%arg0: i32) -> (i32, i32) {
    %c0_i32 = arith.constant 0 : i32
    %c0_i32_0 = arith.constant 0 : i32
    return %arg0, %c0_i32 : i32, i32
  }
  func.func @transform_3(%arg0: i32) -> (i32, i32) {
    %c0_i32 = arith.constant 0 : i32
    %c0_i32_0 = arith.constant 0 : i32
    return %arg0, %c0_i32 : i32, i32
  }
  func.func @transform_4(%arg0: i32) -> (i32, i32) {
    %c0_i32 = arith.constant 0 : i32
    %c0_i32_0 = arith.constant 0 : i32
    return %arg0, %c0_i32 : i32, i32
  }
  func.func @transform_5(%arg0: i32) -> i32 {
    %c0_i32 = arith.constant 0 : i32
    %c0_i32_0 = arith.constant 0 : i32
    return %c0_i32 : i32
  }
  func.func @transform_6(%arg0: i32) -> (i32, i32) {
    %c0_i32 = arith.constant 0 : i32
    %c0_i32_0 = arith.constant 0 : i32
    %c0_i32_1 = arith.constant 0 : i32
    return %c0_i32, %c0_i32_0 : i32, i32
  }
  func.func @transform_7(%arg0: i32) -> i32 {
    %c0_i32 = arith.constant 0 : i32
    %c0_i32_0 = arith.constant 0 : i32
    return %c0_i32 : i32
  }
  func.func @transform_8(%arg0: i32) -> i32 {
    %c0_i32 = arith.constant 0 : i32
    %c0_i32_0 = arith.constant 0 : i32
    return %c0_i32 : i32
  }
  func.func @transform_9(%arg0: i32) -> (i32, i32) {
    %c0_i32 = arith.constant 0 : i32
    %c0_i32_0 = arith.constant 0 : i32
    return %arg0, %c0_i32 : i32, i32
  }
  func.func @transform_10(%arg0: i32) -> (i32, i32) {
    %c0_i32 = arith.constant 0 : i32
    %c0_i32_0 = arith.constant 0 : i32
    return %arg0, %c0_i32 : i32, i32
  }
  func.func @transform_11(%arg0: i32) -> (i32, i32) {
    %c0_i32 = arith.constant 0 : i32
    %c0_i32_0 = arith.constant 0 : i32
    return %arg0, %c0_i32 : i32, i32
  }
}

module attributes {stable_mosaic.version = 14 : i64} {
  func.func @body(%arg0: i32, %arg1: memref<512x144xf32, #tpu.memory_space<vmem>>, %arg2: memref<512x144xf32, #tpu.memory_space<vmem>>, %arg3: memref<512x144xf32, #tpu.memory_space<vmem>>, %arg4: memref<512x1xf32, #tpu.memory_space<vmem>>, %arg5: memref<512x1xf32, #tpu.memory_space<vmem>>, %arg6: memref<128xf32, #tpu.memory_space<vmem>>, %arg7: memref<512x128xf32, #tpu.memory_space<vmem>>) attributes {dimension_semantics = [#tpu.dimension_semantics<arbitrary>], iteration_bounds = array<i64: 20>, scalar_prefetch = 0 : i64, scratch_operands = 0 : i64, tpu.core_type = #tpu.core_type<tc>, window_params = [{transform_indices = @transform_0, window_bounds = array<i64: 512, 144>}, {transform_indices = @transform_1, window_bounds = array<i64: 512, 144>}, {transform_indices = @transform_2, window_bounds = array<i64: 512, 144>}, {transform_indices = @transform_3, window_bounds = array<i64: 512, 1>}, {transform_indices = @transform_4, window_bounds = array<i64: 512, 1>}, {pipeline_mode = #tpu.pipeline_mode<synchronous>, transform_indices = @transform_5, window_bounds = array<i64: 128>}, {transform_indices = @transform_6, window_bounds = array<i64: 512, 128>}]} {
    %get3A = arith.constant 0 : index
    %get3A_0 = arith.constant 0 : index
    %get3A_1 = vector.load %arg1[%get3A, %get3A_0] : memref<512x144xf32, #tpu.memory_space<vmem>>, vector<512x144xf32>
    %get3A_2 = arith.constant 0 : index
    %get3A_3 = arith.constant 0 : index
    %get3A_4 = vector.load %arg2[%get3A_2, %get3A_3] : memref<512x144xf32, #tpu.memory_space<vmem>>, vector<512x144xf32>
    %get3A_5 = arith.constant 0 : index
    %get3A_6 = arith.constant 0 : index
    %get3A_7 = vector.load %arg3[%get3A_5, %get3A_6] : memref<512x144xf32, #tpu.memory_space<vmem>>, vector<512x144xf32>
    %get3A_8 = arith.constant 0 : index
    %get3A_9 = arith.constant 0 : index
    %get3A_10 = vector.load %arg4[%get3A_8, %get3A_9] : memref<512x1xf32, #tpu.memory_space<vmem>>, vector<512x1xf32>
    %get3A_11 = arith.constant 0 : index
    %get3A_12 = arith.constant 0 : index
    %get3A_13 = vector.load %arg5[%get3A_11, %get3A_12] : memref<512x1xf32, #tpu.memory_space<vmem>>, vector<512x1xf32>
    %add3A = arith.addf %get3A_1, %get3A_4 : vector<512x144xf32>
    %add3A_14 = arith.addf %get3A_10, %get3A_13 : vector<512x1xf32>
    %ge3A = arith.constant 0.000000e+00 : f32
    %ge3A_15 = vector.broadcast %ge3A : f32 to vector<512x1xf32>
    %ge3A_16 = arith.cmpf oge, %add3A_14, %ge3A_15 : vector<512x1xf32>
    %mul3A = arith.constant 2.000000e-01 : f32
    %mul3A_17 = vector.broadcast %mul3A : f32 to vector<512x1xf32>
    %mul3A_18 = arith.mulf %mul3A_17, %add3A_14 : vector<512x1xf32>
    %select_n3A = arith.select %ge3A_16, %add3A_14, %mul3A_18 : vector<512x1xi1>, vector<512x1xf32>
    %exp3A = math.exp %select_n3A : vector<512x1xf32>
    %slice3A = vector.extract_strided_slice %add3A {offsets = [0, 0], sizes = [512, 128], strides = [1, 1]} : vector<512x144xf32> to vector<512x128xf32>
    %slice3A_19 = vector.extract_strided_slice %get3A_7 {offsets = [0, 0], sizes = [512, 128], strides = [1, 1]} : vector<512x144xf32> to vector<512x128xf32>
    %mul3A_20 = vector.broadcast %exp3A : vector<512x1xf32> to vector<512x128xf32>
    %mul3A_21 = arith.mulf %mul3A_20, %slice3A_19 : vector<512x128xf32>
    %add3A_22 = arith.addf %slice3A, %mul3A_21 : vector<512x128xf32>
    %slice3A_23 = vector.extract_strided_slice %add3A {offsets = [0, 128], sizes = [512, 1], strides = [1, 1]} : vector<512x144xf32> to vector<512x1xf32>
    %add3A_24 = arith.addf %slice3A_23, %exp3A : vector<512x1xf32>
    %add3A_25 = arith.constant 1.000000e-16 : f32
    %add3A_26 = vector.broadcast %add3A_25 : f32 to vector<512x1xf32>
    %add3A_27 = arith.addf %add3A_24, %add3A_26 : vector<512x1xf32>
    %div3A = vector.broadcast %add3A_27 : vector<512x1xf32> to vector<512x128xf32>
    %div3A_28 = arith.divf %add3A_22, %div3A : vector<512x128xf32>
    %get3A_29 = arith.constant 0 : index
    %get3A_30 = vector.load %arg6[%get3A_29] : memref<128xf32, #tpu.memory_space<vmem>>, vector<128xf32>
    %broadcast_in_dim3A = vector.shape_cast %get3A_30 : vector<128xf32> to vector<1x128xf32>
    %add3A_31 = vector.broadcast %broadcast_in_dim3A : vector<1x128xf32> to vector<512x128xf32>
    %add3A_32 = arith.addf %div3A_28, %add3A_31 : vector<512x128xf32>
    %swap3A = arith.constant 0 : index
    %swap3A_33 = arith.constant 0 : index
    %swap3A_34 = vector.load %arg7[%swap3A, %swap3A_33] : memref<512x128xf32, #tpu.memory_space<vmem>>, vector<512x128xf32>
    tpu.vector_store %arg7[%swap3A, %swap3A_33], %add3A_32 {strides = array<i32>} : memref<512x128xf32, #tpu.memory_space<vmem>>, vector<512x128xf32>,
    return
  }
  func.func @transform_0(%arg0: i32) -> (i32, i32) {
    %c0_i32 = arith.constant 0 : i32
    %c0_i32_0 = arith.constant 0 : i32
    return %arg0, %c0_i32 : i32, i32
  }
  func.func @transform_1(%arg0: i32) -> (i32, i32) {
    %c0_i32 = arith.constant 0 : i32
    %c0_i32_0 = arith.constant 0 : i32
    return %arg0, %c0_i32 : i32, i32
  }
  func.func @transform_2(%arg0: i32) -> (i32, i32) {
    %c0_i32 = arith.constant 0 : i32
    %c0_i32_0 = arith.constant 0 : i32
    return %arg0, %c0_i32 : i32, i32
  }
  func.func @transform_3(%arg0: i32) -> (i32, i32) {
    %c0_i32 = arith.constant 0 : i32
    %c0_i32_0 = arith.constant 0 : i32
    return %arg0, %c0_i32 : i32, i32
  }
  func.func @transform_4(%arg0: i32) -> (i32, i32) {
    %c0_i32 = arith.constant 0 : i32
    %c0_i32_0 = arith.constant 0 : i32
    return %arg0, %c0_i32 : i32, i32
  }
  func.func @transform_5(%arg0: i32) -> i32 {
    %c0_i32 = arith.constant 0 : i32
    %c0_i32_0 = arith.constant 0 : i32
    return %c0_i32 : i32
  }
  func.func @transform_6(%arg0: i32) -> (i32, i32) {
    %c0_i32 = arith.constant 0 : i32
    %c0_i32_0 = arith.constant 0 : i32
    return %arg0, %c0_i32 : i32, i32
  }
}

</mosaic_0001>

<sc_bundles>
// kernel: kernel.10.cloned.1.call-start
scs
__scs_entry_jumppad:
0x0: {  	(pc) =	sbr.rel $0x88, $3  }
0x1: {  	(tag) =	ssettag $0x0;
	lr =	simm.s32 $0x1  }
0x2: {  	[smem:$0x3F97] =	sst lr;
	_ =	strace $0xD0000000  }
0x3: {  	_ = 	snop  }
0x4: {  	_ = 	snop  }
0x5: {  	_ = 	snop  }
0x6: {  	_ = 	snop  }
0x7: {  	_ = 	snop  }
__scs_overlays_trampoline_lowered:
0x8: {  	[smem:$0x3FA6] =	sst s0  }
0x9: {  	[smem:$0x3FA7] =	sst s1  }
0xa: {  	[smem:$0x3FA8] =	sst s2  }
0xb: {  	[smem:$0x3FA9] =	sst s3  }
0xc: {  	[smem:$0x3FAA] =	sst s4  }
0xd: {  	[smem:$0x3FAB] =	sst s5  }
0xe: {  	[smem:$0x3FAC] =	sst s6  }
0xf: {  	[smem:$0x3FAD] =	sst s7  }
0x10: {  	[smem:$0x3FAE] =	sst s8  }
0x11: {  	[smem:$0x3FAF] =	sst s9;
	s0 =	simm.s32 @!p0 $0x0  }
0x12: {  	s1 =	sld [smem:$0x3F95];
	s0 =	simm.s32 @p0 $0x1  }
0x13: {  	[smem:$0x3FB0] =	sst s0;
	s0 =	simm.s32 @!p1 $0x0  }
0x14: {  	s2 =	sld [smem:$0x3F94];
	s0 =	simm.s32 @p1 $0x1  }
0x15: {  	[smem:$0x3FB1] =	sst s0;
	s0 =	simm.s32 @!p2 $0x0  }
0x16: {  	s3 =	sld [smem:$0x3FDB];
	s0 =	simm.s32 @p2 $0x1  }
0x17: {  	s4 =	simm.s32 $0x1BF5;
	[smem:$0x3FB3] =	sst s0  }
0x18: {  	s0 =	sld [smem:$0x3F96];
	_ =	swait.ge [sflag:s4], $0x0  }
0x19: {  	s7 =	sld [smem:$0x3F97]  }
0x1a: {  	s8 =	sadd.s32 $0xFFFFE003, lr  }
0x1b: {  	s9 =	sadd.s32 $0xFFFFFEF7, lr;
	s5 =	simm.s32 $0xFFFFFFFF;
	p2 =	slt.u32 s8, $0xFFFFF086  }
0x1c: {  	p1 =	slt.u32 s9, $0xF7A;
	s5 =	simm.s32 @!p2 $0x0  }
0x1d: {  	s5 =	simm.s32 @p1 $0x1;
	p0 =	seq.s32 s7, s2  }
0x1e: {  	s7 =	smul.u32 @!p0 $0xF7A, s2;
	p2 =	seq.s32 @!p0 s5, $0x0  }
0x1f: {  	s9 =	smul.u32 $0xF7A, s1;
	s8 =	simm.s32 @!p0 $0x1BF5;
	p2 =	por !p2, p0  }
0x20: {  	[sflag:s8] =	ssyncset.s32 @!p0 $0xFFFFF086;
	s6 =	sadd.s32 @!p0 s3, s7;
	s7 =	simm.s32 @!p0 $0x108  }
0x21: {  	s3 =	sadd.s32 s3, s9;
	s6 =	sadd.s32 @!p0 $0x88, s6;
	s7 =	simm.s32 @p2 $0x1082  }
0x22: {  	[simem:s7], [sflag:s8] =	dma.local @!p0 [hbm:s6], $0xF7A  }
0x23: {  	s9 =	sor.u32 $0xD0000000, s2;
	s6 =	simm.s32 $0x108;
	_ =	swait.ge @!p0 [sflag:s8], $0x0  }
0x24: {  	s3 =	sadd.s32 $0x88, s3;
	s6 =	simm.s32 @!p1 $0x1082;
	[sflag:s4] =	ssyncset.s32 $0xFFFFF086  }
0x25: {  	[simem:s6], [sflag:s4] =	dma.local [hbm:s3], $0xF7A  }
0x26: {  	[smem:$0x3F97] =	sst s1;
	(tag) =	ssettag s2;
	_ =	strace s9  }
0x27: {  	s1 =	sld [smem:$0x3FA7]  }
0x28: {  	s2 =	sld [smem:$0x3FA8]  }
0x29: {  	s4 =	sld [smem:$0x3FAA]  }
0x2a: {  	p0 =	seq.s32 s5, $0x0;
	s5 =	sld [smem:$0x3FAB]  }
0x2b: {  	s6 =	sld [smem:$0x3FAC]  }
0x2c: {  	s7 =	sld [smem:$0x3FAD]  }
0x2d: {  	s3 =	simm.s32 $0x108;
	s8 =	sld [smem:$0x3FAE]  }
0x2e: {  	s3 =	simm.s32 @!p0 $0x1082;
	s9 =	sld [smem:$0x3FAF]  }
0x2f: {  	lr =	sadd.s32 s0, s3;
	s0 =	sld [smem:$0x3FA6]  }
0x30: {  	s3 =	sld [smem:$0x3FA9]  }
0x31: {  	[smem:$0x3FB2] =	sst s10  }
0x32: {  	s10 =	sld [smem:$0x3FB0];
	_ =	sdelay $0x3  }
0x33: {  	p0 =	seq.s32 s10, $0x1;
	s10 =	sld [smem:$0x3FB2];
	_ =	sdelay $0x3  }
0x34: {  	[smem:$0x3FB2] =	sst s10  }
0x35: {  	s10 =	sld [smem:$0x3FB1];
	_ =	sdelay $0x3  }
0x36: {  	p1 =	seq.s32 s10, $0x1;
	s10 =	sld [smem:$0x3FB2];
	_ =	sdelay $0x3  }
0x37: {  	[smem:$0x3FB2] =	sst s10  }
0x38: {  	s10 =	sld [smem:$0x3FB3]  }
0x39: {  	_ = 	snop;
	(pc) =	sbr.ind lr, $3  }
0x3a: {  	_ = 	snop  }
0x3b: {  	_ = 	snop  }
0x3c: {  	p2 =	seq.s32 s10, $0x1;
	s10 =	sld [smem:$0x3FB2]  }
0x3d: {  	_ =	shalt  }
0x3e: {  	_ =	shalt  }
0x3f: {  	_ =	shalt  }
0x40: {  	_ =	shalt  }
0x41: {  	_ =	shalt  }
0x42: {  	_ =	shalt  }
0x43: {  	_ =	shalt  }
0x44: {  	_ =	shalt  }
0x45: {  	_ =	shalt  }
0x46: {  	_ =	shalt  }
0x47: {  	_ =	shalt  }
0x48: {  	_ =	shalt  }
0x49: {  	_ =	shalt  }
0x4a: {  	_ =	shalt  }
0x4b: {  	_ =	shalt  }
0x4c: {  	_ =	shalt  }
0x4d: {  	_ =	shalt  }
0x4e: {  	_ =	shalt  }
0x4f: {  	_ =	shalt  }
0x50: {  	_ =	shalt  }
0x51: {  	_ =	shalt  }
0x52: {  	_ =	shalt  }
0x53: {  	_ =	shalt  }
0x54: {  	_ =	shalt  }
0x55: {  	_ =	shalt  }
0x56: {  	_ =	shalt  }
0x57: {  	_ =	shalt  }
0x58: {  	_ =	shalt  }
0x59: {  	_ =	shalt  }
0x5a: {  	_ =	shalt  }
0x5b: {  	_ =	shalt  }
0x5c: {  	_ =	shalt  }
0x5d: {  	_ =	shalt  }
0x5e: {  	_ =	shalt  }
0x5f: {  	_ =	shalt  }
0x60: {  	_ =	shalt  }
0x61: {  	_ =	shalt  }
0x62: {  	_ =	shalt  }
0x63: {  	_ =	shalt  }
0x64: {  	_ =	shalt  }
0x65: {  	_ =	shalt  }
0x66: {  	_ =	shalt  }
0x67: {  	_ =	shalt  }
0x68: {  	_ =	shalt  }
0x69: {  	_ =	shalt  }
0x6a: {  	_ =	shalt  }
0x6b: {  	_ =	shalt  }
0x6c: {  	_ =	shalt  }
0x6d: {  	_ =	shalt  }
0x6e: {  	_ =	shalt  }
0x6f: {  	_ =	shalt  }
0x70: {  	_ =	shalt  }
0x71: {  	_ =	shalt  }
0x72: {  	_ =	shalt  }
0x73: {  	_ =	shalt  }
0x74: {  	_ =	shalt  }
0x75: {  	_ =	shalt  }
0x76: {  	_ =	shalt  }
0x77: {  	_ =	shalt  }
0x78: {  	_ =	shalt  }
0x79: {  	_ =	shalt  }
0x7a: {  	_ =	shalt  }
0x7b: {  	_ =	shalt  }
0x7c: {  	_ =	shalt  }
0x7d: {  	_ =	shalt  }
0x7e: {  	_ =	shalt  }
0x7f: {  	_ =	shalt  }
0x80: {  	_ =	shalt  }
0x81: {  	_ =	shalt  }
0x82: {  	_ =	shalt  }
0x83: {  	_ =	shalt  }
0x84: {  	_ =	shalt  }
0x85: {  	_ =	shalt  }
0x86: {  	_ =	shalt  }
0x87: {  	_ =	shalt  }
.Lfunc_end0:
.L_simem_size_0:
called_computation.1_lowered:
.L_overlay_start_0:
0x88: {  	s2 =	sld [smem:$0x3FD9]  }
0x89: {  	s3 =	sld [smem:$0x3FFE];
	_ =	sdelay $0x1  }
0x8a: {  	s1 =	srdreg.scid  }
0x8b: {  	s0 =	sand.u32 $0x1, s1  }
0x8c: {  	s17 =	sshll.u32 s0, $0xA;
	s2 =	sadd.s32 s3, s2  }
0x8d: {  	s2 =	sadd.s32 s2, s17  }
0x8e: {  	[smem:$0x3FBE] =	sst s2  }
0x8f: {  	_ = 	snop  }
0x90: {  	s2 =	sld [smem:$0x3FD0];
	(tm) =	ssettm $0x1  }
0x91: {  	s18 =	sld [smem:$0x3FFB];
	_ =	sdelay $0x3  }
0x92: {  	_ =	strace s18  }
0x93: {  	s3 =	sld [smem:$0x3FFC];
	_ =	sdelay $0x3  }
0x94: {  	_ =	strace s3  }
0x95: {  	s3 =	sld [smem:$0x3FFD];
	_ =	sdelay $0x3  }
0x96: {  	_ =	strace s3  }
0x97: {  	_ =	strace $0x8FFFFFFF  }
0x98: {  	s19 =	sld [smem:$0x3FDB];
	_ =	sdelay $0x1  }
0x99: {  	s4 =	simm.s32 $_scs_section_size  }
0x9a: {  	s5 =	simm.s32 $_size__tile_overlayer_lowered;
	s6 =	simm.s32 $_tile_overlayer_lowered  }
0x9b: {  	s22 =	simm.s32 $0x1BFF;
	s21 =	sshll.u32 s6, $0x1;
	s3 =	sadd.s32 s4, s19  }
0x9c: {  	s7 =	simm.s32 $0x0;
	s20 =	sshll.u32 s5, $0x1;
	s5 =	sadd.s32 s21, s3  }
0x9d: {  	[timem:s7], [sflag:s22] =	dma.local [hbm:s5], s20  }
0x9e: {  	_ =	swait.ge [sflag:s22], s20  }
0x9f: {  	s4 =	ssub.s32 $0x0, s20;
	[sflag:s22] =	ssyncset.done $0x0  }
0xa0: {  	[sflag:s22] =	ssyncadd.s32 s4;
	_ =	sdelay $0x1  }
0xa1: {  	s23 =	simm.s32 $0x1B8B  }
0xa2: {  	_ =	swait.ge [sflag:s23], $0x1  }
0xa3: {  	[sflag:s23] =	ssyncset.done $0x0  }
0xa4: {  	s25 =	simm.s32 $0x1B8E;
	s24 =	sld [smem:$0x3FFE];
	[sflag:s23] =	ssyncadd.s32 $0xFFFFFFFF  }
0xa5: {  	s26 =	simm.s32 $execute0_lowered;
	[smem:$0x3FD2] =	sst s25  }
0xa6: {  	s5 =	sshll.u32 s26, $0x1;
	_ =	strace $0x80000049;
	[dreg:$0x1] =	wrdreg $0xFFFFFFFF  }
0xa7: {  	s28 =	simm.s32 $_size_execute0_lowered;
	s3 =	sadd.s32 s3, s5;
	[dreg:$0x0] =	wrdreg $0x0  }
0xa8: {  	s5 =	sshll.u32 s28, $0x1;
	[dreg:$0x2] =	wrdreg s3  }
0xa9: {  	[dreg:$0x3] =	wrdreg s5  }
0xaa: {  	[dreg:$0x4] =	wrdreg $0xC0  }
0xab: {  	_ =	task [dreg:s7], $0x5FFFF  }
0xac: {  	[dreg:$0x1] =	wrdreg $0xFFFFFFFF  }
0xad: {  	[dreg:$0x0] =	wrdreg $0x60  }
0xae: {  	[dreg:$0x2] =	wrdreg s24  }
0xaf: {  	[dreg:$0x3] =	wrdreg s2  }
0xb0: {  	[dreg:$0x4] =	wrdreg $0x0  }
0xb1: {  	[dreg:$0x5] =	wrdreg $0x9  }
0xb2: {  	_ =	task.clear_ibuf [dreg:s7], $0x6FFFF;
	_ =	strace $0x90000049  }
0xb3: {  	s29 =	simm.s32 $0x9;
	_ =	strace $0x8000004B  }
0xb4: {  	_ =	swait.ge [sflag:s29], $0x1  }
0xb5: {  	[sflag:s29] =	ssyncadd.s32 $0xFFFFFFFF  }
0xb6: {  	_ =	strace $0x9000004B  }
0xb7: {  	_ =	sfence  }
0xb8: {  	s30 =	sld [smem:$0x0];
	_ =	sdelay $0x2  }
0xb9: {  	s31 =	sshll.u32 s1, $0xD;
	s1 =	sshrl.u32 s1, $0x2  }
0xba: {  	s3 =	sand.u32 $0x4000, s31;
	s1 =	sadd.s32 s1, s30  }
0xbb: {  	s0 =	sor.u32 s3, s0;
	s1 =	sshll.u32 s1, $0x11  }
0xbc: {  	s0 =	sor.u32 s1, s0  }
0xbd: {  	s0 =	sadd.s32 $0x8F2B, s0  }
0xbe: {  	[sflag:s0] =	ssyncadd.remote.s32 $0x1  }
0xbf: {  	_ =	sfence.sel $0xFFFF  }
0xc0: {  	[dreg:$0x0] =	wrdreg $0xFFFFFFFF;
	(pc) =	sbr.abs _section_cstart, $3  }
0xc1: {  	[dreg:$0x1] =	wrdreg $0xFFFFFFFF  }
0xc2: {  	_ =	task.clear_ibuf [dreg:s7], $0x2FFFF;
	_ =	strace $0x9FFFFFFF  }
0xc3: {  	(tm) =	ssettm $0x7FFFFFFF  }
tec
execute0_lowered:
.L_overlay_start_1:
0x0: {  	(tag) =	ssettag $0x1  }
0x1: {  	s0 =	rddreg [dreg:$0x0]  }
0x2: {  	s2 =	rddreg [dreg:$0x2];
	s1 =	srdreg.scid  }
0x3: {  	s4 =	simm.s32 $0x0;
	s12 =	stileid.u32;
	s28 =	simm.s32 $0x1  }
0x4: {  	s29 =	simm.s32 $0x18A90;
	s30 =	simm.s32 $0x50;
	s31 =	simm.s32 $0x18B30  }
0x5: {  	s14 =	simm.s32 $0x0;
	s1 =	sand.u32 $0x1, s1;
	s7 =	smul.u32 $0x2710, s12  }
0x6: {  	[smem:$0x7FF] =	sst s4;
	s5 =	sadd.s32 $0x14E00, s0;
	s8 =	smul.u32 $0x16380, s12  }
0x7: {  	s6 =	sadd.s32 $0xE00, s0;
	s17 =	sadd.s32 $0x14800, s0;
	s19 =	sshll.u32 s12, $0x6  }
0x8: {  	s12 =	simm.s32 $0x6;
	s3 =	smul.u32 $0x27100, s1;
	_ =	strace $0x8000004A  }
0x9: {  	s9 =	smul.u32 $0x163800, s1;
	[dreg:$0x4] =	wrdreg s17;
	s1 =	ssub.s32 $0x2, s1  }
0xa: {  	s13 =	sor.u32 $0x1C07, s19;
	s19 =	simm.s32 $0x1E990;
	s18 =	sshrl.u32 s8, $0x3  }
0xb: {  	s10 =	sshrl.u32 s1, $0x1;
	[dreg:$0x6] =	wrdreg s13;
	s3 =	sadd.s32 s7, s3  }
0xc: {  	s7 =	sadd.s32 s18, s0;
	s9 =	sadd.s32 s8, s9;
	s1 =	ssub.s32 s1, s10  }
0xd: {  	s8 =	sadd.s32 s8, s2;
	s18 =	simm.s32 $0x1D9F0;
	s3 =	smulhi.u32 $0x3333334, s3  }
0xe: {  	s9 =	sshrl.u32 s9, $0x3;
	s7 =	sadd.s32 $0xB0E00, s7;
	s26 =	smax.u32 s1, $0x1  }
0xf: {  	s10 =	sshrl.u32 s8, $0x3;
	s1 =	simm.s32 $0x16380;
	s8 =	simm.s32 $0x18B80  }
0x10: {  	s0 =	sadd.s32 s9, s0;
	[dreg:$0x5] =	wrdreg s7;
	s11 =	smul.u32 $0xA0, s3  }
0x11: {  	[dreg:$0xe] =	wrdreg s26;
	s26 =	simm.s32 $0x2;
	s20 =	smul.u32 $0x14, s3  }
0x12: {  	[dreg:$0xf] =	wrdreg s10;
	s0 =	sadd.s32 $0xDD600, s0;
	s11 =	sshrl.u32 s11, $0x3  }
0x13: {  	[dreg:$0xd] =	wrdreg s0;
	s15 =	sadd.s32 s6, s20;
	s21 =	sadd.s32 s6, s11  }
0x14: {  	s16 =	sadd.s32 $0x2, s3;
	[dreg:$0x7] =	wrdreg s15;
	s22 =	sadd.s32 $0x1F4, s21  }
0x15: {  	s17 =	sadd.s32 $0x3, s3;
	s23 =	sadd.s32 $0x3E8, s21;
	[dreg:$0x8] =	wrdreg s22  }
0x16: {  	s3 =	simm.s32 $0x3;
	s24 =	sadd.s32 $0x5DC, s21;
	[dreg:$0x9] =	wrdreg s23  }
0x17: {  	s0 =	simm.s32 $0x1B8D0;
	s25 =	sadd.s32 $0x7D0, s21;
	[dreg:$0xa] =	wrdreg s24  }
0x18: {  	s11 =	simm.s32 $0x5;
	s7 =	sadd.s32 $0x14, s21;
	[dreg:$0xb] =	wrdreg s25  }
0x19: {  	s21 =	simm.s32 $0x7;
	[dreg:$0xc] =	wrdreg s7;
	s22 =	simm.s32 $0x18BD0  }
0x1a: {  	s23 =	simm.s32 $0x1B2E0;
	s7 =	simm.s32 $0x18AE0;
	s25 =	simm.s32 $0x4  }
.LBB2_1:
0x1b: {  	[dreg:$0x10] =	wrdreg s14  }
0x1c: {  	s9 =	rddreg [dreg:$0x5]  }
0x1d: {  	[spmem:s10], [sflag:s13] =	dma.local [hbm:s9], $0x2C70  }
0x1e: {  	_ =	swait.ge [sflag:s21], $0x2C70  }
0x1f: {  	[sflag:s21] =	ssyncset.done $0x0  }
0x20: {  	[sflag:s21] =	ssyncadd.s32 $0xFFFFD390  }
0x21: {  	[bflag:$0x0] =	sbarrier.arrive $0xFFFF  }
0x22: {  	s14 =	rddreg [dreg:$0x1]  }
0x23: {  	[tilespmem:s22], [sflag:$0x7] =	stream.linear.gather [hbm4b:s14+s4], $0x2710, $0x38;
	[tilespmem:$0x1F930] =	vst v63  }
0x24: {  	_ =	swait.ge [sflag:s21], $0x2710  }
0x25: {  	[sflag:s21] =	ssyncset.done $0x0  }
0x26: {  	s20 =	rddreg [dreg:$0x4];
	[sflag:s21] =	ssyncadd.s32 $0xFFFFD8F0  }
0x27: {  	[tilespmem:s23], [sflag:$0x7] =	stream.linear.gather [hbm4b:s20+s4], $0x2710, $0x38;
	[tilespmem:$0x1F930] =	vst v63  }
0x28: {  	_ =	swait.ge [sflag:s21], $0x2710  }
0x29: {  	[sflag:s21] =	ssyncset.done $0x0  }
0x2a: {  	[sflag:s21] =	ssyncadd.s32 $0xFFFFD8F0  }
0x2b: {  	[tilespmem:s18], [sflag:$0x7] =	stream.linear.gather [hbm4b:s15+s4], $0xFA0, $0x38;
	[tilespmem:$0x1F930] =	vst v63  }
0x2c: {  	_ =	swait.ge [sflag:s21], $0xFA0  }
0x2d: {  	s9 =	simm.s32 $0x1DA40;
	[sflag:s21] =	ssyncset.done $0x0  }
0x2e: {  	s14 =	simm.s32 $0x0;
	s24 =	rddreg [dreg:$0x8];
	[sflag:s21] =	ssyncadd.s32 $0xFFFFF060  }
0x2f: {  	[tilespmem:s19], [sflag:$0x2] =	stream.linear.gather [hbm4b:s24+s4], $0xFA0, $0x38;
	[tilespmem:$0x1F930] =	vst v63  }
.LBB2_2:
0x30: {  	v0 =	vld [tilespmem:s9+$0xFFFFFFB0]  }
0x31: {  	v1 =	vld [tilespmem:s9+$0x0];
	_ =	sdelay $0x6  }
0x32: {  	v0 =	vld.idx.msk [tilespmem:v0+s22+$0x0], $0xffff  }
0x33: {  	v1 =	vld.idx.msk [tilespmem:v1+s23+$0x0], $0xffff;
	_ =	sdelay $0x4  }
0x34: {  	v0 =	vadd.f32 v1, v0;
	_ =	sdelay $0x1  }
0x35: {  	v1 =	vmul.f32 $2.000000030e-01, v0  }
0x36: {  	vm0 =	vge.f32 v0, $0.0e+00  }
0x37: {  	v0 =	vsel vm0, v0, v1  }
0x38: {  	v0 =	vmul.f32 $1.442695020e+00, v0;
	_ =	sdelay $0x1  }
0x39: {  	(erf) = vpow2.f32 v0;
	_ =	sdelay $0x8  }
0x3a: {  	s10 =	sshra.s32 s14, $0x2;
	v0 =	vpop (erf)  }
0x3b: {  	[tilespmem:s10+$0x16380] =	vst v0  }
0x3c: {  	v0 =	vld [tilespmem:s9+$0xFFFFFFC0]  }
0x3d: {  	v60 =	vld [tilespmem:s9+$0x10];
	_ =	sdelay $0x6  }
0x3e: {  	v0 =	vld.idx.msk [tilespmem:v0+s22+$0x0], $0xffff  }
0x3f: {  	v1 =	vld.idx.msk [tilespmem:v60+s23+$0x0], $0xffff;
	_ =	sdelay $0x4  }
0x40: {  	v0 =	vadd.f32 v1, v0;
	_ =	sdelay $0x1  }
0x41: {  	v1 =	vmul.f32 $2.000000030e-01, v0  }
0x42: {  	vm12 =	vge.f32 v0, $0.0e+00  }
0x43: {  	v0 =	vsel vm12, v0, v1  }
0x44: {  	v0 =	vmul.f32 $1.442695020e+00, v0;
	_ =	sdelay $0x1  }
0x45: {  	(erf) = vpow2.f32 v0;
	_ =	sdelay $0x8  }
0x46: {  	v0 =	vpop (erf)  }
0x47: {  	[tilespmem:s10+$0x16390] =	vst v0  }
0x48: {  	v0 =	vld [tilespmem:s9+$0xFFFFFFD0]  }
0x49: {  	v61 =	vld [tilespmem:s9+$0x20];
	_ =	sdelay $0x6  }
0x4a: {  	v0 =	vld.idx.msk [tilespmem:v0+s22+$0x0], $0xffff  }
0x4b: {  	v1 =	vld.idx.msk [tilespmem:v61+s23+$0x0], $0xffff;
	_ =	sdelay $0x4  }
0x4c: {  	v0 =	vadd.f32 v1, v0;
	_ =	sdelay $0x1  }
0x4d: {  	v1 =	vmul.f32 $2.000000030e-01, v0  }
0x4e: {  	vm13 =	vge.f32 v0, $0.0e+00  }
0x4f: {  	v0 =	vsel vm13, v0, v1  }
0x50: {  	v0 =	vmul.f32 $1.442695020e+00, v0;
	_ =	sdelay $0x1  }
0x51: {  	(erf) = vpow2.f32 v0;
	_ =	sdelay $0x8  }
0x52: {  	v0 =	vpop (erf)  }
0x53: {  	[tilespmem:s10+$0x163A0] =	vst v0  }
0x54: {  	v0 =	vld [tilespmem:s9+$0xFFFFFFE0]  }
0x55: {  	v62 =	vld [tilespmem:s9+$0x30];
	_ =	sdelay $0x6  }
0x56: {  	v0 =	vld.idx.msk [tilespmem:v0+s22+$0x0], $0xffff  }
0x57: {  	v1 =	vld.idx.msk [tilespmem:v62+s23+$0x0], $0xffff;
	_ =	sdelay $0x4  }
0x58: {  	v0 =	vadd.f32 v1, v0;
	_ =	sdelay $0x1  }
0x59: {  	v1 =	vmul.f32 $2.000000030e-01, v0  }
0x5a: {  	vm14 =	vge.f32 v0, $0.0e+00  }
0x5b: {  	v0 =	vsel vm14, v0, v1  }
0x5c: {  	v0 =	vmul.f32 $1.442695020e+00, v0;
	_ =	sdelay $0x1  }
0x5d: {  	(erf) = vpow2.f32 v0;
	_ =	sdelay $0x8  }
0x5e: {  	v0 =	vpop (erf)  }
0x5f: {  	[tilespmem:s10+$0x163B0] =	vst v0  }
0x60: {  	v0 =	vld [tilespmem:s9+$0xFFFFFFF0]  }
0x61: {  	v63 =	vld [tilespmem:s9+$0x40];
	_ =	sdelay $0x6  }
0x62: {  	v0 =	vld.idx.msk [tilespmem:v0+s22+$0x0], $0xffff  }
0x63: {  	v1 =	vld.idx.msk [tilespmem:v63+s23+$0x0], $0xffff;
	_ =	sdelay $0x4  }
0x64: {  	v0 =	vadd.f32 v1, v0;
	_ =	sdelay $0x1  }
0x65: {  	v1 =	vmul.f32 $2.000000030e-01, v0  }
0x66: {  	vm15 =	vge.f32 v0, $0.0e+00  }
0x67: {  	v0 =	vsel vm15, v0, v1  }
0x68: {  	v0 =	vmul.f32 $1.442695020e+00, v0;
	_ =	sdelay $0x1  }
0x69: {  	(erf) = vpow2.f32 v0;
	_ =	sdelay $0x4  }
0x6a: {  	p0 =	sne.s32 s14, $0x1E00  }
.Ltmp0:
0x6b: {  	_ = 	snop;
	(pc) =	sbr.rel @p0 .LBB2_2-.Ltmp0, $3  }
0x6c: {  	_ =	sdelay $0x1  }
0x6d: {  	v0 =	vpop (erf)  }
0x6e: {  	s14 =	sadd.s32 $0x140, s14;
	s9 =	sadd.s32 $0xA0, s9;
	[tilespmem:s10+$0x163C0] =	vst v0  }
0x6f: {  	_ =	swait.ge [sflag:s26], $0xFA0  }
0x70: {  	s9 =	simm.s32 $0x0;
	[sflag:s26] =	ssyncset.done $0x0  }
0x71: {  	s14 =	simm.s32 $0x1E9E0;
	s10 =	rddreg [dreg:$0x9];
	[sflag:s26] =	ssyncadd.s32 $0xFFFFF060  }
0x72: {  	[tilespmem:s18], [sflag:$0x1] =	stream.linear.gather [hbm4b:s10+s9], $0xFA0, $0x38;
	[tilespmem:$0x1F930] =	vst v63  }
.LBB2_4:
0x73: {  	v0 =	vld [tilespmem:s14+$0xFFFFFFB0]  }
0x74: {  	v1 =	vld [tilespmem:s14+$0x0];
	_ =	sdelay $0x6  }
0x75: {  	v0 =	vld.idx.msk [tilespmem:v0+s22+$0x0], $0xffff  }
0x76: {  	v1 =	vld.idx.msk [tilespmem:v1+s23+$0x0], $0xffff;
	_ =	sdelay $0x4  }
0x77: {  	v0 =	vadd.f32 v1, v0;
	_ =	sdelay $0x1  }
0x78: {  	v1 =	vmul.f32 $2.000000030e-01, v0  }
0x79: {  	vm0 =	vge.f32 v0, $0.0e+00  }
0x7a: {  	v0 =	vsel vm0, v0, v1  }
0x7b: {  	v0 =	vmul.f32 $1.442695020e+00, v0;
	_ =	sdelay $0x1  }
0x7c: {  	(erf) = vpow2.f32 v0;
	_ =	sdelay $0x8  }
0x7d: {  	s10 =	sshra.s32 s9, $0x2;
	v0 =	vpop (erf)  }
0x7e: {  	[tilespmem:s10+$0x16B50] =	vst v0  }
0x7f: {  	v0 =	vld [tilespmem:s14+$0xFFFFFFC0]  }
0x80: {  	v60 =	vld [tilespmem:s14+$0x10];
	_ =	sdelay $0x6  }
0x81: {  	v0 =	vld.idx.msk [tilespmem:v0+s22+$0x0], $0xffff  }
0x82: {  	v1 =	vld.idx.msk [tilespmem:v60+s23+$0x0], $0xffff;
	_ =	sdelay $0x4  }
0x83: {  	v0 =	vadd.f32 v1, v0;
	_ =	sdelay $0x1  }
0x84: {  	v1 =	vmul.f32 $2.000000030e-01, v0  }
0x85: {  	vm12 =	vge.f32 v0, $0.0e+00  }
0x86: {  	v0 =	vsel vm12, v0, v1  }
0x87: {  	v0 =	vmul.f32 $1.442695020e+00, v0;
	_ =	sdelay $0x1  }
0x88: {  	(erf) = vpow2.f32 v0;
	_ =	sdelay $0x8  }
0x89: {  	v0 =	vpop (erf)  }
0x8a: {  	[tilespmem:s10+$0x16B60] =	vst v0  }
0x8b: {  	v0 =	vld [tilespmem:s14+$0xFFFFFFD0]  }
0x8c: {  	v61 =	vld [tilespmem:s14+$0x20];
	_ =	sdelay $0x6  }
0x8d: {  	v0 =	vld.idx.msk [tilespmem:v0+s22+$0x0], $0xffff  }
0x8e: {  	v1 =	vld.idx.msk [tilespmem:v61+s23+$0x0], $0xffff;
	_ =	sdelay $0x4  }
0x8f: {  	v0 =	vadd.f32 v1, v0;
	_ =	sdelay $0x1  }
0x90: {  	v1 =	vmul.f32 $2.000000030e-01, v0  }
0x91: {  	vm13 =	vge.f32 v0, $0.0e+00  }
0x92: {  	v0 =	vsel vm13, v0, v1  }
0x93: {  	v0 =	vmul.f32 $1.442695020e+00, v0;
	_ =	sdelay $0x1  }
0x94: {  	(erf) = vpow2.f32 v0;
	_ =	sdelay $0x8  }
0x95: {  	v0 =	vpop (erf)  }
0x96: {  	[tilespmem:s10+$0x16B70] =	vst v0  }
0x97: {  	v0 =	vld [tilespmem:s14+$0xFFFFFFE0]  }
0x98: {  	v62 =	vld [tilespmem:s14+$0x30];
	_ =	sdelay $0x6  }
0x99: {  	v0 =	vld.idx.msk [tilespmem:v0+s22+$0x0], $0xffff  }
0x9a: {  	v1 =	vld.idx.msk [tilespmem:v62+s23+$0x0], $0xffff;
	_ =	sdelay $0x4  }
0x9b: {  	v0 =	vadd.f32 v1, v0;
	_ =	sdelay $0x1  }
0x9c: {  	v1 =	vmul.f32 $2.000000030e-01, v0  }
0x9d: {  	vm14 =	vge.f32 v0, $0.0e+00  }
0x9e: {  	v0 =	vsel vm14, v0, v1  }
0x9f: {  	v0 =	vmul.f32 $1.442695020e+00, v0;
	_ =	sdelay $0x1  }
0xa0: {  	(erf) = vpow2.f32 v0;
	_ =	sdelay $0x8  }
0xa1: {  	v0 =	vpop (erf)  }
0xa2: {  	[tilespmem:s10+$0x16B80] =	vst v0  }
0xa3: {  	v0 =	vld [tilespmem:s14+$0xFFFFFFF0]  }
0xa4: {  	v63 =	vld [tilespmem:s14+$0x40];
	_ =	sdelay $0x6  }
0xa5: {  	v0 =	vld.idx.msk [tilespmem:v0+s22+$0x0], $0xffff  }
0xa6: {  	v1 =	vld.idx.msk [tilespmem:v63+s23+$0x0], $0xffff;
	_ =	sdelay $0x4  }
0xa7: {  	v0 =	vadd.f32 v1, v0;
	_ =	sdelay $0x1  }
0xa8: {  	v1 =	vmul.f32 $2.000000030e-01, v0  }
0xa9: {  	vm15 =	vge.f32 v0, $0.0e+00  }
0xaa: {  	v0 =	vsel vm15, v0, v1  }
0xab: {  	v0 =	vmul.f32 $1.442695020e+00, v0;
	_ =	sdelay $0x1  }
0xac: {  	(erf) = vpow2.f32 v0;
	_ =	sdelay $0x4  }
0xad: {  	p0 =	sne.s32 s9, $0x1E00  }
.Ltmp1:
0xae: {  	_ = 	snop;
	(pc) =	sbr.rel @p0 .LBB2_4-.Ltmp1, $3  }
0xaf: {  	_ =	sdelay $0x1  }
0xb0: {  	v0 =	vpop (erf)  }
0xb1: {  	s9 =	sadd.s32 $0x140, s9;
	s14 =	sadd.s32 $0xA0, s14;
	[tilespmem:s10+$0x16B90] =	vst v0  }
0xb2: {  	_ =	swait.ge [sflag:s28], $0xFA0  }
0xb3: {  	s9 =	simm.s32 $0x0;
	[sflag:s28] =	ssyncset.done $0x0  }
0xb4: {  	s14 =	simm.s32 $0x1DA40;
	s10 =	rddreg [dreg:$0xa];
	[sflag:s28] =	ssyncadd.s32 $0xFFFFF060  }
0xb5: {  	[tilespmem:s19], [sflag:$0x2] =	stream.linear.gather [hbm4b:s10+s9], $0xFA0, $0x38;
	[tilespmem:$0x1F930] =	vst v63  }
.LBB2_6:
0xb6: {  	v0 =	vld [tilespmem:s14+$0xFFFFFFB0]  }
0xb7: {  	v1 =	vld [tilespmem:s14+$0x0];
	_ =	sdelay $0x6  }
0xb8: {  	v0 =	vld.idx.msk [tilespmem:v0+s22+$0x0], $0xffff  }
0xb9: {  	v1 =	vld.idx.msk [tilespmem:v1+s23+$0x0], $0xffff;
	_ =	sdelay $0x4  }
0xba: {  	v0 =	vadd.f32 v1, v0;
	_ =	sdelay $0x1  }
0xbb: {  	v1 =	vmul.f32 $2.000000030e-01, v0  }
0xbc: {  	vm0 =	vge.f32 v0, $0.0e+00  }
0xbd: {  	v0 =	vsel vm0, v0, v1  }
0xbe: {  	v0 =	vmul.f32 $1.442695020e+00, v0;
	_ =	sdelay $0x1  }
0xbf: {  	(erf) = vpow2.f32 v0;
	_ =	sdelay $0x8  }
0xc0: {  	s10 =	sshra.s32 s9, $0x2;
	v0 =	vpop (erf)  }
0xc1: {  	[tilespmem:s10+$0x17320] =	vst v0  }
0xc2: {  	v0 =	vld [tilespmem:s14+$0xFFFFFFC0]  }
0xc3: {  	v60 =	vld [tilespmem:s14+$0x10];
	_ =	sdelay $0x6  }
0xc4: {  	v0 =	vld.idx.msk [tilespmem:v0+s22+$0x0], $0xffff  }
0xc5: {  	v1 =	vld.idx.msk [tilespmem:v60+s23+$0x0], $0xffff;
	_ =	sdelay $0x4  }
0xc6: {  	v0 =	vadd.f32 v1, v0;
	_ =	sdelay $0x1  }
0xc7: {  	v1 =	vmul.f32 $2.000000030e-01, v0  }
0xc8: {  	vm12 =	vge.f32 v0, $0.0e+00  }
0xc9: {  	v0 =	vsel vm12, v0, v1  }
0xca: {  	v0 =	vmul.f32 $1.442695020e+00, v0;
	_ =	sdelay $0x1  }
0xcb: {  	(erf) = vpow2.f32 v0;
	_ =	sdelay $0x8  }
0xcc: {  	v0 =	vpop (erf)  }
0xcd: {  	[tilespmem:s10+$0x17330] =	vst v0  }
0xce: {  	v0 =	vld [tilespmem:s14+$0xFFFFFFD0]  }
0xcf: {  	v61 =	vld [tilespmem:s14+$0x20];
	_ =	sdelay $0x6  }
0xd0: {  	v0 =	vld.idx.msk [tilespmem:v0+s22+$0x0], $0xffff  }
0xd1: {  	v1 =	vld.idx.msk [tilespmem:v61+s23+$0x0], $0xffff;
	_ =	sdelay $0x4  }
0xd2: {  	v0 =	vadd.f32 v1, v0;
	_ =	sdelay $0x1  }
0xd3: {  	v1 =	vmul.f32 $2.000000030e-01, v0  }
0xd4: {  	vm13 =	vge.f32 v0, $0.0e+00  }
0xd5: {  	v0 =	vsel vm13, v0, v1  }
0xd6: {  	v0 =	vmul.f32 $1.442695020e+00, v0;
	_ =	sdelay $0x1  }
0xd7: {  	(erf) = vpow2.f32 v0;
	_ =	sdelay $0x8  }
0xd8: {  	v0 =	vpop (erf)  }
0xd9: {  	[tilespmem:s10+$0x17340] =	vst v0  }
0xda: {  	v0 =	vld [tilespmem:s14+$0xFFFFFFE0]  }
0xdb: {  	v62 =	vld [tilespmem:s14+$0x30];
	_ =	sdelay $0x6  }
0xdc: {  	v0 =	vld.idx.msk [tilespmem:v0+s22+$0x0], $0xffff  }
0xdd: {  	v1 =	vld.idx.msk [tilespmem:v62+s23+$0x0], $0xffff;
	_ =	sdelay $0x4  }
0xde: {  	v0 =	vadd.f32 v1, v0;
	_ =	sdelay $0x1  }
0xdf: {  	v1 =	vmul.f32 $2.000000030e-01, v0  }
0xe0: {  	vm14 =	vge.f32 v0, $0.0e+00  }
0xe1: {  	v0 =	vsel vm14, v0, v1  }
0xe2: {  	v0 =	vmul.f32 $1.442695020e+00, v0;
	_ =	sdelay $0x1  }
0xe3: {  	(erf) = vpow2.f32 v0;
	_ =	sdelay $0x8  }
0xe4: {  	v0 =	vpop (erf)  }
0xe5: {  	[tilespmem:s10+$0x17350] =	vst v0  }
0xe6: {  	v0 =	vld [tilespmem:s14+$0xFFFFFFF0]  }
0xe7: {  	v63 =	vld [tilespmem:s14+$0x40];
	_ =	sdelay $0x6  }
0xe8: {  	v0 =	vld.idx.msk [tilespmem:v0+s22+$0x0], $0xffff  }
0xe9: {  	v1 =	vld.idx.msk [tilespmem:v63+s23+$0x0], $0xffff;
	_ =	sdelay $0x4  }
0xea: {  	v0 =	vadd.f32 v1, v0;
	_ =	sdelay $0x1  }
0xeb: {  	v1 =	vmul.f32 $2.000000030e-01, v0  }
0xec: {  	vm15 =	vge.f32 v0, $0.0e+00  }
0xed: {  	v0 =	vsel vm15, v0, v1  }
0xee: {  	v0 =	vmul.f32 $1.442695020e+00, v0;
	_ =	sdelay $0x1  }
0xef: {  	(erf) = vpow2.f32 v0;
	_ =	sdelay $0x4  }
0xf0: {  	p0 =	sne.s32 s9, $0x1E00  }
.Ltmp2:
0xf1: {  	_ = 	snop;
	(pc) =	sbr.rel @p0 .LBB2_6-.Ltmp2, $3  }
0xf2: {  	_ =	sdelay $0x1  }
0xf3: {  	v0 =	vpop (erf)  }
0xf4: {  	s9 =	sadd.s32 $0x140, s9;
	s14 =	sadd.s32 $0xA0, s14;
	[tilespmem:s10+$0x17360] =	vst v0  }
0xf5: {  	_ =	swait.ge [sflag:s26], $0xFA0  }
0xf6: {  	s9 =	simm.s32 $0x0;
	[sflag:s26] =	ssyncset.done $0x0  }
0xf7: {  	s14 =	simm.s32 $0x1E9E0;
	s10 =	rddreg [dreg:$0xb];
	[sflag:s26] =	ssyncadd.s32 $0xFFFFF060  }
0xf8: {  	[tilespmem:s18], [sflag:$0x1] =	stream.linear.gather [hbm4b:s10+s9], $0xFA0, $0x38;
	[tilespmem:$0x1F930] =	vst v63  }
.LBB2_8:
0xf9: {  	v0 =	vld [tilespmem:s14+$0xFFFFFFB0]  }
0xfa: {  	v1 =	vld [tilespmem:s14+$0x0];
	_ =	sdelay $0x6  }
0xfb: {  	v0 =	vld.idx.msk [tilespmem:v0+s22+$0x0], $0xffff  }
0xfc: {  	v1 =	vld.idx.msk [tilespmem:v1+s23+$0x0], $0xffff;
	_ =	sdelay $0x4  }
0xfd: {  	v0 =	vadd.f32 v1, v0;
	_ =	sdelay $0x1  }
0xfe: {  	v1 =	vmul.f32 $2.000000030e-01, v0  }
0xff: {  	vm0 =	vge.f32 v0, $0.0e+00  }
0x100: {  	v0 =	vsel vm0, v0, v1  }
0x101: {  	v0 =	vmul.f32 $1.442695020e+00, v0;
	_ =	sdelay $0x1  }
0x102: {  	(erf) = vpow2.f32 v0;
	_ =	sdelay $0x8  }
0x103: {  	s10 =	sshra.s32 s9, $0x2;
	v0 =	vpop (erf)  }
0x104: {  	[tilespmem:s10+$0x17AF0] =	vst v0  }
0x105: {  	v0 =	vld [tilespmem:s14+$0xFFFFFFC0]  }
0x106: {  	v60 =	vld [tilespmem:s14+$0x10];
	_ =	sdelay $0x6  }
0x107: {  	v0 =	vld.idx.msk [tilespmem:v0+s22+$0x0], $0xffff  }
0x108: {  	v1 =	vld.idx.msk [tilespmem:v60+s23+$0x0], $0xffff;
	_ =	sdelay $0x4  }
0x109: {  	v0 =	vadd.f32 v1, v0;
	_ =	sdelay $0x1  }
0x10a: {  	v1 =	vmul.f32 $2.000000030e-01, v0  }
0x10b: {  	vm12 =	vge.f32 v0, $0.0e+00  }
0x10c: {  	v0 =	vsel vm12, v0, v1  }
0x10d: {  	v0 =	vmul.f32 $1.442695020e+00, v0;
	_ =	sdelay $0x1  }
0x10e: {  	(erf) = vpow2.f32 v0;
	_ =	sdelay $0x8  }
0x10f: {  	v0 =	vpop (erf)  }
0x110: {  	[tilespmem:s10+$0x17B00] =	vst v0  }
0x111: {  	v0 =	vld [tilespmem:s14+$0xFFFFFFD0]  }
0x112: {  	v61 =	vld [tilespmem:s14+$0x20];
	_ =	sdelay $0x6  }
0x113: {  	v0 =	vld.idx.msk [tilespmem:v0+s22+$0x0], $0xffff  }
0x114: {  	v1 =	vld.idx.msk [tilespmem:v61+s23+$0x0], $0xffff;
	_ =	sdelay $0x4  }
0x115: {  	v0 =	vadd.f32 v1, v0;
	_ =	sdelay $0x1  }
0x116: {  	v1 =	vmul.f32 $2.000000030e-01, v0  }
0x117: {  	vm13 =	vge.f32 v0, $0.0e+00  }
0x118: {  	v0 =	vsel vm13, v0, v1  }
0x119: {  	v0 =	vmul.f32 $1.442695020e+00, v0;
	_ =	sdelay $0x1  }
0x11a: {  	(erf) = vpow2.f32 v0;
	_ =	sdelay $0x8  }
0x11b: {  	v0 =	vpop (erf)  }
0x11c: {  	[tilespmem:s10+$0x17B10] =	vst v0  }
0x11d: {  	v0 =	vld [tilespmem:s14+$0xFFFFFFE0]  }
0x11e: {  	v62 =	vld [tilespmem:s14+$0x30];
	_ =	sdelay $0x6  }
0x11f: {  	v0 =	vld.idx.msk [tilespmem:v0+s22+$0x0], $0xffff  }
0x120: {  	v1 =	vld.idx.msk [tilespmem:v62+s23+$0x0], $0xffff;
	_ =	sdelay $0x4  }
0x121: {  	v0 =	vadd.f32 v1, v0;
	_ =	sdelay $0x1  }
0x122: {  	v1 =	vmul.f32 $2.000000030e-01, v0  }
0x123: {  	vm14 =	vge.f32 v0, $0.0e+00  }
0x124: {  	v0 =	vsel vm14, v0, v1  }
0x125: {  	v0 =	vmul.f32 $1.442695020e+00, v0;
	_ =	sdelay $0x1  }
0x126: {  	(erf) = vpow2.f32 v0;
	_ =	sdelay $0x8  }
0x127: {  	v0 =	vpop (erf)  }
0x128: {  	[tilespmem:s10+$0x17B20] =	vst v0  }
0x129: {  	v0 =	vld [tilespmem:s14+$0xFFFFFFF0]  }
0x12a: {  	v63 =	vld [tilespmem:s14+$0x40];
	_ =	sdelay $0x6  }
0x12b: {  	v0 =	vld.idx.msk [tilespmem:v0+s22+$0x0], $0xffff  }
0x12c: {  	v1 =	vld.idx.msk [tilespmem:v63+s23+$0x0], $0xffff;
	_ =	sdelay $0x4  }
0x12d: {  	v0 =	vadd.f32 v1, v0;
	_ =	sdelay $0x1  }
0x12e: {  	v1 =	vmul.f32 $2.000000030e-01, v0  }
0x12f: {  	vm15 =	vge.f32 v0, $0.0e+00  }
0x130: {  	v0 =	vsel vm15, v0, v1  }
0x131: {  	v0 =	vmul.f32 $1.442695020e+00, v0;
	_ =	sdelay $0x1  }
0x132: {  	(erf) = vpow2.f32 v0;
	_ =	sdelay $0x4  }
0x133: {  	p0 =	sne.s32 s9, $0x1E00  }
.Ltmp3:
0x134: {  	_ = 	snop;
	(pc) =	sbr.rel @p0 .LBB2_8-.Ltmp3, $3  }
0x135: {  	_ =	sdelay $0x1  }
0x136: {  	v0 =	vpop (erf)  }
0x137: {  	s9 =	sadd.s32 $0x140, s9;
	s14 =	sadd.s32 $0xA0, s14;
	[tilespmem:s10+$0x17B30] =	vst v0  }
0x138: {  	_ =	swait.ge [sflag:s28], $0xFA0  }
0x139: {  	[sflag:s28] =	ssyncset.done $0x0  }
0x13a: {  	s9 =	simm.s32 $0x0;
	s14 =	simm.s32 $0x1DA40;
	[sflag:s28] =	ssyncadd.s32 $0xFFFFF060  }
.LBB2_10:
0x13b: {  	v0 =	vld [tilespmem:s14+$0xFFFFFFB0]  }
0x13c: {  	v1 =	vld [tilespmem:s14+$0x0];
	_ =	sdelay $0x6  }
0x13d: {  	v0 =	vld.idx.msk [tilespmem:v0+s22+$0x0], $0xffff  }
0x13e: {  	v1 =	vld.idx.msk [tilespmem:v1+s23+$0x0], $0xffff;
	_ =	sdelay $0x4  }
0x13f: {  	v0 =	vadd.f32 v1, v0;
	_ =	sdelay $0x1  }
0x140: {  	v1 =	vmul.f32 $2.000000030e-01, v0  }
0x141: {  	vm0 =	vge.f32 v0, $0.0e+00  }
0x142: {  	v0 =	vsel vm0, v0, v1  }
0x143: {  	v0 =	vmul.f32 $1.442695020e+00, v0;
	_ =	sdelay $0x1  }
0x144: {  	(erf) = vpow2.f32 v0;
	_ =	sdelay $0x8  }
0x145: {  	s10 =	sshra.s32 s9, $0x2;
	v0 =	vpop (erf)  }
0x146: {  	[tilespmem:s10+$0x182C0] =	vst v0  }
0x147: {  	v0 =	vld [tilespmem:s14+$0xFFFFFFC0]  }
0x148: {  	v60 =	vld [tilespmem:s14+$0x10];
	_ =	sdelay $0x6  }
0x149: {  	v0 =	vld.idx.msk [tilespmem:v0+s22+$0x0], $0xffff  }
0x14a: {  	v1 =	vld.idx.msk [tilespmem:v60+s23+$0x0], $0xffff;
	_ =	sdelay $0x4  }
0x14b: {  	v0 =	vadd.f32 v1, v0;
	_ =	sdelay $0x1  }
0x14c: {  	v1 =	vmul.f32 $2.000000030e-01, v0  }
0x14d: {  	vm12 =	vge.f32 v0, $0.0e+00  }
0x14e: {  	v0 =	vsel vm12, v0, v1  }
0x14f: {  	v0 =	vmul.f32 $1.442695020e+00, v0;
	_ =	sdelay $0x1  }
0x150: {  	(erf) = vpow2.f32 v0;
	_ =	sdelay $0x8  }
0x151: {  	v0 =	vpop (erf)  }
0x152: {  	[tilespmem:s10+$0x182D0] =	vst v0  }
0x153: {  	v0 =	vld [tilespmem:s14+$0xFFFFFFD0]  }
0x154: {  	v61 =	vld [tilespmem:s14+$0x20];
	_ =	sdelay $0x6  }
0x155: {  	v0 =	vld.idx.msk [tilespmem:v0+s22+$0x0], $0xffff  }
0x156: {  	v1 =	vld.idx.msk [tilespmem:v61+s23+$0x0], $0xffff;
	_ =	sdelay $0x4  }
0x157: {  	v0 =	vadd.f32 v1, v0;
	_ =	sdelay $0x1  }
0x158: {  	v1 =	vmul.f32 $2.000000030e-01, v0  }
0x159: {  	vm13 =	vge.f32 v0, $0.0e+00  }
0x15a: {  	v0 =	vsel vm13, v0, v1  }
0x15b: {  	v0 =	vmul.f32 $1.442695020e+00, v0;
	_ =	sdelay $0x1  }
0x15c: {  	(erf) = vpow2.f32 v0;
	_ =	sdelay $0x8  }
0x15d: {  	v0 =	vpop (erf)  }
0x15e: {  	[tilespmem:s10+$0x182E0] =	vst v0  }
0x15f: {  	v0 =	vld [tilespmem:s14+$0xFFFFFFE0]  }
0x160: {  	v62 =	vld [tilespmem:s14+$0x30];
	_ =	sdelay $0x6  }
0x161: {  	v0 =	vld.idx.msk [tilespmem:v0+s22+$0x0], $0xffff  }
0x162: {  	v1 =	vld.idx.msk [tilespmem:v62+s23+$0x0], $0xffff;
	_ =	sdelay $0x4  }
0x163: {  	v0 =	vadd.f32 v1, v0;
	_ =	sdelay $0x1  }
0x164: {  	v1 =	vmul.f32 $2.000000030e-01, v0  }
0x165: {  	vm14 =	vge.f32 v0, $0.0e+00  }
0x166: {  	v0 =	vsel vm14, v0, v1  }
0x167: {  	v0 =	vmul.f32 $1.442695020e+00, v0;
	_ =	sdelay $0x1  }
0x168: {  	(erf) = vpow2.f32 v0;
	_ =	sdelay $0x8  }
0x169: {  	v0 =	vpop (erf)  }
0x16a: {  	[tilespmem:s10+$0x182F0] =	vst v0  }
0x16b: {  	v0 =	vld [tilespmem:s14+$0xFFFFFFF0]  }
0x16c: {  	v63 =	vld [tilespmem:s14+$0x40];
	_ =	sdelay $0x6  }
0x16d: {  	v0 =	vld.idx.msk [tilespmem:v0+s22+$0x0], $0xffff  }
0x16e: {  	v1 =	vld.idx.msk [tilespmem:v63+s23+$0x0], $0xffff;
	_ =	sdelay $0x4  }
0x16f: {  	v0 =	vadd.f32 v1, v0;
	_ =	sdelay $0x1  }
0x170: {  	v1 =	vmul.f32 $2.000000030e-01, v0  }
0x171: {  	vm15 =	vge.f32 v0, $0.0e+00  }
0x172: {  	v0 =	vsel vm15, v0, v1  }
0x173: {  	v0 =	vmul.f32 $1.442695020e+00, v0;
	_ =	sdelay $0x1  }
0x174: {  	(erf) = vpow2.f32 v0;
	_ =	sdelay $0x4  }
0x175: {  	p0 =	sne.s32 s9, $0x1E00  }
.Ltmp4:
0x176: {  	_ = 	snop;
	(pc) =	sbr.rel @p0 .LBB2_10-.Ltmp4, $3  }
0x177: {  	_ =	sdelay $0x1  }
0x178: {  	v0 =	vpop (erf)  }
0x179: {  	s9 =	sadd.s32 $0x140, s9;
	s14 =	sadd.s32 $0xA0, s14;
	[tilespmem:s10+$0x18300] =	vst v0  }
0x17a: {  	s14 =	simm.s32 $0x0  }
0x17b: {  	[tilespmem:s29], [sflag:$0x7] =	stream.linear.gather [hbm4b:s15+s14], $0xA0, $0x38;
	[tilespmem:$0x1F930] =	vst v63  }
0x17c: {  	_ =	swait.ge [sflag:s21], $0xA0  }
0x17d: {  	[sflag:s21] =	ssyncset.done $0x0  }
0x17e: {  	[sflag:s21] =	ssyncadd.s32 $0xFFFFFF60  }
0x17f: {  	[tilespmem:s22], [sflag:$0x3] =	stream.indirect.gather [hbm4b:s5+s30], $0x90, s29, s30, $0xb8;
	[tilespmem:$0x1F930] =	vst v63  }
0x180: {  	s15 =	simm.s32 $0x0;
	s9 =	rddreg [dreg:$0xc]  }
0x181: {  	[tilespmem:s31], [sflag:$0x2] =	stream.linear.gather [hbm4b:s9+s14], $0xA0, $0x38;
	[tilespmem:$0x1F930] =	vst v63  }
.LBB2_12:
0x182: {  	s9 =	sadd.s32 $0xFFFFFFFC, s14  }
0x183: {  	s10 =	sadd.s32 $0x4, s9  }
0x184: {  	v0 =	vmov s10  }
0x185: {  	_ =	swait.ge [sflag:s26], $0xA0;
	v0 =	vand.u32 $0xFFFFFFFC, v0  }
0x186: {  	[sflag:s26] =	ssyncset.done $0x0;
	v0 =	vbroadcast v0, $0x0  }
0x187: {  	[sflag:s26] =	ssyncadd.s32 $0xFFFFFF60  }
0x188: {  	[tilespmem:s0], [sflag:$0x4] =	stream.indirect.gather [hbm4b:s5+s30], $0x90, s31, s30, $0xb8;
	[tilespmem:$0x1F930] =	vst v63  }
0x189: {  	_ =	swait.ge [sflag:s3], $0x2D00  }
0x18a: {  	[sflag:s3] =	ssyncset.done $0x0  }
0x18b: {  	[sflag:s3] =	ssyncadd.s32 $0xFFFFD300  }
0x18c: {  	s18 =	simm.s32 $0x18CF0;
	v1 =	vld.idx.msk [tilespmem:v0+s1+$0x0], $0xffff  }
0x18d: {  	v0 =	vld [tilespmem:s18+$0xFFFFFEE0]  }
0x18e: {  	v2 =	vld [tilespmem:s18+$0xFFFFFF60]  }
0x18f: {  	v3 =	vld [tilespmem:s18+$0xFFFFFF00]  }
0x190: {  	v4 =	vld [tilespmem:s18+$0xFFFFFF10]  }
0x191: {  	v5 =	vld [tilespmem:s18+$0xFFFFFF30]  }
0x192: {  	v6 =	vld [tilespmem:s18+$0xFFFFFEF0];
	v0 =	vmul.f32 v0, v1  }
0x193: {  	v7 =	vld [tilespmem:s18+$0xFFFFFF40];
	v2 =	vmul.f32 v2, v1  }
0x194: {  	s20 =	sadd.s32 $0x5, s9;
	v8 =	vld [tilespmem:s18+$0xFFFFFF50];
	v3 =	vmul.f32 v3, v1;
	[tilespmem:s18+$0xFFFFFEE0] =	vst v0  }
0x195: {  	v9 =	vld [tilespmem:s18+$0xFFFFFF20];
	v4 =	vmul.f32 v4, v1;
	v0 =	vmov s20;
	[tilespmem:s18+$0xFFFFFF60] =	vst v2  }
0x196: {  	v2 =	vmul.f32 v5, v1;
	[tilespmem:s18+$0xFFFFFF00] =	vst v3;
	v0 =	vand.u32 $0xFFFFFFFD, v0  }
0x197: {  	v3 =	vmul.f32 v6, v1;
	[tilespmem:s18+$0xFFFFFF10] =	vst v4;
	v4 =	vbroadcast v0, $0x0  }
0x198: {  	v5 =	vmul.f32 v7, v1;
	[tilespmem:s18+$0xFFFFFF30] =	vst v2  }
0x199: {  	v2 =	vmul.f32 v8, v1;
	[tilespmem:s18+$0xFFFFFEF0] =	vst v3  }
0x19a: {  	v1 =	vmul.f32 v9, v1;
	[tilespmem:s18+$0xFFFFFF40] =	vst v5  }
0x19b: {  	[tilespmem:s18+$0xFFFFFF50] =	vst v2  }
0x19c: {  	[tilespmem:s18+$0xFFFFFF20] =	vst v1;
	v1 =	vld [tilespmem:s18+$0xFFFFFFF0]  }
0x19d: {  	v2 =	vld.idx.msk [tilespmem:v4+s1+$0x0], $0xffff  }
0x19e: {  	v4 =	vld [tilespmem:s18+$0xFFFFFFA0]  }
0x19f: {  	v5 =	vld [tilespmem:s18+$0xFFFFFFB0]  }
0x1a0: {  	v59 =	vld [tilespmem:s18+$0xFFFFFF70]  }
0x1a1: {  	v60 =	vld [tilespmem:s18+$0xFFFFFFC0]  }
0x1a2: {  	v61 =	vld [tilespmem:s18+$0xFFFFFF80];
	v1 =	vmul.f32 v1, v2  }
0x1a3: {  	v3 =	vld [tilespmem:s18+$0xFFFFFFD0];
	v4 =	vmul.f32 v4, v2  }
0x1a4: {  	s24 =	sadd.s32 $0x6, s9;
	v62 =	vld [tilespmem:s18+$0xFFFFFFE0];
	v5 =	vmul.f32 v5, v2;
	[tilespmem:s18+$0xFFFFFFF0] =	vst v1  }
0x1a5: {  	v10 =	vld [tilespmem:s18+$0xFFFFFF90];
	v6 =	vmul.f32 v59, v2;
	v1 =	vmov s24;
	[tilespmem:s18+$0xFFFFFFA0] =	vst v4  }
0x1a6: {  	v4 =	vmul.f32 v60, v2;
	[tilespmem:s18+$0xFFFFFFB0] =	vst v5;
	v1 =	vand.u32 $0xFFFFFFFE, v1  }
0x1a7: {  	v5 =	vmul.f32 v61, v2;
	[tilespmem:s18+$0xFFFFFF70] =	vst v6;
	v63 =	vbroadcast v1, $0x0  }
0x1a8: {  	v1 =	vmul.f32 v3, v2;
	[tilespmem:s18+$0xFFFFFFC0] =	vst v4  }
0x1a9: {  	v3 =	vmul.f32 v62, v2;
	[tilespmem:s18+$0xFFFFFF80] =	vst v5  }
0x1aa: {  	v0 =	vld [tilespmem:s18+$0x0];
	v2 =	vmul.f32 v10, v2;
	[tilespmem:s18+$0xFFFFFFD0] =	vst v1  }
0x1ab: {  	v1 =	vld [tilespmem:s18+$0x40];
	[tilespmem:s18+$0xFFFFFFE0] =	vst v3  }
0x1ac: {  	[tilespmem:s18+$0xFFFFFF90] =	vst v2;
	v3 =	vld [tilespmem:s18+$0x10]  }
0x1ad: {  	s19 =	simm.s32 $0x0;
	s9 =	sadd.s32 $0x7, s9;
	s24 =	simm.s32 $0x18CF0;
	v2 =	vld.idx.msk [tilespmem:v63+s1+$0x0], $0xffff  }
.LBB2_13:
0x1ae: {  	v4 =	vld [tilespmem:s18+$0x20];
	s24 =	sadd.s32 $0x240, s24;
	s10 =	smov.u32 s19;
	s19 =	sadd.s32 $0x4, s19  }
0x1af: {  	p0 =	slt.u32 s19, $0x4C;
	v5 =	vld [tilespmem:s18+$0x30]  }
0x1b0: {  	v6 =	vld [tilespmem:s18+$0x80]  }
0x1b1: {  	v7 =	vld [tilespmem:s18+$0x70]  }
0x1b2: {  	v8 =	vld [tilespmem:s18+$0x50]  }
0x1b3: {  	v0 =	vmul.f32 v0, v2;
	v1 =	vmul.f32 v1, v2  }
0x1b4: {  	v4 =	vmul.f32 v4, v2;
	v5 =	vmul.f32 v5, v2  }
0x1b5: {  	v3 =	vmul.f32 v3, v2;
	v9 =	vld [tilespmem:s18+$0x60];
	v6 =	vmul.f32 v6, v2;
	[tilespmem:s18+$0x0] =	vst v0  }
0x1b6: {  	v0 =	vld [tilespmem:s24+$0x0];
	v7 =	vmul.f32 v7, v2;
	[tilespmem:s18+$0x20] =	vst v4  }
0x1b7: {  	v4 =	vmul.f32 v8, v2;
	[tilespmem:s18+$0x10] =	vst v3  }
0x1b8: {  	[tilespmem:s18+$0x40] =	vst v1  }
0x1b9: {  	v3 =	vmov s9;
	v1 =	vld [tilespmem:s24+$0x40];
	[tilespmem:s18+$0x80] =	vst v6  }
0x1ba: {  	v2 =	vmul.f32 v9, v2;
	[tilespmem:s18+$0x70] =	vst v7;
	v6 =	vld [tilespmem:s18+$0x90]  }
0x1bb: {  	[tilespmem:s18+$0x30] =	vst v5;
	v5 =	vld [tilespmem:s18+$0x100]  }
0x1bc: {  	[tilespmem:s18+$0x50] =	vst v4;
	v4 =	vld [tilespmem:s18+$0xC0]  }
0x1bd: {  	[tilespmem:s18+$0x60] =	vst v2;
	v2 =	vld [tilespmem:s18+$0xD0]  }
0x1be: {  	v3 =	vld.idx.msk [tilespmem:v3+s1+$0x0], $0xffff  }
0x1bf: {  	v7 =	vld [tilespmem:s18+$0xA0]  }
0x1c0: {  	v8 =	vld [tilespmem:s18+$0xB0]  }
0x1c1: {  	v9 =	vld [tilespmem:s18+$0xE0]  }
0x1c2: {  	v10 =	vld [tilespmem:s18+$0xF0]  }
0x1c3: {  	v11 =	vld [tilespmem:s18+$0x110]  }
0x1c4: {  	v6 =	vmul.f32 v6, v3;
	v7 =	vmul.f32 v7, v3  }
0x1c5: {  	s9 =	sadd.s32 s10, s14;
	v4 =	vmul.f32 v4, v3;
	v8 =	vmul.f32 v8, v3  }
0x1c6: {  	s10 =	sadd.s32 $0x4, s9;
	s20 =	sadd.s32 $0x5, s9;
	s13 =	sadd.s32 $0x6, s9;
	v2 =	vmul.f32 v2, v3;
	v9 =	vmul.f32 v9, v3;
	[tilespmem:s18+$0x90] =	vst v6  }
0x1c7: {  	s9 =	sadd.s32 $0x7, s9;
	v5 =	vmul.f32 v5, v3;
	v6 =	vmov s10;
	v10 =	vmul.f32 v10, v3;
	[tilespmem:s18+$0xA0] =	vst v7  }
0x1c8: {  	v6 =	vand.u32 $0xFFFFFFFC, v6;
	v7 =	vmov s20;
	v3 =	vmul.f32 v11, v3;
	[tilespmem:s18+$0xC0] =	vst v4  }
0x1c9: {  	v4 =	vbroadcast v6, $0x0;
	v6 =	vand.u32 $0xFFFFFFFD, v7;
	v7 =	vmov s13;
	[tilespmem:s18+$0xD0] =	vst v2  }
0x1ca: {  	v2 =	vand.u32 $0xFFFFFFFE, v7;
	[tilespmem:s18+$0x100] =	vst v5  }
0x1cb: {  	v5 =	vld [tilespmem:s24+$0xFFFFFF30];
	[tilespmem:s18+$0x110] =	vst v3  }
0x1cc: {  	v3 =	vld [tilespmem:s24+$0xFFFFFF10];
	[tilespmem:s18+$0xB0] =	vst v8  }
0x1cd: {  	v7 =	vld [tilespmem:s24+$0xFFFFFF40];
	[tilespmem:s18+$0xE0] =	vst v9  }
0x1ce: {  	v8 =	vld [tilespmem:s24+$0xFFFFFF60];
	[tilespmem:s18+$0xF0] =	vst v10;
	s18 =	smov.u32 s24  }
0x1cf: {  	v4 =	vld.idx.msk [tilespmem:v4+s1+$0x0], $0xffff  }
0x1d0: {  	v9 =	vld [tilespmem:s24+$0xFFFFFEE0]  }
0x1d1: {  	v10 =	vld [tilespmem:s24+$0xFFFFFF00]  }
0x1d2: {  	v11 =	vld [tilespmem:s24+$0xFFFFFEF0]  }
0x1d3: {  	v12 =	vld [tilespmem:s24+$0xFFFFFF20]  }
0x1d4: {  	v13 =	vld [tilespmem:s24+$0xFFFFFF50]  }
0x1d5: {  	v8 =	vmul.f32 v8, v4;
	v9 =	vmul.f32 v9, v4  }
0x1d6: {  	v7 =	vmul.f32 v7, v4;
	v10 =	vmul.f32 v10, v4  }
0x1d7: {  	v3 =	vmul.f32 v3, v4;
	v11 =	vmul.f32 v11, v4;
	[tilespmem:s24+$0xFFFFFEE0] =	vst v9  }
0x1d8: {  	v5 =	vmul.f32 v5, v4;
	v9 =	vmul.f32 v12, v4;
	[tilespmem:s24+$0xFFFFFF60] =	vst v8  }
0x1d9: {  	v4 =	vmul.f32 v13, v4;
	[tilespmem:s24+$0xFFFFFF00] =	vst v10  }
0x1da: {  	[tilespmem:s24+$0xFFFFFF10] =	vst v3;
	v3 =	vbroadcast v6, $0x0  }
0x1db: {  	[tilespmem:s24+$0xFFFFFF30] =	vst v5  }
0x1dc: {  	[tilespmem:s24+$0xFFFFFEF0] =	vst v11;
	v5 =	vld [tilespmem:s24+$0xFFFFFFD0]  }
0x1dd: {  	[tilespmem:s24+$0xFFFFFF40] =	vst v7;
	v6 =	vld [tilespmem:s24+$0xFFFFFFC0]  }
0x1de: {  	[tilespmem:s24+$0xFFFFFF50] =	vst v4;
	v4 =	vld [tilespmem:s24+$0xFFFFFFA0]  }
0x1df: {  	[tilespmem:s24+$0xFFFFFF20] =	vst v9;
	v7 =	vld [tilespmem:s24+$0xFFFFFFF0]  }
0x1e0: {  	v3 =	vld.idx.msk [tilespmem:v3+s1+$0x0], $0xffff  }
0x1e1: {  	v8 =	vld [tilespmem:s24+$0xFFFFFF70]  }
0x1e2: {  	v9 =	vld [tilespmem:s24+$0xFFFFFF90]  }
0x1e3: {  	v10 =	vld [tilespmem:s24+$0xFFFFFFB0]  }
0x1e4: {  	v11 =	vld [tilespmem:s24+$0xFFFFFF80]  }
0x1e5: {  	v12 =	vld [tilespmem:s24+$0xFFFFFFE0]  }
0x1e6: {  	v7 =	vmul.f32 v7, v3;
	v8 =	vmul.f32 v8, v3  }
0x1e7: {  	v4 =	vmul.f32 v4, v3;
	v9 =	vmul.f32 v9, v3  }
0x1e8: {  	v6 =	vmul.f32 v6, v3;
	v10 =	vmul.f32 v10, v3;
	[tilespmem:s24+$0xFFFFFFF0] =	vst v7  }
0x1e9: {  	v5 =	vmul.f32 v5, v3;
	v7 =	vmul.f32 v11, v3;
	[tilespmem:s24+$0xFFFFFFA0] =	vst v4  }
0x1ea: {  	v3 =	vmul.f32 v12, v3;
	[tilespmem:s24+$0xFFFFFFB0] =	vst v10  }
0x1eb: {  	v2 =	vbroadcast v2, $0x0;
	[tilespmem:s24+$0xFFFFFF70] =	vst v8  }
0x1ec: {  	[tilespmem:s24+$0xFFFFFFC0] =	vst v6  }
.Ltmp5:
0x1ed: {  	[tilespmem:s24+$0xFFFFFF80] =	vst v7;
	(pc) =	sbr.rel @p0 .LBB2_13-.Ltmp5, $4  }
0x1ee: {  	[tilespmem:s24+$0xFFFFFF90] =	vst v9  }
0x1ef: {  	[tilespmem:s24+$0xFFFFFFD0] =	vst v5  }
0x1f0: {  	[tilespmem:s24+$0xFFFFFFE0] =	vst v3;
	v3 =	vld [tilespmem:s24+$0x10]  }
0x1f1: {  	v2 =	vld.idx.msk [tilespmem:v2+s1+$0x0], $0xffff  }
0x1f2: {  	_ = 	snop  }
0x1f3: {  	v4 =	vld [tilespmem:s18+$0x20];
	_ =	sdelay $0x1  }
0x1f4: {  	v5 =	vld [tilespmem:s18+$0x80]  }
0x1f5: {  	v6 =	vld [tilespmem:s18+$0x70];
	v0 =	vmul.f32 v0, v2  }
0x1f6: {  	v8 =	vld [tilespmem:s18+$0x50];
	v3 =	vmul.f32 v3, v2  }
0x1f7: {  	v7 =	vld [tilespmem:s18+$0x30];
	v4 =	vmul.f32 v4, v2;
	[tilespmem:s18+$0x0] =	vst v0  }
0x1f8: {  	v0 =	vmul.f32 v1, v2;
	v1 =	vld [tilespmem:s18+$0x60];
	[tilespmem:s18+$0x10] =	vst v3  }
0x1f9: {  	[tilespmem:s18+$0x20] =	vst v4;
	v4 =	vmul.f32 v5, v2  }
0x1fa: {  	v3 =	vmul.f32 v6, v2;
	[tilespmem:s18+$0x40] =	vst v0  }
0x1fb: {  	v5 =	vmul.f32 v8, v2;
	[tilespmem:s18+$0x80] =	vst v4;
	v4 =	vmov s9  }
0x1fc: {  	v0 =	vmul.f32 v7, v2;
	[tilespmem:s18+$0x70] =	vst v3  }
0x1fd: {  	[tilespmem:s18+$0x50] =	vst v5;
	v1 =	vmul.f32 v1, v2  }
0x1fe: {  	[tilespmem:s18+$0x30] =	vst v0  }
0x1ff: {  	v0 =	vld [tilespmem:s18+$0x90];
	[tilespmem:s18+$0x60] =	vst v1  }
0x200: {  	v1 =	vld.idx.msk [tilespmem:v4+s1+$0x0], $0xffff  }
0x201: {  	v2 =	vld [tilespmem:s18+$0xA0]  }
0x202: {  	v3 =	vld [tilespmem:s18+$0xC0]  }
0x203: {  	v4 =	vld [tilespmem:s18+$0xD0]  }
0x204: {  	v5 =	vld [tilespmem:s18+$0x100]  }
0x205: {  	v53 =	vld [tilespmem:s18+$0x110];
	v0 =	vmul.f32 v0, v1  }
0x206: {  	v54 =	vld [tilespmem:s18+$0xB0];
	v2 =	vmul.f32 v2, v1  }
0x207: {  	v55 =	vld [tilespmem:s18+$0xE0];
	v3 =	vmul.f32 v3, v1;
	[tilespmem:s18+$0x90] =	vst v0  }
0x208: {  	v4 =	vmul.f32 v4, v1;
	v0 =	vld [tilespmem:s18+$0xF0];
	[tilespmem:s18+$0xA0] =	vst v2  }
0x209: {  	v2 =	vmul.f32 v5, v1;
	[tilespmem:s18+$0xC0] =	vst v3  }
0x20a: {  	s13 =	sadd.s32 $0xFFFFFFFC, s14;
	v3 =	vmul.f32 v53, v1;
	[tilespmem:s18+$0xD0] =	vst v4  }
0x20b: {  	s10 =	sadd.s32 $0x54, s13;
	v4 =	vmul.f32 v54, v1;
	[tilespmem:s18+$0x100] =	vst v2  }
0x20c: {  	v2 =	vmul.f32 v55, v1;
	[tilespmem:s18+$0x110] =	vst v3;
	v3 =	vmov s10  }
0x20d: {  	[tilespmem:s18+$0xB0] =	vst v4;
	v0 =	vmul.f32 v0, v1;
	v1 =	vand.u32 $0xFFFFFFFC, v3  }
0x20e: {  	[tilespmem:s18+$0xE0] =	vst v2;
	v1 =	vbroadcast v1, $0x0  }
0x20f: {  	[tilespmem:s18+$0xF0] =	vst v0  }
0x210: {  	[spmem:s2] =	stream.indirect.scatter.add.f32 [tilespmem:s22], [sflag:$0x5], $0x90, s7, s30, $0xb8;
	[tilespmem:$0x1F930] =	vst v63  }
0x211: {  	_ =	swait.ge [sflag:s25], $0x2D00  }
0x212: {  	[sflag:s25] =	ssyncset.done $0x0  }
0x213: {  	[sflag:s25] =	ssyncadd.s32 $0xFFFFD300  }
0x214: {  	s18 =	simm.s32 $0x1B9F0;
	v1 =	vld.idx.msk [tilespmem:v1+s1+$0x0], $0xffff  }
0x215: {  	v0 =	vld [tilespmem:s18+$0xFFFFFEE0]  }
0x216: {  	v2 =	vld [tilespmem:s18+$0xFFFFFF60]  }
0x217: {  	v3 =	vld [tilespmem:s18+$0xFFFFFF00]  }
0x218: {  	v4 =	vld [tilespmem:s18+$0xFFFFFF10]  }
0x219: {  	v5 =	vld [tilespmem:s18+$0xFFFFFF30]  }
0x21a: {  	v56 =	vld [tilespmem:s18+$0xFFFFFEF0];
	v0 =	vmul.f32 v0, v1  }
0x21b: {  	v57 =	vld [tilespmem:s18+$0xFFFFFF40];
	v2 =	vmul.f32 v2, v1  }
0x21c: {  	s20 =	sadd.s32 $0x55, s13;
	v58 =	vld [tilespmem:s18+$0xFFFFFF50];
	v3 =	vmul.f32 v3, v1;
	[tilespmem:s18+$0xFFFFFEE0] =	vst v0  }
0x21d: {  	v9 =	vld [tilespmem:s18+$0xFFFFFF20];
	v4 =	vmul.f32 v4, v1;
	v0 =	vmov s20;
	[tilespmem:s18+$0xFFFFFF60] =	vst v2  }
0x21e: {  	v2 =	vmul.f32 v5, v1;
	[tilespmem:s18+$0xFFFFFF00] =	vst v3;
	v0 =	vand.u32 $0xFFFFFFFD, v0  }
0x21f: {  	v3 =	vmul.f32 v56, v1;
	[tilespmem:s18+$0xFFFFFF10] =	vst v4;
	v4 =	vbroadcast v0, $0x0  }
0x220: {  	v5 =	vmul.f32 v57, v1;
	[tilespmem:s18+$0xFFFFFF30] =	vst v2  }
0x221: {  	v2 =	vmul.f32 v58, v1;
	[tilespmem:s18+$0xFFFFFEF0] =	vst v3  }
0x222: {  	v1 =	vmul.f32 v9, v1;
	[tilespmem:s18+$0xFFFFFF40] =	vst v5  }
0x223: {  	[tilespmem:s18+$0xFFFFFF50] =	vst v2  }
0x224: {  	[tilespmem:s18+$0xFFFFFF20] =	vst v1;
	v1 =	vld [tilespmem:s18+$0xFFFFFFF0]  }
0x225: {  	v2 =	vld.idx.msk [tilespmem:v4+s1+$0x0], $0xffff  }
0x226: {  	v4 =	vld [tilespmem:s18+$0xFFFFFFA0]  }
0x227: {  	v5 =	vld [tilespmem:s18+$0xFFFFFFB0]  }
0x228: {  	v59 =	vld [tilespmem:s18+$0xFFFFFF70]  }
0x229: {  	v60 =	vld [tilespmem:s18+$0xFFFFFFC0]  }
0x22a: {  	v61 =	vld [tilespmem:s18+$0xFFFFFF80];
	v1 =	vmul.f32 v1, v2  }
0x22b: {  	v3 =	vld [tilespmem:s18+$0xFFFFFFD0];
	v4 =	vmul.f32 v4, v2  }
0x22c: {  	s24 =	sadd.s32 $0x56, s13;
	v62 =	vld [tilespmem:s18+$0xFFFFFFE0];
	v5 =	vmul.f32 v5, v2;
	[tilespmem:s18+$0xFFFFFFF0] =	vst v1  }
0x22d: {  	v10 =	vld [tilespmem:s18+$0xFFFFFF90];
	v6 =	vmul.f32 v59, v2;
	v1 =	vmov s24;
	[tilespmem:s18+$0xFFFFFFA0] =	vst v4  }
0x22e: {  	v4 =	vmul.f32 v60, v2;
	[tilespmem:s18+$0xFFFFFFB0] =	vst v5;
	v1 =	vand.u32 $0xFFFFFFFE, v1  }
0x22f: {  	v5 =	vmul.f32 v61, v2;
	[tilespmem:s18+$0xFFFFFF70] =	vst v6;
	v63 =	vbroadcast v1, $0x0  }
0x230: {  	v1 =	vmul.f32 v3, v2;
	[tilespmem:s18+$0xFFFFFFC0] =	vst v4  }
0x231: {  	v3 =	vmul.f32 v62, v2;
	[tilespmem:s18+$0xFFFFFF80] =	vst v5  }
0x232: {  	v0 =	vld [tilespmem:s18+$0x0];
	v2 =	vmul.f32 v10, v2;
	[tilespmem:s18+$0xFFFFFFD0] =	vst v1  }
0x233: {  	v1 =	vld [tilespmem:s18+$0x40];
	[tilespmem:s18+$0xFFFFFFE0] =	vst v3  }
0x234: {  	[tilespmem:s18+$0xFFFFFF90] =	vst v2;
	v3 =	vld [tilespmem:s18+$0x10]  }
0x235: {  	s19 =	simm.s32 $0x0;
	s9 =	sadd.s32 $0x57, s13;
	s24 =	simm.s32 $0x1B9F0;
	v2 =	vld.idx.msk [tilespmem:v63+s1+$0x0], $0xffff  }
.LBB2_15:
0x236: {  	v4 =	vld [tilespmem:s18+$0x20];
	s24 =	sadd.s32 $0x240, s24;
	s10 =	smov.u32 s19;
	s19 =	sadd.s32 $0x4, s19  }
0x237: {  	p0 =	slt.u32 s19, $0x4C;
	v5 =	vld [tilespmem:s18+$0x30]  }
0x238: {  	v6 =	vld [tilespmem:s18+$0x80]  }
0x239: {  	v7 =	vld [tilespmem:s18+$0x70]  }
0x23a: {  	v8 =	vld [tilespmem:s18+$0x50]  }
0x23b: {  	v0 =	vmul.f32 v0, v2;
	v1 =	vmul.f32 v1, v2  }
0x23c: {  	v4 =	vmul.f32 v4, v2;
	v5 =	vmul.f32 v5, v2  }
0x23d: {  	v3 =	vmul.f32 v3, v2;
	v9 =	vld [tilespmem:s18+$0x60];
	v6 =	vmul.f32 v6, v2;
	[tilespmem:s18+$0x0] =	vst v0  }
0x23e: {  	v0 =	vld [tilespmem:s24+$0x0];
	v7 =	vmul.f32 v7, v2;
	[tilespmem:s18+$0x20] =	vst v4  }
0x23f: {  	v4 =	vmul.f32 v8, v2;
	[tilespmem:s18+$0x10] =	vst v3  }
0x240: {  	[tilespmem:s18+$0x40] =	vst v1  }
0x241: {  	v3 =	vmov s9;
	v1 =	vld [tilespmem:s24+$0x40];
	[tilespmem:s18+$0x80] =	vst v6  }
0x242: {  	v2 =	vmul.f32 v9, v2;
	[tilespmem:s18+$0x70] =	vst v7;
	v6 =	vld [tilespmem:s18+$0x90]  }
0x243: {  	[tilespmem:s18+$0x30] =	vst v5;
	v5 =	vld [tilespmem:s18+$0x100]  }
0x244: {  	[tilespmem:s18+$0x50] =	vst v4;
	v4 =	vld [tilespmem:s18+$0xC0]  }
0x245: {  	[tilespmem:s18+$0x60] =	vst v2;
	v2 =	vld [tilespmem:s18+$0xD0]  }
0x246: {  	v3 =	vld.idx.msk [tilespmem:v3+s1+$0x0], $0xffff  }
0x247: {  	v7 =	vld [tilespmem:s18+$0xA0]  }
0x248: {  	v8 =	vld [tilespmem:s18+$0xB0]  }
0x249: {  	v9 =	vld [tilespmem:s18+$0xE0]  }
0x24a: {  	v10 =	vld [tilespmem:s18+$0xF0]  }
0x24b: {  	v11 =	vld [tilespmem:s18+$0x110]  }
0x24c: {  	v6 =	vmul.f32 v6, v3;
	v7 =	vmul.f32 v7, v3  }
0x24d: {  	s9 =	sadd.s32 s10, s14;
	v4 =	vmul.f32 v4, v3;
	v8 =	vmul.f32 v8, v3  }
0x24e: {  	s10 =	sadd.s32 $0x54, s9;
	s13 =	sadd.s32 $0x55, s9;
	s20 =	sadd.s32 $0x56, s9;
	v2 =	vmul.f32 v2, v3;
	v9 =	vmul.f32 v9, v3;
	[tilespmem:s18+$0x90] =	vst v6  }
0x24f: {  	s9 =	sadd.s32 $0x57, s9;
	v5 =	vmul.f32 v5, v3;
	v6 =	vmov s10;
	v10 =	vmul.f32 v10, v3;
	[tilespmem:s18+$0xA0] =	vst v7  }
0x250: {  	v6 =	vand.u32 $0xFFFFFFFC, v6;
	v7 =	vmov s13;
	v3 =	vmul.f32 v11, v3;
	[tilespmem:s18+$0xC0] =	vst v4  }
0x251: {  	v4 =	vbroadcast v6, $0x0;
	v6 =	vand.u32 $0xFFFFFFFD, v7;
	v7 =	vmov s20;
	[tilespmem:s18+$0xD0] =	vst v2  }
0x252: {  	v2 =	vand.u32 $0xFFFFFFFE, v7;
	[tilespmem:s18+$0x100] =	vst v5  }
0x253: {  	v5 =	vld [tilespmem:s24+$0xFFFFFF30];
	[tilespmem:s18+$0x110] =	vst v3  }
0x254: {  	v3 =	vld [tilespmem:s24+$0xFFFFFF10];
	[tilespmem:s18+$0xB0] =	vst v8  }
0x255: {  	v7 =	vld [tilespmem:s24+$0xFFFFFF40];
	[tilespmem:s18+$0xE0] =	vst v9  }
0x256: {  	v8 =	vld [tilespmem:s24+$0xFFFFFF60];
	[tilespmem:s18+$0xF0] =	vst v10;
	s18 =	smov.u32 s24  }
0x257: {  	v4 =	vld.idx.msk [tilespmem:v4+s1+$0x0], $0xffff  }
0x258: {  	v9 =	vld [tilespmem:s24+$0xFFFFFEE0]  }
0x259: {  	v10 =	vld [tilespmem:s24+$0xFFFFFF00]  }
0x25a: {  	v11 =	vld [tilespmem:s24+$0xFFFFFEF0]  }
0x25b: {  	v12 =	vld [tilespmem:s24+$0xFFFFFF20]  }
0x25c: {  	v13 =	vld [tilespmem:s24+$0xFFFFFF50]  }
0x25d: {  	v8 =	vmul.f32 v8, v4;
	v9 =	vmul.f32 v9, v4  }
0x25e: {  	v7 =	vmul.f32 v7, v4;
	v10 =	vmul.f32 v10, v4  }
0x25f: {  	v3 =	vmul.f32 v3, v4;
	v11 =	vmul.f32 v11, v4;
	[tilespmem:s24+$0xFFFFFEE0] =	vst v9  }
0x260: {  	v5 =	vmul.f32 v5, v4;
	v9 =	vmul.f32 v12, v4;
	[tilespmem:s24+$0xFFFFFF60] =	vst v8  }
0x261: {  	v4 =	vmul.f32 v13, v4;
	[tilespmem:s24+$0xFFFFFF00] =	vst v10  }
0x262: {  	[tilespmem:s24+$0xFFFFFF10] =	vst v3;
	v3 =	vbroadcast v6, $0x0  }
0x263: {  	[tilespmem:s24+$0xFFFFFF30] =	vst v5  }
0x264: {  	[tilespmem:s24+$0xFFFFFEF0] =	vst v11;
	v5 =	vld [tilespmem:s24+$0xFFFFFFD0]  }
0x265: {  	[tilespmem:s24+$0xFFFFFF40] =	vst v7;
	v6 =	vld [tilespmem:s24+$0xFFFFFFC0]  }
0x266: {  	[tilespmem:s24+$0xFFFFFF50] =	vst v4;
	v4 =	vld [tilespmem:s24+$0xFFFFFFA0]  }
0x267: {  	[tilespmem:s24+$0xFFFFFF20] =	vst v9;
	v7 =	vld [tilespmem:s24+$0xFFFFFFF0]  }
0x268: {  	v3 =	vld.idx.msk [tilespmem:v3+s1+$0x0], $0xffff  }
0x269: {  	v8 =	vld [tilespmem:s24+$0xFFFFFF70]  }
0x26a: {  	v9 =	vld [tilespmem:s24+$0xFFFFFF90]  }
0x26b: {  	v10 =	vld [tilespmem:s24+$0xFFFFFFB0]  }
0x26c: {  	v11 =	vld [tilespmem:s24+$0xFFFFFF80]  }
0x26d: {  	v12 =	vld [tilespmem:s24+$0xFFFFFFE0]  }
0x26e: {  	v7 =	vmul.f32 v7, v3;
	v8 =	vmul.f32 v8, v3  }
0x26f: {  	v4 =	vmul.f32 v4, v3;
	v9 =	vmul.f32 v9, v3  }
0x270: {  	v6 =	vmul.f32 v6, v3;
	v10 =	vmul.f32 v10, v3;
	[tilespmem:s24+$0xFFFFFFF0] =	vst v7  }
0x271: {  	v5 =	vmul.f32 v5, v3;
	v7 =	vmul.f32 v11, v3;
	[tilespmem:s24+$0xFFFFFFA0] =	vst v4  }
0x272: {  	v3 =	vmul.f32 v12, v3;
	[tilespmem:s24+$0xFFFFFFB0] =	vst v10  }
0x273: {  	v2 =	vbroadcast v2, $0x0;
	[tilespmem:s24+$0xFFFFFF70] =	vst v8  }
0x274: {  	[tilespmem:s24+$0xFFFFFFC0] =	vst v6  }
.Ltmp6:
0x275: {  	[tilespmem:s24+$0xFFFFFF80] =	vst v7;
	(pc) =	sbr.rel @p0 .LBB2_15-.Ltmp6, $4  }
0x276: {  	[tilespmem:s24+$0xFFFFFF90] =	vst v9  }
0x277: {  	[tilespmem:s24+$0xFFFFFFD0] =	vst v5  }
0x278: {  	[tilespmem:s24+$0xFFFFFFE0] =	vst v3;
	v3 =	vld [tilespmem:s24+$0x10]  }
0x279: {  	v2 =	vld.idx.msk [tilespmem:v2+s1+$0x0], $0xffff  }
0x27a: {  	_ =	sdelay $0x1  }
0x27b: {  	v4 =	vld [tilespmem:s18+$0x20]  }
0x27c: {  	v5 =	vld [tilespmem:s18+$0x80]  }
0x27d: {  	v6 =	vld [tilespmem:s18+$0x70];
	v0 =	vmul.f32 v0, v2  }
0x27e: {  	v7 =	vld [tilespmem:s18+$0x30];
	v3 =	vmul.f32 v3, v2  }
0x27f: {  	v8 =	vld [tilespmem:s18+$0x50];
	v44 =	vmul.f32 v1, v2;
	[tilespmem:s18+$0x0] =	vst v0  }
0x280: {  	v45 =	vld [tilespmem:s18+$0x60];
	v4 =	vmul.f32 v4, v2;
	[tilespmem:s18+$0x10] =	vst v3  }
0x281: {  	v46 =	vmul.f32 v5, v2;
	[tilespmem:s18+$0x40] =	vst v44  }
0x282: {  	v47 =	vmul.f32 v6, v2;
	[tilespmem:s18+$0x20] =	vst v4  }
0x283: {  	v49 =	vmov s9;
	v48 =	vmul.f32 v7, v2;
	[tilespmem:s18+$0x80] =	vst v46  }
0x284: {  	v50 =	vmul.f32 v8, v2;
	[tilespmem:s18+$0x70] =	vst v47  }
0x285: {  	v1 =	vmul.f32 v45, v2;
	[tilespmem:s18+$0x30] =	vst v48  }
0x286: {  	[tilespmem:s18+$0x50] =	vst v50  }
0x287: {  	v51 =	vld [tilespmem:s18+$0x90];
	[tilespmem:s18+$0x60] =	vst v1  }
0x288: {  	v1 =	vld.idx.msk [tilespmem:v49+s1+$0x0], $0xffff  }
0x289: {  	v52 =	vld [tilespmem:s18+$0xA0]  }
0x28a: {  	v53 =	vld [tilespmem:s18+$0xC0]  }
0x28b: {  	v54 =	vld [tilespmem:s18+$0xD0]  }
0x28c: {  	v55 =	vld [tilespmem:s18+$0x100]  }
0x28d: {  	v56 =	vld [tilespmem:s18+$0x110];
	v0 =	vmul.f32 v51, v1  }
0x28e: {  	v57 =	vld [tilespmem:s18+$0xB0];
	v2 =	vmul.f32 v52, v1  }
0x28f: {  	v58 =	vld [tilespmem:s18+$0xE0];
	v3 =	vmul.f32 v53, v1;
	[tilespmem:s18+$0x90] =	vst v0  }
0x290: {  	v59 =	vld [tilespmem:s18+$0xF0];
	v4 =	vmul.f32 v54, v1;
	[tilespmem:s18+$0xA0] =	vst v2  }
0x291: {  	v60 =	vmul.f32 v55, v1;
	[tilespmem:s18+$0xC0] =	vst v3  }
0x292: {  	v61 =	vmul.f32 v56, v1;
	[tilespmem:s18+$0xD0] =	vst v4  }
0x293: {  	v62 =	vmul.f32 v57, v1;
	[tilespmem:s18+$0x100] =	vst v60  }
0x294: {  	v63 =	vmul.f32 v58, v1;
	[tilespmem:s18+$0x110] =	vst v61  }
0x295: {  	v0 =	vmul.f32 v59, v1;
	[tilespmem:s18+$0xB0] =	vst v62  }
0x296: {  	s24 =	sshll.u32 s15, $0x1;
	[tilespmem:s18+$0xE0] =	vst v63  }
0x297: {  	s10 =	sadd.s32 s24, s16;
	[tilespmem:s18+$0xF0] =	vst v0  }
0x298: {  	[spmem:s2] =	stream.indirect.scatter.add.f32 [tilespmem:s0], [sflag:$0x6], $0x90, s8, s30, $0xb8;
	[tilespmem:$0x1F930] =	vst v63  }
0x299: {  	s10 =	smul.u32 $0x14, s10;
	_ =	swait.ge [sflag:s11], $0x2D00  }
0x29a: {  	[sflag:s11] =	ssyncset.done $0x0  }
0x29b: {  	s10 =	sadd.s32 s6, s10;
	[sflag:s11] =	ssyncadd.s32 $0xFFFFD300  }
0x29c: {  	[tilespmem:s29], [sflag:$0x1] =	stream.linear.gather [hbm4b:s10+s4], $0xA0, $0x38;
	[tilespmem:$0x1F930] =	vst v63  }
0x29d: {  	_ =	swait.ge [sflag:s28], $0xA0  }
0x29e: {  	s15 =	sadd.s32 $0x1, s15;
	[sflag:s28] =	ssyncset.done $0x0  }
0x29f: {  	s9 =	smin.u32 s24, $0x79;
	p0 =	sne.s32 s15, $0x3E;
	[sflag:s28] =	ssyncadd.s32 $0xFFFFFF60  }
0x2a0: {  	[tilespmem:s22], [sflag:$0x3] =	stream.indirect.gather [hbm4b:s5+s30], $0x90, s29, s30, $0xb8;
	[tilespmem:$0x1F930] =	vst v63  }
.Ltmp7:
0x2a1: {  	s9 =	sadd.s32 s9, s17;
	(pc) =	sbr.rel @p0 .LBB2_12-.Ltmp7, $4  }
0x2a2: {  	s9 =	smul.u32 $0x14, s9;
	_ =	swait.ge [sflag:s12], $0x2D00  }
0x2a3: {  	[sflag:s12] =	ssyncset.done $0x0  }
0x2a4: {  	s14 =	sadd.s32 $0xA0, s14;
	s9 =	sadd.s32 s6, s9;
	[sflag:s12] =	ssyncadd.s32 $0xFFFFD300  }
0x2a5: {  	[tilespmem:s31], [sflag:$0x2] =	stream.linear.gather [hbm4b:s9+s4], $0xA0, $0x38;
	[tilespmem:$0x1F930] =	vst v63  }
0x2a6: {  	s9 =	simm.s32 $0x26C0  }
0x2a7: {  	v0 =	vmov s9  }
0x2a8: {  	v0 =	vand.u32 $0xFFFFFFFC, v0  }
0x2a9: {  	_ =	swait.ge [sflag:s26], $0xA0;
	v0 =	vbroadcast v0, $0x0  }
0x2aa: {  	[sflag:s26] =	ssyncset.done $0x0  }
0x2ab: {  	[sflag:s26] =	ssyncadd.s32 $0xFFFFFF60  }
0x2ac: {  	_ =	swait.ge [sflag:s3], $0x2D00  }
0x2ad: {  	[sflag:s3] =	ssyncset.done $0x0  }
0x2ae: {  	[sflag:s3] =	ssyncadd.s32 $0xFFFFD300  }
0x2af: {  	s14 =	simm.s32 $0x18CF0;
	v1 =	vld.idx.msk [tilespmem:v0+s1+$0x0], $0xffff  }
0x2b0: {  	v0 =	vld [tilespmem:s14+$0xFFFFFEE0]  }
0x2b1: {  	v2 =	vld [tilespmem:s14+$0xFFFFFF60]  }
0x2b2: {  	v3 =	vld [tilespmem:s14+$0xFFFFFF00]  }
0x2b3: {  	v4 =	vld [tilespmem:s14+$0xFFFFFF10]  }
0x2b4: {  	v5 =	vld [tilespmem:s14+$0xFFFFFF30]  }
0x2b5: {  	v6 =	vld [tilespmem:s14+$0xFFFFFEF0];
	v0 =	vmul.f32 v0, v1  }
0x2b6: {  	v7 =	vld [tilespmem:s14+$0xFFFFFF40];
	v2 =	vmul.f32 v2, v1  }
0x2b7: {  	s20 =	simm.s32 $0x26C1;
	v8 =	vld [tilespmem:s14+$0xFFFFFF50];
	v3 =	vmul.f32 v3, v1;
	[tilespmem:s14+$0xFFFFFEE0] =	vst v0  }
0x2b8: {  	v9 =	vld [tilespmem:s14+$0xFFFFFF20];
	v0 =	vmul.f32 v4, v1;
	[tilespmem:s14+$0xFFFFFF60] =	vst v2;
	v2 =	vmov s20  }
0x2b9: {  	v4 =	vmul.f32 v5, v1;
	[tilespmem:s14+$0xFFFFFF00] =	vst v3;
	v2 =	vand.u32 $0xFFFFFFFD, v2  }
0x2ba: {  	v3 =	vmul.f32 v6, v1;
	[tilespmem:s14+$0xFFFFFF10] =	vst v0;
	v2 =	vbroadcast v2, $0x0  }
0x2bb: {  	v5 =	vmul.f32 v7, v1;
	[tilespmem:s14+$0xFFFFFF30] =	vst v4  }
0x2bc: {  	v4 =	vmul.f32 v8, v1;
	[tilespmem:s14+$0xFFFFFEF0] =	vst v3  }
0x2bd: {  	v1 =	vmul.f32 v9, v1;
	[tilespmem:s14+$0xFFFFFF40] =	vst v5  }
0x2be: {  	[tilespmem:s14+$0xFFFFFF50] =	vst v4  }
0x2bf: {  	[tilespmem:s14+$0xFFFFFF20] =	vst v1;
	v1 =	vld [tilespmem:s14+$0xFFFFFFF0]  }
0x2c0: {  	v2 =	vld.idx.msk [tilespmem:v2+s1+$0x0], $0xffff  }
0x2c1: {  	v4 =	vld [tilespmem:s14+$0xFFFFFFA0]  }
0x2c2: {  	v5 =	vld [tilespmem:s14+$0xFFFFFFB0]  }
0x2c3: {  	v60 =	vld [tilespmem:s14+$0xFFFFFFC0]  }
0x2c4: {  	v59 =	vld [tilespmem:s14+$0xFFFFFF70]  }
0x2c5: {  	v61 =	vld [tilespmem:s14+$0xFFFFFF80];
	v1 =	vmul.f32 v1, v2  }
0x2c6: {  	v3 =	vld [tilespmem:s14+$0xFFFFFFD0];
	v4 =	vmul.f32 v4, v2  }
0x2c7: {  	s24 =	simm.s32 $0x26C2;
	v62 =	vld [tilespmem:s14+$0xFFFFFFE0];
	v5 =	vmul.f32 v5, v2;
	[tilespmem:s14+$0xFFFFFFF0] =	vst v1  }
0x2c8: {  	v10 =	vld [tilespmem:s14+$0xFFFFFF90];
	v63 =	vmul.f32 v60, v2;
	[tilespmem:s14+$0xFFFFFFA0] =	vst v4;
	v4 =	vmov s24  }
0x2c9: {  	v1 =	vmul.f32 v59, v2;
	[tilespmem:s14+$0xFFFFFFB0] =	vst v5;
	v4 =	vand.u32 $0xFFFFFFFE, v4  }
0x2ca: {  	v5 =	vmul.f32 v61, v2;
	[tilespmem:s14+$0xFFFFFFC0] =	vst v63;
	v4 =	vbroadcast v4, $0x0  }
0x2cb: {  	[tilespmem:s14+$0xFFFFFF70] =	vst v1;
	v1 =	vmul.f32 v3, v2  }
0x2cc: {  	v3 =	vmul.f32 v62, v2;
	[tilespmem:s14+$0xFFFFFF80] =	vst v5  }
0x2cd: {  	v0 =	vld [tilespmem:s14+$0x0];
	v2 =	vmul.f32 v10, v2;
	[tilespmem:s14+$0xFFFFFFD0] =	vst v1  }
0x2ce: {  	v1 =	vld [tilespmem:s14+$0x40];
	[tilespmem:s14+$0xFFFFFFE0] =	vst v3  }
0x2cf: {  	[tilespmem:s14+$0xFFFFFF90] =	vst v2;
	v3 =	vld [tilespmem:s14+$0x10]  }
0x2d0: {  	s15 =	simm.s32 $0xFFFFFFFC;
	s18 =	simm.s32 $0x0;
	s19 =	simm.s32 $0x18CF0;
	v2 =	vld.idx.msk [tilespmem:v4+s1+$0x0], $0xffff  }
.LBB2_18:
0x2d1: {  	v4 =	vld [tilespmem:s14+$0x20];
	s19 =	sadd.s32 $0x240, s19;
	s9 =	smov.u32 s18;
	s18 =	sadd.s32 $0x4, s18  }
0x2d2: {  	p0 =	slt.u32 s18, $0x4C;
	v5 =	vld [tilespmem:s14+$0x30]  }
0x2d3: {  	v6 =	vld [tilespmem:s14+$0x80]  }
0x2d4: {  	v7 =	vld [tilespmem:s14+$0x70]  }
0x2d5: {  	v8 =	vld [tilespmem:s14+$0x50]  }
0x2d6: {  	v0 =	vmul.f32 v0, v2;
	v1 =	vmul.f32 v1, v2  }
0x2d7: {  	v4 =	vmul.f32 v4, v2;
	v5 =	vmul.f32 v5, v2  }
0x2d8: {  	v3 =	vmul.f32 v3, v2;
	v9 =	vld [tilespmem:s14+$0x60];
	v6 =	vmul.f32 v6, v2;
	[tilespmem:s14+$0x0] =	vst v0  }
0x2d9: {  	v0 =	vld [tilespmem:s19+$0x0];
	v7 =	vmul.f32 v7, v2;
	[tilespmem:s14+$0x20] =	vst v4  }
0x2da: {  	v4 =	vmul.f32 v8, v2;
	[tilespmem:s14+$0x10] =	vst v3  }
0x2db: {  	s10 =	sadd.s32 $0x26C7, s15;
	s15 =	smov.u32 s9;
	[tilespmem:s14+$0x40] =	vst v1  }
0x2dc: {  	v3 =	vmov s10;
	v1 =	vld [tilespmem:s19+$0x40];
	[tilespmem:s14+$0x80] =	vst v6  }
0x2dd: {  	v2 =	vmul.f32 v9, v2;
	[tilespmem:s14+$0x70] =	vst v7;
	v6 =	vld [tilespmem:s14+$0x90]  }
0x2de: {  	[tilespmem:s14+$0x30] =	vst v5;
	v5 =	vld [tilespmem:s14+$0x100]  }
0x2df: {  	[tilespmem:s14+$0x50] =	vst v4;
	v4 =	vld [tilespmem:s14+$0xC0]  }
0x2e0: {  	[tilespmem:s14+$0x60] =	vst v2;
	v2 =	vld [tilespmem:s14+$0xD0]  }
0x2e1: {  	v3 =	vld.idx.msk [tilespmem:v3+s1+$0x0], $0xffff  }
0x2e2: {  	v7 =	vld [tilespmem:s14+$0xA0]  }
0x2e3: {  	v8 =	vld [tilespmem:s14+$0xB0]  }
0x2e4: {  	v9 =	vld [tilespmem:s14+$0xE0]  }
0x2e5: {  	v10 =	vld [tilespmem:s14+$0xF0]  }
0x2e6: {  	v11 =	vld [tilespmem:s14+$0x110]  }
0x2e7: {  	v6 =	vmul.f32 v6, v3;
	v7 =	vmul.f32 v7, v3  }
0x2e8: {  	v4 =	vmul.f32 v4, v3;
	v8 =	vmul.f32 v8, v3  }
0x2e9: {  	s9 =	sadd.s32 $0x26C4, s15;
	v2 =	vmul.f32 v2, v3;
	v9 =	vmul.f32 v9, v3;
	[tilespmem:s14+$0x90] =	vst v6  }
0x2ea: {  	v5 =	vmul.f32 v5, v3;
	v6 =	vmov s9;
	v10 =	vmul.f32 v10, v3;
	[tilespmem:s14+$0xA0] =	vst v7  }
0x2eb: {  	v6 =	vand.u32 $0xFFFFFFFC, v6;
	v3 =	vmul.f32 v11, v3;
	[tilespmem:s14+$0xC0] =	vst v4  }
0x2ec: {  	v4 =	vbroadcast v6, $0x0;
	[tilespmem:s14+$0xD0] =	vst v2  }
0x2ed: {  	[tilespmem:s14+$0x100] =	vst v5  }
0x2ee: {  	v2 =	vld [tilespmem:s19+$0xFFFFFF30];
	[tilespmem:s14+$0x110] =	vst v3  }
0x2ef: {  	v3 =	vld [tilespmem:s19+$0xFFFFFF10];
	[tilespmem:s14+$0xB0] =	vst v8  }
0x2f0: {  	v5 =	vld [tilespmem:s19+$0xFFFFFF40];
	[tilespmem:s14+$0xE0] =	vst v9  }
0x2f1: {  	v6 =	vld [tilespmem:s19+$0xFFFFFF60];
	[tilespmem:s14+$0xF0] =	vst v10;
	s14 =	smov.u32 s19  }
0x2f2: {  	v4 =	vld.idx.msk [tilespmem:v4+s1+$0x0], $0xffff  }
0x2f3: {  	v7 =	vld [tilespmem:s19+$0xFFFFFEE0]  }
0x2f4: {  	v8 =	vld [tilespmem:s19+$0xFFFFFF00]  }
0x2f5: {  	v9 =	vld [tilespmem:s19+$0xFFFFFEF0]  }
0x2f6: {  	v10 =	vld [tilespmem:s19+$0xFFFFFF20]  }
0x2f7: {  	v11 =	vld [tilespmem:s19+$0xFFFFFF50]  }
0x2f8: {  	v6 =	vmul.f32 v6, v4;
	v7 =	vmul.f32 v7, v4  }
0x2f9: {  	v5 =	vmul.f32 v5, v4;
	v8 =	vmul.f32 v8, v4  }
0x2fa: {  	s9 =	sadd.s32 $0x26C5, s15;
	v3 =	vmul.f32 v3, v4;
	v9 =	vmul.f32 v9, v4;
	[tilespmem:s19+$0xFFFFFEE0] =	vst v7  }
0x2fb: {  	v2 =	vmul.f32 v2, v4;
	v7 =	vmul.f32 v10, v4;
	[tilespmem:s19+$0xFFFFFF60] =	vst v6;
	v6 =	vmov s9  }
0x2fc: {  	v4 =	vmul.f32 v11, v4;
	[tilespmem:s19+$0xFFFFFF00] =	vst v8;
	v6 =	vand.u32 $0xFFFFFFFD, v6  }
0x2fd: {  	[tilespmem:s19+$0xFFFFFF10] =	vst v3;
	v3 =	vbroadcast v6, $0x0  }
0x2fe: {  	[tilespmem:s19+$0xFFFFFF30] =	vst v2  }
0x2ff: {  	[tilespmem:s19+$0xFFFFFEF0] =	vst v9;
	v2 =	vld [tilespmem:s19+$0xFFFFFFD0]  }
0x300: {  	[tilespmem:s19+$0xFFFFFF40] =	vst v5;
	v5 =	vld [tilespmem:s19+$0xFFFFFFC0]  }
0x301: {  	[tilespmem:s19+$0xFFFFFF50] =	vst v4;
	v4 =	vld [tilespmem:s19+$0xFFFFFFA0]  }
0x302: {  	[tilespmem:s19+$0xFFFFFF20] =	vst v7;
	v6 =	vld [tilespmem:s19+$0xFFFFFFF0]  }
0x303: {  	v3 =	vld.idx.msk [tilespmem:v3+s1+$0x0], $0xffff  }
0x304: {  	v7 =	vld [tilespmem:s19+$0xFFFFFF70]  }
0x305: {  	v8 =	vld [tilespmem:s19+$0xFFFFFF90]  }
0x306: {  	v9 =	vld [tilespmem:s19+$0xFFFFFFB0]  }
0x307: {  	v10 =	vld [tilespmem:s19+$0xFFFFFF80]  }
0x308: {  	v11 =	vld [tilespmem:s19+$0xFFFFFFE0]  }
0x309: {  	v6 =	vmul.f32 v6, v3;
	v7 =	vmul.f32 v7, v3  }
0x30a: {  	v4 =	vmul.f32 v4, v3;
	v8 =	vmul.f32 v8, v3  }
0x30b: {  	s9 =	sadd.s32 $0x26C6, s15;
	v5 =	vmul.f32 v5, v3;
	v9 =	vmul.f32 v9, v3;
	[tilespmem:s19+$0xFFFFFFF0] =	vst v6  }
0x30c: {  	v2 =	vmul.f32 v2, v3;
	v6 =	vmul.f32 v10, v3;
	[tilespmem:s19+$0xFFFFFFA0] =	vst v4;
	v4 =	vmov s9  }
0x30d: {  	v3 =	vmul.f32 v11, v3;
	[tilespmem:s19+$0xFFFFFFB0] =	vst v9;
	v4 =	vand.u32 $0xFFFFFFFE, v4  }
0x30e: {  	[tilespmem:s19+$0xFFFFFF70] =	vst v7;
	v4 =	vbroadcast v4, $0x0  }
0x30f: {  	[tilespmem:s19+$0xFFFFFFC0] =	vst v5  }
.Ltmp8:
0x310: {  	[tilespmem:s19+$0xFFFFFF80] =	vst v6;
	(pc) =	sbr.rel @p0 .LBB2_18-.Ltmp8, $4  }
0x311: {  	[tilespmem:s19+$0xFFFFFF90] =	vst v8  }
0x312: {  	[tilespmem:s19+$0xFFFFFFD0] =	vst v2  }
0x313: {  	[tilespmem:s19+$0xFFFFFFE0] =	vst v3;
	v3 =	vld [tilespmem:s19+$0x10]  }
0x314: {  	v2 =	vld.idx.msk [tilespmem:v4+s1+$0x0], $0xffff  }
0x315: {  	_ =	sdelay $0x1  }
0x316: {  	v4 =	vld [tilespmem:s14+$0x20]  }
0x317: {  	v5 =	vld [tilespmem:s14+$0x80]  }
0x318: {  	v6 =	vld [tilespmem:s14+$0x70];
	v0 =	vmul.f32 v0, v2  }
0x319: {  	v7 =	vld [tilespmem:s14+$0x30];
	v3 =	vmul.f32 v3, v2  }
0x31a: {  	v8 =	vld [tilespmem:s14+$0x50];
	v44 =	vmul.f32 v1, v2;
	[tilespmem:s14+$0x0] =	vst v0  }
0x31b: {  	v45 =	vld [tilespmem:s14+$0x60];
	v4 =	vmul.f32 v4, v2;
	[tilespmem:s14+$0x10] =	vst v3  }
0x31c: {  	v46 =	vmul.f32 v5, v2;
	[tilespmem:s14+$0x40] =	vst v44  }
0x31d: {  	s9 =	sadd.s32 $0x26C7, s15;
	v47 =	vmul.f32 v6, v2;
	[tilespmem:s14+$0x20] =	vst v4  }
0x31e: {  	v49 =	vmov s9;
	v48 =	vmul.f32 v7, v2;
	[tilespmem:s14+$0x80] =	vst v46  }
0x31f: {  	v50 =	vmul.f32 v8, v2;
	[tilespmem:s14+$0x70] =	vst v47  }
0x320: {  	v1 =	vmul.f32 v45, v2;
	[tilespmem:s14+$0x30] =	vst v48  }
0x321: {  	[tilespmem:s14+$0x50] =	vst v50  }
0x322: {  	v51 =	vld [tilespmem:s14+$0x90];
	[tilespmem:s14+$0x60] =	vst v1  }
0x323: {  	v1 =	vld.idx.msk [tilespmem:v49+s1+$0x0], $0xffff  }
0x324: {  	v52 =	vld [tilespmem:s14+$0xA0]  }
0x325: {  	v53 =	vld [tilespmem:s14+$0xC0]  }
0x326: {  	v54 =	vld [tilespmem:s14+$0xD0]  }
0x327: {  	v55 =	vld [tilespmem:s14+$0x100]  }
0x328: {  	v56 =	vld [tilespmem:s14+$0x110];
	v0 =	vmul.f32 v51, v1  }
0x329: {  	v57 =	vld [tilespmem:s14+$0xB0];
	v2 =	vmul.f32 v52, v1  }
0x32a: {  	v58 =	vld [tilespmem:s14+$0xE0];
	v3 =	vmul.f32 v53, v1;
	[tilespmem:s14+$0x90] =	vst v0  }
0x32b: {  	v59 =	vld [tilespmem:s14+$0xF0];
	v4 =	vmul.f32 v54, v1;
	[tilespmem:s14+$0xA0] =	vst v2  }
0x32c: {  	v60 =	vmul.f32 v55, v1;
	[tilespmem:s14+$0xC0] =	vst v3  }
0x32d: {  	v61 =	vmul.f32 v56, v1;
	[tilespmem:s14+$0xD0] =	vst v4  }
0x32e: {  	v62 =	vmul.f32 v57, v1;
	[tilespmem:s14+$0x100] =	vst v60  }
0x32f: {  	v63 =	vmul.f32 v58, v1;
	[tilespmem:s14+$0x110] =	vst v61  }
0x330: {  	v0 =	vmul.f32 v59, v1;
	[tilespmem:s14+$0xB0] =	vst v62  }
0x331: {  	[tilespmem:s14+$0xE0] =	vst v63  }
0x332: {  	[tilespmem:s14+$0xF0] =	vst v0  }
0x333: {  	[spmem:s2] =	stream.indirect.scatter.add.f32 [tilespmem:s22], [sflag:$0x5], $0x90, s7, s30, $0xb8;
	[tilespmem:$0x1F930] =	vst v63  }
0x334: {  	_ =	swait.ge [sflag:s11], $0x2D00  }
0x335: {  	[sflag:s11] =	ssyncset.done $0x0  }
0x336: {  	[sflag:s11] =	ssyncadd.s32 $0xFFFFD300  }
0x337: {  	[bflag:$0x0] =	sbarrier.arrive $0xFFFF  }
0x338: {  	s13 =	rddreg [dreg:$0x6]  }
0x339: {  	s19 =	rddreg [dreg:$0xd]  }
0x33a: {  	s10 =	rddreg [dreg:$0xf]  }
0x33b: {  	[hbm:s19], [sflag:s13] =	dma.local [spmem:s10], $0x2C70  }
0x33c: {  	_ =	swait.ge [sflag:s21], $0x2C70  }
0x33d: {  	s20 =	rddreg [dreg:$0x10]  }
0x33e: {  	s24 =	rddreg [dreg:$0xe];
	s14 =	sadd.s32 $0x1, s20  }
0x33f: {  	p0 =	sne.s32 s14, s24  }
.Ltmp9:
0x340: {  	_ = 	snop;
	(pc) =	sbr.rel @p0 .LBB2_1-.Ltmp9, $3  }
0x341: {  	_ =	sdelay $0x1  }
0x342: {  	s18 =	simm.s32 $0x1D9F0;
	[sflag:s21] =	ssyncset.done $0x0  }
0x343: {  	s19 =	simm.s32 $0x1E990;
	s15 =	rddreg [dreg:$0x7];
	[sflag:s21] =	ssyncadd.s32 $0xFFFFD390  }
0x344: {  	_ =	sfence.sel $0x180000  }
0x345: {  	[bflag:$0x0] =	sbarrier.arrive $0xFFFF  }
0x346: {  	_ =	strace $0x9000004A  }
0x347: {  	s0 =	stileid.u32;
	[bflag:$0x2] =	sbarrier.arrive $0xFFFF  }
0x348: {  	p0 =	sne.s32 s0, $0x0;
	s0 =	rddreg [dreg:$0x3]  }
0x349: {  	s0 =	sadd.s32 @!p0 $0x100000, s0  }
0x34a: {  	[sflag:s0] =	ssyncadd.tile.s32 @!p0 $0x1;
	_ =	shalt  }
.Lfunc_end2:
_tile_overlayer_lowered:
.L_overlay_start_2:
0x34b: {  	(tag) =	ssettag $0x2  }
0x34c: {  	s0 =	rddreg [dreg:$0x0];
	s2 =	stileid.u32  }
0x34d: {  	s1 =	rddreg [dreg:$0x1];
	p0 =	sne.s32 s2, $0x0  }
0x34e: {  	s3 =	rddreg [dreg:$0x2];
	[bflag:$0x3] =	sbarrier.arrive $0xFFFF;
	s2 =	simm.s32 @!p0 $0x1C07  }
0x34f: {  	[timem:s3], [sflag:s2] =	dma.local @!p0 [hbm:s0], s1  }
0x350: {  	s0 =	simm.s32 @!p0 $0x7  }
0x351: {  	_ =	swait.ge @!p0 [sflag:s0], s1  }
0x352: {  	s1 =	ssub.s32 @!p0 $0x0, s1;
	[sflag:s0] =	ssyncset.done @!p0 $0x0  }
0x353: {  	[sflag:s0] =	ssyncadd.s32 @!p0 s1  }
0x354: {  	[bflag:$0x3] =	sbarrier.arrive $0xFFFF  }
0x355: {  	_ =	shalt  }

// kernel: kernel.7.cloned.1.call-start
scs
__scs_entry_jumppad:
0x0: {  	(pc) =	sbr.rel $0x88, $3  }
0x1: {  	(tag) =	ssettag $0x0;
	lr =	simm.s32 $0x1  }
0x2: {  	[smem:$0x3F97] =	sst lr;
	_ =	strace $0xD0000000  }
0x3: {  	_ = 	snop  }
0x4: {  	_ = 	snop  }
0x5: {  	_ = 	snop  }
0x6: {  	_ = 	snop  }
0x7: {  	_ = 	snop  }
__scs_overlays_trampoline_lowered:
0x8: {  	[smem:$0x3FA6] =	sst s0  }
0x9: {  	[smem:$0x3FA7] =	sst s1  }
0xa: {  	[smem:$0x3FA8] =	sst s2  }
0xb: {  	[smem:$0x3FA9] =	sst s3  }
0xc: {  	[smem:$0x3FAA] =	sst s4  }
0xd: {  	[smem:$0x3FAB] =	sst s5  }
0xe: {  	[smem:$0x3FAC] =	sst s6  }
0xf: {  	[smem:$0x3FAD] =	sst s7  }
0x10: {  	[smem:$0x3FAE] =	sst s8  }
0x11: {  	[smem:$0x3FAF] =	sst s9;
	s0 =	simm.s32 @!p0 $0x0  }
0x12: {  	s1 =	sld [smem:$0x3F95];
	s0 =	simm.s32 @p0 $0x1  }
0x13: {  	[smem:$0x3FB0] =	sst s0;
	s0 =	simm.s32 @!p1 $0x0  }
0x14: {  	s2 =	sld [smem:$0x3F94];
	s0 =	simm.s32 @p1 $0x1  }
0x15: {  	[smem:$0x3FB1] =	sst s0;
	s0 =	simm.s32 @!p2 $0x0  }
0x16: {  	s3 =	sld [smem:$0x3FDB];
	s0 =	simm.s32 @p2 $0x1  }
0x17: {  	s4 =	simm.s32 $0x1BF5;
	[smem:$0x3FB3] =	sst s0  }
0x18: {  	s0 =	sld [smem:$0x3F96];
	_ =	swait.ge [sflag:s4], $0x0  }
0x19: {  	s7 =	sld [smem:$0x3F97]  }
0x1a: {  	s8 =	sadd.s32 $0xFFFFE003, lr  }
0x1b: {  	s9 =	sadd.s32 $0xFFFFFEF7, lr;
	s5 =	simm.s32 $0xFFFFFFFF;
	p2 =	slt.u32 s8, $0xFFFFF086  }
0x1c: {  	p1 =	slt.u32 s9, $0xF7A;
	s5 =	simm.s32 @!p2 $0x0  }
0x1d: {  	s5 =	simm.s32 @p1 $0x1;
	p0 =	seq.s32 s7, s2  }
0x1e: {  	s7 =	smul.u32 @!p0 $0xF7A, s2;
	p2 =	seq.s32 @!p0 s5, $0x0  }
0x1f: {  	s9 =	smul.u32 $0xF7A, s1;
	s8 =	simm.s32 @!p0 $0x1BF5;
	p2 =	por !p2, p0  }
0x20: {  	[sflag:s8] =	ssyncset.s32 @!p0 $0xFFFFF086;
	s6 =	sadd.s32 @!p0 s3, s7;
	s7 =	simm.s32 @!p0 $0x108  }
0x21: {  	s3 =	sadd.s32 s3, s9;
	s6 =	sadd.s32 @!p0 $0x88, s6;
	s7 =	simm.s32 @p2 $0x1082  }
0x22: {  	[simem:s7], [sflag:s8] =	dma.local @!p0 [hbm:s6], $0xF7A  }
0x23: {  	s9 =	sor.u32 $0xD0000000, s2;
	s6 =	simm.s32 $0x108;
	_ =	swait.ge @!p0 [sflag:s8], $0x0  }
0x24: {  	s3 =	sadd.s32 $0x88, s3;
	s6 =	simm.s32 @!p1 $0x1082;
	[sflag:s4] =	ssyncset.s32 $0xFFFFF086  }
0x25: {  	[simem:s6], [sflag:s4] =	dma.local [hbm:s3], $0xF7A  }
0x26: {  	[smem:$0x3F97] =	sst s1;
	(tag) =	ssettag s2;
	_ =	strace s9  }
0x27: {  	s1 =	sld [smem:$0x3FA7]  }
0x28: {  	s2 =	sld [smem:$0x3FA8]  }
0x29: {  	s4 =	sld [smem:$0x3FAA]  }
0x2a: {  	p0 =	seq.s32 s5, $0x0;
	s5 =	sld [smem:$0x3FAB]  }
0x2b: {  	s6 =	sld [smem:$0x3FAC]  }
0x2c: {  	s7 =	sld [smem:$0x3FAD]  }
0x2d: {  	s3 =	simm.s32 $0x108;
	s8 =	sld [smem:$0x3FAE]  }
0x2e: {  	s3 =	simm.s32 @!p0 $0x1082;
	s9 =	sld [smem:$0x3FAF]  }
0x2f: {  	lr =	sadd.s32 s0, s3;
	s0 =	sld [smem:$0x3FA6]  }
0x30: {  	s3 =	sld [smem:$0x3FA9]  }
0x31: {  	[smem:$0x3FB2] =	sst s10  }
0x32: {  	s10 =	sld [smem:$0x3FB0];
	_ =	sdelay $0x3  }
0x33: {  	p0 =	seq.s32 s10, $0x1;
	s10 =	sld [smem:$0x3FB2];
	_ =	sdelay $0x3  }
0x34: {  	[smem:$0x3FB2] =	sst s10  }
0x35: {  	s10 =	sld [smem:$0x3FB1];
	_ =	sdelay $0x3  }
0x36: {  	p1 =	seq.s32 s10, $0x1;
	s10 =	sld [smem:$0x3FB2];
	_ =	sdelay $0x3  }
0x37: {  	[smem:$0x3FB2] =	sst s10  }
0x38: {  	s10 =	sld [smem:$0x3FB3]  }
0x39: {  	_ = 	snop;
	(pc) =	sbr.ind lr, $3  }
0x3a: {  	_ = 	snop  }
0x3b: {  	_ = 	snop  }
0x3c: {  	p2 =	seq.s32 s10, $0x1;
	s10 =	sld [smem:$0x3FB2]  }
0x3d: {  	_ =	shalt  }
0x3e: {  	_ =	shalt  }
0x3f: {  	_ =	shalt  }
0x40: {  	_ =	shalt  }
0x41: {  	_ =	shalt  }
0x42: {  	_ =	shalt  }
0x43: {  	_ =	shalt  }
0x44: {  	_ =	shalt  }
0x45: {  	_ =	shalt  }
0x46: {  	_ =	shalt  }
0x47: {  	_ =	shalt  }
0x48: {  	_ =	shalt  }
0x49: {  	_ =	shalt  }
0x4a: {  	_ =	shalt  }
0x4b: {  	_ =	shalt  }
0x4c: {  	_ =	shalt  }
0x4d: {  	_ =	shalt  }
0x4e: {  	_ =	shalt  }
0x4f: {  	_ =	shalt  }
0x50: {  	_ =	shalt  }
0x51: {  	_ =	shalt  }
0x52: {  	_ =	shalt  }
0x53: {  	_ =	shalt  }
0x54: {  	_ =	shalt  }
0x55: {  	_ =	shalt  }
0x56: {  	_ =	shalt  }
0x57: {  	_ =	shalt  }
0x58: {  	_ =	shalt  }
0x59: {  	_ =	shalt  }
0x5a: {  	_ =	shalt  }
0x5b: {  	_ =	shalt  }
0x5c: {  	_ =	shalt  }
0x5d: {  	_ =	shalt  }
0x5e: {  	_ =	shalt  }
0x5f: {  	_ =	shalt  }
0x60: {  	_ =	shalt  }
0x61: {  	_ =	shalt  }
0x62: {  	_ =	shalt  }
0x63: {  	_ =	shalt  }
0x64: {  	_ =	shalt  }
0x65: {  	_ =	shalt  }
0x66: {  	_ =	shalt  }
0x67: {  	_ =	shalt  }
0x68: {  	_ =	shalt  }
0x69: {  	_ =	shalt  }
0x6a: {  	_ =	shalt  }
0x6b: {  	_ =	shalt  }
0x6c: {  	_ =	shalt  }
0x6d: {  	_ =	shalt  }
0x6e: {  	_ =	shalt  }
0x6f: {  	_ =	shalt  }
0x70: {  	_ =	shalt  }
0x71: {  	_ =	shalt  }
0x72: {  	_ =	shalt  }
0x73: {  	_ =	shalt  }
0x74: {  	_ =	shalt  }
0x75: {  	_ =	shalt  }
0x76: {  	_ =	shalt  }
0x77: {  	_ =	shalt  }
0x78: {  	_ =	shalt  }
0x79: {  	_ =	shalt  }
0x7a: {  	_ =	shalt  }
0x7b: {  	_ =	shalt  }
0x7c: {  	_ =	shalt  }
0x7d: {  	_ =	shalt  }
0x7e: {  	_ =	shalt  }
0x7f: {  	_ =	shalt  }
0x80: {  	_ =	shalt  }
0x81: {  	_ =	shalt  }
0x82: {  	_ =	shalt  }
0x83: {  	_ =	shalt  }
0x84: {  	_ =	shalt  }
0x85: {  	_ =	shalt  }
0x86: {  	_ =	shalt  }
0x87: {  	_ =	shalt  }
.Lfunc_end0:
.L_simem_size_0:
called_computation_lowered:
.L_overlay_start_0:
0x88: {  	s2 =	sld [smem:$0x3FD9]  }
0x89: {  	s3 =	sld [smem:$0x3FFE];
	_ =	sdelay $0x1  }
0x8a: {  	s1 =	srdreg.scid  }
0x8b: {  	s0 =	sand.u32 $0x1, s1  }
0x8c: {  	s16 =	sshll.u32 s0, $0xA;
	s2 =	sadd.s32 s3, s2  }
0x8d: {  	s2 =	sadd.s32 s2, s16  }
0x8e: {  	[smem:$0x3FBE] =	sst s2  }
0x8f: {  	_ = 	snop  }
0x90: {  	(tm) =	ssettm $0x1  }
0x91: {  	s17 =	sld [smem:$0x3FFB];
	_ =	sdelay $0x3  }
0x92: {  	_ =	strace s17  }
0x93: {  	s2 =	sld [smem:$0x3FFC];
	_ =	sdelay $0x3  }
0x94: {  	_ =	strace s2  }
0x95: {  	s2 =	sld [smem:$0x3FFD];
	_ =	sdelay $0x3  }
0x96: {  	_ =	strace s2  }
0x97: {  	_ =	strace $0x8FFFFFFF  }
0x98: {  	s18 =	sld [smem:$0x3FDB];
	_ =	sdelay $0x1  }
0x99: {  	s19 =	simm.s32 $_scs_section_size  }
0x9a: {  	s4 =	simm.s32 $_size__tile_overlayer_lowered;
	s5 =	simm.s32 $_tile_overlayer_lowered  }
0x9b: {  	s22 =	simm.s32 $0x1BFF;
	s21 =	sshll.u32 s5, $0x1;
	s2 =	sadd.s32 s19, s18  }
0x9c: {  	s6 =	simm.s32 $0x0;
	s20 =	sshll.u32 s4, $0x1;
	s4 =	sadd.s32 s21, s2  }
0x9d: {  	[timem:s6], [sflag:s22] =	dma.local [hbm:s4], s20  }
0x9e: {  	_ =	swait.ge [sflag:s22], s20  }
0x9f: {  	s3 =	ssub.s32 $0x0, s20;
	[sflag:s22] =	ssyncset.done $0x0  }
0xa0: {  	[sflag:s22] =	ssyncadd.s32 s3;
	_ =	sdelay $0x1  }
0xa1: {  	s23 =	simm.s32 $0x1B8B  }
0xa2: {  	_ =	swait.ge [sflag:s23], $0x1  }
0xa3: {  	[sflag:s23] =	ssyncset.done $0x0  }
0xa4: {  	s25 =	simm.s32 $0x1B8E;
	s24 =	sld [smem:$0x3FFE];
	[sflag:s23] =	ssyncadd.s32 $0xFFFFFFFF  }
0xa5: {  	s26 =	simm.s32 $execute0_lowered;
	[smem:$0x3FD2] =	sst s25  }
0xa6: {  	s4 =	sshll.u32 s26, $0x1;
	_ =	strace $0x80000046;
	[dreg:$0x1] =	wrdreg $0xFFFFFFFF  }
0xa7: {  	s28 =	simm.s32 $_size_execute0_lowered;
	s2 =	sadd.s32 s2, s4;
	[dreg:$0x0] =	wrdreg $0x0  }
0xa8: {  	s4 =	sshll.u32 s28, $0x1;
	[dreg:$0x2] =	wrdreg s2  }
0xa9: {  	[dreg:$0x3] =	wrdreg s4  }
0xaa: {  	[dreg:$0x4] =	wrdreg $0xC0  }
0xab: {  	_ =	task [dreg:s6], $0x5FFFF  }
0xac: {  	[dreg:$0x1] =	wrdreg $0xFFFFFFFF  }
0xad: {  	[dreg:$0x0] =	wrdreg $0x60  }
0xae: {  	[dreg:$0x2] =	wrdreg s24  }
0xaf: {  	[dreg:$0x3] =	wrdreg $0x0  }
0xb0: {  	[dreg:$0x4] =	wrdreg $0x9  }
0xb1: {  	_ =	task.clear_ibuf [dreg:s6], $0x5FFFF;
	_ =	strace $0x90000046  }
0xb2: {  	s29 =	simm.s32 $0x9;
	_ =	strace $0x80000048  }
0xb3: {  	_ =	swait.ge [sflag:s29], $0x1  }
0xb4: {  	[sflag:s29] =	ssyncadd.s32 $0xFFFFFFFF  }
0xb5: {  	_ =	strace $0x90000048  }
0xb6: {  	_ =	sfence  }
0xb7: {  	s30 =	sld [smem:$0x0];
	_ =	sdelay $0x2  }
0xb8: {  	s31 =	sshll.u32 s1, $0xD;
	s1 =	sshrl.u32 s1, $0x2  }
0xb9: {  	s3 =	sand.u32 $0x4000, s31;
	s1 =	sadd.s32 s1, s30  }
0xba: {  	s0 =	sor.u32 s3, s0;
	s1 =	sshll.u32 s1, $0x11  }
0xbb: {  	s0 =	sor.u32 s1, s0  }
0xbc: {  	s0 =	sadd.s32 $0x8F2B, s0  }
0xbd: {  	[sflag:s0] =	ssyncadd.remote.s32 $0x1  }
0xbe: {  	_ =	sfence.sel $0xFFFF  }
0xbf: {  	[dreg:$0x0] =	wrdreg $0xFFFFFFFF;
	(pc) =	sbr.abs _section_cstart, $3  }
0xc0: {  	[dreg:$0x1] =	wrdreg $0xFFFFFFFF  }
0xc1: {  	_ =	task.clear_ibuf [dreg:s6], $0x2FFFF;
	_ =	strace $0x9FFFFFFF  }
0xc2: {  	(tm) =	ssettm $0x7FFFFFFF  }
0xc3: {  	_ =	shalt  }
tec
execute0_lowered:
.L_overlay_start_1:
0x0: {  	(tag) =	ssettag $0x1  }
0x1: {  	s0 =	rddreg [dreg:$0x0]  }
0x2: {  	s1 =	rddreg [dreg:$0x1]  }
0x3: {  	s3 =	simm.s32 $0x0;
	s2 =	srdreg.scid;
	s12 =	stileid.u32  }
0x4: {  	s28 =	simm.s32 $0x1;
	s29 =	simm.s32 $0xEC90;
	s30 =	simm.s32 $0x50  }
0x5: {  	s31 =	simm.s32 $0xED30;
	s15 =	simm.s32 $0x0;
	[smem:$0x7FF] =	sst s3  }
0x6: {  	s2 =	sand.u32 $0x1, s2;
	s7 =	smul.u32 $0x2710, s12;
	s4 =	sadd.s32 $0x63800, s0  }
0x7: {  	s5 =	sadd.s32 $0xE00, s0;
	s8 =	smul.u32 $0xC580, s12;
	s9 =	sadd.s32 $0x62C00, s0  }
0x8: {  	s17 =	sadd.s32 $0x63200, s0;
	s19 =	sshll.u32 s12, $0x6;
	s12 =	simm.s32 $0x6  }
0x9: {  	s6 =	smul.u32 $0x27100, s2;
	_ =	strace $0x80000047;
	[dreg:$0x3] =	wrdreg s9  }
0xa: {  	s16 =	smul.u32 $0xC5800, s2;
	[dreg:$0x4] =	wrdreg s17;
	s2 =	ssub.s32 $0x2, s2  }
0xb: {  	s13 =	sor.u32 $0x1C07, s19;
	s19 =	simm.s32 $0x14B90;
	s18 =	sshrl.u32 s8, $0x3  }
0xc: {  	s10 =	sshrl.u32 s2, $0x1;
	[dreg:$0x6] =	wrdreg s13;
	s6 =	sadd.s32 s7, s6  }
0xd: {  	s7 =	sadd.s32 s18, s0;
	s9 =	sadd.s32 s8, s16;
	s2 =	ssub.s32 s2, s10  }
0xe: {  	s8 =	sadd.s32 s8, s1;
	s18 =	simm.s32 $0x13BF0;
	s6 =	smulhi.u32 $0x3333334, s6  }
0xf: {  	s9 =	sshrl.u32 s9, $0x3;
	s7 =	sadd.s32 $0x7C000, s7;
	s26 =	smax.u32 s2, $0x1  }
0x10: {  	s14 =	sshrl.u32 s8, $0x3;
	s2 =	simm.s32 $0x3;
	s8 =	simm.s32 $0xED80  }
0x11: {  	s0 =	sadd.s32 s9, s0;
	[dreg:$0x5] =	wrdreg s7;
	s11 =	smul.u32 $0xA0, s6  }
0x12: {  	[dreg:$0xe] =	wrdreg s26;
	s26 =	simm.s32 $0x2;
	s20 =	smul.u32 $0x14, s6  }
0x13: {  	[dreg:$0xf] =	wrdreg s14;
	s0 =	sadd.s32 $0x94C00, s0;
	s11 =	sshrl.u32 s11, $0x3  }
0x14: {  	[dreg:$0xd] =	wrdreg s0;
	s10 =	sadd.s32 s5, s20;
	s21 =	sadd.s32 s5, s11  }
0x15: {  	s16 =	sadd.s32 $0x2, s6;
	[dreg:$0x7] =	wrdreg s10;
	s22 =	sadd.s32 $0x1F4, s21  }
0x16: {  	s17 =	sadd.s32 $0x3, s6;
	s23 =	sadd.s32 $0x3E8, s21;
	[dreg:$0x8] =	wrdreg s22  }
0x17: {  	s6 =	simm.s32 $0xC580;
	s24 =	sadd.s32 $0x5DC, s21;
	[dreg:$0x9] =	wrdreg s23  }
0x18: {  	s0 =	simm.s32 $0x106D0;
	s25 =	sadd.s32 $0x7D0, s21;
	[dreg:$0xa] =	wrdreg s24  }
0x19: {  	s11 =	simm.s32 $0x5;
	s7 =	sadd.s32 $0x14, s21;
	[dreg:$0xb] =	wrdreg s25  }
0x1a: {  	s21 =	simm.s32 $0x7;
	[dreg:$0xc] =	wrdreg s7;
	s22 =	simm.s32 $0xEDD0  }
0x1b: {  	s23 =	simm.s32 $0x114E0;
	s7 =	simm.s32 $0xECE0;
	s25 =	simm.s32 $0x4  }
.LBB2_1:
0x1c: {  	[dreg:$0x10] =	wrdreg s15  }
0x1d: {  	s9 =	rddreg [dreg:$0x5]  }
0x1e: {  	[spmem:s14], [sflag:s13] =	dma.local [hbm:s9], $0x18B0  }
0x1f: {  	_ =	swait.ge [sflag:s21], $0x18B0  }
0x20: {  	[sflag:s21] =	ssyncset.done $0x0  }
0x21: {  	[sflag:s21] =	ssyncadd.s32 $0xFFFFE750  }
0x22: {  	[bflag:$0x0] =	sbarrier.arrive $0xFFFF  }
0x23: {  	s15 =	rddreg [dreg:$0x3]  }
0x24: {  	[tilespmem:s22], [sflag:$0x7] =	stream.linear.gather [hbm4b:s15+s3], $0x2710, $0x38;
	[tilespmem:$0x15B30] =	vst v63  }
0x25: {  	_ =	swait.ge [sflag:s21], $0x2710  }
0x26: {  	[sflag:s21] =	ssyncset.done $0x0  }
0x27: {  	s20 =	rddreg [dreg:$0x4];
	[sflag:s21] =	ssyncadd.s32 $0xFFFFD8F0  }
0x28: {  	[tilespmem:s23], [sflag:$0x7] =	stream.linear.gather [hbm4b:s20+s3], $0x2710, $0x38;
	[tilespmem:$0x15B30] =	vst v63  }
0x29: {  	_ =	swait.ge [sflag:s21], $0x2710  }
0x2a: {  	[sflag:s21] =	ssyncset.done $0x0  }
0x2b: {  	[sflag:s21] =	ssyncadd.s32 $0xFFFFD8F0  }
0x2c: {  	[tilespmem:s18], [sflag:$0x7] =	stream.linear.gather [hbm4b:s10+s3], $0xFA0, $0x38;
	[tilespmem:$0x15B30] =	vst v63  }
0x2d: {  	_ =	swait.ge [sflag:s21], $0xFA0  }
0x2e: {  	s9 =	simm.s32 $0x13C40;
	[sflag:s21] =	ssyncset.done $0x0  }
0x2f: {  	s14 =	simm.s32 $0x0;
	s24 =	rddreg [dreg:$0x8];
	[sflag:s21] =	ssyncadd.s32 $0xFFFFF060  }
0x30: {  	[tilespmem:s19], [sflag:$0x2] =	stream.linear.gather [hbm4b:s24+s3], $0xFA0, $0x38;
	[tilespmem:$0x15B30] =	vst v63  }
.LBB2_2:
0x31: {  	v0 =	vld [tilespmem:s9+$0xFFFFFFB0]  }
0x32: {  	v1 =	vld [tilespmem:s9+$0x0];
	_ =	sdelay $0x6  }
0x33: {  	v0 =	vld.idx.msk [tilespmem:v0+s22+$0x0], $0xffff  }
0x34: {  	v1 =	vld.idx.msk [tilespmem:v1+s23+$0x0], $0xffff;
	_ =	sdelay $0x4  }
0x35: {  	v0 =	vadd.f32 v1, v0;
	_ =	sdelay $0x1  }
0x36: {  	v1 =	vmul.f32 $2.000000030e-01, v0  }
0x37: {  	vm0 =	vge.f32 v0, $0.0e+00  }
0x38: {  	v0 =	vsel vm0, v0, v1  }
0x39: {  	v0 =	vmul.f32 $1.442695020e+00, v0;
	_ =	sdelay $0x1  }
0x3a: {  	(erf) = vpow2.f32 v0;
	_ =	sdelay $0x8  }
0x3b: {  	s15 =	sshra.s32 s14, $0x2;
	v0 =	vpop (erf)  }
0x3c: {  	[tilespmem:s15+$0xC580] =	vst v0  }
0x3d: {  	v0 =	vld [tilespmem:s9+$0xFFFFFFC0]  }
0x3e: {  	v60 =	vld [tilespmem:s9+$0x10];
	_ =	sdelay $0x6  }
0x3f: {  	v0 =	vld.idx.msk [tilespmem:v0+s22+$0x0], $0xffff  }
0x40: {  	v1 =	vld.idx.msk [tilespmem:v60+s23+$0x0], $0xffff;
	_ =	sdelay $0x4  }
0x41: {  	v0 =	vadd.f32 v1, v0;
	_ =	sdelay $0x1  }
0x42: {  	v1 =	vmul.f32 $2.000000030e-01, v0  }
0x43: {  	vm12 =	vge.f32 v0, $0.0e+00  }
0x44: {  	v0 =	vsel vm12, v0, v1  }
0x45: {  	v0 =	vmul.f32 $1.442695020e+00, v0;
	_ =	sdelay $0x1  }
0x46: {  	(erf) = vpow2.f32 v0;
	_ =	sdelay $0x8  }
0x47: {  	v0 =	vpop (erf)  }
0x48: {  	[tilespmem:s15+$0xC590] =	vst v0  }
0x49: {  	v0 =	vld [tilespmem:s9+$0xFFFFFFD0]  }
0x4a: {  	v61 =	vld [tilespmem:s9+$0x20];
	_ =	sdelay $0x6  }
0x4b: {  	v0 =	vld.idx.msk [tilespmem:v0+s22+$0x0], $0xffff  }
0x4c: {  	v1 =	vld.idx.msk [tilespmem:v61+s23+$0x0], $0xffff;
	_ =	sdelay $0x4  }
0x4d: {  	v0 =	vadd.f32 v1, v0;
	_ =	sdelay $0x1  }
0x4e: {  	v1 =	vmul.f32 $2.000000030e-01, v0  }
0x4f: {  	vm13 =	vge.f32 v0, $0.0e+00  }
0x50: {  	v0 =	vsel vm13, v0, v1  }
0x51: {  	v0 =	vmul.f32 $1.442695020e+00, v0;
	_ =	sdelay $0x1  }
0x52: {  	(erf) = vpow2.f32 v0;
	_ =	sdelay $0x8  }
0x53: {  	v0 =	vpop (erf)  }
0x54: {  	[tilespmem:s15+$0xC5A0] =	vst v0  }
0x55: {  	v0 =	vld [tilespmem:s9+$0xFFFFFFE0]  }
0x56: {  	v62 =	vld [tilespmem:s9+$0x30];
	_ =	sdelay $0x6  }
0x57: {  	v0 =	vld.idx.msk [tilespmem:v0+s22+$0x0], $0xffff  }
0x58: {  	v1 =	vld.idx.msk [tilespmem:v62+s23+$0x0], $0xffff;
	_ =	sdelay $0x4  }
0x59: {  	v0 =	vadd.f32 v1, v0;
	_ =	sdelay $0x1  }
0x5a: {  	v1 =	vmul.f32 $2.000000030e-01, v0  }
0x5b: {  	vm14 =	vge.f32 v0, $0.0e+00  }
0x5c: {  	v0 =	vsel vm14, v0, v1  }
0x5d: {  	v0 =	vmul.f32 $1.442695020e+00, v0;
	_ =	sdelay $0x1  }
0x5e: {  	(erf) = vpow2.f32 v0;
	_ =	sdelay $0x8  }
0x5f: {  	v0 =	vpop (erf)  }
0x60: {  	[tilespmem:s15+$0xC5B0] =	vst v0  }
0x61: {  	v0 =	vld [tilespmem:s9+$0xFFFFFFF0]  }
0x62: {  	v63 =	vld [tilespmem:s9+$0x40];
	_ =	sdelay $0x6  }
0x63: {  	v0 =	vld.idx.msk [tilespmem:v0+s22+$0x0], $0xffff  }
0x64: {  	v1 =	vld.idx.msk [tilespmem:v63+s23+$0x0], $0xffff;
	_ =	sdelay $0x4  }
0x65: {  	v0 =	vadd.f32 v1, v0;
	_ =	sdelay $0x1  }
0x66: {  	v1 =	vmul.f32 $2.000000030e-01, v0  }
0x67: {  	vm15 =	vge.f32 v0, $0.0e+00  }
0x68: {  	v0 =	vsel vm15, v0, v1  }
0x69: {  	v0 =	vmul.f32 $1.442695020e+00, v0;
	_ =	sdelay $0x1  }
0x6a: {  	(erf) = vpow2.f32 v0;
	_ =	sdelay $0x4  }
0x6b: {  	p0 =	sne.s32 s14, $0x1E00  }
.Ltmp0:
0x6c: {  	_ = 	snop;
	(pc) =	sbr.rel @p0 .LBB2_2-.Ltmp0, $3  }
0x6d: {  	_ =	sdelay $0x1  }
0x6e: {  	v0 =	vpop (erf)  }
0x6f: {  	s14 =	sadd.s32 $0x140, s14;
	s9 =	sadd.s32 $0xA0, s9;
	[tilespmem:s15+$0xC5C0] =	vst v0  }
0x70: {  	_ =	swait.ge [sflag:s26], $0xFA0  }
0x71: {  	[sflag:s26] =	ssyncset.done $0x0  }
0x72: {  	s9 =	simm.s32 $0x0;
	s14 =	rddreg [dreg:$0x9];
	[sflag:s26] =	ssyncadd.s32 $0xFFFFF060  }
0x73: {  	[tilespmem:s18], [sflag:$0x1] =	stream.linear.gather [hbm4b:s14+s9], $0xFA0, $0x38;
	[tilespmem:$0x15B30] =	vst v63  }
0x74: {  	s14 =	simm.s32 $0x14BE0  }
.LBB2_4:
0x75: {  	v0 =	vld [tilespmem:s14+$0xFFFFFFB0]  }
0x76: {  	v1 =	vld [tilespmem:s14+$0x0];
	_ =	sdelay $0x6  }
0x77: {  	v0 =	vld.idx.msk [tilespmem:v0+s22+$0x0], $0xffff  }
0x78: {  	v1 =	vld.idx.msk [tilespmem:v1+s23+$0x0], $0xffff;
	_ =	sdelay $0x4  }
0x79: {  	v0 =	vadd.f32 v1, v0;
	_ =	sdelay $0x1  }
0x7a: {  	v1 =	vmul.f32 $2.000000030e-01, v0  }
0x7b: {  	vm0 =	vge.f32 v0, $0.0e+00  }
0x7c: {  	v0 =	vsel vm0, v0, v1  }
0x7d: {  	v0 =	vmul.f32 $1.442695020e+00, v0;
	_ =	sdelay $0x1  }
0x7e: {  	(erf) = vpow2.f32 v0;
	_ =	sdelay $0x8  }
0x7f: {  	s15 =	sshra.s32 s9, $0x2;
	v0 =	vpop (erf)  }
0x80: {  	[tilespmem:s15+$0xCD50] =	vst v0  }
0x81: {  	v0 =	vld [tilespmem:s14+$0xFFFFFFC0]  }
0x82: {  	v60 =	vld [tilespmem:s14+$0x10];
	_ =	sdelay $0x6  }
0x83: {  	v0 =	vld.idx.msk [tilespmem:v0+s22+$0x0], $0xffff  }
0x84: {  	v1 =	vld.idx.msk [tilespmem:v60+s23+$0x0], $0xffff;
	_ =	sdelay $0x4  }
0x85: {  	v0 =	vadd.f32 v1, v0;
	_ =	sdelay $0x1  }
0x86: {  	v1 =	vmul.f32 $2.000000030e-01, v0  }
0x87: {  	vm12 =	vge.f32 v0, $0.0e+00  }
0x88: {  	v0 =	vsel vm12, v0, v1  }
0x89: {  	v0 =	vmul.f32 $1.442695020e+00, v0;
	_ =	sdelay $0x1  }
0x8a: {  	(erf) = vpow2.f32 v0;
	_ =	sdelay $0x8  }
0x8b: {  	v0 =	vpop (erf)  }
0x8c: {  	[tilespmem:s15+$0xCD60] =	vst v0  }
0x8d: {  	v0 =	vld [tilespmem:s14+$0xFFFFFFD0]  }
0x8e: {  	v61 =	vld [tilespmem:s14+$0x20];
	_ =	sdelay $0x6  }
0x8f: {  	v0 =	vld.idx.msk [tilespmem:v0+s22+$0x0], $0xffff  }
0x90: {  	v1 =	vld.idx.msk [tilespmem:v61+s23+$0x0], $0xffff;
	_ =	sdelay $0x4  }
0x91: {  	v0 =	vadd.f32 v1, v0;
	_ =	sdelay $0x1  }
0x92: {  	v1 =	vmul.f32 $2.000000030e-01, v0  }
0x93: {  	vm13 =	vge.f32 v0, $0.0e+00  }
0x94: {  	v0 =	vsel vm13, v0, v1  }
0x95: {  	v0 =	vmul.f32 $1.442695020e+00, v0;
	_ =	sdelay $0x1  }
0x96: {  	(erf) = vpow2.f32 v0;
	_ =	sdelay $0x8  }
0x97: {  	v0 =	vpop (erf)  }
0x98: {  	[tilespmem:s15+$0xCD70] =	vst v0  }
0x99: {  	v0 =	vld [tilespmem:s14+$0xFFFFFFE0]  }
0x9a: {  	v62 =	vld [tilespmem:s14+$0x30];
	_ =	sdelay $0x6  }
0x9b: {  	v0 =	vld.idx.msk [tilespmem:v0+s22+$0x0], $0xffff  }
0x9c: {  	v1 =	vld.idx.msk [tilespmem:v62+s23+$0x0], $0xffff;
	_ =	sdelay $0x4  }
0x9d: {  	v0 =	vadd.f32 v1, v0;
	_ =	sdelay $0x1  }
0x9e: {  	v1 =	vmul.f32 $2.000000030e-01, v0  }
0x9f: {  	vm14 =	vge.f32 v0, $0.0e+00  }
0xa0: {  	v0 =	vsel vm14, v0, v1  }
0xa1: {  	v0 =	vmul.f32 $1.442695020e+00, v0;
	_ =	sdelay $0x1  }
0xa2: {  	(erf) = vpow2.f32 v0;
	_ =	sdelay $0x8  }
0xa3: {  	v0 =	vpop (erf)  }
0xa4: {  	[tilespmem:s15+$0xCD80] =	vst v0  }
0xa5: {  	v0 =	vld [tilespmem:s14+$0xFFFFFFF0]  }
0xa6: {  	v63 =	vld [tilespmem:s14+$0x40];
	_ =	sdelay $0x6  }
0xa7: {  	v0 =	vld.idx.msk [tilespmem:v0+s22+$0x0], $0xffff  }
0xa8: {  	v1 =	vld.idx.msk [tilespmem:v63+s23+$0x0], $0xffff;
	_ =	sdelay $0x4  }
0xa9: {  	v0 =	vadd.f32 v1, v0;
	_ =	sdelay $0x1  }
0xaa: {  	v1 =	vmul.f32 $2.000000030e-01, v0  }
0xab: {  	vm15 =	vge.f32 v0, $0.0e+00  }
0xac: {  	v0 =	vsel vm15, v0, v1  }
0xad: {  	v0 =	vmul.f32 $1.442695020e+00, v0;
	_ =	sdelay $0x1  }
0xae: {  	(erf) = vpow2.f32 v0;
	_ =	sdelay $0x4  }
0xaf: {  	p0 =	sne.s32 s9, $0x1E00  }
.Ltmp1:
0xb0: {  	_ = 	snop;
	(pc) =	sbr.rel @p0 .LBB2_4-.Ltmp1, $3  }
0xb1: {  	_ =	sdelay $0x1  }
0xb2: {  	v0 =	vpop (erf)  }
0xb3: {  	s9 =	sadd.s32 $0x140, s9;
	s14 =	sadd.s32 $0xA0, s14;
	[tilespmem:s15+$0xCD90] =	vst v0  }
0xb4: {  	_ =	swait.ge [sflag:s28], $0xFA0  }
0xb5: {  	[sflag:s28] =	ssyncset.done $0x0  }
0xb6: {  	s9 =	simm.s32 $0x0;
	s14 =	rddreg [dreg:$0xa];
	[sflag:s28] =	ssyncadd.s32 $0xFFFFF060  }
0xb7: {  	[tilespmem:s19], [sflag:$0x2] =	stream.linear.gather [hbm4b:s14+s9], $0xFA0, $0x38;
	[tilespmem:$0x15B30] =	vst v63  }
0xb8: {  	s14 =	simm.s32 $0x13C40  }
.LBB2_6:
0xb9: {  	v0 =	vld [tilespmem:s14+$0xFFFFFFB0]  }
0xba: {  	v1 =	vld [tilespmem:s14+$0x0];
	_ =	sdelay $0x6  }
0xbb: {  	v0 =	vld.idx.msk [tilespmem:v0+s22+$0x0], $0xffff  }
0xbc: {  	v1 =	vld.idx.msk [tilespmem:v1+s23+$0x0], $0xffff;
	_ =	sdelay $0x4  }
0xbd: {  	v0 =	vadd.f32 v1, v0;
	_ =	sdelay $0x1  }
0xbe: {  	v1 =	vmul.f32 $2.000000030e-01, v0  }
0xbf: {  	vm0 =	vge.f32 v0, $0.0e+00  }
0xc0: {  	v0 =	vsel vm0, v0, v1  }
0xc1: {  	v0 =	vmul.f32 $1.442695020e+00, v0;
	_ =	sdelay $0x1  }
0xc2: {  	(erf) = vpow2.f32 v0;
	_ =	sdelay $0x8  }
0xc3: {  	s15 =	sshra.s32 s9, $0x2;
	v0 =	vpop (erf)  }
0xc4: {  	[tilespmem:s15+$0xD520] =	vst v0  }
0xc5: {  	v0 =	vld [tilespmem:s14+$0xFFFFFFC0]  }
0xc6: {  	v60 =	vld [tilespmem:s14+$0x10];
	_ =	sdelay $0x6  }
0xc7: {  	v0 =	vld.idx.msk [tilespmem:v0+s22+$0x0], $0xffff  }
0xc8: {  	v1 =	vld.idx.msk [tilespmem:v60+s23+$0x0], $0xffff;
	_ =	sdelay $0x4  }
0xc9: {  	v0 =	vadd.f32 v1, v0;
	_ =	sdelay $0x1  }
0xca: {  	v1 =	vmul.f32 $2.000000030e-01, v0  }
0xcb: {  	vm12 =	vge.f32 v0, $0.0e+00  }
0xcc: {  	v0 =	vsel vm12, v0, v1  }
0xcd: {  	v0 =	vmul.f32 $1.442695020e+00, v0;
	_ =	sdelay $0x1  }
0xce: {  	(erf) = vpow2.f32 v0;
	_ =	sdelay $0x8  }
0xcf: {  	v0 =	vpop (erf)  }
0xd0: {  	[tilespmem:s15+$0xD530] =	vst v0  }
0xd1: {  	v0 =	vld [tilespmem:s14+$0xFFFFFFD0]  }
0xd2: {  	v61 =	vld [tilespmem:s14+$0x20];
	_ =	sdelay $0x6  }
0xd3: {  	v0 =	vld.idx.msk [tilespmem:v0+s22+$0x0], $0xffff  }
0xd4: {  	v1 =	vld.idx.msk [tilespmem:v61+s23+$0x0], $0xffff;
	_ =	sdelay $0x4  }
0xd5: {  	v0 =	vadd.f32 v1, v0;
	_ =	sdelay $0x1  }
0xd6: {  	v1 =	vmul.f32 $2.000000030e-01, v0  }
0xd7: {  	vm13 =	vge.f32 v0, $0.0e+00  }
0xd8: {  	v0 =	vsel vm13, v0, v1  }
0xd9: {  	v0 =	vmul.f32 $1.442695020e+00, v0;
	_ =	sdelay $0x1  }
0xda: {  	(erf) = vpow2.f32 v0;
	_ =	sdelay $0x8  }
0xdb: {  	v0 =	vpop (erf)  }
0xdc: {  	[tilespmem:s15+$0xD540] =	vst v0  }
0xdd: {  	v0 =	vld [tilespmem:s14+$0xFFFFFFE0]  }
0xde: {  	v62 =	vld [tilespmem:s14+$0x30];
	_ =	sdelay $0x6  }
0xdf: {  	v0 =	vld.idx.msk [tilespmem:v0+s22+$0x0], $0xffff  }
0xe0: {  	v1 =	vld.idx.msk [tilespmem:v62+s23+$0x0], $0xffff;
	_ =	sdelay $0x4  }
0xe1: {  	v0 =	vadd.f32 v1, v0;
	_ =	sdelay $0x1  }
0xe2: {  	v1 =	vmul.f32 $2.000000030e-01, v0  }
0xe3: {  	vm14 =	vge.f32 v0, $0.0e+00  }
0xe4: {  	v0 =	vsel vm14, v0, v1  }
0xe5: {  	v0 =	vmul.f32 $1.442695020e+00, v0;
	_ =	sdelay $0x1  }
0xe6: {  	(erf) = vpow2.f32 v0;
	_ =	sdelay $0x8  }
0xe7: {  	v0 =	vpop (erf)  }
0xe8: {  	[tilespmem:s15+$0xD550] =	vst v0  }
0xe9: {  	v0 =	vld [tilespmem:s14+$0xFFFFFFF0]  }
0xea: {  	v63 =	vld [tilespmem:s14+$0x40];
	_ =	sdelay $0x6  }
0xeb: {  	v0 =	vld.idx.msk [tilespmem:v0+s22+$0x0], $0xffff  }
0xec: {  	v1 =	vld.idx.msk [tilespmem:v63+s23+$0x0], $0xffff;
	_ =	sdelay $0x4  }
0xed: {  	v0 =	vadd.f32 v1, v0;
	_ =	sdelay $0x1  }
0xee: {  	v1 =	vmul.f32 $2.000000030e-01, v0  }
0xef: {  	vm15 =	vge.f32 v0, $0.0e+00  }
0xf0: {  	v0 =	vsel vm15, v0, v1  }
0xf1: {  	v0 =	vmul.f32 $1.442695020e+00, v0;
	_ =	sdelay $0x1  }
0xf2: {  	(erf) = vpow2.f32 v0;
	_ =	sdelay $0x4  }
0xf3: {  	p0 =	sne.s32 s9, $0x1E00  }
.Ltmp2:
0xf4: {  	_ = 	snop;
	(pc) =	sbr.rel @p0 .LBB2_6-.Ltmp2, $3  }
0xf5: {  	_ =	sdelay $0x1  }
0xf6: {  	v0 =	vpop (erf)  }
0xf7: {  	s9 =	sadd.s32 $0x140, s9;
	s14 =	sadd.s32 $0xA0, s14;
	[tilespmem:s15+$0xD560] =	vst v0  }
0xf8: {  	_ =	swait.ge [sflag:s26], $0xFA0  }
0xf9: {  	[sflag:s26] =	ssyncset.done $0x0  }
0xfa: {  	s9 =	simm.s32 $0x0;
	s14 =	rddreg [dreg:$0xb];
	[sflag:s26] =	ssyncadd.s32 $0xFFFFF060  }
0xfb: {  	[tilespmem:s18], [sflag:$0x1] =	stream.linear.gather [hbm4b:s14+s9], $0xFA0, $0x38;
	[tilespmem:$0x15B30] =	vst v63  }
0xfc: {  	s14 =	simm.s32 $0x14BE0  }
.LBB2_8:
0xfd: {  	v0 =	vld [tilespmem:s14+$0xFFFFFFB0]  }
0xfe: {  	v1 =	vld [tilespmem:s14+$0x0];
	_ =	sdelay $0x6  }
0xff: {  	v0 =	vld.idx.msk [tilespmem:v0+s22+$0x0], $0xffff  }
0x100: {  	v1 =	vld.idx.msk [tilespmem:v1+s23+$0x0], $0xffff;
	_ =	sdelay $0x4  }
0x101: {  	v0 =	vadd.f32 v1, v0;
	_ =	sdelay $0x1  }
0x102: {  	v1 =	vmul.f32 $2.000000030e-01, v0  }
0x103: {  	vm0 =	vge.f32 v0, $0.0e+00  }
0x104: {  	v0 =	vsel vm0, v0, v1  }
0x105: {  	v0 =	vmul.f32 $1.442695020e+00, v0;
	_ =	sdelay $0x1  }
0x106: {  	(erf) = vpow2.f32 v0;
	_ =	sdelay $0x8  }
0x107: {  	s15 =	sshra.s32 s9, $0x2;
	v0 =	vpop (erf)  }
0x108: {  	[tilespmem:s15+$0xDCF0] =	vst v0  }
0x109: {  	v0 =	vld [tilespmem:s14+$0xFFFFFFC0]  }
0x10a: {  	v60 =	vld [tilespmem:s14+$0x10];
	_ =	sdelay $0x6  }
0x10b: {  	v0 =	vld.idx.msk [tilespmem:v0+s22+$0x0], $0xffff  }
0x10c: {  	v1 =	vld.idx.msk [tilespmem:v60+s23+$0x0], $0xffff;
	_ =	sdelay $0x4  }
0x10d: {  	v0 =	vadd.f32 v1, v0;
	_ =	sdelay $0x1  }
0x10e: {  	v1 =	vmul.f32 $2.000000030e-01, v0  }
0x10f: {  	vm12 =	vge.f32 v0, $0.0e+00  }
0x110: {  	v0 =	vsel vm12, v0, v1  }
0x111: {  	v0 =	vmul.f32 $1.442695020e+00, v0;
	_ =	sdelay $0x1  }
0x112: {  	(erf) = vpow2.f32 v0;
	_ =	sdelay $0x8  }
0x113: {  	v0 =	vpop (erf)  }
0x114: {  	[tilespmem:s15+$0xDD00] =	vst v0  }
0x115: {  	v0 =	vld [tilespmem:s14+$0xFFFFFFD0]  }
0x116: {  	v61 =	vld [tilespmem:s14+$0x20];
	_ =	sdelay $0x6  }
0x117: {  	v0 =	vld.idx.msk [tilespmem:v0+s22+$0x0], $0xffff  }
0x118: {  	v1 =	vld.idx.msk [tilespmem:v61+s23+$0x0], $0xffff;
	_ =	sdelay $0x4  }
0x119: {  	v0 =	vadd.f32 v1, v0;
	_ =	sdelay $0x1  }
0x11a: {  	v1 =	vmul.f32 $2.000000030e-01, v0  }
0x11b: {  	vm13 =	vge.f32 v0, $0.0e+00  }
0x11c: {  	v0 =	vsel vm13, v0, v1  }
0x11d: {  	v0 =	vmul.f32 $1.442695020e+00, v0;
	_ =	sdelay $0x1  }
0x11e: {  	(erf) = vpow2.f32 v0;
	_ =	sdelay $0x8  }
0x11f: {  	v0 =	vpop (erf)  }
0x120: {  	[tilespmem:s15+$0xDD10] =	vst v0  }
0x121: {  	v0 =	vld [tilespmem:s14+$0xFFFFFFE0]  }
0x122: {  	v62 =	vld [tilespmem:s14+$0x30];
	_ =	sdelay $0x6  }
0x123: {  	v0 =	vld.idx.msk [tilespmem:v0+s22+$0x0], $0xffff  }
0x124: {  	v1 =	vld.idx.msk [tilespmem:v62+s23+$0x0], $0xffff;
	_ =	sdelay $0x4  }
0x125: {  	v0 =	vadd.f32 v1, v0;
	_ =	sdelay $0x1  }
0x126: {  	v1 =	vmul.f32 $2.000000030e-01, v0  }
0x127: {  	vm14 =	vge.f32 v0, $0.0e+00  }
0x128: {  	v0 =	vsel vm14, v0, v1  }
0x129: {  	v0 =	vmul.f32 $1.442695020e+00, v0;
	_ =	sdelay $0x1  }
0x12a: {  	(erf) = vpow2.f32 v0;
	_ =	sdelay $0x8  }
0x12b: {  	v0 =	vpop (erf)  }
0x12c: {  	[tilespmem:s15+$0xDD20] =	vst v0  }
0x12d: {  	v0 =	vld [tilespmem:s14+$0xFFFFFFF0]  }
0x12e: {  	v63 =	vld [tilespmem:s14+$0x40];
	_ =	sdelay $0x6  }
0x12f: {  	v0 =	vld.idx.msk [tilespmem:v0+s22+$0x0], $0xffff  }
0x130: {  	v1 =	vld.idx.msk [tilespmem:v63+s23+$0x0], $0xffff;
	_ =	sdelay $0x4  }
0x131: {  	v0 =	vadd.f32 v1, v0;
	_ =	sdelay $0x1  }
0x132: {  	v1 =	vmul.f32 $2.000000030e-01, v0  }
0x133: {  	vm15 =	vge.f32 v0, $0.0e+00  }
0x134: {  	v0 =	vsel vm15, v0, v1  }
0x135: {  	v0 =	vmul.f32 $1.442695020e+00, v0;
	_ =	sdelay $0x1  }
0x136: {  	(erf) = vpow2.f32 v0;
	_ =	sdelay $0x4  }
0x137: {  	p0 =	sne.s32 s9, $0x1E00  }
.Ltmp3:
0x138: {  	_ = 	snop;
	(pc) =	sbr.rel @p0 .LBB2_8-.Ltmp3, $3  }
0x139: {  	_ =	sdelay $0x1  }
0x13a: {  	v0 =	vpop (erf)  }
0x13b: {  	s9 =	sadd.s32 $0x140, s9;
	s14 =	sadd.s32 $0xA0, s14;
	[tilespmem:s15+$0xDD30] =	vst v0  }
0x13c: {  	_ =	swait.ge [sflag:s28], $0xFA0  }
0x13d: {  	[sflag:s28] =	ssyncset.done $0x0  }
0x13e: {  	s9 =	simm.s32 $0x0;
	s14 =	simm.s32 $0x13C40;
	[sflag:s28] =	ssyncadd.s32 $0xFFFFF060  }
.LBB2_10:
0x13f: {  	v0 =	vld [tilespmem:s14+$0xFFFFFFB0]  }
0x140: {  	v1 =	vld [tilespmem:s14+$0x0];
	_ =	sdelay $0x6  }
0x141: {  	v0 =	vld.idx.msk [tilespmem:v0+s22+$0x0], $0xffff  }
0x142: {  	v1 =	vld.idx.msk [tilespmem:v1+s23+$0x0], $0xffff;
	_ =	sdelay $0x4  }
0x143: {  	v0 =	vadd.f32 v1, v0;
	_ =	sdelay $0x1  }
0x144: {  	v1 =	vmul.f32 $2.000000030e-01, v0  }
0x145: {  	vm0 =	vge.f32 v0, $0.0e+00  }
0x146: {  	v0 =	vsel vm0, v0, v1  }
0x147: {  	v0 =	vmul.f32 $1.442695020e+00, v0;
	_ =	sdelay $0x1  }
0x148: {  	(erf) = vpow2.f32 v0;
	_ =	sdelay $0x8  }
0x149: {  	s15 =	sshra.s32 s9, $0x2;
	v0 =	vpop (erf)  }
0x14a: {  	[tilespmem:s15+$0xE4C0] =	vst v0  }
0x14b: {  	v0 =	vld [tilespmem:s14+$0xFFFFFFC0]  }
0x14c: {  	v60 =	vld [tilespmem:s14+$0x10];
	_ =	sdelay $0x6  }
0x14d: {  	v0 =	vld.idx.msk [tilespmem:v0+s22+$0x0], $0xffff  }
0x14e: {  	v1 =	vld.idx.msk [tilespmem:v60+s23+$0x0], $0xffff;
	_ =	sdelay $0x4  }
0x14f: {  	v0 =	vadd.f32 v1, v0;
	_ =	sdelay $0x1  }
0x150: {  	v1 =	vmul.f32 $2.000000030e-01, v0  }
0x151: {  	vm12 =	vge.f32 v0, $0.0e+00  }
0x152: {  	v0 =	vsel vm12, v0, v1  }
0x153: {  	v0 =	vmul.f32 $1.442695020e+00, v0;
	_ =	sdelay $0x1  }
0x154: {  	(erf) = vpow2.f32 v0;
	_ =	sdelay $0x8  }
0x155: {  	v0 =	vpop (erf)  }
0x156: {  	[tilespmem:s15+$0xE4D0] =	vst v0  }
0x157: {  	v0 =	vld [tilespmem:s14+$0xFFFFFFD0]  }
0x158: {  	v61 =	vld [tilespmem:s14+$0x20];
	_ =	sdelay $0x6  }
0x159: {  	v0 =	vld.idx.msk [tilespmem:v0+s22+$0x0], $0xffff  }
0x15a: {  	v1 =	vld.idx.msk [tilespmem:v61+s23+$0x0], $0xffff;
	_ =	sdelay $0x4  }
0x15b: {  	v0 =	vadd.f32 v1, v0;
	_ =	sdelay $0x1  }
0x15c: {  	v1 =	vmul.f32 $2.000000030e-01, v0  }
0x15d: {  	vm13 =	vge.f32 v0, $0.0e+00  }
0x15e: {  	v0 =	vsel vm13, v0, v1  }
0x15f: {  	v0 =	vmul.f32 $1.442695020e+00, v0;
	_ =	sdelay $0x1  }
0x160: {  	(erf) = vpow2.f32 v0;
	_ =	sdelay $0x8  }
0x161: {  	v0 =	vpop (erf)  }
0x162: {  	[tilespmem:s15+$0xE4E0] =	vst v0  }
0x163: {  	v0 =	vld [tilespmem:s14+$0xFFFFFFE0]  }
0x164: {  	v62 =	vld [tilespmem:s14+$0x30];
	_ =	sdelay $0x6  }
0x165: {  	v0 =	vld.idx.msk [tilespmem:v0+s22+$0x0], $0xffff  }
0x166: {  	v1 =	vld.idx.msk [tilespmem:v62+s23+$0x0], $0xffff;
	_ =	sdelay $0x4  }
0x167: {  	v0 =	vadd.f32 v1, v0;
	_ =	sdelay $0x1  }
0x168: {  	v1 =	vmul.f32 $2.000000030e-01, v0  }
0x169: {  	vm14 =	vge.f32 v0, $0.0e+00  }
0x16a: {  	v0 =	vsel vm14, v0, v1  }
0x16b: {  	v0 =	vmul.f32 $1.442695020e+00, v0;
	_ =	sdelay $0x1  }
0x16c: {  	(erf) = vpow2.f32 v0;
	_ =	sdelay $0x8  }
0x16d: {  	v0 =	vpop (erf)  }
0x16e: {  	[tilespmem:s15+$0xE4F0] =	vst v0  }
0x16f: {  	v0 =	vld [tilespmem:s14+$0xFFFFFFF0]  }
0x170: {  	v63 =	vld [tilespmem:s14+$0x40];
	_ =	sdelay $0x6  }
0x171: {  	v0 =	vld.idx.msk [tilespmem:v0+s22+$0x0], $0xffff  }
0x172: {  	v1 =	vld.idx.msk [tilespmem:v63+s23+$0x0], $0xffff;
	_ =	sdelay $0x4  }
0x173: {  	v0 =	vadd.f32 v1, v0;
	_ =	sdelay $0x1  }
0x174: {  	v1 =	vmul.f32 $2.000000030e-01, v0  }
0x175: {  	vm15 =	vge.f32 v0, $0.0e+00  }
0x176: {  	v0 =	vsel vm15, v0, v1  }
0x177: {  	v0 =	vmul.f32 $1.442695020e+00, v0;
	_ =	sdelay $0x1  }
0x178: {  	(erf) = vpow2.f32 v0;
	_ =	sdelay $0x4  }
0x179: {  	p0 =	sne.s32 s9, $0x1E00  }
.Ltmp4:
0x17a: {  	_ = 	snop;
	(pc) =	sbr.rel @p0 .LBB2_10-.Ltmp4, $3  }
0x17b: {  	_ =	sdelay $0x1  }
0x17c: {  	v0 =	vpop (erf)  }
0x17d: {  	s9 =	sadd.s32 $0x140, s9;
	s14 =	sadd.s32 $0xA0, s14;
	[tilespmem:s15+$0xE500] =	vst v0  }
0x17e: {  	s14 =	simm.s32 $0x0  }
0x17f: {  	[tilespmem:s29], [sflag:$0x7] =	stream.linear.gather [hbm4b:s10+s14], $0xA0, $0x38;
	[tilespmem:$0x15B30] =	vst v63  }
0x180: {  	_ =	swait.ge [sflag:s21], $0xA0  }
0x181: {  	[sflag:s21] =	ssyncset.done $0x0  }
0x182: {  	[sflag:s21] =	ssyncadd.s32 $0xFFFFFF60  }
0x183: {  	[tilespmem:s22], [sflag:$0x3] =	stream.indirect.gather [hbm4b:s4+s30], $0x50, s29, s30, $0xb8;
	[tilespmem:$0x15B30] =	vst v63  }
0x184: {  	s15 =	simm.s32 $0x0;
	s9 =	rddreg [dreg:$0xc]  }
0x185: {  	[tilespmem:s31], [sflag:$0x2] =	stream.linear.gather [hbm4b:s9+s14], $0xA0, $0x38;
	[tilespmem:$0x15B30] =	vst v63  }
.LBB2_12:
0x186: {  	s9 =	sadd.s32 $0xFFFFFFFC, s14  }
0x187: {  	s18 =	sadd.s32 $0x4, s9  }
0x188: {  	_ =	swait.ge [sflag:s26], $0xA0;
	v0 =	vmov s18  }
0x189: {  	[sflag:s26] =	ssyncset.done $0x0;
	v0 =	vand.u32 $0xFFFFFFFC, v0  }
0x18a: {  	[sflag:s26] =	ssyncadd.s32 $0xFFFFFF60;
	v0 =	vbroadcast v0, $0x0  }
0x18b: {  	[tilespmem:s0], [sflag:$0x4] =	stream.indirect.gather [hbm4b:s4+s30], $0x50, s31, s30, $0xb8;
	[tilespmem:$0x15B30] =	vst v63  }
0x18c: {  	_ =	swait.ge [sflag:s2], $0x1900  }
0x18d: {  	[sflag:s2] =	ssyncset.done $0x0  }
0x18e: {  	s18 =	simm.s32 $0xEE70;
	[sflag:s2] =	ssyncadd.s32 $0xFFFFE700  }
0x18f: {  	v1 =	vld [tilespmem:s18+$0xFFFFFF90]  }
0x190: {  	v0 =	vld.idx.msk [tilespmem:v0+s6+$0x0], $0xffff  }
0x191: {  	v2 =	vld [tilespmem:s18+$0xFFFFFFA0]  }
0x192: {  	v3 =	vld [tilespmem:s18+$0xFFFFFF70]  }
0x193: {  	s19 =	sadd.s32 $0x5, s9;
	v4 =	vld [tilespmem:s18+$0xFFFFFF60]  }
0x194: {  	v5 =	vmov s19;
	v6 =	vld [tilespmem:s18+$0xFFFFFF80]  }
0x195: {  	v5 =	vand.u32 $0xFFFFFFFD, v5;
	v1 =	vmul.f32 v1, v0  }
0x196: {  	v5 =	vbroadcast v5, $0x0;
	v2 =	vmul.f32 v2, v0  }
0x197: {  	v3 =	vmul.f32 v3, v0;
	[tilespmem:s18+$0xFFFFFF90] =	vst v1  }
0x198: {  	v1 =	vmul.f32 v4, v0;
	[tilespmem:s18+$0xFFFFFFA0] =	vst v2  }
0x199: {  	v0 =	vmul.f32 v6, v0;
	[tilespmem:s18+$0xFFFFFF70] =	vst v3  }
0x19a: {  	[tilespmem:s18+$0xFFFFFF60] =	vst v1  }
0x19b: {  	[tilespmem:s18+$0xFFFFFF80] =	vst v0;
	v1 =	vld [tilespmem:s18+$0xFFFFFFB0]  }
0x19c: {  	v0 =	vld.idx.msk [tilespmem:v5+s6+$0x0], $0xffff  }
0x19d: {  	v2 =	vld [tilespmem:s18+$0xFFFFFFE0]  }
0x19e: {  	v3 =	vld [tilespmem:s18+$0xFFFFFFC0]  }
0x19f: {  	s24 =	sadd.s32 $0x6, s9;
	v4 =	vld [tilespmem:s18+$0xFFFFFFF0]  }
0x1a0: {  	v6 =	vld [tilespmem:s18+$0xFFFFFFD0];
	v5 =	vmov s24  }
0x1a1: {  	v5 =	vand.u32 $0xFFFFFFFE, v5;
	v1 =	vmul.f32 v1, v0  }
0x1a2: {  	v5 =	vbroadcast v5, $0x0;
	v2 =	vmul.f32 v2, v0  }
0x1a3: {  	v3 =	vmul.f32 v3, v0;
	[tilespmem:s18+$0xFFFFFFB0] =	vst v1  }
0x1a4: {  	v1 =	vmul.f32 v4, v0;
	[tilespmem:s18+$0xFFFFFFE0] =	vst v2  }
0x1a5: {  	[tilespmem:s18+$0xFFFFFFC0] =	vst v3;
	v0 =	vmul.f32 v6, v0;
	v3 =	vld [tilespmem:s18+$0x0]  }
0x1a6: {  	v6 =	vld [tilespmem:s18+$0x10];
	[tilespmem:s18+$0xFFFFFFF0] =	vst v1  }
0x1a7: {  	v4 =	vld [tilespmem:s18+$0x20];
	[tilespmem:s18+$0xFFFFFFD0] =	vst v0  }
0x1a8: {  	v0 =	vld.idx.msk [tilespmem:v5+s6+$0x0], $0xffff  }
0x1a9: {  	v1 =	vld [tilespmem:s18+$0x30]  }
0x1aa: {  	v2 =	vld [tilespmem:s18+$0x40];
	_ =	sdelay $0x2  }
0x1ab: {  	s9 =	sadd.s32 $0x7, s9;
	s19 =	simm.s32 $0xEE70;
	s24 =	simm.s32 $0x0;
	v5 =	vmul.f32 v3, v0;
	v3 =	vmul.f32 v6, v0  }
.LBB2_13:
0x1ac: {  	v4 =	vmul.f32 v4, v0;
	v1 =	vmul.f32 v1, v0;
	s18 =	sadd.s32 $0x140, s18;
	s10 =	smov.u32 s24;
	s24 =	sadd.s32 $0x4, s24  }
0x1ad: {  	p0 =	slt.u32 s24, $0x4C;
	v0 =	vmul.f32 v2, v0;
	[tilespmem:s19+$0x0] =	vst v5;
	v2 =	vmov s9  }
0x1ae: {  	[tilespmem:s19+$0x10] =	vst v3  }
0x1af: {  	[tilespmem:s19+$0x20] =	vst v4  }
0x1b0: {  	[tilespmem:s19+$0x40] =	vst v0;
	v0 =	vld [tilespmem:s19+$0x50]  }
0x1b1: {  	[tilespmem:s19+$0x30] =	vst v1;
	v1 =	vld [tilespmem:s19+$0x80]  }
0x1b2: {  	v2 =	vld.idx.msk [tilespmem:v2+s6+$0x0], $0xffff  }
0x1b3: {  	s9 =	sadd.s32 s10, s14;
	v3 =	vld [tilespmem:s19+$0x60]  }
0x1b4: {  	s10 =	sadd.s32 $0x4, s9;
	s20 =	sadd.s32 $0x5, s9;
	s13 =	sadd.s32 $0x6, s9;
	v4 =	vld [tilespmem:s19+$0x70]  }
0x1b5: {  	s9 =	sadd.s32 $0x7, s9;
	v5 =	vmov s10;
	v6 =	vmov s20;
	v7 =	vmov s13;
	v8 =	vld [tilespmem:s19+$0x90]  }
0x1b6: {  	v5 =	vand.u32 $0xFFFFFFFC, v5;
	v6 =	vand.u32 $0xFFFFFFFD, v6;
	v7 =	vand.u32 $0xFFFFFFFE, v7  }
0x1b7: {  	v5 =	vbroadcast v5, $0x0  }
0x1b8: {  	v0 =	vmul.f32 v0, v2;
	v3 =	vmul.f32 v3, v2  }
0x1b9: {  	v1 =	vmul.f32 v1, v2;
	v4 =	vmul.f32 v4, v2  }
0x1ba: {  	v2 =	vmul.f32 v8, v2;
	[tilespmem:s19+$0x50] =	vst v0  }
0x1bb: {  	[tilespmem:s19+$0x80] =	vst v1  }
0x1bc: {  	[tilespmem:s19+$0x90] =	vst v2  }
0x1bd: {  	v0 =	vld [tilespmem:s18+$0xFFFFFFA0];
	[tilespmem:s19+$0x60] =	vst v3  }
0x1be: {  	v1 =	vld [tilespmem:s18+$0xFFFFFF90];
	[tilespmem:s19+$0x70] =	vst v4;
	s19 =	smov.u32 s18  }
0x1bf: {  	v2 =	vld.idx.msk [tilespmem:v5+s6+$0x0], $0xffff  }
0x1c0: {  	v3 =	vld [tilespmem:s18+$0xFFFFFF70]  }
0x1c1: {  	v4 =	vld [tilespmem:s18+$0xFFFFFF60]  }
0x1c2: {  	v5 =	vld [tilespmem:s18+$0xFFFFFF80];
	_ =	sdelay $0x1  }
0x1c3: {  	v6 =	vbroadcast v6, $0x0  }
0x1c4: {  	v1 =	vmul.f32 v1, v2;
	v3 =	vmul.f32 v3, v2  }
0x1c5: {  	v0 =	vmul.f32 v0, v2;
	v4 =	vmul.f32 v4, v2  }
0x1c6: {  	v2 =	vmul.f32 v5, v2;
	[tilespmem:s18+$0xFFFFFF90] =	vst v1  }
0x1c7: {  	[tilespmem:s18+$0xFFFFFFA0] =	vst v0  }
0x1c8: {  	[tilespmem:s18+$0xFFFFFF70] =	vst v3  }
0x1c9: {  	[tilespmem:s18+$0xFFFFFF60] =	vst v4;
	v0 =	vld [tilespmem:s18+$0xFFFFFFE0]  }
0x1ca: {  	[tilespmem:s18+$0xFFFFFF80] =	vst v2;
	v1 =	vld [tilespmem:s18+$0xFFFFFFF0]  }
0x1cb: {  	v2 =	vld.idx.msk [tilespmem:v6+s6+$0x0], $0xffff  }
0x1cc: {  	v3 =	vld [tilespmem:s18+$0xFFFFFFB0]  }
0x1cd: {  	v4 =	vld [tilespmem:s18+$0xFFFFFFD0]  }
0x1ce: {  	v5 =	vld [tilespmem:s18+$0xFFFFFFC0];
	_ =	sdelay $0x1  }
0x1cf: {  	v6 =	vbroadcast v7, $0x0  }
0x1d0: {  	v1 =	vmul.f32 v1, v2;
	v3 =	vmul.f32 v3, v2  }
0x1d1: {  	v0 =	vmul.f32 v0, v2;
	v4 =	vmul.f32 v4, v2  }
0x1d2: {  	v2 =	vmul.f32 v5, v2;
	[tilespmem:s18+$0xFFFFFFB0] =	vst v3  }
0x1d3: {  	[tilespmem:s18+$0xFFFFFFE0] =	vst v0  }
0x1d4: {  	[tilespmem:s18+$0xFFFFFFC0] =	vst v2  }
0x1d5: {  	[tilespmem:s18+$0xFFFFFFF0] =	vst v1;
	v3 =	vld [tilespmem:s18+$0x0]  }
0x1d6: {  	[tilespmem:s18+$0xFFFFFFD0] =	vst v4;
	v7 =	vld [tilespmem:s18+$0x10]  }
0x1d7: {  	v0 =	vld.idx.msk [tilespmem:v6+s6+$0x0], $0xffff  }
0x1d8: {  	v1 =	vld [tilespmem:s18+$0x30]  }
.Ltmp5:
0x1d9: {  	v4 =	vld [tilespmem:s18+$0x20];
	(pc) =	sbr.rel @p0 .LBB2_13-.Ltmp5, $2  }
0x1da: {  	v2 =	vld [tilespmem:s18+$0x40];
	_ =	sdelay $0x2  }
0x1db: {  	v5 =	vmul.f32 v3, v0;
	v3 =	vmul.f32 v7, v0  }
0x1dc: {  	_ = 	snop  }
0x1dd: {  	v4 =	vmul.f32 v4, v0;
	[tilespmem:s19+$0x0] =	vst v5;
	v5 =	vmov s9  }
0x1de: {  	v2 =	vmul.f32 v2, v0;
	[tilespmem:s19+$0x10] =	vst v3  }
0x1df: {  	v0 =	vmul.f32 v1, v0;
	[tilespmem:s19+$0x20] =	vst v4  }
0x1e0: {  	[tilespmem:s19+$0x40] =	vst v2  }
0x1e1: {  	v1 =	vld [tilespmem:s19+$0x50];
	[tilespmem:s19+$0x30] =	vst v0  }
0x1e2: {  	v0 =	vld.idx.msk [tilespmem:v5+s6+$0x0], $0xffff  }
0x1e3: {  	v2 =	vld [tilespmem:s19+$0x80]  }
0x1e4: {  	v3 =	vld [tilespmem:s19+$0x90]  }
0x1e5: {  	v4 =	vld [tilespmem:s19+$0x60]  }
0x1e6: {  	v5 =	vld [tilespmem:s19+$0x70]  }
0x1e7: {  	v1 =	vmul.f32 v1, v0  }
0x1e8: {  	v2 =	vmul.f32 v2, v0  }
0x1e9: {  	s13 =	sadd.s32 $0xFFFFFFFC, s14;
	v3 =	vmul.f32 v3, v0;
	[tilespmem:s19+$0x50] =	vst v1  }
0x1ea: {  	s10 =	sadd.s32 $0x54, s13;
	v1 =	vmul.f32 v4, v0;
	[tilespmem:s19+$0x80] =	vst v2  }
0x1eb: {  	v0 =	vmul.f32 v5, v0;
	[tilespmem:s19+$0x90] =	vst v3;
	v2 =	vmov s10  }
0x1ec: {  	[tilespmem:s19+$0x60] =	vst v1;
	v1 =	vand.u32 $0xFFFFFFFC, v2  }
0x1ed: {  	[tilespmem:s19+$0x70] =	vst v0;
	v0 =	vbroadcast v1, $0x0  }
0x1ee: {  	[spmem:s1] =	stream.indirect.scatter.add.f32 [tilespmem:s22], [sflag:$0x5], $0x50, s7, s30, $0xb8;
	[tilespmem:$0x15B30] =	vst v63  }
0x1ef: {  	_ =	swait.ge [sflag:s25], $0x1900  }
0x1f0: {  	[sflag:s25] =	ssyncset.done $0x0  }
0x1f1: {  	s18 =	simm.s32 $0x10770;
	[sflag:s25] =	ssyncadd.s32 $0xFFFFE700  }
0x1f2: {  	v1 =	vld [tilespmem:s18+$0xFFFFFF90]  }
0x1f3: {  	v0 =	vld.idx.msk [tilespmem:v0+s6+$0x0], $0xffff  }
0x1f4: {  	v2 =	vld [tilespmem:s18+$0xFFFFFFA0]  }
0x1f5: {  	v3 =	vld [tilespmem:s18+$0xFFFFFF70]  }
0x1f6: {  	s20 =	sadd.s32 $0x55, s13;
	v4 =	vld [tilespmem:s18+$0xFFFFFF60]  }
0x1f7: {  	v5 =	vmov s20;
	v6 =	vld [tilespmem:s18+$0xFFFFFF80]  }
0x1f8: {  	v5 =	vand.u32 $0xFFFFFFFD, v5;
	v1 =	vmul.f32 v1, v0  }
0x1f9: {  	v5 =	vbroadcast v5, $0x0;
	v2 =	vmul.f32 v2, v0  }
0x1fa: {  	v3 =	vmul.f32 v3, v0;
	[tilespmem:s18+$0xFFFFFF90] =	vst v1  }
0x1fb: {  	v1 =	vmul.f32 v4, v0;
	[tilespmem:s18+$0xFFFFFFA0] =	vst v2  }
0x1fc: {  	v0 =	vmul.f32 v6, v0;
	[tilespmem:s18+$0xFFFFFF70] =	vst v3  }
0x1fd: {  	[tilespmem:s18+$0xFFFFFF60] =	vst v1  }
0x1fe: {  	[tilespmem:s18+$0xFFFFFF80] =	vst v0;
	v1 =	vld [tilespmem:s18+$0xFFFFFFB0]  }
0x1ff: {  	v0 =	vld.idx.msk [tilespmem:v5+s6+$0x0], $0xffff  }
0x200: {  	v2 =	vld [tilespmem:s18+$0xFFFFFFE0]  }
0x201: {  	v3 =	vld [tilespmem:s18+$0xFFFFFFC0]  }
0x202: {  	s24 =	sadd.s32 $0x56, s13;
	v4 =	vld [tilespmem:s18+$0xFFFFFFF0]  }
0x203: {  	v6 =	vld [tilespmem:s18+$0xFFFFFFD0];
	v5 =	vmov s24  }
0x204: {  	v5 =	vand.u32 $0xFFFFFFFE, v5;
	v1 =	vmul.f32 v1, v0  }
0x205: {  	v5 =	vbroadcast v5, $0x0;
	v2 =	vmul.f32 v2, v0  }
0x206: {  	v3 =	vmul.f32 v3, v0;
	[tilespmem:s18+$0xFFFFFFB0] =	vst v1  }
0x207: {  	v1 =	vmul.f32 v4, v0;
	[tilespmem:s18+$0xFFFFFFE0] =	vst v2  }
0x208: {  	[tilespmem:s18+$0xFFFFFFC0] =	vst v3;
	v0 =	vmul.f32 v6, v0;
	v3 =	vld [tilespmem:s18+$0x0]  }
0x209: {  	v6 =	vld [tilespmem:s18+$0x10];
	[tilespmem:s18+$0xFFFFFFF0] =	vst v1  }
0x20a: {  	v4 =	vld [tilespmem:s18+$0x20];
	[tilespmem:s18+$0xFFFFFFD0] =	vst v0  }
0x20b: {  	v0 =	vld.idx.msk [tilespmem:v5+s6+$0x0], $0xffff  }
0x20c: {  	v1 =	vld [tilespmem:s18+$0x30]  }
0x20d: {  	v2 =	vld [tilespmem:s18+$0x40];
	_ =	sdelay $0x2  }
0x20e: {  	s9 =	sadd.s32 $0x57, s13;
	s19 =	simm.s32 $0x10770;
	s24 =	simm.s32 $0x0;
	v5 =	vmul.f32 v3, v0;
	v3 =	vmul.f32 v6, v0  }
.LBB2_15:
0x20f: {  	v4 =	vmul.f32 v4, v0;
	v1 =	vmul.f32 v1, v0;
	s18 =	sadd.s32 $0x140, s18;
	s10 =	smov.u32 s24;
	s24 =	sadd.s32 $0x4, s24  }
0x210: {  	p0 =	slt.u32 s24, $0x4C;
	v0 =	vmul.f32 v2, v0;
	[tilespmem:s19+$0x0] =	vst v5;
	v2 =	vmov s9  }
0x211: {  	[tilespmem:s19+$0x10] =	vst v3  }
0x212: {  	[tilespmem:s19+$0x20] =	vst v4  }
0x213: {  	[tilespmem:s19+$0x40] =	vst v0;
	v0 =	vld [tilespmem:s19+$0x50]  }
0x214: {  	[tilespmem:s19+$0x30] =	vst v1;
	v1 =	vld [tilespmem:s19+$0x80]  }
0x215: {  	v2 =	vld.idx.msk [tilespmem:v2+s6+$0x0], $0xffff  }
0x216: {  	s9 =	sadd.s32 s10, s14;
	v3 =	vld [tilespmem:s19+$0x60]  }
0x217: {  	s10 =	sadd.s32 $0x54, s9;
	s13 =	sadd.s32 $0x55, s9;
	s20 =	sadd.s32 $0x56, s9;
	v4 =	vld [tilespmem:s19+$0x70]  }
0x218: {  	s9 =	sadd.s32 $0x57, s9;
	v5 =	vmov s10;
	v6 =	vmov s13;
	v7 =	vmov s20;
	v8 =	vld [tilespmem:s19+$0x90]  }
0x219: {  	v5 =	vand.u32 $0xFFFFFFFC, v5;
	v6 =	vand.u32 $0xFFFFFFFD, v6;
	v7 =	vand.u32 $0xFFFFFFFE, v7  }
0x21a: {  	v5 =	vbroadcast v5, $0x0  }
0x21b: {  	v0 =	vmul.f32 v0, v2;
	v3 =	vmul.f32 v3, v2  }
0x21c: {  	v1 =	vmul.f32 v1, v2;
	v4 =	vmul.f32 v4, v2  }
0x21d: {  	v2 =	vmul.f32 v8, v2;
	[tilespmem:s19+$0x50] =	vst v0  }
0x21e: {  	[tilespmem:s19+$0x80] =	vst v1  }
0x21f: {  	[tilespmem:s19+$0x90] =	vst v2  }
0x220: {  	v0 =	vld [tilespmem:s18+$0xFFFFFFA0];
	[tilespmem:s19+$0x60] =	vst v3  }
0x221: {  	v1 =	vld [tilespmem:s18+$0xFFFFFF90];
	[tilespmem:s19+$0x70] =	vst v4;
	s19 =	smov.u32 s18  }
0x222: {  	v2 =	vld.idx.msk [tilespmem:v5+s6+$0x0], $0xffff  }
0x223: {  	v3 =	vld [tilespmem:s18+$0xFFFFFF70]  }
0x224: {  	v4 =	vld [tilespmem:s18+$0xFFFFFF60]  }
0x225: {  	v5 =	vld [tilespmem:s18+$0xFFFFFF80];
	_ =	sdelay $0x1  }
0x226: {  	v6 =	vbroadcast v6, $0x0  }
0x227: {  	v1 =	vmul.f32 v1, v2;
	v3 =	vmul.f32 v3, v2  }
0x228: {  	v0 =	vmul.f32 v0, v2;
	v4 =	vmul.f32 v4, v2  }
0x229: {  	v2 =	vmul.f32 v5, v2;
	[tilespmem:s18+$0xFFFFFF90] =	vst v1  }
0x22a: {  	[tilespmem:s18+$0xFFFFFFA0] =	vst v0  }
0x22b: {  	[tilespmem:s18+$0xFFFFFF70] =	vst v3  }
0x22c: {  	[tilespmem:s18+$0xFFFFFF60] =	vst v4;
	v0 =	vld [tilespmem:s18+$0xFFFFFFE0]  }
0x22d: {  	[tilespmem:s18+$0xFFFFFF80] =	vst v2;
	v1 =	vld [tilespmem:s18+$0xFFFFFFF0]  }
0x22e: {  	v2 =	vld.idx.msk [tilespmem:v6+s6+$0x0], $0xffff  }
0x22f: {  	v3 =	vld [tilespmem:s18+$0xFFFFFFB0]  }
0x230: {  	v4 =	vld [tilespmem:s18+$0xFFFFFFD0]  }
0x231: {  	v5 =	vld [tilespmem:s18+$0xFFFFFFC0];
	_ =	sdelay $0x1  }
0x232: {  	v6 =	vbroadcast v7, $0x0  }
0x233: {  	v1 =	vmul.f32 v1, v2;
	v3 =	vmul.f32 v3, v2  }
0x234: {  	v0 =	vmul.f32 v0, v2;
	v4 =	vmul.f32 v4, v2  }
0x235: {  	v2 =	vmul.f32 v5, v2;
	[tilespmem:s18+$0xFFFFFFB0] =	vst v3  }
0x236: {  	[tilespmem:s18+$0xFFFFFFE0] =	vst v0  }
0x237: {  	[tilespmem:s18+$0xFFFFFFC0] =	vst v2  }
0x238: {  	[tilespmem:s18+$0xFFFFFFF0] =	vst v1;
	v3 =	vld [tilespmem:s18+$0x0]  }
0x239: {  	[tilespmem:s18+$0xFFFFFFD0] =	vst v4;
	v7 =	vld [tilespmem:s18+$0x10]  }
0x23a: {  	v0 =	vld.idx.msk [tilespmem:v6+s6+$0x0], $0xffff  }
0x23b: {  	v1 =	vld [tilespmem:s18+$0x30]  }
.Ltmp6:
0x23c: {  	v4 =	vld [tilespmem:s18+$0x20];
	(pc) =	sbr.rel @p0 .LBB2_15-.Ltmp6, $2  }
0x23d: {  	v2 =	vld [tilespmem:s18+$0x40];
	_ =	sdelay $0x2  }
0x23e: {  	v5 =	vmul.f32 v3, v0;
	v3 =	vmul.f32 v7, v0  }
0x23f: {  	_ = 	snop  }
0x240: {  	v4 =	vmul.f32 v4, v0;
	v56 =	vmov s9;
	[tilespmem:s19+$0x0] =	vst v5  }
0x241: {  	v57 =	vmul.f32 v1, v0;
	[tilespmem:s19+$0x10] =	vst v3  }
0x242: {  	v2 =	vmul.f32 v2, v0;
	[tilespmem:s19+$0x20] =	vst v4  }
0x243: {  	[tilespmem:s19+$0x30] =	vst v57  }
0x244: {  	v58 =	vld [tilespmem:s19+$0x50];
	[tilespmem:s19+$0x40] =	vst v2  }
0x245: {  	v0 =	vld.idx.msk [tilespmem:v56+s6+$0x0], $0xffff  }
0x246: {  	v59 =	vld [tilespmem:s19+$0x80]  }
0x247: {  	v60 =	vld [tilespmem:s19+$0x90]  }
0x248: {  	v61 =	vld [tilespmem:s19+$0x60]  }
0x249: {  	v62 =	vld [tilespmem:s19+$0x70]  }
0x24a: {  	v1 =	vmul.f32 v58, v0  }
0x24b: {  	v2 =	vmul.f32 v59, v0  }
0x24c: {  	v3 =	vmul.f32 v60, v0;
	[tilespmem:s19+$0x50] =	vst v1  }
0x24d: {  	v63 =	vmul.f32 v61, v0;
	[tilespmem:s19+$0x80] =	vst v2  }
0x24e: {  	v0 =	vmul.f32 v62, v0;
	[tilespmem:s19+$0x90] =	vst v3  }
0x24f: {  	s24 =	sshll.u32 s15, $0x1;
	[tilespmem:s19+$0x60] =	vst v63  }
0x250: {  	s10 =	sadd.s32 s24, s16;
	[tilespmem:s19+$0x70] =	vst v0  }
0x251: {  	[spmem:s1] =	stream.indirect.scatter.add.f32 [tilespmem:s0], [sflag:$0x6], $0x50, s8, s30, $0xb8;
	[tilespmem:$0x15B30] =	vst v63  }
0x252: {  	s10 =	smul.u32 $0x14, s10;
	_ =	swait.ge [sflag:s11], $0x1900  }
0x253: {  	[sflag:s11] =	ssyncset.done $0x0  }
0x254: {  	s10 =	sadd.s32 s5, s10;
	[sflag:s11] =	ssyncadd.s32 $0xFFFFE700  }
0x255: {  	[tilespmem:s29], [sflag:$0x1] =	stream.linear.gather [hbm4b:s10+s3], $0xA0, $0x38;
	[tilespmem:$0x15B30] =	vst v63  }
0x256: {  	_ =	swait.ge [sflag:s28], $0xA0  }
0x257: {  	s15 =	sadd.s32 $0x1, s15;
	[sflag:s28] =	ssyncset.done $0x0  }
0x258: {  	s9 =	smin.u32 s24, $0x79;
	p0 =	sne.s32 s15, $0x3E;
	[sflag:s28] =	ssyncadd.s32 $0xFFFFFF60  }
0x259: {  	[tilespmem:s22], [sflag:$0x3] =	stream.indirect.gather [hbm4b:s4+s30], $0x50, s29, s30, $0xb8;
	[tilespmem:$0x15B30] =	vst v63  }
.Ltmp7:
0x25a: {  	s9 =	sadd.s32 s9, s17;
	(pc) =	sbr.rel @p0 .LBB2_12-.Ltmp7, $4  }
0x25b: {  	s9 =	smul.u32 $0x14, s9;
	_ =	swait.ge [sflag:s12], $0x1900  }
0x25c: {  	[sflag:s12] =	ssyncset.done $0x0  }
0x25d: {  	s14 =	sadd.s32 $0xA0, s14;
	s9 =	sadd.s32 s5, s9;
	[sflag:s12] =	ssyncadd.s32 $0xFFFFE700  }
0x25e: {  	[tilespmem:s31], [sflag:$0x2] =	stream.linear.gather [hbm4b:s9+s3], $0xA0, $0x38;
	[tilespmem:$0x15B30] =	vst v63  }
0x25f: {  	s9 =	simm.s32 $0x26C0  }
0x260: {  	v0 =	vmov s9  }
0x261: {  	_ =	swait.ge [sflag:s26], $0xA0;
	v0 =	vand.u32 $0xFFFFFFFC, v0  }
0x262: {  	[sflag:s26] =	ssyncset.done $0x0;
	v0 =	vbroadcast v0, $0x0  }
0x263: {  	[sflag:s26] =	ssyncadd.s32 $0xFFFFFF60  }
0x264: {  	_ =	swait.ge [sflag:s2], $0x1900  }
0x265: {  	[sflag:s2] =	ssyncset.done $0x0  }
0x266: {  	s14 =	simm.s32 $0xEE70;
	[sflag:s2] =	ssyncadd.s32 $0xFFFFE700  }
0x267: {  	v1 =	vld [tilespmem:s14+$0xFFFFFF60]  }
0x268: {  	v0 =	vld.idx.msk [tilespmem:v0+s6+$0x0], $0xffff  }
0x269: {  	v2 =	vld [tilespmem:s14+$0xFFFFFF70]  }
0x26a: {  	v3 =	vld [tilespmem:s14+$0xFFFFFFA0]  }
0x26b: {  	s13 =	simm.s32 $0x26C1;
	v4 =	vld [tilespmem:s14+$0xFFFFFF90]  }
0x26c: {  	v5 =	vmov s13;
	v6 =	vld [tilespmem:s14+$0xFFFFFF80]  }
0x26d: {  	v5 =	vand.u32 $0xFFFFFFFD, v5;
	v1 =	vmul.f32 v1, v0  }
0x26e: {  	v5 =	vbroadcast v5, $0x0;
	v2 =	vmul.f32 v2, v0  }
0x26f: {  	v3 =	vmul.f32 v3, v0;
	[tilespmem:s14+$0xFFFFFF60] =	vst v1  }
0x270: {  	v1 =	vmul.f32 v4, v0;
	[tilespmem:s14+$0xFFFFFF70] =	vst v2  }
0x271: {  	[tilespmem:s14+$0xFFFFFFA0] =	vst v3;
	v0 =	vmul.f32 v6, v0  }
0x272: {  	[tilespmem:s14+$0xFFFFFF90] =	vst v1  }
0x273: {  	v2 =	vld [tilespmem:s14+$0xFFFFFFC0];
	[tilespmem:s14+$0xFFFFFF80] =	vst v0  }
0x274: {  	v4 =	vld.idx.msk [tilespmem:v5+s6+$0x0], $0xffff  }
0x275: {  	v3 =	vld [tilespmem:s14+$0xFFFFFFB0]  }
0x276: {  	v5 =	vld [tilespmem:s14+$0xFFFFFFE0]  }
0x277: {  	s15 =	simm.s32 $0x26C2;
	v6 =	vld [tilespmem:s14+$0xFFFFFFF0]  }
0x278: {  	v8 =	vmov s15;
	v7 =	vld [tilespmem:s14+$0xFFFFFFD0]  }
0x279: {  	s18 =	simm.s32 $0xEFB0;
	v8 =	vand.u32 $0xFFFFFFFE, v8;
	v2 =	vmul.f32 v2, v4  }
0x27a: {  	v8 =	vbroadcast v8, $0x0;
	v0 =	vld [tilespmem:s18+$0xFFFFFFA0];
	v3 =	vmul.f32 v3, v4  }
0x27b: {  	v1 =	vld [tilespmem:s18+$0xFFFFFF90];
	v5 =	vmul.f32 v5, v4;
	[tilespmem:s14+$0xFFFFFFC0] =	vst v2  }
0x27c: {  	v2 =	vmul.f32 v6, v4;
	[tilespmem:s14+$0xFFFFFFB0] =	vst v3  }
0x27d: {  	[tilespmem:s14+$0xFFFFFFE0] =	vst v5;
	v3 =	vmul.f32 v7, v4  }
0x27e: {  	v4 =	vld [tilespmem:s14+$0x40];
	[tilespmem:s14+$0xFFFFFFF0] =	vst v2  }
0x27f: {  	v2 =	vld [tilespmem:s14+$0x0];
	[tilespmem:s14+$0xFFFFFFD0] =	vst v3  }
0x280: {  	v3 =	vld.idx.msk [tilespmem:v8+s6+$0x0], $0xffff  }
0x281: {  	v5 =	vld [tilespmem:s14+$0x10]  }
0x282: {  	v6 =	vld [tilespmem:s14+$0x20];
	_ =	sdelay $0x1  }
0x283: {  	v7 =	vld [tilespmem:s14+$0x30]  }
0x284: {  	v2 =	vmul.f32 v2, v3  }
0x285: {  	s19 =	simm.s32 $0x26C3;
	v4 =	vmul.f32 v4, v3  }
0x286: {  	v5 =	vmul.f32 v5, v3;
	[tilespmem:s14+$0x0] =	vst v2;
	v2 =	vmul.f32 v6, v3;
	v6 =	vmov s19  }
0x287: {  	[tilespmem:s14+$0x40] =	vst v4  }
0x288: {  	[tilespmem:s14+$0x10] =	vst v5;
	v3 =	vmul.f32 v7, v3  }
0x289: {  	v8 =	vld [tilespmem:s14+$0x90];
	[tilespmem:s14+$0x20] =	vst v2  }
0x28a: {  	v2 =	vld [tilespmem:s14+$0x50];
	[tilespmem:s14+$0x30] =	vst v3  }
0x28b: {  	v7 =	vld.idx.msk [tilespmem:v6+s6+$0x0], $0xffff  }
0x28c: {  	v3 =	vld [tilespmem:s14+$0x60]  }
0x28d: {  	v5 =	vld [tilespmem:s14+$0x80]  }
0x28e: {  	s20 =	simm.s32 $0x26C4;
	v4 =	vld [tilespmem:s14+$0x70]  }
0x28f: {  	s24 =	simm.s32 $0x26C5;
	v6 =	vmov s20  }
0x290: {  	v9 =	vmov s24;
	v6 =	vand.u32 $0xFFFFFFFC, v6;
	v10 =	vmul.f32 v2, v7  }
0x291: {  	v2 =	vbroadcast v6, $0x0;
	v6 =	vand.u32 $0xFFFFFFFD, v9;
	v63 =	vmul.f32 v3, v7  }
0x292: {  	v3 =	vbroadcast v6, $0x0;
	v6 =	vmul.f32 v5, v7;
	[tilespmem:s14+$0x50] =	vst v10  }
0x293: {  	s24 =	simm.s32 $0x4;
	s15 =	simm.s32 $0xEFB0;
	s19 =	simm.s32 $0x0;
	v4 =	vmul.f32 v4, v7;
	v5 =	vmul.f32 v8, v7;
	[tilespmem:s14+$0x60] =	vst v63  }
.LBB2_18:
0x294: {  	s18 =	sadd.s32 $0x140, s18;
	[tilespmem:s14+$0x80] =	vst v6;
	s9 =	smov.u32 s24;
	s24 =	sadd.s32 $0x4, s24  }
0x295: {  	p0 =	slt.u32 s24, $0x4C;
	[tilespmem:s14+$0x90] =	vst v5  }
0x296: {  	v5 =	vld [tilespmem:s15+$0xFFFFFF60];
	[tilespmem:s14+$0x70] =	vst v4;
	s14 =	smov.u32 s15;
	s15 =	smov.u32 s18  }
0x297: {  	v4 =	vld.idx.msk [tilespmem:v2+s6+$0x0], $0xffff  }
0x298: {  	v2 =	vld [tilespmem:s14+$0xFFFFFF70]  }
0x299: {  	v6 =	vld [tilespmem:s14+$0xFFFFFF80];
	_ =	sdelay $0x2  }
0x29a: {  	s10 =	sadd.s32 $0x26C4, s9  }
0x29b: {  	v7 =	vmov s10;
	v5 =	vmul.f32 v5, v4;
	v8 =	vmul.f32 v2, v4  }
0x29c: {  	v0 =	vmul.f32 v0, v4;
	v2 =	vand.u32 $0xFFFFFFFC, v7;
	v6 =	vmul.f32 v6, v4  }
0x29d: {  	v1 =	vmul.f32 v1, v4;
	v2 =	vbroadcast v2, $0x0;
	[tilespmem:s14+$0xFFFFFF60] =	vst v5  }
0x29e: {  	[tilespmem:s14+$0xFFFFFF70] =	vst v8;
	v4 =	vld [tilespmem:s14+$0xFFFFFFC0]  }
0x29f: {  	[tilespmem:s14+$0xFFFFFFA0] =	vst v0;
	v5 =	vld [tilespmem:s14+$0xFFFFFFE0]  }
0x2a0: {  	[tilespmem:s14+$0xFFFFFF90] =	vst v1;
	v7 =	vld [tilespmem:s14+$0xFFFFFFB0]  }
0x2a1: {  	[tilespmem:s14+$0xFFFFFF80] =	vst v6;
	v6 =	vld [tilespmem:s14+$0xFFFFFFD0]  }
0x2a2: {  	v3 =	vld.idx.msk [tilespmem:v3+s6+$0x0], $0xffff  }
0x2a3: {  	v0 =	vld [tilespmem:s18+$0xFFFFFFA0]  }
0x2a4: {  	v1 =	vld [tilespmem:s18+$0xFFFFFF90]  }
0x2a5: {  	v8 =	vld [tilespmem:s14+$0xFFFFFFF0]  }
0x2a6: {  	s10 =	sadd.s32 $0x26C6, s19  }
0x2a7: {  	v9 =	vmov s10  }
0x2a8: {  	v9 =	vand.u32 $0xFFFFFFFE, v9;
	v7 =	vmul.f32 v7, v3;
	v4 =	vmul.f32 v4, v3  }
0x2a9: {  	s10 =	sadd.s32 $0x26C5, s9;
	v9 =	vbroadcast v9, $0x0;
	v6 =	vmul.f32 v6, v3  }
0x2aa: {  	v10 =	vmov s10;
	v5 =	vmul.f32 v5, v3;
	v8 =	vmul.f32 v8, v3;
	[tilespmem:s14+$0xFFFFFFC0] =	vst v4  }
0x2ab: {  	v3 =	vand.u32 $0xFFFFFFFD, v10;
	[tilespmem:s14+$0xFFFFFFB0] =	vst v7  }
0x2ac: {  	[tilespmem:s14+$0xFFFFFFE0] =	vst v5  }
0x2ad: {  	v3 =	vbroadcast v3, $0x0;
	[tilespmem:s14+$0xFFFFFFF0] =	vst v8;
	v4 =	vld [tilespmem:s14+$0x0]  }
0x2ae: {  	[tilespmem:s14+$0xFFFFFFD0] =	vst v6;
	v5 =	vld [tilespmem:s14+$0x40]  }
0x2af: {  	v6 =	vld.idx.msk [tilespmem:v9+s6+$0x0], $0xffff  }
0x2b0: {  	v7 =	vld [tilespmem:s14+$0x20]  }
0x2b1: {  	v8 =	vld [tilespmem:s14+$0x30]  }
0x2b2: {  	v9 =	vld [tilespmem:s14+$0x10];
	_ =	sdelay $0x2  }
0x2b3: {  	v4 =	vmul.f32 v4, v6;
	v5 =	vmul.f32 v5, v6  }
0x2b4: {  	s10 =	sadd.s32 $0x26C7, s19;
	s19 =	smov.u32 s9;
	v7 =	vmul.f32 v7, v6;
	v8 =	vmul.f32 v8, v6  }
0x2b5: {  	v6 =	vmul.f32 v9, v6;
	[tilespmem:s14+$0x0] =	vst v4;
	v4 =	vmov s10  }
0x2b6: {  	[tilespmem:s14+$0x40] =	vst v5  }
0x2b7: {  	[tilespmem:s14+$0x10] =	vst v6  }
0x2b8: {  	[tilespmem:s14+$0x20] =	vst v7;
	v5 =	vld [tilespmem:s14+$0x50]  }
0x2b9: {  	[tilespmem:s14+$0x30] =	vst v8;
	v6 =	vld [tilespmem:s14+$0x80]  }
0x2ba: {  	v7 =	vld.idx.msk [tilespmem:v4+s6+$0x0], $0xffff  }
0x2bb: {  	v4 =	vld [tilespmem:s14+$0x60]  }
0x2bc: {  	v8 =	vld [tilespmem:s14+$0x70]  }
0x2bd: {  	v9 =	vld [tilespmem:s14+$0x90];
	_ =	sdelay $0x1  }
.Ltmp8:
0x2be: {  	(pc) =	sbr.rel @p0 .LBB2_18-.Ltmp8, $4  }
0x2bf: {  	v10 =	vmul.f32 v5, v7;
	v11 =	vmul.f32 v4, v7  }
0x2c0: {  	v6 =	vmul.f32 v6, v7;
	v4 =	vmul.f32 v8, v7  }
0x2c1: {  	v5 =	vmul.f32 v9, v7;
	[tilespmem:s14+$0x50] =	vst v10  }
0x2c2: {  	[tilespmem:s14+$0x60] =	vst v11  }
0x2c3: {  	_ = 	snop  }
0x2c4: {  	[tilespmem:s14+$0x80] =	vst v6  }
0x2c5: {  	[tilespmem:s14+$0x90] =	vst v5  }
0x2c6: {  	v41 =	vld [tilespmem:s15+$0xFFFFFF60];
	[tilespmem:s14+$0x70] =	vst v4  }
0x2c7: {  	v2 =	vld.idx.msk [tilespmem:v2+s6+$0x0], $0xffff  }
0x2c8: {  	v42 =	vld [tilespmem:s15+$0xFFFFFF70];
	_ =	sdelay $0x2  }
0x2c9: {  	v43 =	vld [tilespmem:s15+$0xFFFFFF80]  }
0x2ca: {  	v5 =	vmul.f32 v41, v2  }
0x2cb: {  	v4 =	vmul.f32 v42, v2  }
0x2cc: {  	v0 =	vmul.f32 v0, v2;
	[tilespmem:s15+$0xFFFFFF60] =	vst v5  }
0x2cd: {  	v1 =	vmul.f32 v1, v2;
	[tilespmem:s15+$0xFFFFFF70] =	vst v4  }
0x2ce: {  	v45 =	vmul.f32 v43, v2;
	[tilespmem:s15+$0xFFFFFFA0] =	vst v0  }
0x2cf: {  	[tilespmem:s15+$0xFFFFFF90] =	vst v1  }
0x2d0: {  	v44 =	vld [tilespmem:s15+$0xFFFFFFC0];
	[tilespmem:s15+$0xFFFFFF80] =	vst v45  }
0x2d1: {  	v0 =	vld.idx.msk [tilespmem:v3+s6+$0x0], $0xffff  }
0x2d2: {  	v46 =	vld [tilespmem:s15+$0xFFFFFFB0]  }
0x2d3: {  	v47 =	vld [tilespmem:s15+$0xFFFFFFE0]  }
0x2d4: {  	v48 =	vld [tilespmem:s15+$0xFFFFFFF0];
	s9 =	sadd.s32 $0x26C6, s19  }
0x2d5: {  	v49 =	vld [tilespmem:s15+$0xFFFFFFD0];
	v50 =	vmov s9  }
0x2d6: {  	v6 =	vand.u32 $0xFFFFFFFE, v50;
	v4 =	vmul.f32 v44, v0  }
0x2d7: {  	v6 =	vbroadcast v6, $0x0;
	v1 =	vmul.f32 v46, v0  }
0x2d8: {  	v2 =	vmul.f32 v47, v0;
	[tilespmem:s15+$0xFFFFFFC0] =	vst v4  }
0x2d9: {  	v3 =	vmul.f32 v48, v0;
	[tilespmem:s15+$0xFFFFFFB0] =	vst v1  }
0x2da: {  	v0 =	vmul.f32 v49, v0;
	[tilespmem:s15+$0xFFFFFFE0] =	vst v2  }
0x2db: {  	[tilespmem:s15+$0xFFFFFFF0] =	vst v3  }
0x2dc: {  	v51 =	vld [tilespmem:s15+$0x0];
	[tilespmem:s15+$0xFFFFFFD0] =	vst v0  }
0x2dd: {  	v0 =	vld.idx.msk [tilespmem:v6+s6+$0x0], $0xffff  }
0x2de: {  	v52 =	vld [tilespmem:s15+$0x40]  }
0x2df: {  	v53 =	vld [tilespmem:s15+$0x10]  }
0x2e0: {  	v54 =	vld [tilespmem:s15+$0x20]  }
0x2e1: {  	v55 =	vld [tilespmem:s15+$0x30]  }
0x2e2: {  	v1 =	vmul.f32 v51, v0  }
0x2e3: {  	s18 =	sadd.s32 $0x26C7, s19;
	v2 =	vmul.f32 v52, v0  }
0x2e4: {  	v57 =	vmov s18;
	v3 =	vmul.f32 v53, v0;
	[tilespmem:s15+$0x0] =	vst v1  }
0x2e5: {  	v56 =	vmul.f32 v54, v0;
	[tilespmem:s15+$0x40] =	vst v2  }
0x2e6: {  	v0 =	vmul.f32 v55, v0;
	[tilespmem:s15+$0x10] =	vst v3  }
0x2e7: {  	[tilespmem:s15+$0x20] =	vst v56  }
0x2e8: {  	v58 =	vld [tilespmem:s15+$0x50];
	[tilespmem:s15+$0x30] =	vst v0  }
0x2e9: {  	v0 =	vld.idx.msk [tilespmem:v57+s6+$0x0], $0xffff  }
0x2ea: {  	v59 =	vld [tilespmem:s15+$0x60]  }
0x2eb: {  	v60 =	vld [tilespmem:s15+$0x80]  }
0x2ec: {  	v61 =	vld [tilespmem:s15+$0x90]  }
0x2ed: {  	v62 =	vld [tilespmem:s15+$0x70]  }
0x2ee: {  	v1 =	vmul.f32 v58, v0  }
0x2ef: {  	v2 =	vmul.f32 v59, v0  }
0x2f0: {  	v3 =	vmul.f32 v60, v0;
	[tilespmem:s15+$0x50] =	vst v1  }
0x2f1: {  	v63 =	vmul.f32 v61, v0;
	[tilespmem:s15+$0x60] =	vst v2  }
0x2f2: {  	v0 =	vmul.f32 v62, v0;
	[tilespmem:s15+$0x80] =	vst v3  }
0x2f3: {  	[tilespmem:s15+$0x90] =	vst v63  }
0x2f4: {  	[tilespmem:s15+$0x70] =	vst v0  }
0x2f5: {  	[spmem:s1] =	stream.indirect.scatter.add.f32 [tilespmem:s22], [sflag:$0x5], $0x50, s7, s30, $0xb8;
	[tilespmem:$0x15B30] =	vst v63  }
0x2f6: {  	_ =	swait.ge [sflag:s11], $0x1900  }
0x2f7: {  	[sflag:s11] =	ssyncset.done $0x0  }
0x2f8: {  	[sflag:s11] =	ssyncadd.s32 $0xFFFFE700  }
0x2f9: {  	[bflag:$0x0] =	sbarrier.arrive $0xFFFF  }
0x2fa: {  	s13 =	rddreg [dreg:$0x6]  }
0x2fb: {  	s19 =	rddreg [dreg:$0xd]  }
0x2fc: {  	s14 =	rddreg [dreg:$0xf]  }
0x2fd: {  	[hbm:s19], [sflag:s13] =	dma.local [spmem:s14], $0x18B0  }
0x2fe: {  	_ =	swait.ge [sflag:s21], $0x18B0  }
0x2ff: {  	s20 =	rddreg [dreg:$0x10]  }
0x300: {  	s24 =	rddreg [dreg:$0xe];
	s15 =	sadd.s32 $0x1, s20  }
0x301: {  	p0 =	sne.s32 s15, s24  }
.Ltmp9:
0x302: {  	_ = 	snop;
	(pc) =	sbr.rel @p0 .LBB2_1-.Ltmp9, $3  }
0x303: {  	_ =	sdelay $0x1  }
0x304: {  	s18 =	simm.s32 $0x13BF0;
	[sflag:s21] =	ssyncset.done $0x0  }
0x305: {  	s19 =	simm.s32 $0x14B90;
	s10 =	rddreg [dreg:$0x7];
	[sflag:s21] =	ssyncadd.s32 $0xFFFFE750  }
0x306: {  	_ =	sfence.sel $0x180000  }
0x307: {  	[bflag:$0x0] =	sbarrier.arrive $0xFFFF  }
0x308: {  	_ =	strace $0x90000047  }
0x309: {  	s0 =	stileid.u32;
	[bflag:$0x2] =	sbarrier.arrive $0xFFFF  }
0x30a: {  	p0 =	sne.s32 s0, $0x0;
	s0 =	rddreg [dreg:$0x2]  }
0x30b: {  	s0 =	sadd.s32 @!p0 $0x100000, s0  }
0x30c: {  	[sflag:s0] =	ssyncadd.tile.s32 @!p0 $0x1;
	_ =	shalt  }
.Lfunc_end2:
_tile_overlayer_lowered:
.L_overlay_start_2:
0x30d: {  	(tag) =	ssettag $0x2  }
0x30e: {  	s0 =	rddreg [dreg:$0x0];
	s2 =	stileid.u32  }
0x30f: {  	s1 =	rddreg [dreg:$0x1];
	p0 =	sne.s32 s2, $0x0  }
0x310: {  	s3 =	rddreg [dreg:$0x2];
	[bflag:$0x3] =	sbarrier.arrive $0xFFFF;
	s2 =	simm.s32 @!p0 $0x1C07  }
0x311: {  	[timem:s3], [sflag:s2] =	dma.local @!p0 [hbm:s0], s1  }
0x312: {  	s0 =	simm.s32 @!p0 $0x7  }
0x313: {  	_ =	swait.ge @!p0 [sflag:s0], s1  }
0x314: {  	s1 =	ssub.s32 @!p0 $0x0, s1;
	[sflag:s0] =	ssyncset.done @!p0 $0x0  }
0x315: {  	[sflag:s0] =	ssyncadd.s32 @!p0 s1  }
0x316: {  	[bflag:$0x3] =	sbarrier.arrive $0xFFFF  }
0x317: {  	_ =	shalt  }

</sc_bundles>
